<compile_context>
chip_gen: v7x
topology: tpu7x:2x2x1
jax: 0.10.2.dev20260603
libtpu: 0.0.44.dev20260713+nightly
codegen_flags: <defaults>
</compile_context>

<pallas_src>
import functools

import jax
import jax.numpy as jnp
from jax import lax
from jax.experimental import pallas as pl
from jax.experimental.pallas import tpu as pltpu
from jax.experimental.pallas import tpu_sc as plsc

_NC = 2
_NS = 16
_NW = _NC * _NS

_C = 128


def _sc_gather_sums(features, sidx_t, idx_t, n_self_rows, n_sum_rows, S):
    d_feat = features.shape[1]
    cpt = n_sum_rows // (_NW * _C)
    s_cpt = n_self_rows // (_NW * _C)
    assert n_sum_rows % (_NW * _C) == 0 and n_self_rows % (_NW * _C) == 0
    assert S % 2 == 0
    rpc = S // 2
    n_rounds = cpt * rpc
    n_pairs = cpt // 2
    tail = cpt % 2
    assert rpc % 2 == 1
    n_vregs = d_feat // 16
    r2 = 2 * _C

    mesh = plsc.VectorSubcoreMesh(core_axis_name="c", subcore_axis_name="s")

    @functools.partial(
        pl.kernel,
        out_type=(
            jax.ShapeDtypeStruct((n_self_rows, d_feat), jnp.float32),
            jax.ShapeDtypeStruct((n_sum_rows, d_feat), jnp.float32),
        ),
        mesh=mesh,
        scratch_types=[
            pltpu.VMEM((cpt * S * _C,), jnp.int32),
            pltpu.VMEM((s_cpt * _C,), jnp.int32),
            pltpu.VMEM((r2, d_feat), jnp.float32),
            pltpu.VMEM((r2, d_feat), jnp.float32),
            pltpu.VMEM((_C, d_feat), jnp.float32),
            pltpu.VMEM((_C, d_feat), jnp.float32),
            pltpu.SemaphoreType.DMA,
            pltpu.SemaphoreType.DMA,
            pltpu.SemaphoreType.DMA,
            pltpu.SemaphoreType.DMA,
        ],
    )
    def sc_body(sidx_hbm, idx_hbm, feat_hbm, self_out, nsum_out,
                idx_v, sidx_v, b0, b1, a0, a1, sem0, sem1, osem0, osem1):
        wid = lax.axis_index("s") * _NC + lax.axis_index("c")
        bufs = (b0, b1)
        sems = (sem0, sem1)

        pltpu.sync_copy(idx_hbm.at[wid], idx_v)
        pltpu.sync_copy(sidx_hbm.at[wid], sidx_v)

        def issue(rnd, parity):
            pltpu.async_copy(
                feat_hbm.at[idx_v.at[pl.ds(rnd * r2, r2)]],
                bufs[parity], sems[parity])

        def wait_ring(parity):
            pltpu.make_async_copy(
                feat_hbm.at[pl.ds(0, r2)], bufs[parity], sems[parity]).wait()

        def drain_acc(acc, osem):
            pltpu.make_async_copy(
                feat_hbm.at[pl.ds(0, _C)], acc, osem).wait()

        def accumulate(acc, buf, init):
            def body(j, carry):
                for k in range(n_vregs):
                    sl = pl.ds(k * 16, 16)
                    v = buf[j, sl] + buf[_C + j, sl]
                    if init:
                        acc[j, sl] = v
                    else:
                        acc[j, sl] = acc[j, sl] + v
                return carry

            lax.fori_loop(0, _C, body, 0)

        issue(0, 0)

        def pair_body(u, carry):
            base_r = u * 2 * rpc
            base_c = wid * cpt + u * 2
            for r in range(2 * rpc):
                wait_ring(r % 2)
                issue(base_r + r + 1, (r + 1) % 2)
                if r == 0:
                    pl.when(u > 0)(lambda: drain_acc(a0, osem0))
                if r == rpc:
                    pl.when(u > 0)(lambda: drain_acc(a1, osem1))
                acc = a0 if r < rpc else a1
                accumulate(acc, bufs[r % 2], r % rpc == 0)
                if r == rpc - 1:
                    pltpu.async_copy(
                        a0, nsum_out.at[pl.ds(base_c * _C, _C)], osem0)
                if r == 2 * rpc - 1:
                    pltpu.async_copy(
                        a1, nsum_out.at[pl.ds((base_c + 1) * _C, _C)], osem1)
            return carry

        lax.fori_loop(0, n_pairs, pair_body, 0)

        if tail:
            base_r = n_pairs * 2 * rpc
            base_c = wid * cpt + n_pairs * 2
            for r in range(rpc):
                wait_ring(r % 2)
                if r < rpc - 1:
                    issue(base_r + r + 1, (r + 1) % 2)
                if r == 0 and n_pairs > 0:
                    drain_acc(a0, osem0)
                accumulate(a0, bufs[r % 2], r == 0)
            pltpu.async_copy(a0, nsum_out.at[pl.ds(base_c * _C, _C)], osem0)

        handles = [None] * s_cpt
        handles[0] = pltpu.async_copy(
            feat_hbm.at[sidx_v.at[pl.ds(0, _C)]],
            bufs[0].at[pl.ds(0, _C)], sems[0])
        for q in range(s_cpt):
            handles[q].wait()
            if q + 1 < s_cpt:
                handles[q + 1] = pltpu.async_copy(
                    feat_hbm.at[sidx_v.at[pl.ds((q + 1) * _C, _C)]],
                    bufs[(q + 1) % 2].at[pl.ds(0, _C)], sems[(q + 1) % 2])
            pltpu.sync_copy(
                bufs[q % 2].at[pl.ds(0, _C)],
                self_out.at[pl.ds((wid * s_cpt + q) * _C, _C)])

        if tail or n_pairs > 0:
            drain_acc(a0, osem0)
        if n_pairs > 0:
            drain_acc(a1, osem1)

    return sc_body(sidx_t, idx_t, features)


def _tc_combine(self_3, nsum_3, w_cat, B, rb):
    d_feat = self_3.shape[2]
    D = w_cat.shape[0]
    out0 = w_cat.shape[2]

    def body(self_ref, nsum_a, nsum_b, w_ref, out_a, out_b):
        comb0 = jnp.concatenate([self_ref[0], nsum_a[0]], axis=-1)
        comb1 = jnp.concatenate([self_ref[1], nsum_b[0]], axis=-1)
        dn = (((1,), (0,)), ((), ()))
        out_a[...] = jnp.maximum(jax.lax.dot_general(
            comb0, w_ref[0], dn, preferred_element_type=jnp.float32), 0.0)
        out_b[...] = jnp.maximum(jax.lax.dot_general(
            comb1, w_ref[0], dn, preferred_element_type=jnp.float32), 0.0)

    return pl.pallas_call(
        body,
        grid=(B // rb, D),
        in_specs=[
            pl.BlockSpec((2, rb, d_feat), lambda i, d: (0, i, 0)),
            pl.BlockSpec((1, rb, d_feat), lambda i, d: (d, i, 0)),
            pl.BlockSpec((1, rb, d_feat), lambda i, d: (D + d, i, 0)),
            pl.BlockSpec((1, 2 * d_feat, out0), lambda i, d: (d, 0, 0)),
        ],
        out_specs=[
            pl.BlockSpec((rb, out0), lambda i, d: (i, d)),
            pl.BlockSpec((rb, out0), lambda i, d: (i, d)),
        ],
        out_shape=[
            jax.ShapeDtypeStruct((B, D * out0), jnp.float32),
            jax.ShapeDtypeStruct((B, D * out0), jnp.float32),
        ],
    )(self_3, nsum_3, nsum_3, w_cat)


def kernel(features, dims, counts, source_nodes, source_to_neighs_dims,
           target_nodes, target_to_neighs_dims, num_samples, W_dims):
    del dims, counts
    d_feat = features.shape[1]
    D, B, S = source_to_neighs_dims.shape
    out0 = W_dims.shape[2]

    bp_unit = _NW * _C // 2
    Bp = ((B + bp_unit - 1) // bp_unit) * bp_unit
    n_sum_rows = 2 * D * Bp
    n_self_rows = 2 * Bp

    neigh_cat = jnp.concatenate(
        [source_to_neighs_dims, target_to_neighs_dims], axis=0)
    neigh_cat = jnp.pad(neigh_cat, ((0, 0), (0, Bp - B), (0, 0)))
    idx_t = neigh_cat.reshape(n_sum_rows // _C, _C, S).transpose(0, 2, 1)
    idx_t = idx_t.reshape(_NW, (n_sum_rows // (_NW * _C)) * S * _C)

    self_cat = jnp.concatenate(
        [jnp.pad(source_nodes, (0, Bp - B)),
         jnp.pad(target_nodes, (0, Bp - B))])
    sidx_t = self_cat.reshape(_NW, n_self_rows // _NW)

    self_rows, neigh_sum = _sc_gather_sums(
        features, sidx_t, idx_t, n_self_rows, n_sum_rows, S)

    inv_n = 1.0 / jnp.asarray(num_samples, jnp.float32)
    w_cat = jnp.concatenate(
        [W_dims[:, :d_feat, :], W_dims[:, d_feat:, :] * inv_n], axis=1)

    self_3 = self_rows.reshape(2, Bp, d_feat)
    nsum_3 = neigh_sum.reshape(2 * D, Bp, d_feat)

    rb = 2000
    assert B % rb == 0
    x_sources, x_targets = _tc_combine(self_3, nsum_3, w_cat, B, rb)
    return (x_sources, x_targets)

# --- scband reference (transcript-rebuilt; emitter-appended) ---
"""Pipeline reference for scband-dmgcn-22222160789637 (READ-ONLY COPY).

The authoritative reference and input builder live on the scoring server;
editing this copy changes nothing except your own understanding.
"""

import jax, jax.numpy as jnp
import numpy as np


def setup_inputs(seed: int = 0) -> dict:
    key = jax.random.key(seed)
    ks = jax.random.split(key, 8)
    N, d, D, S, B, out0 = 100000, 128, 3, 10, 10000, 128
    features = jax.random.normal(ks[0], (N, d), dtype=jnp.float32)
    dims = jnp.arange(D, dtype=jnp.int32)
    counts = jax.random.randint(ks[1], (N,), 0, 64, dtype=jnp.int32)
    source_nodes = jax.random.randint(ks[2], (B,), 0, N, dtype=jnp.int32)
    source_to_neighs_dims = jax.random.randint(ks[3], (D, B, S), 0, N, dtype=jnp.int32)
    target_nodes = jax.random.randint(ks[4], (B,), 0, N, dtype=jnp.int32)
    target_to_neighs_dims = jax.random.randint(ks[5], (D, B, S), 0, N, dtype=jnp.int32)
    # per-dimension GraphSAGE-style weights: concat(self, mean_neigh) -> out0
    W_dims = jax.random.normal(ks[6], (D, 2 * d, out0), dtype=jnp.float32) * (1.0 / np.sqrt(2 * d))
    return {
        "features": features,
        "dims": dims,
        "counts": counts,
        "source_nodes": source_nodes,
        "source_to_neighs_dims": source_to_neighs_dims,
        "target_nodes": target_nodes,
        "target_to_neighs_dims": target_to_neighs_dims,
        "num_samples": 10,
        "W_dims": W_dims,
    }


def reference(features, dims, counts, source_nodes, source_to_neighs_dims,
              target_nodes, target_to_neighs_dims, num_samples, W_dims):
    d_feat = features.shape[1]

    def dim_agg(nodes, neighs):
        # neighs: [D, B, S] sampled neighbor ids per relation dimension
        Dn, Bn, Sn = neighs.shape
        ns = Sn
        neighs = neighs[:, :, :ns]
        self_feats = jnp.take(features, nodes, axis=0)                     # [B, d]
        neigh_feats = jnp.take(features, neighs.reshape(-1), axis=0)
        neigh_feats = neigh_feats.reshape(Dn, Bn, ns, d_feat)              # [D, B, S, d]
        neigh_mean = neigh_feats.sum(axis=2) / jnp.asarray(num_samples, features.dtype)  # [D, B, d]
        self_b = jnp.broadcast_to(self_feats[None, :, :], (Dn, Bn, d_feat))
        combined = jnp.concatenate([self_b, neigh_mean], axis=-1)          # [D, B, 2d] (gcn=False -> concat)
        h = jax.nn.relu(jnp.einsum('dbi,dio->dbo', combined, W_dims))      # [D, B, out0]
        return jnp.transpose(h, (1, 0, 2)).reshape(Bn, -1)                 # [B, D*out0]

    x_sources = dim_agg(source_nodes, source_to_neighs_dims)
    x_targets = dim_agg(target_nodes, target_to_neighs_dims)
    return (x_sources, x_targets)

if __name__ == "__main__":
    import jax
    _d = setup_inputs()
    print(jax.jit(kernel)(*tuple(_d.values())))

</pallas_src>

<mosaic_0001>
#map = affine_map<(d0, d1) -> (0, 0)>
module attributes {stable_mosaic.version = 14 : i64} {
  func.func @sc_body(%arg0: i32, %arg1: i32, %arg2: memref<32x640xi32, #tpu.memory_space<hbm>>, %arg3: memref<32x19200xi32, #tpu.memory_space<hbm>>, %arg4: memref<100000x128xf32, #tpu.memory_space<hbm>>, %arg5: memref<20480x128xf32, #tpu.memory_space<hbm>>, %arg6: memref<61440x128xf32, #tpu.memory_space<hbm>>, %arg7: memref<19200xi32, #tpu.memory_space<vmem>>, %arg8: memref<640xi32, #tpu.memory_space<vmem>>, %arg9: memref<256x128xf32, #tpu.memory_space<vmem>>, %arg10: memref<256x128xf32, #tpu.memory_space<vmem>>, %arg11: memref<128x128xf32, #tpu.memory_space<vmem>>, %arg12: memref<128x128xf32, #tpu.memory_space<vmem>>, %arg13: memref<!tpu.dma_semaphore, #tpu.memory_space<semaphore_mem>>, %arg14: memref<!tpu.dma_semaphore, #tpu.memory_space<semaphore_mem>>, %arg15: memref<!tpu.dma_semaphore, #tpu.memory_space<semaphore_mem>>, %arg16: memref<!tpu.dma_semaphore, #tpu.memory_space<semaphore_mem>>) attributes {dimension_semantics = [#tpu.dimension_semantics<core_parallel>, #tpu.dimension_semantics<subcore_parallel>], iteration_bounds = array<i64: 2, 16>, scalar_prefetch = 0 : i64, scratch_operands = 10 : i64, tpu.core_type = #tpu.core_type<sc_vector_subcore>, window_params = [{transform_indices = #map}, {transform_indices = #map}, {transform_indices = #map}, {transform_indices = #map}, {transform_indices = #map}]} {
    %mul3A = arith.constant 2 : i32
    %mul3A_0 = arith.muli %arg1, %mul3A : i32
    %add3A = arith.addi %mul3A_0, %arg0 : i32
    "tpu.region"() ({
      %run_scoped3A = tpu.sem_alloc : memref<!tpu.dma_semaphore, #tpu.memory_space<semaphore_mem>>
      %dma_start3A_227 = arith.constant 0 : i32
      %dma_start3A_228 = tpu.memref_slice %arg3[%add3A, %dma_start3A_227] : memref<32x19200xi32, #tpu.memory_space<hbm>> -> memref<1x19200xi32, #tpu.memory_space<hbm>>
      %dma_start3A_229 = tpu.memref_squeeze %dma_start3A_228 : memref<1x19200xi32, #tpu.memory_space<hbm>> -> memref<19200xi32, #tpu.memory_space<hbm>>
      %dma_start3A_230 = arith.constant 0 : i32
      %dma_start3A_231 = tpu.memref_slice %arg3[%add3A, %dma_start3A_230] : memref<32x19200xi32, #tpu.memory_space<hbm>> -> memref<1x19200xi32, #tpu.memory_space<hbm>>
      %dma_start3A_232 = tpu.memref_squeeze %dma_start3A_231 : memref<1x19200xi32, #tpu.memory_space<hbm>> -> memref<19200xi32, #tpu.memory_space<hbm>>
      tpu.enqueue_dma source(%dma_start3A_232 : memref<19200xi32, #tpu.memory_space<hbm>>) target(%arg7 : memref<19200xi32, #tpu.memory_space<vmem>>) target_semaphore(%run_scoped3A : memref<!tpu.dma_semaphore, #tpu.memory_space<semaphore_mem>>)
      %dma_wait3A_233 = arith.constant 0 : i32
      %dma_wait3A_234 = tpu.memref_slice %arg3[%add3A, %dma_wait3A_233] : memref<32x19200xi32, #tpu.memory_space<hbm>> -> memref<1x19200xi32, #tpu.memory_space<hbm>>
      %dma_wait3A_235 = tpu.memref_squeeze %dma_wait3A_234 : memref<1x19200xi32, #tpu.memory_space<hbm>> -> memref<19200xi32, #tpu.memory_space<hbm>>
      %dma_wait3A_236 = arith.constant 0 : i32
      %dma_wait3A_237 = tpu.memref_slice %arg3[%add3A, %dma_wait3A_236] : memref<32x19200xi32, #tpu.memory_space<hbm>> -> memref<1x19200xi32, #tpu.memory_space<hbm>>
      %dma_wait3A_238 = tpu.memref_squeeze %dma_wait3A_237 : memref<1x19200xi32, #tpu.memory_space<hbm>> -> memref<19200xi32, #tpu.memory_space<hbm>>
      tpu.wait_dma2 semaphore(%run_scoped3A : memref<!tpu.dma_semaphore, #tpu.memory_space<semaphore_mem>>) src(%dma_wait3A_238 : memref<19200xi32, #tpu.memory_space<hbm>>) dst(%arg7 : memref<19200xi32, #tpu.memory_space<vmem>>)
      tpu.yield
    }) : () -> ()
    "tpu.region"() ({
      %run_scoped3A = tpu.sem_alloc : memref<!tpu.dma_semaphore, #tpu.memory_space<semaphore_mem>>
      %dma_start3A_227 = arith.constant 0 : i32
      %dma_start3A_228 = tpu.memref_slice %arg2[%add3A, %dma_start3A_227] : memref<32x640xi32, #tpu.memory_space<hbm>> -> memref<1x640xi32, #tpu.memory_space<hbm>>
      %dma_start3A_229 = tpu.memref_squeeze %dma_start3A_228 : memref<1x640xi32, #tpu.memory_space<hbm>> -> memref<640xi32, #tpu.memory_space<hbm>>
      %dma_start3A_230 = arith.constant 0 : i32
      %dma_start3A_231 = tpu.memref_slice %arg2[%add3A, %dma_start3A_230] : memref<32x640xi32, #tpu.memory_space<hbm>> -> memref<1x640xi32, #tpu.memory_space<hbm>>
      %dma_start3A_232 = tpu.memref_squeeze %dma_start3A_231 : memref<1x640xi32, #tpu.memory_space<hbm>> -> memref<640xi32, #tpu.memory_space<hbm>>
      tpu.enqueue_dma source(%dma_start3A_232 : memref<640xi32, #tpu.memory_space<hbm>>) target(%arg8 : memref<640xi32, #tpu.memory_space<vmem>>) target_semaphore(%run_scoped3A : memref<!tpu.dma_semaphore, #tpu.memory_space<semaphore_mem>>)
      %dma_wait3A_233 = arith.constant 0 : i32
      %dma_wait3A_234 = tpu.memref_slice %arg2[%add3A, %dma_wait3A_233] : memref<32x640xi32, #tpu.memory_space<hbm>> -> memref<1x640xi32, #tpu.memory_space<hbm>>
      %dma_wait3A_235 = tpu.memref_squeeze %dma_wait3A_234 : memref<1x640xi32, #tpu.memory_space<hbm>> -> memref<640xi32, #tpu.memory_space<hbm>>
      %dma_wait3A_236 = arith.constant 0 : i32
      %dma_wait3A_237 = tpu.memref_slice %arg2[%add3A, %dma_wait3A_236] : memref<32x640xi32, #tpu.memory_space<hbm>> -> memref<1x640xi32, #tpu.memory_space<hbm>>
      %dma_wait3A_238 = tpu.memref_squeeze %dma_wait3A_237 : memref<1x640xi32, #tpu.memory_space<hbm>> -> memref<640xi32, #tpu.memory_space<hbm>>
      tpu.wait_dma2 semaphore(%run_scoped3A : memref<!tpu.dma_semaphore, #tpu.memory_space<semaphore_mem>>) src(%dma_wait3A_238 : memref<640xi32, #tpu.memory_space<hbm>>) dst(%arg8 : memref<640xi32, #tpu.memory_space<vmem>>)
      tpu.yield
    }) : () -> ()
    %dma_start3A = arith.constant 0 : i32
    %dma_start3A_1 = tpu.memref_slice %arg7[%dma_start3A] : memref<19200xi32, #tpu.memory_space<vmem>> -> memref<256xi32, #tpu.memory_space<vmem>>
    %dma_start3A_2 = arith.constant 0 : i32
    %dma_start3A_3 = arith.constant 0 : i32
    %dma_start3A_4 = tpu.memref_slice %arg4[%dma_start3A_2, %dma_start3A_3] : memref<100000x128xf32, #tpu.memory_space<hbm>> -> memref<100000x128xf32, #tpu.memory_space<hbm>>
    tpu.enqueue_indirect_dma source(%dma_start3A_4 : memref<100000x128xf32, #tpu.memory_space<hbm>>) target(%arg9 : memref<256x128xf32, #tpu.memory_space<vmem>>) offsets(%dma_start3A_1 : memref<256xi32, #tpu.memory_space<vmem>>) semaphore(%arg13 : memref<!tpu.dma_semaphore, #tpu.memory_space<semaphore_mem>>)
    %scan3A = arith.constant 0 : i32
    %scan3A_5 = arith.constant 0 : i32
    %scan3A_6 = arith.constant 7 : i32
    %scan3A_7 = arith.addi %scan3A_5, %scan3A_6 : i32
    %scan3A_8 = arith.constant 1 : i32
    scf.for %scan3A_227 = %scan3A_5 to %scan3A_7 step %scan3A_8  : i32 {
      %mul3A_228 = arith.constant 2 : i32
      %mul3A_229 = arith.muli %scan3A_227, %mul3A_228 : i32
      %mul3A_230 = arith.constant 5 : i32
      %mul3A_231 = arith.muli %mul3A_229, %mul3A_230 : i32
      %mul3A_232 = arith.constant 15 : i32
      %mul3A_233 = arith.muli %add3A, %mul3A_232 : i32
      %mul3A_234 = arith.constant 2 : i32
      %mul3A_235 = arith.muli %scan3A_227, %mul3A_234 : i32
      %add3A_236 = arith.addi %mul3A_233, %mul3A_235 : i32
      %dma_wait3A_237 = arith.constant 0 : i32
      %dma_wait3A_238 = arith.constant 0 : i32
      %dma_wait3A_239 = tpu.memref_slice %arg4[%dma_wait3A_237, %dma_wait3A_238] : memref<100000x128xf32, #tpu.memory_space<hbm>> -> memref<256x128xf32, #tpu.memory_space<hbm>>
      %dma_wait3A_240 = arith.constant 0 : i32
      %dma_wait3A_241 = arith.constant 0 : i32
      %dma_wait3A_242 = tpu.memref_slice %arg4[%dma_wait3A_240, %dma_wait3A_241] : memref<100000x128xf32, #tpu.memory_space<hbm>> -> memref<256x128xf32, #tpu.memory_space<hbm>>
      tpu.wait_dma2 semaphore(%arg13 : memref<!tpu.dma_semaphore, #tpu.memory_space<semaphore_mem>>) src(%dma_wait3A_242 : memref<256x128xf32, #tpu.memory_space<hbm>>) dst(%arg9 : memref<256x128xf32, #tpu.memory_space<vmem>>)
      %add3A_243 = arith.constant 0 : i32
      %add3A_244 = arith.addi %mul3A_231, %add3A_243 : i32
      %add3A_245 = arith.constant 1 : i32
      %add3A_246 = arith.addi %add3A_244, %add3A_245 : i32
      %mul3A_247 = arith.constant 256 : i32
      %mul3A_248 = arith.muli %add3A_246, %mul3A_247 : i32
      %dma_start3A_249 = tpu.memref_slice %arg7[%mul3A_248] : memref<19200xi32, #tpu.memory_space<vmem>> -> memref<256xi32, #tpu.memory_space<vmem>>
      %dma_start3A_250 = arith.constant 0 : i32
      %dma_start3A_251 = arith.constant 0 : i32
      %dma_start3A_252 = tpu.memref_slice %arg4[%dma_start3A_250, %dma_start3A_251] : memref<100000x128xf32, #tpu.memory_space<hbm>> -> memref<100000x128xf32, #tpu.memory_space<hbm>>
      tpu.enqueue_indirect_dma source(%dma_start3A_252 : memref<100000x128xf32, #tpu.memory_space<hbm>>) target(%arg10 : memref<256x128xf32, #tpu.memory_space<vmem>>) offsets(%dma_start3A_249 : memref<256xi32, #tpu.memory_space<vmem>>) semaphore(%arg14 : memref<!tpu.dma_semaphore, #tpu.memory_space<semaphore_mem>>)
      %gt3A = arith.constant 0 : i32
      %gt3A_253 = arith.cmpi sgt, %scan3A_227, %gt3A : i32
      %convert_element_type3A = arith.extui %gt3A_253 : i1 to i32
      %cond3A = arith.constant 0 : i32
      %cond3A_254 = arith.cmpi ne, %convert_element_type3A, %cond3A : i32
      scf.if %cond3A_254 {
        %dma_wait3A_478 = arith.constant 0 : i32
        %dma_wait3A_479 = arith.constant 0 : i32
        %dma_wait3A_480 = tpu.memref_slice %arg4[%dma_wait3A_478, %dma_wait3A_479] : memref<100000x128xf32, #tpu.memory_space<hbm>> -> memref<128x128xf32, #tpu.memory_space<hbm>>
        %dma_wait3A_481 = arith.constant 0 : i32
        %dma_wait3A_482 = arith.constant 0 : i32
        %dma_wait3A_483 = tpu.memref_slice %arg4[%dma_wait3A_481, %dma_wait3A_482] : memref<100000x128xf32, #tpu.memory_space<hbm>> -> memref<128x128xf32, #tpu.memory_space<hbm>>
        tpu.wait_dma2 semaphore(%arg15 : memref<!tpu.dma_semaphore, #tpu.memory_space<semaphore_mem>>) src(%dma_wait3A_483 : memref<128x128xf32, #tpu.memory_space<hbm>>) dst(%arg11 : memref<128x128xf32, #tpu.memory_space<vmem>>)
      } else {
      }
      %scan3A_255 = arith.constant 0 : i32
      %scan3A_256 = arith.constant 0 : i32
      %scan3A_257 = arith.constant 128 : i32
      %scan3A_258 = arith.addi %scan3A_256, %scan3A_257 : i32
      %scan3A_259 = arith.constant 1 : i32
      scf.for %scan3A_478 = %scan3A_256 to %scan3A_258 step %scan3A_259  : i32 {
        %get3A = arith.index_cast %scan3A_478 : i32 to index
        %get3A_479 = arith.constant 0 : index
        %get3A_480 = tpu.vector_load %arg9[%get3A, %get3A_479] {strides = array<i32>} : memref<256x128xf32, #tpu.memory_space<vmem>>, vector<1x16xf32>,
        %get3A_481 = vector.shape_cast %get3A_480 : vector<1x16xf32> to vector<16xf32>
        %add3A_482 = arith.constant 128 : i32
        %add3A_483 = arith.addi %add3A_482, %scan3A_478 : i32
        %get3A_484 = arith.index_cast %add3A_483 : i32 to index
        %get3A_485 = arith.constant 0 : index
        %get3A_486 = tpu.vector_load %arg9[%get3A_484, %get3A_485] {strides = array<i32>} : memref<256x128xf32, #tpu.memory_space<vmem>>, vector<1x16xf32>,
        %get3A_487 = vector.shape_cast %get3A_486 : vector<1x16xf32> to vector<16xf32>
        %add3A_488 = arith.addf %get3A_481, %get3A_487 : vector<16xf32>
        %swap3A = arith.index_cast %scan3A_478 : i32 to index
        %swap3A_489 = arith.constant 0 : index
        %swap3A_490 = tpu.vector_load %arg11[%swap3A, %swap3A_489] {strides = array<i32>} : memref<128x128xf32, #tpu.memory_space<vmem>>, vector<1x16xf32>,
        %swap3A_491 = vector.shape_cast %swap3A_490 : vector<1x16xf32> to vector<16xf32>
        %swap3A_492 = vector.shape_cast %add3A_488 : vector<16xf32> to vector<1x16xf32>
        tpu.vector_store %arg11[%swap3A, %swap3A_489], %swap3A_492 {strides = array<i32>} : memref<128x128xf32, #tpu.memory_space<vmem>>, vector<1x16xf32>,
        %get3A_493 = arith.index_cast %scan3A_478 : i32 to index
        %get3A_494 = arith.constant 16 : index
        %get3A_495 = tpu.vector_load %arg9[%get3A_493, %get3A_494] {strides = array<i32>} : memref<256x128xf32, #tpu.memory_space<vmem>>, vector<1x16xf32>,
        %get3A_496 = vector.shape_cast %get3A_495 : vector<1x16xf32> to vector<16xf32>
        %add3A_497 = arith.constant 128 : i32
        %add3A_498 = arith.addi %add3A_497, %scan3A_478 : i32
        %get3A_499 = arith.index_cast %add3A_498 : i32 to index
        %get3A_500 = arith.constant 16 : index
        %get3A_501 = tpu.vector_load %arg9[%get3A_499, %get3A_500] {strides = array<i32>} : memref<256x128xf32, #tpu.memory_space<vmem>>, vector<1x16xf32>,
        %get3A_502 = vector.shape_cast %get3A_501 : vector<1x16xf32> to vector<16xf32>
        %add3A_503 = arith.addf %get3A_496, %get3A_502 : vector<16xf32>
        %swap3A_504 = arith.index_cast %scan3A_478 : i32 to index
        %swap3A_505 = arith.constant 16 : index
        %swap3A_506 = tpu.vector_load %arg11[%swap3A_504, %swap3A_505] {strides = array<i32>} : memref<128x128xf32, #tpu.memory_space<vmem>>, vector<1x16xf32>,
        %swap3A_507 = vector.shape_cast %swap3A_506 : vector<1x16xf32> to vector<16xf32>
        %swap3A_508 = vector.shape_cast %add3A_503 : vector<16xf32> to vector<1x16xf32>
        tpu.vector_store %arg11[%swap3A_504, %swap3A_505], %swap3A_508 {strides = array<i32>} : memref<128x128xf32, #tpu.memory_space<vmem>>, vector<1x16xf32>,
        %get3A_509 = arith.index_cast %scan3A_478 : i32 to index
        %get3A_510 = arith.constant 32 : index
        %get3A_511 = tpu.vector_load %arg9[%get3A_509, %get3A_510] {strides = array<i32>} : memref<256x128xf32, #tpu.memory_space<vmem>>, vector<1x16xf32>,
        %get3A_512 = vector.shape_cast %get3A_511 : vector<1x16xf32> to vector<16xf32>
        %add3A_513 = arith.constant 128 : i32
        %add3A_514 = arith.addi %add3A_513, %scan3A_478 : i32
        %get3A_515 = arith.index_cast %add3A_514 : i32 to index
        %get3A_516 = arith.constant 32 : index
        %get3A_517 = tpu.vector_load %arg9[%get3A_515, %get3A_516] {strides = array<i32>} : memref<256x128xf32, #tpu.memory_space<vmem>>, vector<1x16xf32>,
        %get3A_518 = vector.shape_cast %get3A_517 : vector<1x16xf32> to vector<16xf32>
        %add3A_519 = arith.addf %get3A_512, %get3A_518 : vector<16xf32>
        %swap3A_520 = arith.index_cast %scan3A_478 : i32 to index
        %swap3A_521 = arith.constant 32 : index
        %swap3A_522 = tpu.vector_load %arg11[%swap3A_520, %swap3A_521] {strides = array<i32>} : memref<128x128xf32, #tpu.memory_space<vmem>>, vector<1x16xf32>,
        %swap3A_523 = vector.shape_cast %swap3A_522 : vector<1x16xf32> to vector<16xf32>
        %swap3A_524 = vector.shape_cast %add3A_519 : vector<16xf32> to vector<1x16xf32>
        tpu.vector_store %arg11[%swap3A_520, %swap3A_521], %swap3A_524 {strides = array<i32>} : memref<128x128xf32, #tpu.memory_space<vmem>>, vector<1x16xf32>,
        %get3A_525 = arith.index_cast %scan3A_478 : i32 to index
        %get3A_526 = arith.constant 48 : index
        %get3A_527 = tpu.vector_load %arg9[%get3A_525, %get3A_526] {strides = array<i32>} : memref<256x128xf32, #tpu.memory_space<vmem>>, vector<1x16xf32>,
        %get3A_528 = vector.shape_cast %get3A_527 : vector<1x16xf32> to vector<16xf32>
        %add3A_529 = arith.constant 128 : i32
        %add3A_530 = arith.addi %add3A_529, %scan3A_478 : i32
        %get3A_531 = arith.index_cast %add3A_530 : i32 to index
        %get3A_532 = arith.constant 48 : index
        %get3A_533 = tpu.vector_load %arg9[%get3A_531, %get3A_532] {strides = array<i32>} : memref<256x128xf32, #tpu.memory_space<vmem>>, vector<1x16xf32>,
        %get3A_534 = vector.shape_cast %get3A_533 : vector<1x16xf32> to vector<16xf32>
        %add3A_535 = arith.addf %get3A_528, %get3A_534 : vector<16xf32>
        %swap3A_536 = arith.index_cast %scan3A_478 : i32 to index
        %swap3A_537 = arith.constant 48 : index
        %swap3A_538 = tpu.vector_load %arg11[%swap3A_536, %swap3A_537] {strides = array<i32>} : memref<128x128xf32, #tpu.memory_space<vmem>>, vector<1x16xf32>,
        %swap3A_539 = vector.shape_cast %swap3A_538 : vector<1x16xf32> to vector<16xf32>
        %swap3A_540 = vector.shape_cast %add3A_535 : vector<16xf32> to vector<1x16xf32>
        tpu.vector_store %arg11[%swap3A_536, %swap3A_537], %swap3A_540 {strides = array<i32>} : memref<128x128xf32, #tpu.memory_space<vmem>>, vector<1x16xf32>,
        %get3A_541 = arith.index_cast %scan3A_478 : i32 to index
        %get3A_542 = arith.constant 64 : index
        %get3A_543 = tpu.vector_load %arg9[%get3A_541, %get3A_542] {strides = array<i32>} : memref<256x128xf32, #tpu.memory_space<vmem>>, vector<1x16xf32>,
        %get3A_544 = vector.shape_cast %get3A_543 : vector<1x16xf32> to vector<16xf32>
        %add3A_545 = arith.constant 128 : i32
        %add3A_546 = arith.addi %add3A_545, %scan3A_478 : i32
        %get3A_547 = arith.index_cast %add3A_546 : i32 to index
        %get3A_548 = arith.constant 64 : index
        %get3A_549 = tpu.vector_load %arg9[%get3A_547, %get3A_548] {strides = array<i32>} : memref<256x128xf32, #tpu.memory_space<vmem>>, vector<1x16xf32>,
        %get3A_550 = vector.shape_cast %get3A_549 : vector<1x16xf32> to vector<16xf32>
        %add3A_551 = arith.addf %get3A_544, %get3A_550 : vector<16xf32>
        %swap3A_552 = arith.index_cast %scan3A_478 : i32 to index
        %swap3A_553 = arith.constant 64 : index
        %swap3A_554 = tpu.vector_load %arg11[%swap3A_552, %swap3A_553] {strides = array<i32>} : memref<128x128xf32, #tpu.memory_space<vmem>>, vector<1x16xf32>,
        %swap3A_555 = vector.shape_cast %swap3A_554 : vector<1x16xf32> to vector<16xf32>
        %swap3A_556 = vector.shape_cast %add3A_551 : vector<16xf32> to vector<1x16xf32>
        tpu.vector_store %arg11[%swap3A_552, %swap3A_553], %swap3A_556 {strides = array<i32>} : memref<128x128xf32, #tpu.memory_space<vmem>>, vector<1x16xf32>,
        %get3A_557 = arith.index_cast %scan3A_478 : i32 to index
        %get3A_558 = arith.constant 80 : index
        %get3A_559 = tpu.vector_load %arg9[%get3A_557, %get3A_558] {strides = array<i32>} : memref<256x128xf32, #tpu.memory_space<vmem>>, vector<1x16xf32>,
        %get3A_560 = vector.shape_cast %get3A_559 : vector<1x16xf32> to vector<16xf32>
        %add3A_561 = arith.constant 128 : i32
        %add3A_562 = arith.addi %add3A_561, %scan3A_478 : i32
        %get3A_563 = arith.index_cast %add3A_562 : i32 to index
        %get3A_564 = arith.constant 80 : index
        %get3A_565 = tpu.vector_load %arg9[%get3A_563, %get3A_564] {strides = array<i32>} : memref<256x128xf32, #tpu.memory_space<vmem>>, vector<1x16xf32>,
        %get3A_566 = vector.shape_cast %get3A_565 : vector<1x16xf32> to vector<16xf32>
        %add3A_567 = arith.addf %get3A_560, %get3A_566 : vector<16xf32>
        %swap3A_568 = arith.index_cast %scan3A_478 : i32 to index
        %swap3A_569 = arith.constant 80 : index
        %swap3A_570 = tpu.vector_load %arg11[%swap3A_568, %swap3A_569] {strides = array<i32>} : memref<128x128xf32, #tpu.memory_space<vmem>>, vector<1x16xf32>,
        %swap3A_571 = vector.shape_cast %swap3A_570 : vector<1x16xf32> to vector<16xf32>
        %swap3A_572 = vector.shape_cast %add3A_567 : vector<16xf32> to vector<1x16xf32>
        tpu.vector_store %arg11[%swap3A_568, %swap3A_569], %swap3A_572 {strides = array<i32>} : memref<128x128xf32, #tpu.memory_space<vmem>>, vector<1x16xf32>,
        %get3A_573 = arith.index_cast %scan3A_478 : i32 to index
        %get3A_574 = arith.constant 96 : index
        %get3A_575 = tpu.vector_load %arg9[%get3A_573, %get3A_574] {strides = array<i32>} : memref<256x128xf32, #tpu.memory_space<vmem>>, vector<1x16xf32>,
        %get3A_576 = vector.shape_cast %get3A_575 : vector<1x16xf32> to vector<16xf32>
        %add3A_577 = arith.constant 128 : i32
        %add3A_578 = arith.addi %add3A_577, %scan3A_478 : i32
        %get3A_579 = arith.index_cast %add3A_578 : i32 to index
        %get3A_580 = arith.constant 96 : index
        %get3A_581 = tpu.vector_load %arg9[%get3A_579, %get3A_580] {strides = array<i32>} : memref<256x128xf32, #tpu.memory_space<vmem>>, vector<1x16xf32>,
        %get3A_582 = vector.shape_cast %get3A_581 : vector<1x16xf32> to vector<16xf32>
        %add3A_583 = arith.addf %get3A_576, %get3A_582 : vector<16xf32>
        %swap3A_584 = arith.index_cast %scan3A_478 : i32 to index
        %swap3A_585 = arith.constant 96 : index
        %swap3A_586 = tpu.vector_load %arg11[%swap3A_584, %swap3A_585] {strides = array<i32>} : memref<128x128xf32, #tpu.memory_space<vmem>>, vector<1x16xf32>,
        %swap3A_587 = vector.shape_cast %swap3A_586 : vector<1x16xf32> to vector<16xf32>
        %swap3A_588 = vector.shape_cast %add3A_583 : vector<16xf32> to vector<1x16xf32>
        tpu.vector_store %arg11[%swap3A_584, %swap3A_585], %swap3A_588 {strides = array<i32>} : memref<128x128xf32, #tpu.memory_space<vmem>>, vector<1x16xf32>,
        %get3A_589 = arith.index_cast %scan3A_478 : i32 to index
        %get3A_590 = arith.constant 112 : index
        %get3A_591 = tpu.vector_load %arg9[%get3A_589, %get3A_590] {strides = array<i32>} : memref<256x128xf32, #tpu.memory_space<vmem>>, vector<1x16xf32>,
        %get3A_592 = vector.shape_cast %get3A_591 : vector<1x16xf32> to vector<16xf32>
        %add3A_593 = arith.constant 128 : i32
        %add3A_594 = arith.addi %add3A_593, %scan3A_478 : i32
        %get3A_595 = arith.index_cast %add3A_594 : i32 to index
        %get3A_596 = arith.constant 112 : index
        %get3A_597 = tpu.vector_load %arg9[%get3A_595, %get3A_596] {strides = array<i32>} : memref<256x128xf32, #tpu.memory_space<vmem>>, vector<1x16xf32>,
        %get3A_598 = vector.shape_cast %get3A_597 : vector<1x16xf32> to vector<16xf32>
        %add3A_599 = arith.addf %get3A_592, %get3A_598 : vector<16xf32>
        %swap3A_600 = arith.index_cast %scan3A_478 : i32 to index
        %swap3A_601 = arith.constant 112 : index
        %swap3A_602 = tpu.vector_load %arg11[%swap3A_600, %swap3A_601] {strides = array<i32>} : memref<128x128xf32, #tpu.memory_space<vmem>>, vector<1x16xf32>,
        %swap3A_603 = vector.shape_cast %swap3A_602 : vector<1x16xf32> to vector<16xf32>
        %swap3A_604 = vector.shape_cast %add3A_599 : vector<16xf32> to vector<1x16xf32>
        tpu.vector_store %arg11[%swap3A_600, %swap3A_601], %swap3A_604 {strides = array<i32>} : memref<128x128xf32, #tpu.memory_space<vmem>>, vector<1x16xf32>,
      }
      %scan3A_260 = arith.constant 128 : i32
      %dma_wait3A_261 = arith.constant 0 : i32
      %dma_wait3A_262 = arith.constant 0 : i32
      %dma_wait3A_263 = tpu.memref_slice %arg4[%dma_wait3A_261, %dma_wait3A_262] : memref<100000x128xf32, #tpu.memory_space<hbm>> -> memref<256x128xf32, #tpu.memory_space<hbm>>
      %dma_wait3A_264 = arith.constant 0 : i32
      %dma_wait3A_265 = arith.constant 0 : i32
      %dma_wait3A_266 = tpu.memref_slice %arg4[%dma_wait3A_264, %dma_wait3A_265] : memref<100000x128xf32, #tpu.memory_space<hbm>> -> memref<256x128xf32, #tpu.memory_space<hbm>>
      tpu.wait_dma2 semaphore(%arg14 : memref<!tpu.dma_semaphore, #tpu.memory_space<semaphore_mem>>) src(%dma_wait3A_266 : memref<256x128xf32, #tpu.memory_space<hbm>>) dst(%arg10 : memref<256x128xf32, #tpu.memory_space<vmem>>)
      %add3A_267 = arith.constant 1 : i32
      %add3A_268 = arith.addi %mul3A_231, %add3A_267 : i32
      %add3A_269 = arith.constant 1 : i32
      %add3A_270 = arith.addi %add3A_268, %add3A_269 : i32
      %mul3A_271 = arith.constant 256 : i32
      %mul3A_272 = arith.muli %add3A_270, %mul3A_271 : i32
      %dma_start3A_273 = tpu.memref_slice %arg7[%mul3A_272] : memref<19200xi32, #tpu.memory_space<vmem>> -> memref<256xi32, #tpu.memory_space<vmem>>
      %dma_start3A_274 = arith.constant 0 : i32
      %dma_start3A_275 = arith.constant 0 : i32
      %dma_start3A_276 = tpu.memref_slice %arg4[%dma_start3A_274, %dma_start3A_275] : memref<100000x128xf32, #tpu.memory_space<hbm>> -> memref<100000x128xf32, #tpu.memory_space<hbm>>
      tpu.enqueue_indirect_dma source(%dma_start3A_276 : memref<100000x128xf32, #tpu.memory_space<hbm>>) target(%arg9 : memref<256x128xf32, #tpu.memory_space<vmem>>) offsets(%dma_start3A_273 : memref<256xi32, #tpu.memory_space<vmem>>) semaphore(%arg13 : memref<!tpu.dma_semaphore, #tpu.memory_space<semaphore_mem>>)
      %scan3A_277 = arith.constant 0 : i32
      %scan3A_278 = arith.constant 0 : i32
      %scan3A_279 = arith.constant 128 : i32
      %scan3A_280 = arith.addi %scan3A_278, %scan3A_279 : i32
      %scan3A_281 = arith.constant 1 : i32
      scf.for %scan3A_478 = %scan3A_278 to %scan3A_280 step %scan3A_281  : i32 {
        %get3A = arith.index_cast %scan3A_478 : i32 to index
        %get3A_479 = arith.constant 0 : index
        %get3A_480 = tpu.vector_load %arg10[%get3A, %get3A_479] {strides = array<i32>} : memref<256x128xf32, #tpu.memory_space<vmem>>, vector<1x16xf32>,
        %get3A_481 = vector.shape_cast %get3A_480 : vector<1x16xf32> to vector<16xf32>
        %add3A_482 = arith.constant 128 : i32
        %add3A_483 = arith.addi %add3A_482, %scan3A_478 : i32
        %get3A_484 = arith.index_cast %add3A_483 : i32 to index
        %get3A_485 = arith.constant 0 : index
        %get3A_486 = tpu.vector_load %arg10[%get3A_484, %get3A_485] {strides = array<i32>} : memref<256x128xf32, #tpu.memory_space<vmem>>, vector<1x16xf32>,
        %get3A_487 = vector.shape_cast %get3A_486 : vector<1x16xf32> to vector<16xf32>
        %add3A_488 = arith.addf %get3A_481, %get3A_487 : vector<16xf32>
        %get3A_489 = arith.index_cast %scan3A_478 : i32 to index
        %get3A_490 = arith.constant 0 : index
        %get3A_491 = tpu.vector_load %arg11[%get3A_489, %get3A_490] {strides = array<i32>} : memref<128x128xf32, #tpu.memory_space<vmem>>, vector<1x16xf32>,
        %get3A_492 = vector.shape_cast %get3A_491 : vector<1x16xf32> to vector<16xf32>
        %add3A_493 = arith.addf %get3A_492, %add3A_488 : vector<16xf32>
        %swap3A = arith.index_cast %scan3A_478 : i32 to index
        %swap3A_494 = arith.constant 0 : index
        %swap3A_495 = tpu.vector_load %arg11[%swap3A, %swap3A_494] {strides = array<i32>} : memref<128x128xf32, #tpu.memory_space<vmem>>, vector<1x16xf32>,
        %swap3A_496 = vector.shape_cast %swap3A_495 : vector<1x16xf32> to vector<16xf32>
        %swap3A_497 = vector.shape_cast %add3A_493 : vector<16xf32> to vector<1x16xf32>
        tpu.vector_store %arg11[%swap3A, %swap3A_494], %swap3A_497 {strides = array<i32>} : memref<128x128xf32, #tpu.memory_space<vmem>>, vector<1x16xf32>,
        %get3A_498 = arith.index_cast %scan3A_478 : i32 to index
        %get3A_499 = arith.constant 16 : index
        %get3A_500 = tpu.vector_load %arg10[%get3A_498, %get3A_499] {strides = array<i32>} : memref<256x128xf32, #tpu.memory_space<vmem>>, vector<1x16xf32>,
        %get3A_501 = vector.shape_cast %get3A_500 : vector<1x16xf32> to vector<16xf32>
        %add3A_502 = arith.constant 128 : i32
        %add3A_503 = arith.addi %add3A_502, %scan3A_478 : i32
        %get3A_504 = arith.index_cast %add3A_503 : i32 to index
        %get3A_505 = arith.constant 16 : index
        %get3A_506 = tpu.vector_load %arg10[%get3A_504, %get3A_505] {strides = array<i32>} : memref<256x128xf32, #tpu.memory_space<vmem>>, vector<1x16xf32>,
        %get3A_507 = vector.shape_cast %get3A_506 : vector<1x16xf32> to vector<16xf32>
        %add3A_508 = arith.addf %get3A_501, %get3A_507 : vector<16xf32>
        %get3A_509 = arith.index_cast %scan3A_478 : i32 to index
        %get3A_510 = arith.constant 16 : index
        %get3A_511 = tpu.vector_load %arg11[%get3A_509, %get3A_510] {strides = array<i32>} : memref<128x128xf32, #tpu.memory_space<vmem>>, vector<1x16xf32>,
        %get3A_512 = vector.shape_cast %get3A_511 : vector<1x16xf32> to vector<16xf32>
        %add3A_513 = arith.addf %get3A_512, %add3A_508 : vector<16xf32>
        %swap3A_514 = arith.index_cast %scan3A_478 : i32 to index
        %swap3A_515 = arith.constant 16 : index
        %swap3A_516 = tpu.vector_load %arg11[%swap3A_514, %swap3A_515] {strides = array<i32>} : memref<128x128xf32, #tpu.memory_space<vmem>>, vector<1x16xf32>,
        %swap3A_517 = vector.shape_cast %swap3A_516 : vector<1x16xf32> to vector<16xf32>
        %swap3A_518 = vector.shape_cast %add3A_513 : vector<16xf32> to vector<1x16xf32>
        tpu.vector_store %arg11[%swap3A_514, %swap3A_515], %swap3A_518 {strides = array<i32>} : memref<128x128xf32, #tpu.memory_space<vmem>>, vector<1x16xf32>,
        %get3A_519 = arith.index_cast %scan3A_478 : i32 to index
        %get3A_520 = arith.constant 32 : index
        %get3A_521 = tpu.vector_load %arg10[%get3A_519, %get3A_520] {strides = array<i32>} : memref<256x128xf32, #tpu.memory_space<vmem>>, vector<1x16xf32>,
        %get3A_522 = vector.shape_cast %get3A_521 : vector<1x16xf32> to vector<16xf32>
        %add3A_523 = arith.constant 128 : i32
        %add3A_524 = arith.addi %add3A_523, %scan3A_478 : i32
        %get3A_525 = arith.index_cast %add3A_524 : i32 to index
        %get3A_526 = arith.constant 32 : index
        %get3A_527 = tpu.vector_load %arg10[%get3A_525, %get3A_526] {strides = array<i32>} : memref<256x128xf32, #tpu.memory_space<vmem>>, vector<1x16xf32>,
        %get3A_528 = vector.shape_cast %get3A_527 : vector<1x16xf32> to vector<16xf32>
        %add3A_529 = arith.addf %get3A_522, %get3A_528 : vector<16xf32>
        %get3A_530 = arith.index_cast %scan3A_478 : i32 to index
        %get3A_531 = arith.constant 32 : index
        %get3A_532 = tpu.vector_load %arg11[%get3A_530, %get3A_531] {strides = array<i32>} : memref<128x128xf32, #tpu.memory_space<vmem>>, vector<1x16xf32>,
        %get3A_533 = vector.shape_cast %get3A_532 : vector<1x16xf32> to vector<16xf32>
        %add3A_534 = arith.addf %get3A_533, %add3A_529 : vector<16xf32>
        %swap3A_535 = arith.index_cast %scan3A_478 : i32 to index
        %swap3A_536 = arith.constant 32 : index
        %swap3A_537 = tpu.vector_load %arg11[%swap3A_535, %swap3A_536] {strides = array<i32>} : memref<128x128xf32, #tpu.memory_space<vmem>>, vector<1x16xf32>,
        %swap3A_538 = vector.shape_cast %swap3A_537 : vector<1x16xf32> to vector<16xf32>
        %swap3A_539 = vector.shape_cast %add3A_534 : vector<16xf32> to vector<1x16xf32>
        tpu.vector_store %arg11[%swap3A_535, %swap3A_536], %swap3A_539 {strides = array<i32>} : memref<128x128xf32, #tpu.memory_space<vmem>>, vector<1x16xf32>,
        %get3A_540 = arith.index_cast %scan3A_478 : i32 to index
        %get3A_541 = arith.constant 48 : index
        %get3A_542 = tpu.vector_load %arg10[%get3A_540, %get3A_541] {strides = array<i32>} : memref<256x128xf32, #tpu.memory_space<vmem>>, vector<1x16xf32>,
        %get3A_543 = vector.shape_cast %get3A_542 : vector<1x16xf32> to vector<16xf32>
        %add3A_544 = arith.constant 128 : i32
        %add3A_545 = arith.addi %add3A_544, %scan3A_478 : i32
        %get3A_546 = arith.index_cast %add3A_545 : i32 to index
        %get3A_547 = arith.constant 48 : index
        %get3A_548 = tpu.vector_load %arg10[%get3A_546, %get3A_547] {strides = array<i32>} : memref<256x128xf32, #tpu.memory_space<vmem>>, vector<1x16xf32>,
        %get3A_549 = vector.shape_cast %get3A_548 : vector<1x16xf32> to vector<16xf32>
        %add3A_550 = arith.addf %get3A_543, %get3A_549 : vector<16xf32>
        %get3A_551 = arith.index_cast %scan3A_478 : i32 to index
        %get3A_552 = arith.constant 48 : index
        %get3A_553 = tpu.vector_load %arg11[%get3A_551, %get3A_552] {strides = array<i32>} : memref<128x128xf32, #tpu.memory_space<vmem>>, vector<1x16xf32>,
        %get3A_554 = vector.shape_cast %get3A_553 : vector<1x16xf32> to vector<16xf32>
        %add3A_555 = arith.addf %get3A_554, %add3A_550 : vector<16xf32>
        %swap3A_556 = arith.index_cast %scan3A_478 : i32 to index
        %swap3A_557 = arith.constant 48 : index
        %swap3A_558 = tpu.vector_load %arg11[%swap3A_556, %swap3A_557] {strides = array<i32>} : memref<128x128xf32, #tpu.memory_space<vmem>>, vector<1x16xf32>,
        %swap3A_559 = vector.shape_cast %swap3A_558 : vector<1x16xf32> to vector<16xf32>
        %swap3A_560 = vector.shape_cast %add3A_555 : vector<16xf32> to vector<1x16xf32>
        tpu.vector_store %arg11[%swap3A_556, %swap3A_557], %swap3A_560 {strides = array<i32>} : memref<128x128xf32, #tpu.memory_space<vmem>>, vector<1x16xf32>,
        %get3A_561 = arith.index_cast %scan3A_478 : i32 to index
        %get3A_562 = arith.constant 64 : index
        %get3A_563 = tpu.vector_load %arg10[%get3A_561, %get3A_562] {strides = array<i32>} : memref<256x128xf32, #tpu.memory_space<vmem>>, vector<1x16xf32>,
        %get3A_564 = vector.shape_cast %get3A_563 : vector<1x16xf32> to vector<16xf32>
        %add3A_565 = arith.constant 128 : i32
        %add3A_566 = arith.addi %add3A_565, %scan3A_478 : i32
        %get3A_567 = arith.index_cast %add3A_566 : i32 to index
        %get3A_568 = arith.constant 64 : index
        %get3A_569 = tpu.vector_load %arg10[%get3A_567, %get3A_568] {strides = array<i32>} : memref<256x128xf32, #tpu.memory_space<vmem>>, vector<1x16xf32>,
        %get3A_570 = vector.shape_cast %get3A_569 : vector<1x16xf32> to vector<16xf32>
        %add3A_571 = arith.addf %get3A_564, %get3A_570 : vector<16xf32>
        %get3A_572 = arith.index_cast %scan3A_478 : i32 to index
        %get3A_573 = arith.constant 64 : index
        %get3A_574 = tpu.vector_load %arg11[%get3A_572, %get3A_573] {strides = array<i32>} : memref<128x128xf32, #tpu.memory_space<vmem>>, vector<1x16xf32>,
        %get3A_575 = vector.shape_cast %get3A_574 : vector<1x16xf32> to vector<16xf32>
        %add3A_576 = arith.addf %get3A_575, %add3A_571 : vector<16xf32>
        %swap3A_577 = arith.index_cast %scan3A_478 : i32 to index
        %swap3A_578 = arith.constant 64 : index
        %swap3A_579 = tpu.vector_load %arg11[%swap3A_577, %swap3A_578] {strides = array<i32>} : memref<128x128xf32, #tpu.memory_space<vmem>>, vector<1x16xf32>,
        %swap3A_580 = vector.shape_cast %swap3A_579 : vector<1x16xf32> to vector<16xf32>
        %swap3A_581 = vector.shape_cast %add3A_576 : vector<16xf32> to vector<1x16xf32>
        tpu.vector_store %arg11[%swap3A_577, %swap3A_578], %swap3A_581 {strides = array<i32>} : memref<128x128xf32, #tpu.memory_space<vmem>>, vector<1x16xf32>,
        %get3A_582 = arith.index_cast %scan3A_478 : i32 to index
        %get3A_583 = arith.constant 80 : index
        %get3A_584 = tpu.vector_load %arg10[%get3A_582, %get3A_583] {strides = array<i32>} : memref<256x128xf32, #tpu.memory_space<vmem>>, vector<1x16xf32>,
        %get3A_585 = vector.shape_cast %get3A_584 : vector<1x16xf32> to vector<16xf32>
        %add3A_586 = arith.constant 128 : i32
        %add3A_587 = arith.addi %add3A_586, %scan3A_478 : i32
        %get3A_588 = arith.index_cast %add3A_587 : i32 to index
        %get3A_589 = arith.constant 80 : index
        %get3A_590 = tpu.vector_load %arg10[%get3A_588, %get3A_589] {strides = array<i32>} : memref<256x128xf32, #tpu.memory_space<vmem>>, vector<1x16xf32>,
        %get3A_591 = vector.shape_cast %get3A_590 : vector<1x16xf32> to vector<16xf32>
        %add3A_592 = arith.addf %get3A_585, %get3A_591 : vector<16xf32>
        %get3A_593 = arith.index_cast %scan3A_478 : i32 to index
        %get3A_594 = arith.constant 80 : index
        %get3A_595 = tpu.vector_load %arg11[%get3A_593, %get3A_594] {strides = array<i32>} : memref<128x128xf32, #tpu.memory_space<vmem>>, vector<1x16xf32>,
        %get3A_596 = vector.shape_cast %get3A_595 : vector<1x16xf32> to vector<16xf32>
        %add3A_597 = arith.addf %get3A_596, %add3A_592 : vector<16xf32>
        %swap3A_598 = arith.index_cast %scan3A_478 : i32 to index
        %swap3A_599 = arith.constant 80 : index
        %swap3A_600 = tpu.vector_load %arg11[%swap3A_598, %swap3A_599] {strides = array<i32>} : memref<128x128xf32, #tpu.memory_space<vmem>>, vector<1x16xf32>,
        %swap3A_601 = vector.shape_cast %swap3A_600 : vector<1x16xf32> to vector<16xf32>
        %swap3A_602 = vector.shape_cast %add3A_597 : vector<16xf32> to vector<1x16xf32>
        tpu.vector_store %arg11[%swap3A_598, %swap3A_599], %swap3A_602 {strides = array<i32>} : memref<128x128xf32, #tpu.memory_space<vmem>>, vector<1x16xf32>,
        %get3A_603 = arith.index_cast %scan3A_478 : i32 to index
        %get3A_604 = arith.constant 96 : index
        %get3A_605 = tpu.vector_load %arg10[%get3A_603, %get3A_604] {strides = array<i32>} : memref<256x128xf32, #tpu.memory_space<vmem>>, vector<1x16xf32>,
        %get3A_606 = vector.shape_cast %get3A_605 : vector<1x16xf32> to vector<16xf32>
        %add3A_607 = arith.constant 128 : i32
        %add3A_608 = arith.addi %add3A_607, %scan3A_478 : i32
        %get3A_609 = arith.index_cast %add3A_608 : i32 to index
        %get3A_610 = arith.constant 96 : index
        %get3A_611 = tpu.vector_load %arg10[%get3A_609, %get3A_610] {strides = array<i32>} : memref<256x128xf32, #tpu.memory_space<vmem>>, vector<1x16xf32>,
        %get3A_612 = vector.shape_cast %get3A_611 : vector<1x16xf32> to vector<16xf32>
        %add3A_613 = arith.addf %get3A_606, %get3A_612 : vector<16xf32>
        %get3A_614 = arith.index_cast %scan3A_478 : i32 to index
        %get3A_615 = arith.constant 96 : index
        %get3A_616 = tpu.vector_load %arg11[%get3A_614, %get3A_615] {strides = array<i32>} : memref<128x128xf32, #tpu.memory_space<vmem>>, vector<1x16xf32>,
        %get3A_617 = vector.shape_cast %get3A_616 : vector<1x16xf32> to vector<16xf32>
        %add3A_618 = arith.addf %get3A_617, %add3A_613 : vector<16xf32>
        %swap3A_619 = arith.index_cast %scan3A_478 : i32 to index
        %swap3A_620 = arith.constant 96 : index
        %swap3A_621 = tpu.vector_load %arg11[%swap3A_619, %swap3A_620] {strides = array<i32>} : memref<128x128xf32, #tpu.memory_space<vmem>>, vector<1x16xf32>,
        %swap3A_622 = vector.shape_cast %swap3A_621 : vector<1x16xf32> to vector<16xf32>
        %swap3A_623 = vector.shape_cast %add3A_618 : vector<16xf32> to vector<1x16xf32>
        tpu.vector_store %arg11[%swap3A_619, %swap3A_620], %swap3A_623 {strides = array<i32>} : memref<128x128xf32, #tpu.memory_space<vmem>>, vector<1x16xf32>,
        %get3A_624 = arith.index_cast %scan3A_478 : i32 to index
        %get3A_625 = arith.constant 112 : index
        %get3A_626 = tpu.vector_load %arg10[%get3A_624, %get3A_625] {strides = array<i32>} : memref<256x128xf32, #tpu.memory_space<vmem>>, vector<1x16xf32>,
        %get3A_627 = vector.shape_cast %get3A_626 : vector<1x16xf32> to vector<16xf32>
        %add3A_628 = arith.constant 128 : i32
        %add3A_629 = arith.addi %add3A_628, %scan3A_478 : i32
        %get3A_630 = arith.index_cast %add3A_629 : i32 to index
        %get3A_631 = arith.constant 112 : index
        %get3A_632 = tpu.vector_load %arg10[%get3A_630, %get3A_631] {strides = array<i32>} : memref<256x128xf32, #tpu.memory_space<vmem>>, vector<1x16xf32>,
        %get3A_633 = vector.shape_cast %get3A_632 : vector<1x16xf32> to vector<16xf32>
        %add3A_634 = arith.addf %get3A_627, %get3A_633 : vector<16xf32>
        %get3A_635 = arith.index_cast %scan3A_478 : i32 to index
        %get3A_636 = arith.constant 112 : index
        %get3A_637 = tpu.vector_load %arg11[%get3A_635, %get3A_636] {strides = array<i32>} : memref<128x128xf32, #tpu.memory_space<vmem>>, vector<1x16xf32>,
        %get3A_638 = vector.shape_cast %get3A_637 : vector<1x16xf32> to vector<16xf32>
        %add3A_639 = arith.addf %get3A_638, %add3A_634 : vector<16xf32>
        %swap3A_640 = arith.index_cast %scan3A_478 : i32 to index
        %swap3A_641 = arith.constant 112 : index
        %swap3A_642 = tpu.vector_load %arg11[%swap3A_640, %swap3A_641] {strides = array<i32>} : memref<128x128xf32, #tpu.memory_space<vmem>>, vector<1x16xf32>,
        %swap3A_643 = vector.shape_cast %swap3A_642 : vector<1x16xf32> to vector<16xf32>
        %swap3A_644 = vector.shape_cast %add3A_639 : vector<16xf32> to vector<1x16xf32>
        tpu.vector_store %arg11[%swap3A_640, %swap3A_641], %swap3A_644 {strides = array<i32>} : memref<128x128xf32, #tpu.memory_space<vmem>>, vector<1x16xf32>,
      }
      %scan3A_282 = arith.constant 128 : i32
      %dma_wait3A_283 = arith.constant 0 : i32
      %dma_wait3A_284 = arith.constant 0 : i32
      %dma_wait3A_285 = tpu.memref_slice %arg4[%dma_wait3A_283, %dma_wait3A_284] : memref<100000x128xf32, #tpu.memory_space<hbm>> -> memref<256x128xf32, #tpu.memory_space<hbm>>
      %dma_wait3A_286 = arith.constant 0 : i32
      %dma_wait3A_287 = arith.constant 0 : i32
      %dma_wait3A_288 = tpu.memref_slice %arg4[%dma_wait3A_286, %dma_wait3A_287] : memref<100000x128xf32, #tpu.memory_space<hbm>> -> memref<256x128xf32, #tpu.memory_space<hbm>>
      tpu.wait_dma2 semaphore(%arg13 : memref<!tpu.dma_semaphore, #tpu.memory_space<semaphore_mem>>) src(%dma_wait3A_288 : memref<256x128xf32, #tpu.memory_space<hbm>>) dst(%arg9 : memref<256x128xf32, #tpu.memory_space<vmem>>)
      %add3A_289 = arith.constant 2 : i32
      %add3A_290 = arith.addi %mul3A_231, %add3A_289 : i32
      %add3A_291 = arith.constant 1 : i32
      %add3A_292 = arith.addi %add3A_290, %add3A_291 : i32
      %mul3A_293 = arith.constant 256 : i32
      %mul3A_294 = arith.muli %add3A_292, %mul3A_293 : i32
      %dma_start3A_295 = tpu.memref_slice %arg7[%mul3A_294] : memref<19200xi32, #tpu.memory_space<vmem>> -> memref<256xi32, #tpu.memory_space<vmem>>
      %dma_start3A_296 = arith.constant 0 : i32
      %dma_start3A_297 = arith.constant 0 : i32
      %dma_start3A_298 = tpu.memref_slice %arg4[%dma_start3A_296, %dma_start3A_297] : memref<100000x128xf32, #tpu.memory_space<hbm>> -> memref<100000x128xf32, #tpu.memory_space<hbm>>
      tpu.enqueue_indirect_dma source(%dma_start3A_298 : memref<100000x128xf32, #tpu.memory_space<hbm>>) target(%arg10 : memref<256x128xf32, #tpu.memory_space<vmem>>) offsets(%dma_start3A_295 : memref<256xi32, #tpu.memory_space<vmem>>) semaphore(%arg14 : memref<!tpu.dma_semaphore, #tpu.memory_space<semaphore_mem>>)
      %scan3A_299 = arith.constant 0 : i32
      %scan3A_300 = arith.constant 0 : i32
      %scan3A_301 = arith.constant 128 : i32
      %scan3A_302 = arith.addi %scan3A_300, %scan3A_301 : i32
      %scan3A_303 = arith.constant 1 : i32
      scf.for %scan3A_478 = %scan3A_300 to %scan3A_302 step %scan3A_303  : i32 {
        %get3A = arith.index_cast %scan3A_478 : i32 to index
        %get3A_479 = arith.constant 0 : index
        %get3A_480 = tpu.vector_load %arg9[%get3A, %get3A_479] {strides = array<i32>} : memref<256x128xf32, #tpu.memory_space<vmem>>, vector<1x16xf32>,
        %get3A_481 = vector.shape_cast %get3A_480 : vector<1x16xf32> to vector<16xf32>
        %add3A_482 = arith.constant 128 : i32
        %add3A_483 = arith.addi %add3A_482, %scan3A_478 : i32
        %get3A_484 = arith.index_cast %add3A_483 : i32 to index
        %get3A_485 = arith.constant 0 : index
        %get3A_486 = tpu.vector_load %arg9[%get3A_484, %get3A_485] {strides = array<i32>} : memref<256x128xf32, #tpu.memory_space<vmem>>, vector<1x16xf32>,
        %get3A_487 = vector.shape_cast %get3A_486 : vector<1x16xf32> to vector<16xf32>
        %add3A_488 = arith.addf %get3A_481, %get3A_487 : vector<16xf32>
        %get3A_489 = arith.index_cast %scan3A_478 : i32 to index
        %get3A_490 = arith.constant 0 : index
        %get3A_491 = tpu.vector_load %arg11[%get3A_489, %get3A_490] {strides = array<i32>} : memref<128x128xf32, #tpu.memory_space<vmem>>, vector<1x16xf32>,
        %get3A_492 = vector.shape_cast %get3A_491 : vector<1x16xf32> to vector<16xf32>
        %add3A_493 = arith.addf %get3A_492, %add3A_488 : vector<16xf32>
        %swap3A = arith.index_cast %scan3A_478 : i32 to index
        %swap3A_494 = arith.constant 0 : index
        %swap3A_495 = tpu.vector_load %arg11[%swap3A, %swap3A_494] {strides = array<i32>} : memref<128x128xf32, #tpu.memory_space<vmem>>, vector<1x16xf32>,
        %swap3A_496 = vector.shape_cast %swap3A_495 : vector<1x16xf32> to vector<16xf32>
        %swap3A_497 = vector.shape_cast %add3A_493 : vector<16xf32> to vector<1x16xf32>
        tpu.vector_store %arg11[%swap3A, %swap3A_494], %swap3A_497 {strides = array<i32>} : memref<128x128xf32, #tpu.memory_space<vmem>>, vector<1x16xf32>,
        %get3A_498 = arith.index_cast %scan3A_478 : i32 to index
        %get3A_499 = arith.constant 16 : index
        %get3A_500 = tpu.vector_load %arg9[%get3A_498, %get3A_499] {strides = array<i32>} : memref<256x128xf32, #tpu.memory_space<vmem>>, vector<1x16xf32>,
        %get3A_501 = vector.shape_cast %get3A_500 : vector<1x16xf32> to vector<16xf32>
        %add3A_502 = arith.constant 128 : i32
        %add3A_503 = arith.addi %add3A_502, %scan3A_478 : i32
        %get3A_504 = arith.index_cast %add3A_503 : i32 to index
        %get3A_505 = arith.constant 16 : index
        %get3A_506 = tpu.vector_load %arg9[%get3A_504, %get3A_505] {strides = array<i32>} : memref<256x128xf32, #tpu.memory_space<vmem>>, vector<1x16xf32>,
        %get3A_507 = vector.shape_cast %get3A_506 : vector<1x16xf32> to vector<16xf32>
        %add3A_508 = arith.addf %get3A_501, %get3A_507 : vector<16xf32>
        %get3A_509 = arith.index_cast %scan3A_478 : i32 to index
        %get3A_510 = arith.constant 16 : index
        %get3A_511 = tpu.vector_load %arg11[%get3A_509, %get3A_510] {strides = array<i32>} : memref<128x128xf32, #tpu.memory_space<vmem>>, vector<1x16xf32>,
        %get3A_512 = vector.shape_cast %get3A_511 : vector<1x16xf32> to vector<16xf32>
        %add3A_513 = arith.addf %get3A_512, %add3A_508 : vector<16xf32>
        %swap3A_514 = arith.index_cast %scan3A_478 : i32 to index
        %swap3A_515 = arith.constant 16 : index
        %swap3A_516 = tpu.vector_load %arg11[%swap3A_514, %swap3A_515] {strides = array<i32>} : memref<128x128xf32, #tpu.memory_space<vmem>>, vector<1x16xf32>,
        %swap3A_517 = vector.shape_cast %swap3A_516 : vector<1x16xf32> to vector<16xf32>
        %swap3A_518 = vector.shape_cast %add3A_513 : vector<16xf32> to vector<1x16xf32>
        tpu.vector_store %arg11[%swap3A_514, %swap3A_515], %swap3A_518 {strides = array<i32>} : memref<128x128xf32, #tpu.memory_space<vmem>>, vector<1x16xf32>,
        %get3A_519 = arith.index_cast %scan3A_478 : i32 to index
        %get3A_520 = arith.constant 32 : index
        %get3A_521 = tpu.vector_load %arg9[%get3A_519, %get3A_520] {strides = array<i32>} : memref<256x128xf32, #tpu.memory_space<vmem>>, vector<1x16xf32>,
        %get3A_522 = vector.shape_cast %get3A_521 : vector<1x16xf32> to vector<16xf32>
        %add3A_523 = arith.constant 128 : i32
        %add3A_524 = arith.addi %add3A_523, %scan3A_478 : i32
        %get3A_525 = arith.index_cast %add3A_524 : i32 to index
        %get3A_526 = arith.constant 32 : index
        %get3A_527 = tpu.vector_load %arg9[%get3A_525, %get3A_526] {strides = array<i32>} : memref<256x128xf32, #tpu.memory_space<vmem>>, vector<1x16xf32>,
        %get3A_528 = vector.shape_cast %get3A_527 : vector<1x16xf32> to vector<16xf32>
        %add3A_529 = arith.addf %get3A_522, %get3A_528 : vector<16xf32>
        %get3A_530 = arith.index_cast %scan3A_478 : i32 to index
        %get3A_531 = arith.constant 32 : index
        %get3A_532 = tpu.vector_load %arg11[%get3A_530, %get3A_531] {strides = array<i32>} : memref<128x128xf32, #tpu.memory_space<vmem>>, vector<1x16xf32>,
        %get3A_533 = vector.shape_cast %get3A_532 : vector<1x16xf32> to vector<16xf32>
        %add3A_534 = arith.addf %get3A_533, %add3A_529 : vector<16xf32>
        %swap3A_535 = arith.index_cast %scan3A_478 : i32 to index
        %swap3A_536 = arith.constant 32 : index
        %swap3A_537 = tpu.vector_load %arg11[%swap3A_535, %swap3A_536] {strides = array<i32>} : memref<128x128xf32, #tpu.memory_space<vmem>>, vector<1x16xf32>,
        %swap3A_538 = vector.shape_cast %swap3A_537 : vector<1x16xf32> to vector<16xf32>
        %swap3A_539 = vector.shape_cast %add3A_534 : vector<16xf32> to vector<1x16xf32>
        tpu.vector_store %arg11[%swap3A_535, %swap3A_536], %swap3A_539 {strides = array<i32>} : memref<128x128xf32, #tpu.memory_space<vmem>>, vector<1x16xf32>,
        %get3A_540 = arith.index_cast %scan3A_478 : i32 to index
        %get3A_541 = arith.constant 48 : index
        %get3A_542 = tpu.vector_load %arg9[%get3A_540, %get3A_541] {strides = array<i32>} : memref<256x128xf32, #tpu.memory_space<vmem>>, vector<1x16xf32>,
        %get3A_543 = vector.shape_cast %get3A_542 : vector<1x16xf32> to vector<16xf32>
        %add3A_544 = arith.constant 128 : i32
        %add3A_545 = arith.addi %add3A_544, %scan3A_478 : i32
        %get3A_546 = arith.index_cast %add3A_545 : i32 to index
        %get3A_547 = arith.constant 48 : index
        %get3A_548 = tpu.vector_load %arg9[%get3A_546, %get3A_547] {strides = array<i32>} : memref<256x128xf32, #tpu.memory_space<vmem>>, vector<1x16xf32>,
        %get3A_549 = vector.shape_cast %get3A_548 : vector<1x16xf32> to vector<16xf32>
        %add3A_550 = arith.addf %get3A_543, %get3A_549 : vector<16xf32>
        %get3A_551 = arith.index_cast %scan3A_478 : i32 to index
        %get3A_552 = arith.constant 48 : index
        %get3A_553 = tpu.vector_load %arg11[%get3A_551, %get3A_552] {strides = array<i32>} : memref<128x128xf32, #tpu.memory_space<vmem>>, vector<1x16xf32>,
        %get3A_554 = vector.shape_cast %get3A_553 : vector<1x16xf32> to vector<16xf32>
        %add3A_555 = arith.addf %get3A_554, %add3A_550 : vector<16xf32>
        %swap3A_556 = arith.index_cast %scan3A_478 : i32 to index
        %swap3A_557 = arith.constant 48 : index
        %swap3A_558 = tpu.vector_load %arg11[%swap3A_556, %swap3A_557] {strides = array<i32>} : memref<128x128xf32, #tpu.memory_space<vmem>>, vector<1x16xf32>,
        %swap3A_559 = vector.shape_cast %swap3A_558 : vector<1x16xf32> to vector<16xf32>
        %swap3A_560 = vector.shape_cast %add3A_555 : vector<16xf32> to vector<1x16xf32>
        tpu.vector_store %arg11[%swap3A_556, %swap3A_557], %swap3A_560 {strides = array<i32>} : memref<128x128xf32, #tpu.memory_space<vmem>>, vector<1x16xf32>,
        %get3A_561 = arith.index_cast %scan3A_478 : i32 to index
        %get3A_562 = arith.constant 64 : index
        %get3A_563 = tpu.vector_load %arg9[%get3A_561, %get3A_562] {strides = array<i32>} : memref<256x128xf32, #tpu.memory_space<vmem>>, vector<1x16xf32>,
        %get3A_564 = vector.shape_cast %get3A_563 : vector<1x16xf32> to vector<16xf32>
        %add3A_565 = arith.constant 128 : i32
        %add3A_566 = arith.addi %add3A_565, %scan3A_478 : i32
        %get3A_567 = arith.index_cast %add3A_566 : i32 to index
        %get3A_568 = arith.constant 64 : index
        %get3A_569 = tpu.vector_load %arg9[%get3A_567, %get3A_568] {strides = array<i32>} : memref<256x128xf32, #tpu.memory_space<vmem>>, vector<1x16xf32>,
        %get3A_570 = vector.shape_cast %get3A_569 : vector<1x16xf32> to vector<16xf32>
        %add3A_571 = arith.addf %get3A_564, %get3A_570 : vector<16xf32>
        %get3A_572 = arith.index_cast %scan3A_478 : i32 to index
        %get3A_573 = arith.constant 64 : index
        %get3A_574 = tpu.vector_load %arg11[%get3A_572, %get3A_573] {strides = array<i32>} : memref<128x128xf32, #tpu.memory_space<vmem>>, vector<1x16xf32>,
        %get3A_575 = vector.shape_cast %get3A_574 : vector<1x16xf32> to vector<16xf32>
        %add3A_576 = arith.addf %get3A_575, %add3A_571 : vector<16xf32>
        %swap3A_577 = arith.index_cast %scan3A_478 : i32 to index
        %swap3A_578 = arith.constant 64 : index
        %swap3A_579 = tpu.vector_load %arg11[%swap3A_577, %swap3A_578] {strides = array<i32>} : memref<128x128xf32, #tpu.memory_space<vmem>>, vector<1x16xf32>,
        %swap3A_580 = vector.shape_cast %swap3A_579 : vector<1x16xf32> to vector<16xf32>
        %swap3A_581 = vector.shape_cast %add3A_576 : vector<16xf32> to vector<1x16xf32>
        tpu.vector_store %arg11[%swap3A_577, %swap3A_578], %swap3A_581 {strides = array<i32>} : memref<128x128xf32, #tpu.memory_space<vmem>>, vector<1x16xf32>,
        %get3A_582 = arith.index_cast %scan3A_478 : i32 to index
        %get3A_583 = arith.constant 80 : index
        %get3A_584 = tpu.vector_load %arg9[%get3A_582, %get3A_583] {strides = array<i32>} : memref<256x128xf32, #tpu.memory_space<vmem>>, vector<1x16xf32>,
        %get3A_585 = vector.shape_cast %get3A_584 : vector<1x16xf32> to vector<16xf32>
        %add3A_586 = arith.constant 128 : i32
        %add3A_587 = arith.addi %add3A_586, %scan3A_478 : i32
        %get3A_588 = arith.index_cast %add3A_587 : i32 to index
        %get3A_589 = arith.constant 80 : index
        %get3A_590 = tpu.vector_load %arg9[%get3A_588, %get3A_589] {strides = array<i32>} : memref<256x128xf32, #tpu.memory_space<vmem>>, vector<1x16xf32>,
        %get3A_591 = vector.shape_cast %get3A_590 : vector<1x16xf32> to vector<16xf32>
        %add3A_592 = arith.addf %get3A_585, %get3A_591 : vector<16xf32>
        %get3A_593 = arith.index_cast %scan3A_478 : i32 to index
        %get3A_594 = arith.constant 80 : index
        %get3A_595 = tpu.vector_load %arg11[%get3A_593, %get3A_594] {strides = array<i32>} : memref<128x128xf32, #tpu.memory_space<vmem>>, vector<1x16xf32>,
        %get3A_596 = vector.shape_cast %get3A_595 : vector<1x16xf32> to vector<16xf32>
        %add3A_597 = arith.addf %get3A_596, %add3A_592 : vector<16xf32>
        %swap3A_598 = arith.index_cast %scan3A_478 : i32 to index
        %swap3A_599 = arith.constant 80 : index
        %swap3A_600 = tpu.vector_load %arg11[%swap3A_598, %swap3A_599] {strides = array<i32>} : memref<128x128xf32, #tpu.memory_space<vmem>>, vector<1x16xf32>,
        %swap3A_601 = vector.shape_cast %swap3A_600 : vector<1x16xf32> to vector<16xf32>
        %swap3A_602 = vector.shape_cast %add3A_597 : vector<16xf32> to vector<1x16xf32>
        tpu.vector_store %arg11[%swap3A_598, %swap3A_599], %swap3A_602 {strides = array<i32>} : memref<128x128xf32, #tpu.memory_space<vmem>>, vector<1x16xf32>,
        %get3A_603 = arith.index_cast %scan3A_478 : i32 to index
        %get3A_604 = arith.constant 96 : index
        %get3A_605 = tpu.vector_load %arg9[%get3A_603, %get3A_604] {strides = array<i32>} : memref<256x128xf32, #tpu.memory_space<vmem>>, vector<1x16xf32>,
        %get3A_606 = vector.shape_cast %get3A_605 : vector<1x16xf32> to vector<16xf32>
        %add3A_607 = arith.constant 128 : i32
        %add3A_608 = arith.addi %add3A_607, %scan3A_478 : i32
        %get3A_609 = arith.index_cast %add3A_608 : i32 to index
        %get3A_610 = arith.constant 96 : index
        %get3A_611 = tpu.vector_load %arg9[%get3A_609, %get3A_610] {strides = array<i32>} : memref<256x128xf32, #tpu.memory_space<vmem>>, vector<1x16xf32>,
        %get3A_612 = vector.shape_cast %get3A_611 : vector<1x16xf32> to vector<16xf32>
        %add3A_613 = arith.addf %get3A_606, %get3A_612 : vector<16xf32>
        %get3A_614 = arith.index_cast %scan3A_478 : i32 to index
        %get3A_615 = arith.constant 96 : index
        %get3A_616 = tpu.vector_load %arg11[%get3A_614, %get3A_615] {strides = array<i32>} : memref<128x128xf32, #tpu.memory_space<vmem>>, vector<1x16xf32>,
        %get3A_617 = vector.shape_cast %get3A_616 : vector<1x16xf32> to vector<16xf32>
        %add3A_618 = arith.addf %get3A_617, %add3A_613 : vector<16xf32>
        %swap3A_619 = arith.index_cast %scan3A_478 : i32 to index
        %swap3A_620 = arith.constant 96 : index
        %swap3A_621 = tpu.vector_load %arg11[%swap3A_619, %swap3A_620] {strides = array<i32>} : memref<128x128xf32, #tpu.memory_space<vmem>>, vector<1x16xf32>,
        %swap3A_622 = vector.shape_cast %swap3A_621 : vector<1x16xf32> to vector<16xf32>
        %swap3A_623 = vector.shape_cast %add3A_618 : vector<16xf32> to vector<1x16xf32>
        tpu.vector_store %arg11[%swap3A_619, %swap3A_620], %swap3A_623 {strides = array<i32>} : memref<128x128xf32, #tpu.memory_space<vmem>>, vector<1x16xf32>,
        %get3A_624 = arith.index_cast %scan3A_478 : i32 to index
        %get3A_625 = arith.constant 112 : index
        %get3A_626 = tpu.vector_load %arg9[%get3A_624, %get3A_625] {strides = array<i32>} : memref<256x128xf32, #tpu.memory_space<vmem>>, vector<1x16xf32>,
        %get3A_627 = vector.shape_cast %get3A_626 : vector<1x16xf32> to vector<16xf32>
        %add3A_628 = arith.constant 128 : i32
        %add3A_629 = arith.addi %add3A_628, %scan3A_478 : i32
        %get3A_630 = arith.index_cast %add3A_629 : i32 to index
        %get3A_631 = arith.constant 112 : index
        %get3A_632 = tpu.vector_load %arg9[%get3A_630, %get3A_631] {strides = array<i32>} : memref<256x128xf32, #tpu.memory_space<vmem>>, vector<1x16xf32>,
        %get3A_633 = vector.shape_cast %get3A_632 : vector<1x16xf32> to vector<16xf32>
        %add3A_634 = arith.addf %get3A_627, %get3A_633 : vector<16xf32>
        %get3A_635 = arith.index_cast %scan3A_478 : i32 to index
        %get3A_636 = arith.constant 112 : index
        %get3A_637 = tpu.vector_load %arg11[%get3A_635, %get3A_636] {strides = array<i32>} : memref<128x128xf32, #tpu.memory_space<vmem>>, vector<1x16xf32>,
        %get3A_638 = vector.shape_cast %get3A_637 : vector<1x16xf32> to vector<16xf32>
        %add3A_639 = arith.addf %get3A_638, %add3A_634 : vector<16xf32>
        %swap3A_640 = arith.index_cast %scan3A_478 : i32 to index
        %swap3A_641 = arith.constant 112 : index
        %swap3A_642 = tpu.vector_load %arg11[%swap3A_640, %swap3A_641] {strides = array<i32>} : memref<128x128xf32, #tpu.memory_space<vmem>>, vector<1x16xf32>,
        %swap3A_643 = vector.shape_cast %swap3A_642 : vector<1x16xf32> to vector<16xf32>
        %swap3A_644 = vector.shape_cast %add3A_639 : vector<16xf32> to vector<1x16xf32>
        tpu.vector_store %arg11[%swap3A_640, %swap3A_641], %swap3A_644 {strides = array<i32>} : memref<128x128xf32, #tpu.memory_space<vmem>>, vector<1x16xf32>,
      }
      %scan3A_304 = arith.constant 128 : i32
      %dma_wait3A_305 = arith.constant 0 : i32
      %dma_wait3A_306 = arith.constant 0 : i32
      %dma_wait3A_307 = tpu.memref_slice %arg4[%dma_wait3A_305, %dma_wait3A_306] : memref<100000x128xf32, #tpu.memory_space<hbm>> -> memref<256x128xf32, #tpu.memory_space<hbm>>
      %dma_wait3A_308 = arith.constant 0 : i32
      %dma_wait3A_309 = arith.constant 0 : i32
      %dma_wait3A_310 = tpu.memref_slice %arg4[%dma_wait3A_308, %dma_wait3A_309] : memref<100000x128xf32, #tpu.memory_space<hbm>> -> memref<256x128xf32, #tpu.memory_space<hbm>>
      tpu.wait_dma2 semaphore(%arg14 : memref<!tpu.dma_semaphore, #tpu.memory_space<semaphore_mem>>) src(%dma_wait3A_310 : memref<256x128xf32, #tpu.memory_space<hbm>>) dst(%arg10 : memref<256x128xf32, #tpu.memory_space<vmem>>)
      %add3A_311 = arith.constant 3 : i32
      %add3A_312 = arith.addi %mul3A_231, %add3A_311 : i32
      %add3A_313 = arith.constant 1 : i32
      %add3A_314 = arith.addi %add3A_312, %add3A_313 : i32
      %mul3A_315 = arith.constant 256 : i32
      %mul3A_316 = arith.muli %add3A_314, %mul3A_315 : i32
      %dma_start3A_317 = tpu.memref_slice %arg7[%mul3A_316] : memref<19200xi32, #tpu.memory_space<vmem>> -> memref<256xi32, #tpu.memory_space<vmem>>
      %dma_start3A_318 = arith.constant 0 : i32
      %dma_start3A_319 = arith.constant 0 : i32
      %dma_start3A_320 = tpu.memref_slice %arg4[%dma_start3A_318, %dma_start3A_319] : memref<100000x128xf32, #tpu.memory_space<hbm>> -> memref<100000x128xf32, #tpu.memory_space<hbm>>
      tpu.enqueue_indirect_dma source(%dma_start3A_320 : memref<100000x128xf32, #tpu.memory_space<hbm>>) target(%arg9 : memref<256x128xf32, #tpu.memory_space<vmem>>) offsets(%dma_start3A_317 : memref<256xi32, #tpu.memory_space<vmem>>) semaphore(%arg13 : memref<!tpu.dma_semaphore, #tpu.memory_space<semaphore_mem>>)
      %scan3A_321 = arith.constant 0 : i32
      %scan3A_322 = arith.constant 0 : i32
      %scan3A_323 = arith.constant 128 : i32
      %scan3A_324 = arith.addi %scan3A_322, %scan3A_323 : i32
      %scan3A_325 = arith.constant 1 : i32
      scf.for %scan3A_478 = %scan3A_322 to %scan3A_324 step %scan3A_325  : i32 {
        %get3A = arith.index_cast %scan3A_478 : i32 to index
        %get3A_479 = arith.constant 0 : index
        %get3A_480 = tpu.vector_load %arg10[%get3A, %get3A_479] {strides = array<i32>} : memref<256x128xf32, #tpu.memory_space<vmem>>, vector<1x16xf32>,
        %get3A_481 = vector.shape_cast %get3A_480 : vector<1x16xf32> to vector<16xf32>
        %add3A_482 = arith.constant 128 : i32
        %add3A_483 = arith.addi %add3A_482, %scan3A_478 : i32
        %get3A_484 = arith.index_cast %add3A_483 : i32 to index
        %get3A_485 = arith.constant 0 : index
        %get3A_486 = tpu.vector_load %arg10[%get3A_484, %get3A_485] {strides = array<i32>} : memref<256x128xf32, #tpu.memory_space<vmem>>, vector<1x16xf32>,
        %get3A_487 = vector.shape_cast %get3A_486 : vector<1x16xf32> to vector<16xf32>
        %add3A_488 = arith.addf %get3A_481, %get3A_487 : vector<16xf32>
        %get3A_489 = arith.index_cast %scan3A_478 : i32 to index
        %get3A_490 = arith.constant 0 : index
        %get3A_491 = tpu.vector_load %arg11[%get3A_489, %get3A_490] {strides = array<i32>} : memref<128x128xf32, #tpu.memory_space<vmem>>, vector<1x16xf32>,
        %get3A_492 = vector.shape_cast %get3A_491 : vector<1x16xf32> to vector<16xf32>
        %add3A_493 = arith.addf %get3A_492, %add3A_488 : vector<16xf32>
        %swap3A = arith.index_cast %scan3A_478 : i32 to index
        %swap3A_494 = arith.constant 0 : index
        %swap3A_495 = tpu.vector_load %arg11[%swap3A, %swap3A_494] {strides = array<i32>} : memref<128x128xf32, #tpu.memory_space<vmem>>, vector<1x16xf32>,
        %swap3A_496 = vector.shape_cast %swap3A_495 : vector<1x16xf32> to vector<16xf32>
        %swap3A_497 = vector.shape_cast %add3A_493 : vector<16xf32> to vector<1x16xf32>
        tpu.vector_store %arg11[%swap3A, %swap3A_494], %swap3A_497 {strides = array<i32>} : memref<128x128xf32, #tpu.memory_space<vmem>>, vector<1x16xf32>,
        %get3A_498 = arith.index_cast %scan3A_478 : i32 to index
        %get3A_499 = arith.constant 16 : index
        %get3A_500 = tpu.vector_load %arg10[%get3A_498, %get3A_499] {strides = array<i32>} : memref<256x128xf32, #tpu.memory_space<vmem>>, vector<1x16xf32>,
        %get3A_501 = vector.shape_cast %get3A_500 : vector<1x16xf32> to vector<16xf32>
        %add3A_502 = arith.constant 128 : i32
        %add3A_503 = arith.addi %add3A_502, %scan3A_478 : i32
        %get3A_504 = arith.index_cast %add3A_503 : i32 to index
        %get3A_505 = arith.constant 16 : index
        %get3A_506 = tpu.vector_load %arg10[%get3A_504, %get3A_505] {strides = array<i32>} : memref<256x128xf32, #tpu.memory_space<vmem>>, vector<1x16xf32>,
        %get3A_507 = vector.shape_cast %get3A_506 : vector<1x16xf32> to vector<16xf32>
        %add3A_508 = arith.addf %get3A_501, %get3A_507 : vector<16xf32>
        %get3A_509 = arith.index_cast %scan3A_478 : i32 to index
        %get3A_510 = arith.constant 16 : index
        %get3A_511 = tpu.vector_load %arg11[%get3A_509, %get3A_510] {strides = array<i32>} : memref<128x128xf32, #tpu.memory_space<vmem>>, vector<1x16xf32>,
        %get3A_512 = vector.shape_cast %get3A_511 : vector<1x16xf32> to vector<16xf32>
        %add3A_513 = arith.addf %get3A_512, %add3A_508 : vector<16xf32>
        %swap3A_514 = arith.index_cast %scan3A_478 : i32 to index
        %swap3A_515 = arith.constant 16 : index
        %swap3A_516 = tpu.vector_load %arg11[%swap3A_514, %swap3A_515] {strides = array<i32>} : memref<128x128xf32, #tpu.memory_space<vmem>>, vector<1x16xf32>,
        %swap3A_517 = vector.shape_cast %swap3A_516 : vector<1x16xf32> to vector<16xf32>
        %swap3A_518 = vector.shape_cast %add3A_513 : vector<16xf32> to vector<1x16xf32>
        tpu.vector_store %arg11[%swap3A_514, %swap3A_515], %swap3A_518 {strides = array<i32>} : memref<128x128xf32, #tpu.memory_space<vmem>>, vector<1x16xf32>,
        %get3A_519 = arith.index_cast %scan3A_478 : i32 to index
        %get3A_520 = arith.constant 32 : index
        %get3A_521 = tpu.vector_load %arg10[%get3A_519, %get3A_520] {strides = array<i32>} : memref<256x128xf32, #tpu.memory_space<vmem>>, vector<1x16xf32>,
        %get3A_522 = vector.shape_cast %get3A_521 : vector<1x16xf32> to vector<16xf32>
        %add3A_523 = arith.constant 128 : i32
        %add3A_524 = arith.addi %add3A_523, %scan3A_478 : i32
        %get3A_525 = arith.index_cast %add3A_524 : i32 to index
        %get3A_526 = arith.constant 32 : index
        %get3A_527 = tpu.vector_load %arg10[%get3A_525, %get3A_526] {strides = array<i32>} : memref<256x128xf32, #tpu.memory_space<vmem>>, vector<1x16xf32>,
        %get3A_528 = vector.shape_cast %get3A_527 : vector<1x16xf32> to vector<16xf32>
        %add3A_529 = arith.addf %get3A_522, %get3A_528 : vector<16xf32>
        %get3A_530 = arith.index_cast %scan3A_478 : i32 to index
        %get3A_531 = arith.constant 32 : index
        %get3A_532 = tpu.vector_load %arg11[%get3A_530, %get3A_531] {strides = array<i32>} : memref<128x128xf32, #tpu.memory_space<vmem>>, vector<1x16xf32>,
        %get3A_533 = vector.shape_cast %get3A_532 : vector<1x16xf32> to vector<16xf32>
        %add3A_534 = arith.addf %get3A_533, %add3A_529 : vector<16xf32>
        %swap3A_535 = arith.index_cast %scan3A_478 : i32 to index
        %swap3A_536 = arith.constant 32 : index
        %swap3A_537 = tpu.vector_load %arg11[%swap3A_535, %swap3A_536] {strides = array<i32>} : memref<128x128xf32, #tpu.memory_space<vmem>>, vector<1x16xf32>,
        %swap3A_538 = vector.shape_cast %swap3A_537 : vector<1x16xf32> to vector<16xf32>
        %swap3A_539 = vector.shape_cast %add3A_534 : vector<16xf32> to vector<1x16xf32>
        tpu.vector_store %arg11[%swap3A_535, %swap3A_536], %swap3A_539 {strides = array<i32>} : memref<128x128xf32, #tpu.memory_space<vmem>>, vector<1x16xf32>,
        %get3A_540 = arith.index_cast %scan3A_478 : i32 to index
        %get3A_541 = arith.constant 48 : index
        %get3A_542 = tpu.vector_load %arg10[%get3A_540, %get3A_541] {strides = array<i32>} : memref<256x128xf32, #tpu.memory_space<vmem>>, vector<1x16xf32>,
        %get3A_543 = vector.shape_cast %get3A_542 : vector<1x16xf32> to vector<16xf32>
        %add3A_544 = arith.constant 128 : i32
        %add3A_545 = arith.addi %add3A_544, %scan3A_478 : i32
        %get3A_546 = arith.index_cast %add3A_545 : i32 to index
        %get3A_547 = arith.constant 48 : index
        %get3A_548 = tpu.vector_load %arg10[%get3A_546, %get3A_547] {strides = array<i32>} : memref<256x128xf32, #tpu.memory_space<vmem>>, vector<1x16xf32>,
        %get3A_549 = vector.shape_cast %get3A_548 : vector<1x16xf32> to vector<16xf32>
        %add3A_550 = arith.addf %get3A_543, %get3A_549 : vector<16xf32>
        %get3A_551 = arith.index_cast %scan3A_478 : i32 to index
        %get3A_552 = arith.constant 48 : index
        %get3A_553 = tpu.vector_load %arg11[%get3A_551, %get3A_552] {strides = array<i32>} : memref<128x128xf32, #tpu.memory_space<vmem>>, vector<1x16xf32>,
        %get3A_554 = vector.shape_cast %get3A_553 : vector<1x16xf32> to vector<16xf32>
        %add3A_555 = arith.addf %get3A_554, %add3A_550 : vector<16xf32>
        %swap3A_556 = arith.index_cast %scan3A_478 : i32 to index
        %swap3A_557 = arith.constant 48 : index
        %swap3A_558 = tpu.vector_load %arg11[%swap3A_556, %swap3A_557] {strides = array<i32>} : memref<128x128xf32, #tpu.memory_space<vmem>>, vector<1x16xf32>,
        %swap3A_559 = vector.shape_cast %swap3A_558 : vector<1x16xf32> to vector<16xf32>
        %swap3A_560 = vector.shape_cast %add3A_555 : vector<16xf32> to vector<1x16xf32>
        tpu.vector_store %arg11[%swap3A_556, %swap3A_557], %swap3A_560 {strides = array<i32>} : memref<128x128xf32, #tpu.memory_space<vmem>>, vector<1x16xf32>,
        %get3A_561 = arith.index_cast %scan3A_478 : i32 to index
        %get3A_562 = arith.constant 64 : index
        %get3A_563 = tpu.vector_load %arg10[%get3A_561, %get3A_562] {strides = array<i32>} : memref<256x128xf32, #tpu.memory_space<vmem>>, vector<1x16xf32>,
        %get3A_564 = vector.shape_cast %get3A_563 : vector<1x16xf32> to vector<16xf32>
        %add3A_565 = arith.constant 128 : i32
        %add3A_566 = arith.addi %add3A_565, %scan3A_478 : i32
        %get3A_567 = arith.index_cast %add3A_566 : i32 to index
        %get3A_568 = arith.constant 64 : index
        %get3A_569 = tpu.vector_load %arg10[%get3A_567, %get3A_568] {strides = array<i32>} : memref<256x128xf32, #tpu.memory_space<vmem>>, vector<1x16xf32>,
        %get3A_570 = vector.shape_cast %get3A_569 : vector<1x16xf32> to vector<16xf32>
        %add3A_571 = arith.addf %get3A_564, %get3A_570 : vector<16xf32>
        %get3A_572 = arith.index_cast %scan3A_478 : i32 to index
        %get3A_573 = arith.constant 64 : index
        %get3A_574 = tpu.vector_load %arg11[%get3A_572, %get3A_573] {strides = array<i32>} : memref<128x128xf32, #tpu.memory_space<vmem>>, vector<1x16xf32>,
        %get3A_575 = vector.shape_cast %get3A_574 : vector<1x16xf32> to vector<16xf32>
        %add3A_576 = arith.addf %get3A_575, %add3A_571 : vector<16xf32>
        %swap3A_577 = arith.index_cast %scan3A_478 : i32 to index
        %swap3A_578 = arith.constant 64 : index
        %swap3A_579 = tpu.vector_load %arg11[%swap3A_577, %swap3A_578] {strides = array<i32>} : memref<128x128xf32, #tpu.memory_space<vmem>>, vector<1x16xf32>,
        %swap3A_580 = vector.shape_cast %swap3A_579 : vector<1x16xf32> to vector<16xf32>
        %swap3A_581 = vector.shape_cast %add3A_576 : vector<16xf32> to vector<1x16xf32>
        tpu.vector_store %arg11[%swap3A_577, %swap3A_578], %swap3A_581 {strides = array<i32>} : memref<128x128xf32, #tpu.memory_space<vmem>>, vector<1x16xf32>,
        %get3A_582 = arith.index_cast %scan3A_478 : i32 to index
        %get3A_583 = arith.constant 80 : index
        %get3A_584 = tpu.vector_load %arg10[%get3A_582, %get3A_583] {strides = array<i32>} : memref<256x128xf32, #tpu.memory_space<vmem>>, vector<1x16xf32>,
        %get3A_585 = vector.shape_cast %get3A_584 : vector<1x16xf32> to vector<16xf32>
        %add3A_586 = arith.constant 128 : i32
        %add3A_587 = arith.addi %add3A_586, %scan3A_478 : i32
        %get3A_588 = arith.index_cast %add3A_587 : i32 to index
        %get3A_589 = arith.constant 80 : index
        %get3A_590 = tpu.vector_load %arg10[%get3A_588, %get3A_589] {strides = array<i32>} : memref<256x128xf32, #tpu.memory_space<vmem>>, vector<1x16xf32>,
        %get3A_591 = vector.shape_cast %get3A_590 : vector<1x16xf32> to vector<16xf32>
        %add3A_592 = arith.addf %get3A_585, %get3A_591 : vector<16xf32>
        %get3A_593 = arith.index_cast %scan3A_478 : i32 to index
        %get3A_594 = arith.constant 80 : index
        %get3A_595 = tpu.vector_load %arg11[%get3A_593, %get3A_594] {strides = array<i32>} : memref<128x128xf32, #tpu.memory_space<vmem>>, vector<1x16xf32>,
        %get3A_596 = vector.shape_cast %get3A_595 : vector<1x16xf32> to vector<16xf32>
        %add3A_597 = arith.addf %get3A_596, %add3A_592 : vector<16xf32>
        %swap3A_598 = arith.index_cast %scan3A_478 : i32 to index
        %swap3A_599 = arith.constant 80 : index
        %swap3A_600 = tpu.vector_load %arg11[%swap3A_598, %swap3A_599] {strides = array<i32>} : memref<128x128xf32, #tpu.memory_space<vmem>>, vector<1x16xf32>,
        %swap3A_601 = vector.shape_cast %swap3A_600 : vector<1x16xf32> to vector<16xf32>
        %swap3A_602 = vector.shape_cast %add3A_597 : vector<16xf32> to vector<1x16xf32>
        tpu.vector_store %arg11[%swap3A_598, %swap3A_599], %swap3A_602 {strides = array<i32>} : memref<128x128xf32, #tpu.memory_space<vmem>>, vector<1x16xf32>,
        %get3A_603 = arith.index_cast %scan3A_478 : i32 to index
        %get3A_604 = arith.constant 96 : index
        %get3A_605 = tpu.vector_load %arg10[%get3A_603, %get3A_604] {strides = array<i32>} : memref<256x128xf32, #tpu.memory_space<vmem>>, vector<1x16xf32>,
        %get3A_606 = vector.shape_cast %get3A_605 : vector<1x16xf32> to vector<16xf32>
        %add3A_607 = arith.constant 128 : i32
        %add3A_608 = arith.addi %add3A_607, %scan3A_478 : i32
        %get3A_609 = arith.index_cast %add3A_608 : i32 to index
        %get3A_610 = arith.constant 96 : index
        %get3A_611 = tpu.vector_load %arg10[%get3A_609, %get3A_610] {strides = array<i32>} : memref<256x128xf32, #tpu.memory_space<vmem>>, vector<1x16xf32>,
        %get3A_612 = vector.shape_cast %get3A_611 : vector<1x16xf32> to vector<16xf32>
        %add3A_613 = arith.addf %get3A_606, %get3A_612 : vector<16xf32>
        %get3A_614 = arith.index_cast %scan3A_478 : i32 to index
        %get3A_615 = arith.constant 96 : index
        %get3A_616 = tpu.vector_load %arg11[%get3A_614, %get3A_615] {strides = array<i32>} : memref<128x128xf32, #tpu.memory_space<vmem>>, vector<1x16xf32>,
        %get3A_617 = vector.shape_cast %get3A_616 : vector<1x16xf32> to vector<16xf32>
        %add3A_618 = arith.addf %get3A_617, %add3A_613 : vector<16xf32>
        %swap3A_619 = arith.index_cast %scan3A_478 : i32 to index
        %swap3A_620 = arith.constant 96 : index
        %swap3A_621 = tpu.vector_load %arg11[%swap3A_619, %swap3A_620] {strides = array<i32>} : memref<128x128xf32, #tpu.memory_space<vmem>>, vector<1x16xf32>,
        %swap3A_622 = vector.shape_cast %swap3A_621 : vector<1x16xf32> to vector<16xf32>
        %swap3A_623 = vector.shape_cast %add3A_618 : vector<16xf32> to vector<1x16xf32>
        tpu.vector_store %arg11[%swap3A_619, %swap3A_620], %swap3A_623 {strides = array<i32>} : memref<128x128xf32, #tpu.memory_space<vmem>>, vector<1x16xf32>,
        %get3A_624 = arith.index_cast %scan3A_478 : i32 to index
        %get3A_625 = arith.constant 112 : index
        %get3A_626 = tpu.vector_load %arg10[%get3A_624, %get3A_625] {strides = array<i32>} : memref<256x128xf32, #tpu.memory_space<vmem>>, vector<1x16xf32>,
        %get3A_627 = vector.shape_cast %get3A_626 : vector<1x16xf32> to vector<16xf32>
        %add3A_628 = arith.constant 128 : i32
        %add3A_629 = arith.addi %add3A_628, %scan3A_478 : i32
        %get3A_630 = arith.index_cast %add3A_629 : i32 to index
        %get3A_631 = arith.constant 112 : index
        %get3A_632 = tpu.vector_load %arg10[%get3A_630, %get3A_631] {strides = array<i32>} : memref<256x128xf32, #tpu.memory_space<vmem>>, vector<1x16xf32>,
        %get3A_633 = vector.shape_cast %get3A_632 : vector<1x16xf32> to vector<16xf32>
        %add3A_634 = arith.addf %get3A_627, %get3A_633 : vector<16xf32>
        %get3A_635 = arith.index_cast %scan3A_478 : i32 to index
        %get3A_636 = arith.constant 112 : index
        %get3A_637 = tpu.vector_load %arg11[%get3A_635, %get3A_636] {strides = array<i32>} : memref<128x128xf32, #tpu.memory_space<vmem>>, vector<1x16xf32>,
        %get3A_638 = vector.shape_cast %get3A_637 : vector<1x16xf32> to vector<16xf32>
        %add3A_639 = arith.addf %get3A_638, %add3A_634 : vector<16xf32>
        %swap3A_640 = arith.index_cast %scan3A_478 : i32 to index
        %swap3A_641 = arith.constant 112 : index
        %swap3A_642 = tpu.vector_load %arg11[%swap3A_640, %swap3A_641] {strides = array<i32>} : memref<128x128xf32, #tpu.memory_space<vmem>>, vector<1x16xf32>,
        %swap3A_643 = vector.shape_cast %swap3A_642 : vector<1x16xf32> to vector<16xf32>
        %swap3A_644 = vector.shape_cast %add3A_639 : vector<16xf32> to vector<1x16xf32>
        tpu.vector_store %arg11[%swap3A_640, %swap3A_641], %swap3A_644 {strides = array<i32>} : memref<128x128xf32, #tpu.memory_space<vmem>>, vector<1x16xf32>,
      }
      %scan3A_326 = arith.constant 128 : i32
      %dma_wait3A_327 = arith.constant 0 : i32
      %dma_wait3A_328 = arith.constant 0 : i32
      %dma_wait3A_329 = tpu.memref_slice %arg4[%dma_wait3A_327, %dma_wait3A_328] : memref<100000x128xf32, #tpu.memory_space<hbm>> -> memref<256x128xf32, #tpu.memory_space<hbm>>
      %dma_wait3A_330 = arith.constant 0 : i32
      %dma_wait3A_331 = arith.constant 0 : i32
      %dma_wait3A_332 = tpu.memref_slice %arg4[%dma_wait3A_330, %dma_wait3A_331] : memref<100000x128xf32, #tpu.memory_space<hbm>> -> memref<256x128xf32, #tpu.memory_space<hbm>>
      tpu.wait_dma2 semaphore(%arg13 : memref<!tpu.dma_semaphore, #tpu.memory_space<semaphore_mem>>) src(%dma_wait3A_332 : memref<256x128xf32, #tpu.memory_space<hbm>>) dst(%arg9 : memref<256x128xf32, #tpu.memory_space<vmem>>)
      %add3A_333 = arith.constant 4 : i32
      %add3A_334 = arith.addi %mul3A_231, %add3A_333 : i32
      %add3A_335 = arith.constant 1 : i32
      %add3A_336 = arith.addi %add3A_334, %add3A_335 : i32
      %mul3A_337 = arith.constant 256 : i32
      %mul3A_338 = arith.muli %add3A_336, %mul3A_337 : i32
      %dma_start3A_339 = tpu.memref_slice %arg7[%mul3A_338] : memref<19200xi32, #tpu.memory_space<vmem>> -> memref<256xi32, #tpu.memory_space<vmem>>
      %dma_start3A_340 = arith.constant 0 : i32
      %dma_start3A_341 = arith.constant 0 : i32
      %dma_start3A_342 = tpu.memref_slice %arg4[%dma_start3A_340, %dma_start3A_341] : memref<100000x128xf32, #tpu.memory_space<hbm>> -> memref<100000x128xf32, #tpu.memory_space<hbm>>
      tpu.enqueue_indirect_dma source(%dma_start3A_342 : memref<100000x128xf32, #tpu.memory_space<hbm>>) target(%arg10 : memref<256x128xf32, #tpu.memory_space<vmem>>) offsets(%dma_start3A_339 : memref<256xi32, #tpu.memory_space<vmem>>) semaphore(%arg14 : memref<!tpu.dma_semaphore, #tpu.memory_space<semaphore_mem>>)
      %scan3A_343 = arith.constant 0 : i32
      %scan3A_344 = arith.constant 0 : i32
      %scan3A_345 = arith.constant 128 : i32
      %scan3A_346 = arith.addi %scan3A_344, %scan3A_345 : i32
      %scan3A_347 = arith.constant 1 : i32
      scf.for %scan3A_478 = %scan3A_344 to %scan3A_346 step %scan3A_347  : i32 {
        %get3A = arith.index_cast %scan3A_478 : i32 to index
        %get3A_479 = arith.constant 0 : index
        %get3A_480 = tpu.vector_load %arg9[%get3A, %get3A_479] {strides = array<i32>} : memref<256x128xf32, #tpu.memory_space<vmem>>, vector<1x16xf32>,
        %get3A_481 = vector.shape_cast %get3A_480 : vector<1x16xf32> to vector<16xf32>
        %add3A_482 = arith.constant 128 : i32
        %add3A_483 = arith.addi %add3A_482, %scan3A_478 : i32
        %get3A_484 = arith.index_cast %add3A_483 : i32 to index
        %get3A_485 = arith.constant 0 : index
        %get3A_486 = tpu.vector_load %arg9[%get3A_484, %get3A_485] {strides = array<i32>} : memref<256x128xf32, #tpu.memory_space<vmem>>, vector<1x16xf32>,
        %get3A_487 = vector.shape_cast %get3A_486 : vector<1x16xf32> to vector<16xf32>
        %add3A_488 = arith.addf %get3A_481, %get3A_487 : vector<16xf32>
        %get3A_489 = arith.index_cast %scan3A_478 : i32 to index
        %get3A_490 = arith.constant 0 : index
        %get3A_491 = tpu.vector_load %arg11[%get3A_489, %get3A_490] {strides = array<i32>} : memref<128x128xf32, #tpu.memory_space<vmem>>, vector<1x16xf32>,
        %get3A_492 = vector.shape_cast %get3A_491 : vector<1x16xf32> to vector<16xf32>
        %add3A_493 = arith.addf %get3A_492, %add3A_488 : vector<16xf32>
        %swap3A = arith.index_cast %scan3A_478 : i32 to index
        %swap3A_494 = arith.constant 0 : index
        %swap3A_495 = tpu.vector_load %arg11[%swap3A, %swap3A_494] {strides = array<i32>} : memref<128x128xf32, #tpu.memory_space<vmem>>, vector<1x16xf32>,
        %swap3A_496 = vector.shape_cast %swap3A_495 : vector<1x16xf32> to vector<16xf32>
        %swap3A_497 = vector.shape_cast %add3A_493 : vector<16xf32> to vector<1x16xf32>
        tpu.vector_store %arg11[%swap3A, %swap3A_494], %swap3A_497 {strides = array<i32>} : memref<128x128xf32, #tpu.memory_space<vmem>>, vector<1x16xf32>,
        %get3A_498 = arith.index_cast %scan3A_478 : i32 to index
        %get3A_499 = arith.constant 16 : index
        %get3A_500 = tpu.vector_load %arg9[%get3A_498, %get3A_499] {strides = array<i32>} : memref<256x128xf32, #tpu.memory_space<vmem>>, vector<1x16xf32>,
        %get3A_501 = vector.shape_cast %get3A_500 : vector<1x16xf32> to vector<16xf32>
        %add3A_502 = arith.constant 128 : i32
        %add3A_503 = arith.addi %add3A_502, %scan3A_478 : i32
        %get3A_504 = arith.index_cast %add3A_503 : i32 to index
        %get3A_505 = arith.constant 16 : index
        %get3A_506 = tpu.vector_load %arg9[%get3A_504, %get3A_505] {strides = array<i32>} : memref<256x128xf32, #tpu.memory_space<vmem>>, vector<1x16xf32>,
        %get3A_507 = vector.shape_cast %get3A_506 : vector<1x16xf32> to vector<16xf32>
        %add3A_508 = arith.addf %get3A_501, %get3A_507 : vector<16xf32>
        %get3A_509 = arith.index_cast %scan3A_478 : i32 to index
        %get3A_510 = arith.constant 16 : index
        %get3A_511 = tpu.vector_load %arg11[%get3A_509, %get3A_510] {strides = array<i32>} : memref<128x128xf32, #tpu.memory_space<vmem>>, vector<1x16xf32>,
        %get3A_512 = vector.shape_cast %get3A_511 : vector<1x16xf32> to vector<16xf32>
        %add3A_513 = arith.addf %get3A_512, %add3A_508 : vector<16xf32>
        %swap3A_514 = arith.index_cast %scan3A_478 : i32 to index
        %swap3A_515 = arith.constant 16 : index
        %swap3A_516 = tpu.vector_load %arg11[%swap3A_514, %swap3A_515] {strides = array<i32>} : memref<128x128xf32, #tpu.memory_space<vmem>>, vector<1x16xf32>,
        %swap3A_517 = vector.shape_cast %swap3A_516 : vector<1x16xf32> to vector<16xf32>
        %swap3A_518 = vector.shape_cast %add3A_513 : vector<16xf32> to vector<1x16xf32>
        tpu.vector_store %arg11[%swap3A_514, %swap3A_515], %swap3A_518 {strides = array<i32>} : memref<128x128xf32, #tpu.memory_space<vmem>>, vector<1x16xf32>,
        %get3A_519 = arith.index_cast %scan3A_478 : i32 to index
        %get3A_520 = arith.constant 32 : index
        %get3A_521 = tpu.vector_load %arg9[%get3A_519, %get3A_520] {strides = array<i32>} : memref<256x128xf32, #tpu.memory_space<vmem>>, vector<1x16xf32>,
        %get3A_522 = vector.shape_cast %get3A_521 : vector<1x16xf32> to vector<16xf32>
        %add3A_523 = arith.constant 128 : i32
        %add3A_524 = arith.addi %add3A_523, %scan3A_478 : i32
        %get3A_525 = arith.index_cast %add3A_524 : i32 to index
        %get3A_526 = arith.constant 32 : index
        %get3A_527 = tpu.vector_load %arg9[%get3A_525, %get3A_526] {strides = array<i32>} : memref<256x128xf32, #tpu.memory_space<vmem>>, vector<1x16xf32>,
        %get3A_528 = vector.shape_cast %get3A_527 : vector<1x16xf32> to vector<16xf32>
        %add3A_529 = arith.addf %get3A_522, %get3A_528 : vector<16xf32>
        %get3A_530 = arith.index_cast %scan3A_478 : i32 to index
        %get3A_531 = arith.constant 32 : index
        %get3A_532 = tpu.vector_load %arg11[%get3A_530, %get3A_531] {strides = array<i32>} : memref<128x128xf32, #tpu.memory_space<vmem>>, vector<1x16xf32>,
        %get3A_533 = vector.shape_cast %get3A_532 : vector<1x16xf32> to vector<16xf32>
        %add3A_534 = arith.addf %get3A_533, %add3A_529 : vector<16xf32>
        %swap3A_535 = arith.index_cast %scan3A_478 : i32 to index
        %swap3A_536 = arith.constant 32 : index
        %swap3A_537 = tpu.vector_load %arg11[%swap3A_535, %swap3A_536] {strides = array<i32>} : memref<128x128xf32, #tpu.memory_space<vmem>>, vector<1x16xf32>,
        %swap3A_538 = vector.shape_cast %swap3A_537 : vector<1x16xf32> to vector<16xf32>
        %swap3A_539 = vector.shape_cast %add3A_534 : vector<16xf32> to vector<1x16xf32>
        tpu.vector_store %arg11[%swap3A_535, %swap3A_536], %swap3A_539 {strides = array<i32>} : memref<128x128xf32, #tpu.memory_space<vmem>>, vector<1x16xf32>,
        %get3A_540 = arith.index_cast %scan3A_478 : i32 to index
        %get3A_541 = arith.constant 48 : index
        %get3A_542 = tpu.vector_load %arg9[%get3A_540, %get3A_541] {strides = array<i32>} : memref<256x128xf32, #tpu.memory_space<vmem>>, vector<1x16xf32>,
        %get3A_543 = vector.shape_cast %get3A_542 : vector<1x16xf32> to vector<16xf32>
        %add3A_544 = arith.constant 128 : i32
        %add3A_545 = arith.addi %add3A_544, %scan3A_478 : i32
        %get3A_546 = arith.index_cast %add3A_545 : i32 to index
        %get3A_547 = arith.constant 48 : index
        %get3A_548 = tpu.vector_load %arg9[%get3A_546, %get3A_547] {strides = array<i32>} : memref<256x128xf32, #tpu.memory_space<vmem>>, vector<1x16xf32>,
        %get3A_549 = vector.shape_cast %get3A_548 : vector<1x16xf32> to vector<16xf32>
        %add3A_550 = arith.addf %get3A_543, %get3A_549 : vector<16xf32>
        %get3A_551 = arith.index_cast %scan3A_478 : i32 to index
        %get3A_552 = arith.constant 48 : index
        %get3A_553 = tpu.vector_load %arg11[%get3A_551, %get3A_552] {strides = array<i32>} : memref<128x128xf32, #tpu.memory_space<vmem>>, vector<1x16xf32>,
        %get3A_554 = vector.shape_cast %get3A_553 : vector<1x16xf32> to vector<16xf32>
        %add3A_555 = arith.addf %get3A_554, %add3A_550 : vector<16xf32>
        %swap3A_556 = arith.index_cast %scan3A_478 : i32 to index
        %swap3A_557 = arith.constant 48 : index
        %swap3A_558 = tpu.vector_load %arg11[%swap3A_556, %swap3A_557] {strides = array<i32>} : memref<128x128xf32, #tpu.memory_space<vmem>>, vector<1x16xf32>,
        %swap3A_559 = vector.shape_cast %swap3A_558 : vector<1x16xf32> to vector<16xf32>
        %swap3A_560 = vector.shape_cast %add3A_555 : vector<16xf32> to vector<1x16xf32>
        tpu.vector_store %arg11[%swap3A_556, %swap3A_557], %swap3A_560 {strides = array<i32>} : memref<128x128xf32, #tpu.memory_space<vmem>>, vector<1x16xf32>,
        %get3A_561 = arith.index_cast %scan3A_478 : i32 to index
        %get3A_562 = arith.constant 64 : index
        %get3A_563 = tpu.vector_load %arg9[%get3A_561, %get3A_562] {strides = array<i32>} : memref<256x128xf32, #tpu.memory_space<vmem>>, vector<1x16xf32>,
        %get3A_564 = vector.shape_cast %get3A_563 : vector<1x16xf32> to vector<16xf32>
        %add3A_565 = arith.constant 128 : i32
        %add3A_566 = arith.addi %add3A_565, %scan3A_478 : i32
        %get3A_567 = arith.index_cast %add3A_566 : i32 to index
        %get3A_568 = arith.constant 64 : index
        %get3A_569 = tpu.vector_load %arg9[%get3A_567, %get3A_568] {strides = array<i32>} : memref<256x128xf32, #tpu.memory_space<vmem>>, vector<1x16xf32>,
        %get3A_570 = vector.shape_cast %get3A_569 : vector<1x16xf32> to vector<16xf32>
        %add3A_571 = arith.addf %get3A_564, %get3A_570 : vector<16xf32>
        %get3A_572 = arith.index_cast %scan3A_478 : i32 to index
        %get3A_573 = arith.constant 64 : index
        %get3A_574 = tpu.vector_load %arg11[%get3A_572, %get3A_573] {strides = array<i32>} : memref<128x128xf32, #tpu.memory_space<vmem>>, vector<1x16xf32>,
        %get3A_575 = vector.shape_cast %get3A_574 : vector<1x16xf32> to vector<16xf32>
        %add3A_576 = arith.addf %get3A_575, %add3A_571 : vector<16xf32>
        %swap3A_577 = arith.index_cast %scan3A_478 : i32 to index
        %swap3A_578 = arith.constant 64 : index
        %swap3A_579 = tpu.vector_load %arg11[%swap3A_577, %swap3A_578] {strides = array<i32>} : memref<128x128xf32, #tpu.memory_space<vmem>>, vector<1x16xf32>,
        %swap3A_580 = vector.shape_cast %swap3A_579 : vector<1x16xf32> to vector<16xf32>
        %swap3A_581 = vector.shape_cast %add3A_576 : vector<16xf32> to vector<1x16xf32>
        tpu.vector_store %arg11[%swap3A_577, %swap3A_578], %swap3A_581 {strides = array<i32>} : memref<128x128xf32, #tpu.memory_space<vmem>>, vector<1x16xf32>,
        %get3A_582 = arith.index_cast %scan3A_478 : i32 to index
        %get3A_583 = arith.constant 80 : index
        %get3A_584 = tpu.vector_load %arg9[%get3A_582, %get3A_583] {strides = array<i32>} : memref<256x128xf32, #tpu.memory_space<vmem>>, vector<1x16xf32>,
        %get3A_585 = vector.shape_cast %get3A_584 : vector<1x16xf32> to vector<16xf32>
        %add3A_586 = arith.constant 128 : i32
        %add3A_587 = arith.addi %add3A_586, %scan3A_478 : i32
        %get3A_588 = arith.index_cast %add3A_587 : i32 to index
        %get3A_589 = arith.constant 80 : index
        %get3A_590 = tpu.vector_load %arg9[%get3A_588, %get3A_589] {strides = array<i32>} : memref<256x128xf32, #tpu.memory_space<vmem>>, vector<1x16xf32>,
        %get3A_591 = vector.shape_cast %get3A_590 : vector<1x16xf32> to vector<16xf32>
        %add3A_592 = arith.addf %get3A_585, %get3A_591 : vector<16xf32>
        %get3A_593 = arith.index_cast %scan3A_478 : i32 to index
        %get3A_594 = arith.constant 80 : index
        %get3A_595 = tpu.vector_load %arg11[%get3A_593, %get3A_594] {strides = array<i32>} : memref<128x128xf32, #tpu.memory_space<vmem>>, vector<1x16xf32>,
        %get3A_596 = vector.shape_cast %get3A_595 : vector<1x16xf32> to vector<16xf32>
        %add3A_597 = arith.addf %get3A_596, %add3A_592 : vector<16xf32>
        %swap3A_598 = arith.index_cast %scan3A_478 : i32 to index
        %swap3A_599 = arith.constant 80 : index
        %swap3A_600 = tpu.vector_load %arg11[%swap3A_598, %swap3A_599] {strides = array<i32>} : memref<128x128xf32, #tpu.memory_space<vmem>>, vector<1x16xf32>,
        %swap3A_601 = vector.shape_cast %swap3A_600 : vector<1x16xf32> to vector<16xf32>
        %swap3A_602 = vector.shape_cast %add3A_597 : vector<16xf32> to vector<1x16xf32>
        tpu.vector_store %arg11[%swap3A_598, %swap3A_599], %swap3A_602 {strides = array<i32>} : memref<128x128xf32, #tpu.memory_space<vmem>>, vector<1x16xf32>,
        %get3A_603 = arith.index_cast %scan3A_478 : i32 to index
        %get3A_604 = arith.constant 96 : index
        %get3A_605 = tpu.vector_load %arg9[%get3A_603, %get3A_604] {strides = array<i32>} : memref<256x128xf32, #tpu.memory_space<vmem>>, vector<1x16xf32>,
        %get3A_606 = vector.shape_cast %get3A_605 : vector<1x16xf32> to vector<16xf32>
        %add3A_607 = arith.constant 128 : i32
        %add3A_608 = arith.addi %add3A_607, %scan3A_478 : i32
        %get3A_609 = arith.index_cast %add3A_608 : i32 to index
        %get3A_610 = arith.constant 96 : index
        %get3A_611 = tpu.vector_load %arg9[%get3A_609, %get3A_610] {strides = array<i32>} : memref<256x128xf32, #tpu.memory_space<vmem>>, vector<1x16xf32>,
        %get3A_612 = vector.shape_cast %get3A_611 : vector<1x16xf32> to vector<16xf32>
        %add3A_613 = arith.addf %get3A_606, %get3A_612 : vector<16xf32>
        %get3A_614 = arith.index_cast %scan3A_478 : i32 to index
        %get3A_615 = arith.constant 96 : index
        %get3A_616 = tpu.vector_load %arg11[%get3A_614, %get3A_615] {strides = array<i32>} : memref<128x128xf32, #tpu.memory_space<vmem>>, vector<1x16xf32>,
        %get3A_617 = vector.shape_cast %get3A_616 : vector<1x16xf32> to vector<16xf32>
        %add3A_618 = arith.addf %get3A_617, %add3A_613 : vector<16xf32>
        %swap3A_619 = arith.index_cast %scan3A_478 : i32 to index
        %swap3A_620 = arith.constant 96 : index
        %swap3A_621 = tpu.vector_load %arg11[%swap3A_619, %swap3A_620] {strides = array<i32>} : memref<128x128xf32, #tpu.memory_space<vmem>>, vector<1x16xf32>,
        %swap3A_622 = vector.shape_cast %swap3A_621 : vector<1x16xf32> to vector<16xf32>
        %swap3A_623 = vector.shape_cast %add3A_618 : vector<16xf32> to vector<1x16xf32>
        tpu.vector_store %arg11[%swap3A_619, %swap3A_620], %swap3A_623 {strides = array<i32>} : memref<128x128xf32, #tpu.memory_space<vmem>>, vector<1x16xf32>,
        %get3A_624 = arith.index_cast %scan3A_478 : i32 to index
        %get3A_625 = arith.constant 112 : index
        %get3A_626 = tpu.vector_load %arg9[%get3A_624, %get3A_625] {strides = array<i32>} : memref<256x128xf32, #tpu.memory_space<vmem>>, vector<1x16xf32>,
        %get3A_627 = vector.shape_cast %get3A_626 : vector<1x16xf32> to vector<16xf32>
        %add3A_628 = arith.constant 128 : i32
        %add3A_629 = arith.addi %add3A_628, %scan3A_478 : i32
        %get3A_630 = arith.index_cast %add3A_629 : i32 to index
        %get3A_631 = arith.constant 112 : index
        %get3A_632 = tpu.vector_load %arg9[%get3A_630, %get3A_631] {strides = array<i32>} : memref<256x128xf32, #tpu.memory_space<vmem>>, vector<1x16xf32>,
        %get3A_633 = vector.shape_cast %get3A_632 : vector<1x16xf32> to vector<16xf32>
        %add3A_634 = arith.addf %get3A_627, %get3A_633 : vector<16xf32>
        %get3A_635 = arith.index_cast %scan3A_478 : i32 to index
        %get3A_636 = arith.constant 112 : index
        %get3A_637 = tpu.vector_load %arg11[%get3A_635, %get3A_636] {strides = array<i32>} : memref<128x128xf32, #tpu.memory_space<vmem>>, vector<1x16xf32>,
        %get3A_638 = vector.shape_cast %get3A_637 : vector<1x16xf32> to vector<16xf32>
        %add3A_639 = arith.addf %get3A_638, %add3A_634 : vector<16xf32>
        %swap3A_640 = arith.index_cast %scan3A_478 : i32 to index
        %swap3A_641 = arith.constant 112 : index
        %swap3A_642 = tpu.vector_load %arg11[%swap3A_640, %swap3A_641] {strides = array<i32>} : memref<128x128xf32, #tpu.memory_space<vmem>>, vector<1x16xf32>,
        %swap3A_643 = vector.shape_cast %swap3A_642 : vector<1x16xf32> to vector<16xf32>
        %swap3A_644 = vector.shape_cast %add3A_639 : vector<16xf32> to vector<1x16xf32>
        tpu.vector_store %arg11[%swap3A_640, %swap3A_641], %swap3A_644 {strides = array<i32>} : memref<128x128xf32, #tpu.memory_space<vmem>>, vector<1x16xf32>,
      }
      %scan3A_348 = arith.constant 128 : i32
      %mul3A_349 = arith.constant 128 : i32
      %mul3A_350 = arith.muli %add3A_236, %mul3A_349 : i32
      %dma_start3A_351 = arith.constant 0 : i32
      %dma_start3A_352 = tpu.memref_slice %arg6[%mul3A_350, %dma_start3A_351] : memref<61440x128xf32, #tpu.memory_space<hbm>> -> memref<128x128xf32, #tpu.memory_space<hbm>>
      %dma_start3A_353 = arith.constant 0 : i32
      %dma_start3A_354 = tpu.memref_slice %arg6[%mul3A_350, %dma_start3A_353] : memref<61440x128xf32, #tpu.memory_space<hbm>> -> memref<128x128xf32, #tpu.memory_space<hbm>>
      tpu.enqueue_dma source(%arg11 : memref<128x128xf32, #tpu.memory_space<vmem>>) target(%dma_start3A_354 : memref<128x128xf32, #tpu.memory_space<hbm>>) target_semaphore(%arg15 : memref<!tpu.dma_semaphore, #tpu.memory_space<semaphore_mem>>)
      %dma_wait3A_355 = arith.constant 0 : i32
      %dma_wait3A_356 = arith.constant 0 : i32
      %dma_wait3A_357 = tpu.memref_slice %arg4[%dma_wait3A_355, %dma_wait3A_356] : memref<100000x128xf32, #tpu.memory_space<hbm>> -> memref<256x128xf32, #tpu.memory_space<hbm>>
      %dma_wait3A_358 = arith.constant 0 : i32
      %dma_wait3A_359 = arith.constant 0 : i32
      %dma_wait3A_360 = tpu.memref_slice %arg4[%dma_wait3A_358, %dma_wait3A_359] : memref<100000x128xf32, #tpu.memory_space<hbm>> -> memref<256x128xf32, #tpu.memory_space<hbm>>
      tpu.wait_dma2 semaphore(%arg14 : memref<!tpu.dma_semaphore, #tpu.memory_space<semaphore_mem>>) src(%dma_wait3A_360 : memref<256x128xf32, #tpu.memory_space<hbm>>) dst(%arg10 : memref<256x128xf32, #tpu.memory_space<vmem>>)
      %add3A_361 = arith.constant 5 : i32
      %add3A_362 = arith.addi %mul3A_231, %add3A_361 : i32
      %add3A_363 = arith.constant 1 : i32
      %add3A_364 = arith.addi %add3A_362, %add3A_363 : i32
      %mul3A_365 = arith.constant 256 : i32
      %mul3A_366 = arith.muli %add3A_364, %mul3A_365 : i32
      %dma_start3A_367 = tpu.memref_slice %arg7[%mul3A_366] : memref<19200xi32, #tpu.memory_space<vmem>> -> memref<256xi32, #tpu.memory_space<vmem>>
      %dma_start3A_368 = arith.constant 0 : i32
      %dma_start3A_369 = arith.constant 0 : i32
      %dma_start3A_370 = tpu.memref_slice %arg4[%dma_start3A_368, %dma_start3A_369] : memref<100000x128xf32, #tpu.memory_space<hbm>> -> memref<100000x128xf32, #tpu.memory_space<hbm>>
      tpu.enqueue_indirect_dma source(%dma_start3A_370 : memref<100000x128xf32, #tpu.memory_space<hbm>>) target(%arg9 : memref<256x128xf32, #tpu.memory_space<vmem>>) offsets(%dma_start3A_367 : memref<256xi32, #tpu.memory_space<vmem>>) semaphore(%arg13 : memref<!tpu.dma_semaphore, #tpu.memory_space<semaphore_mem>>)
      %gt3A_371 = arith.constant 0 : i32
      %gt3A_372 = arith.cmpi sgt, %scan3A_227, %gt3A_371 : i32
      %convert_element_type3A_373 = arith.extui %gt3A_372 : i1 to i32
      %cond3A_374 = arith.constant 0 : i32
      %cond3A_375 = arith.cmpi ne, %convert_element_type3A_373, %cond3A_374 : i32
      scf.if %cond3A_375 {
        %dma_wait3A_478 = arith.constant 0 : i32
        %dma_wait3A_479 = arith.constant 0 : i32
        %dma_wait3A_480 = tpu.memref_slice %arg4[%dma_wait3A_478, %dma_wait3A_479] : memref<100000x128xf32, #tpu.memory_space<hbm>> -> memref<128x128xf32, #tpu.memory_space<hbm>>
        %dma_wait3A_481 = arith.constant 0 : i32
        %dma_wait3A_482 = arith.constant 0 : i32
        %dma_wait3A_483 = tpu.memref_slice %arg4[%dma_wait3A_481, %dma_wait3A_482] : memref<100000x128xf32, #tpu.memory_space<hbm>> -> memref<128x128xf32, #tpu.memory_space<hbm>>
        tpu.wait_dma2 semaphore(%arg16 : memref<!tpu.dma_semaphore, #tpu.memory_space<semaphore_mem>>) src(%dma_wait3A_483 : memref<128x128xf32, #tpu.memory_space<hbm>>) dst(%arg12 : memref<128x128xf32, #tpu.memory_space<vmem>>)
      } else {
      }
      %scan3A_376 = arith.constant 0 : i32
      %scan3A_377 = arith.constant 0 : i32
      %scan3A_378 = arith.constant 128 : i32
      %scan3A_379 = arith.addi %scan3A_377, %scan3A_378 : i32
      %scan3A_380 = arith.constant 1 : i32
      scf.for %scan3A_478 = %scan3A_377 to %scan3A_379 step %scan3A_380  : i32 {
        %get3A = arith.index_cast %scan3A_478 : i32 to index
        %get3A_479 = arith.constant 0 : index
        %get3A_480 = tpu.vector_load %arg10[%get3A, %get3A_479] {strides = array<i32>} : memref<256x128xf32, #tpu.memory_space<vmem>>, vector<1x16xf32>,
        %get3A_481 = vector.shape_cast %get3A_480 : vector<1x16xf32> to vector<16xf32>
        %add3A_482 = arith.constant 128 : i32
        %add3A_483 = arith.addi %add3A_482, %scan3A_478 : i32
        %get3A_484 = arith.index_cast %add3A_483 : i32 to index
        %get3A_485 = arith.constant 0 : index
        %get3A_486 = tpu.vector_load %arg10[%get3A_484, %get3A_485] {strides = array<i32>} : memref<256x128xf32, #tpu.memory_space<vmem>>, vector<1x16xf32>,
        %get3A_487 = vector.shape_cast %get3A_486 : vector<1x16xf32> to vector<16xf32>
        %add3A_488 = arith.addf %get3A_481, %get3A_487 : vector<16xf32>
        %swap3A = arith.index_cast %scan3A_478 : i32 to index
        %swap3A_489 = arith.constant 0 : index
        %swap3A_490 = tpu.vector_load %arg12[%swap3A, %swap3A_489] {strides = array<i32>} : memref<128x128xf32, #tpu.memory_space<vmem>>, vector<1x16xf32>,
        %swap3A_491 = vector.shape_cast %swap3A_490 : vector<1x16xf32> to vector<16xf32>
        %swap3A_492 = vector.shape_cast %add3A_488 : vector<16xf32> to vector<1x16xf32>
        tpu.vector_store %arg12[%swap3A, %swap3A_489], %swap3A_492 {strides = array<i32>} : memref<128x128xf32, #tpu.memory_space<vmem>>, vector<1x16xf32>,
        %get3A_493 = arith.index_cast %scan3A_478 : i32 to index
        %get3A_494 = arith.constant 16 : index
        %get3A_495 = tpu.vector_load %arg10[%get3A_493, %get3A_494] {strides = array<i32>} : memref<256x128xf32, #tpu.memory_space<vmem>>, vector<1x16xf32>,
        %get3A_496 = vector.shape_cast %get3A_495 : vector<1x16xf32> to vector<16xf32>
        %add3A_497 = arith.constant 128 : i32
        %add3A_498 = arith.addi %add3A_497, %scan3A_478 : i32
        %get3A_499 = arith.index_cast %add3A_498 : i32 to index
        %get3A_500 = arith.constant 16 : index
        %get3A_501 = tpu.vector_load %arg10[%get3A_499, %get3A_500] {strides = array<i32>} : memref<256x128xf32, #tpu.memory_space<vmem>>, vector<1x16xf32>,
        %get3A_502 = vector.shape_cast %get3A_501 : vector<1x16xf32> to vector<16xf32>
        %add3A_503 = arith.addf %get3A_496, %get3A_502 : vector<16xf32>
        %swap3A_504 = arith.index_cast %scan3A_478 : i32 to index
        %swap3A_505 = arith.constant 16 : index
        %swap3A_506 = tpu.vector_load %arg12[%swap3A_504, %swap3A_505] {strides = array<i32>} : memref<128x128xf32, #tpu.memory_space<vmem>>, vector<1x16xf32>,
        %swap3A_507 = vector.shape_cast %swap3A_506 : vector<1x16xf32> to vector<16xf32>
        %swap3A_508 = vector.shape_cast %add3A_503 : vector<16xf32> to vector<1x16xf32>
        tpu.vector_store %arg12[%swap3A_504, %swap3A_505], %swap3A_508 {strides = array<i32>} : memref<128x128xf32, #tpu.memory_space<vmem>>, vector<1x16xf32>,
        %get3A_509 = arith.index_cast %scan3A_478 : i32 to index
        %get3A_510 = arith.constant 32 : index
        %get3A_511 = tpu.vector_load %arg10[%get3A_509, %get3A_510] {strides = array<i32>} : memref<256x128xf32, #tpu.memory_space<vmem>>, vector<1x16xf32>,
        %get3A_512 = vector.shape_cast %get3A_511 : vector<1x16xf32> to vector<16xf32>
        %add3A_513 = arith.constant 128 : i32
        %add3A_514 = arith.addi %add3A_513, %scan3A_478 : i32
        %get3A_515 = arith.index_cast %add3A_514 : i32 to index
        %get3A_516 = arith.constant 32 : index
        %get3A_517 = tpu.vector_load %arg10[%get3A_515, %get3A_516] {strides = array<i32>} : memref<256x128xf32, #tpu.memory_space<vmem>>, vector<1x16xf32>,
        %get3A_518 = vector.shape_cast %get3A_517 : vector<1x16xf32> to vector<16xf32>
        %add3A_519 = arith.addf %get3A_512, %get3A_518 : vector<16xf32>
        %swap3A_520 = arith.index_cast %scan3A_478 : i32 to index
        %swap3A_521 = arith.constant 32 : index
        %swap3A_522 = tpu.vector_load %arg12[%swap3A_520, %swap3A_521] {strides = array<i32>} : memref<128x128xf32, #tpu.memory_space<vmem>>, vector<1x16xf32>,
        %swap3A_523 = vector.shape_cast %swap3A_522 : vector<1x16xf32> to vector<16xf32>
        %swap3A_524 = vector.shape_cast %add3A_519 : vector<16xf32> to vector<1x16xf32>
        tpu.vector_store %arg12[%swap3A_520, %swap3A_521], %swap3A_524 {strides = array<i32>} : memref<128x128xf32, #tpu.memory_space<vmem>>, vector<1x16xf32>,
        %get3A_525 = arith.index_cast %scan3A_478 : i32 to index
        %get3A_526 = arith.constant 48 : index
        %get3A_527 = tpu.vector_load %arg10[%get3A_525, %get3A_526] {strides = array<i32>} : memref<256x128xf32, #tpu.memory_space<vmem>>, vector<1x16xf32>,
        %get3A_528 = vector.shape_cast %get3A_527 : vector<1x16xf32> to vector<16xf32>
        %add3A_529 = arith.constant 128 : i32
        %add3A_530 = arith.addi %add3A_529, %scan3A_478 : i32
        %get3A_531 = arith.index_cast %add3A_530 : i32 to index
        %get3A_532 = arith.constant 48 : index
        %get3A_533 = tpu.vector_load %arg10[%get3A_531, %get3A_532] {strides = array<i32>} : memref<256x128xf32, #tpu.memory_space<vmem>>, vector<1x16xf32>,
        %get3A_534 = vector.shape_cast %get3A_533 : vector<1x16xf32> to vector<16xf32>
        %add3A_535 = arith.addf %get3A_528, %get3A_534 : vector<16xf32>
        %swap3A_536 = arith.index_cast %scan3A_478 : i32 to index
        %swap3A_537 = arith.constant 48 : index
        %swap3A_538 = tpu.vector_load %arg12[%swap3A_536, %swap3A_537] {strides = array<i32>} : memref<128x128xf32, #tpu.memory_space<vmem>>, vector<1x16xf32>,
        %swap3A_539 = vector.shape_cast %swap3A_538 : vector<1x16xf32> to vector<16xf32>
        %swap3A_540 = vector.shape_cast %add3A_535 : vector<16xf32> to vector<1x16xf32>
        tpu.vector_store %arg12[%swap3A_536, %swap3A_537], %swap3A_540 {strides = array<i32>} : memref<128x128xf32, #tpu.memory_space<vmem>>, vector<1x16xf32>,
        %get3A_541 = arith.index_cast %scan3A_478 : i32 to index
        %get3A_542 = arith.constant 64 : index
        %get3A_543 = tpu.vector_load %arg10[%get3A_541, %get3A_542] {strides = array<i32>} : memref<256x128xf32, #tpu.memory_space<vmem>>, vector<1x16xf32>,
        %get3A_544 = vector.shape_cast %get3A_543 : vector<1x16xf32> to vector<16xf32>
        %add3A_545 = arith.constant 128 : i32
        %add3A_546 = arith.addi %add3A_545, %scan3A_478 : i32
        %get3A_547 = arith.index_cast %add3A_546 : i32 to index
        %get3A_548 = arith.constant 64 : index
        %get3A_549 = tpu.vector_load %arg10[%get3A_547, %get3A_548] {strides = array<i32>} : memref<256x128xf32, #tpu.memory_space<vmem>>, vector<1x16xf32>,
        %get3A_550 = vector.shape_cast %get3A_549 : vector<1x16xf32> to vector<16xf32>
        %add3A_551 = arith.addf %get3A_544, %get3A_550 : vector<16xf32>
        %swap3A_552 = arith.index_cast %scan3A_478 : i32 to index
        %swap3A_553 = arith.constant 64 : index
        %swap3A_554 = tpu.vector_load %arg12[%swap3A_552, %swap3A_553] {strides = array<i32>} : memref<128x128xf32, #tpu.memory_space<vmem>>, vector<1x16xf32>,
        %swap3A_555 = vector.shape_cast %swap3A_554 : vector<1x16xf32> to vector<16xf32>
        %swap3A_556 = vector.shape_cast %add3A_551 : vector<16xf32> to vector<1x16xf32>
        tpu.vector_store %arg12[%swap3A_552, %swap3A_553], %swap3A_556 {strides = array<i32>} : memref<128x128xf32, #tpu.memory_space<vmem>>, vector<1x16xf32>,
        %get3A_557 = arith.index_cast %scan3A_478 : i32 to index
        %get3A_558 = arith.constant 80 : index
        %get3A_559 = tpu.vector_load %arg10[%get3A_557, %get3A_558] {strides = array<i32>} : memref<256x128xf32, #tpu.memory_space<vmem>>, vector<1x16xf32>,
        %get3A_560 = vector.shape_cast %get3A_559 : vector<1x16xf32> to vector<16xf32>
        %add3A_561 = arith.constant 128 : i32
        %add3A_562 = arith.addi %add3A_561, %scan3A_478 : i32
        %get3A_563 = arith.index_cast %add3A_562 : i32 to index
        %get3A_564 = arith.constant 80 : index
        %get3A_565 = tpu.vector_load %arg10[%get3A_563, %get3A_564] {strides = array<i32>} : memref<256x128xf32, #tpu.memory_space<vmem>>, vector<1x16xf32>,
        %get3A_566 = vector.shape_cast %get3A_565 : vector<1x16xf32> to vector<16xf32>
        %add3A_567 = arith.addf %get3A_560, %get3A_566 : vector<16xf32>
        %swap3A_568 = arith.index_cast %scan3A_478 : i32 to index
        %swap3A_569 = arith.constant 80 : index
        %swap3A_570 = tpu.vector_load %arg12[%swap3A_568, %swap3A_569] {strides = array<i32>} : memref<128x128xf32, #tpu.memory_space<vmem>>, vector<1x16xf32>,
        %swap3A_571 = vector.shape_cast %swap3A_570 : vector<1x16xf32> to vector<16xf32>
        %swap3A_572 = vector.shape_cast %add3A_567 : vector<16xf32> to vector<1x16xf32>
        tpu.vector_store %arg12[%swap3A_568, %swap3A_569], %swap3A_572 {strides = array<i32>} : memref<128x128xf32, #tpu.memory_space<vmem>>, vector<1x16xf32>,
        %get3A_573 = arith.index_cast %scan3A_478 : i32 to index
        %get3A_574 = arith.constant 96 : index
        %get3A_575 = tpu.vector_load %arg10[%get3A_573, %get3A_574] {strides = array<i32>} : memref<256x128xf32, #tpu.memory_space<vmem>>, vector<1x16xf32>,
        %get3A_576 = vector.shape_cast %get3A_575 : vector<1x16xf32> to vector<16xf32>
        %add3A_577 = arith.constant 128 : i32
        %add3A_578 = arith.addi %add3A_577, %scan3A_478 : i32
        %get3A_579 = arith.index_cast %add3A_578 : i32 to index
        %get3A_580 = arith.constant 96 : index
        %get3A_581 = tpu.vector_load %arg10[%get3A_579, %get3A_580] {strides = array<i32>} : memref<256x128xf32, #tpu.memory_space<vmem>>, vector<1x16xf32>,
        %get3A_582 = vector.shape_cast %get3A_581 : vector<1x16xf32> to vector<16xf32>
        %add3A_583 = arith.addf %get3A_576, %get3A_582 : vector<16xf32>
        %swap3A_584 = arith.index_cast %scan3A_478 : i32 to index
        %swap3A_585 = arith.constant 96 : index
        %swap3A_586 = tpu.vector_load %arg12[%swap3A_584, %swap3A_585] {strides = array<i32>} : memref<128x128xf32, #tpu.memory_space<vmem>>, vector<1x16xf32>,
        %swap3A_587 = vector.shape_cast %swap3A_586 : vector<1x16xf32> to vector<16xf32>
        %swap3A_588 = vector.shape_cast %add3A_583 : vector<16xf32> to vector<1x16xf32>
        tpu.vector_store %arg12[%swap3A_584, %swap3A_585], %swap3A_588 {strides = array<i32>} : memref<128x128xf32, #tpu.memory_space<vmem>>, vector<1x16xf32>,
        %get3A_589 = arith.index_cast %scan3A_478 : i32 to index
        %get3A_590 = arith.constant 112 : index
        %get3A_591 = tpu.vector_load %arg10[%get3A_589, %get3A_590] {strides = array<i32>} : memref<256x128xf32, #tpu.memory_space<vmem>>, vector<1x16xf32>,
        %get3A_592 = vector.shape_cast %get3A_591 : vector<1x16xf32> to vector<16xf32>
        %add3A_593 = arith.constant 128 : i32
        %add3A_594 = arith.addi %add3A_593, %scan3A_478 : i32
        %get3A_595 = arith.index_cast %add3A_594 : i32 to index
        %get3A_596 = arith.constant 112 : index
        %get3A_597 = tpu.vector_load %arg10[%get3A_595, %get3A_596] {strides = array<i32>} : memref<256x128xf32, #tpu.memory_space<vmem>>, vector<1x16xf32>,
        %get3A_598 = vector.shape_cast %get3A_597 : vector<1x16xf32> to vector<16xf32>
        %add3A_599 = arith.addf %get3A_592, %get3A_598 : vector<16xf32>
        %swap3A_600 = arith.index_cast %scan3A_478 : i32 to index
        %swap3A_601 = arith.constant 112 : index
        %swap3A_602 = tpu.vector_load %arg12[%swap3A_600, %swap3A_601] {strides = array<i32>} : memref<128x128xf32, #tpu.memory_space<vmem>>, vector<1x16xf32>,
        %swap3A_603 = vector.shape_cast %swap3A_602 : vector<1x16xf32> to vector<16xf32>
        %swap3A_604 = vector.shape_cast %add3A_599 : vector<16xf32> to vector<1x16xf32>
        tpu.vector_store %arg12[%swap3A_600, %swap3A_601], %swap3A_604 {strides = array<i32>} : memref<128x128xf32, #tpu.memory_space<vmem>>, vector<1x16xf32>,
      }
      %scan3A_381 = arith.constant 128 : i32
      %dma_wait3A_382 = arith.constant 0 : i32
      %dma_wait3A_383 = arith.constant 0 : i32
      %dma_wait3A_384 = tpu.memref_slice %arg4[%dma_wait3A_382, %dma_wait3A_383] : memref<100000x128xf32, #tpu.memory_space<hbm>> -> memref<256x128xf32, #tpu.memory_space<hbm>>
      %dma_wait3A_385 = arith.constant 0 : i32
      %dma_wait3A_386 = arith.constant 0 : i32
      %dma_wait3A_387 = tpu.memref_slice %arg4[%dma_wait3A_385, %dma_wait3A_386] : memref<100000x128xf32, #tpu.memory_space<hbm>> -> memref<256x128xf32, #tpu.memory_space<hbm>>
      tpu.wait_dma2 semaphore(%arg13 : memref<!tpu.dma_semaphore, #tpu.memory_space<semaphore_mem>>) src(%dma_wait3A_387 : memref<256x128xf32, #tpu.memory_space<hbm>>) dst(%arg9 : memref<256x128xf32, #tpu.memory_space<vmem>>)
      %add3A_388 = arith.constant 6 : i32
      %add3A_389 = arith.addi %mul3A_231, %add3A_388 : i32
      %add3A_390 = arith.constant 1 : i32
      %add3A_391 = arith.addi %add3A_389, %add3A_390 : i32
      %mul3A_392 = arith.constant 256 : i32
      %mul3A_393 = arith.muli %add3A_391, %mul3A_392 : i32
      %dma_start3A_394 = tpu.memref_slice %arg7[%mul3A_393] : memref<19200xi32, #tpu.memory_space<vmem>> -> memref<256xi32, #tpu.memory_space<vmem>>
      %dma_start3A_395 = arith.constant 0 : i32
      %dma_start3A_396 = arith.constant 0 : i32
      %dma_start3A_397 = tpu.memref_slice %arg4[%dma_start3A_395, %dma_start3A_396] : memref<100000x128xf32, #tpu.memory_space<hbm>> -> memref<100000x128xf32, #tpu.memory_space<hbm>>
      tpu.enqueue_indirect_dma source(%dma_start3A_397 : memref<100000x128xf32, #tpu.memory_space<hbm>>) target(%arg10 : memref<256x128xf32, #tpu.memory_space<vmem>>) offsets(%dma_start3A_394 : memref<256xi32, #tpu.memory_space<vmem>>) semaphore(%arg14 : memref<!tpu.dma_semaphore, #tpu.memory_space<semaphore_mem>>)
      %scan3A_398 = arith.constant 0 : i32
      %scan3A_399 = arith.constant 0 : i32
      %scan3A_400 = arith.constant 128 : i32
      %scan3A_401 = arith.addi %scan3A_399, %scan3A_400 : i32
      %scan3A_402 = arith.constant 1 : i32
      scf.for %scan3A_478 = %scan3A_399 to %scan3A_401 step %scan3A_402  : i32 {
        %get3A = arith.index_cast %scan3A_478 : i32 to index
        %get3A_479 = arith.constant 0 : index
        %get3A_480 = tpu.vector_load %arg9[%get3A, %get3A_479] {strides = array<i32>} : memref<256x128xf32, #tpu.memory_space<vmem>>, vector<1x16xf32>,
        %get3A_481 = vector.shape_cast %get3A_480 : vector<1x16xf32> to vector<16xf32>
        %add3A_482 = arith.constant 128 : i32
        %add3A_483 = arith.addi %add3A_482, %scan3A_478 : i32
        %get3A_484 = arith.index_cast %add3A_483 : i32 to index
        %get3A_485 = arith.constant 0 : index
        %get3A_486 = tpu.vector_load %arg9[%get3A_484, %get3A_485] {strides = array<i32>} : memref<256x128xf32, #tpu.memory_space<vmem>>, vector<1x16xf32>,
        %get3A_487 = vector.shape_cast %get3A_486 : vector<1x16xf32> to vector<16xf32>
        %add3A_488 = arith.addf %get3A_481, %get3A_487 : vector<16xf32>
        %get3A_489 = arith.index_cast %scan3A_478 : i32 to index
        %get3A_490 = arith.constant 0 : index
        %get3A_491 = tpu.vector_load %arg12[%get3A_489, %get3A_490] {strides = array<i32>} : memref<128x128xf32, #tpu.memory_space<vmem>>, vector<1x16xf32>,
        %get3A_492 = vector.shape_cast %get3A_491 : vector<1x16xf32> to vector<16xf32>
        %add3A_493 = arith.addf %get3A_492, %add3A_488 : vector<16xf32>
        %swap3A = arith.index_cast %scan3A_478 : i32 to index
        %swap3A_494 = arith.constant 0 : index
        %swap3A_495 = tpu.vector_load %arg12[%swap3A, %swap3A_494] {strides = array<i32>} : memref<128x128xf32, #tpu.memory_space<vmem>>, vector<1x16xf32>,
        %swap3A_496 = vector.shape_cast %swap3A_495 : vector<1x16xf32> to vector<16xf32>
        %swap3A_497 = vector.shape_cast %add3A_493 : vector<16xf32> to vector<1x16xf32>
        tpu.vector_store %arg12[%swap3A, %swap3A_494], %swap3A_497 {strides = array<i32>} : memref<128x128xf32, #tpu.memory_space<vmem>>, vector<1x16xf32>,
        %get3A_498 = arith.index_cast %scan3A_478 : i32 to index
        %get3A_499 = arith.constant 16 : index
        %get3A_500 = tpu.vector_load %arg9[%get3A_498, %get3A_499] {strides = array<i32>} : memref<256x128xf32, #tpu.memory_space<vmem>>, vector<1x16xf32>,
        %get3A_501 = vector.shape_cast %get3A_500 : vector<1x16xf32> to vector<16xf32>
        %add3A_502 = arith.constant 128 : i32
        %add3A_503 = arith.addi %add3A_502, %scan3A_478 : i32
        %get3A_504 = arith.index_cast %add3A_503 : i32 to index
        %get3A_505 = arith.constant 16 : index
        %get3A_506 = tpu.vector_load %arg9[%get3A_504, %get3A_505] {strides = array<i32>} : memref<256x128xf32, #tpu.memory_space<vmem>>, vector<1x16xf32>,
        %get3A_507 = vector.shape_cast %get3A_506 : vector<1x16xf32> to vector<16xf32>
        %add3A_508 = arith.addf %get3A_501, %get3A_507 : vector<16xf32>
        %get3A_509 = arith.index_cast %scan3A_478 : i32 to index
        %get3A_510 = arith.constant 16 : index
        %get3A_511 = tpu.vector_load %arg12[%get3A_509, %get3A_510] {strides = array<i32>} : memref<128x128xf32, #tpu.memory_space<vmem>>, vector<1x16xf32>,
        %get3A_512 = vector.shape_cast %get3A_511 : vector<1x16xf32> to vector<16xf32>
        %add3A_513 = arith.addf %get3A_512, %add3A_508 : vector<16xf32>
        %swap3A_514 = arith.index_cast %scan3A_478 : i32 to index
        %swap3A_515 = arith.constant 16 : index
        %swap3A_516 = tpu.vector_load %arg12[%swap3A_514, %swap3A_515] {strides = array<i32>} : memref<128x128xf32, #tpu.memory_space<vmem>>, vector<1x16xf32>,
        %swap3A_517 = vector.shape_cast %swap3A_516 : vector<1x16xf32> to vector<16xf32>
        %swap3A_518 = vector.shape_cast %add3A_513 : vector<16xf32> to vector<1x16xf32>
        tpu.vector_store %arg12[%swap3A_514, %swap3A_515], %swap3A_518 {strides = array<i32>} : memref<128x128xf32, #tpu.memory_space<vmem>>, vector<1x16xf32>,
        %get3A_519 = arith.index_cast %scan3A_478 : i32 to index
        %get3A_520 = arith.constant 32 : index
        %get3A_521 = tpu.vector_load %arg9[%get3A_519, %get3A_520] {strides = array<i32>} : memref<256x128xf32, #tpu.memory_space<vmem>>, vector<1x16xf32>,
        %get3A_522 = vector.shape_cast %get3A_521 : vector<1x16xf32> to vector<16xf32>
        %add3A_523 = arith.constant 128 : i32
        %add3A_524 = arith.addi %add3A_523, %scan3A_478 : i32
        %get3A_525 = arith.index_cast %add3A_524 : i32 to index
        %get3A_526 = arith.constant 32 : index
        %get3A_527 = tpu.vector_load %arg9[%get3A_525, %get3A_526] {strides = array<i32>} : memref<256x128xf32, #tpu.memory_space<vmem>>, vector<1x16xf32>,
        %get3A_528 = vector.shape_cast %get3A_527 : vector<1x16xf32> to vector<16xf32>
        %add3A_529 = arith.addf %get3A_522, %get3A_528 : vector<16xf32>
        %get3A_530 = arith.index_cast %scan3A_478 : i32 to index
        %get3A_531 = arith.constant 32 : index
        %get3A_532 = tpu.vector_load %arg12[%get3A_530, %get3A_531] {strides = array<i32>} : memref<128x128xf32, #tpu.memory_space<vmem>>, vector<1x16xf32>,
        %get3A_533 = vector.shape_cast %get3A_532 : vector<1x16xf32> to vector<16xf32>
        %add3A_534 = arith.addf %get3A_533, %add3A_529 : vector<16xf32>
        %swap3A_535 = arith.index_cast %scan3A_478 : i32 to index
        %swap3A_536 = arith.constant 32 : index
        %swap3A_537 = tpu.vector_load %arg12[%swap3A_535, %swap3A_536] {strides = array<i32>} : memref<128x128xf32, #tpu.memory_space<vmem>>, vector<1x16xf32>,
        %swap3A_538 = vector.shape_cast %swap3A_537 : vector<1x16xf32> to vector<16xf32>
        %swap3A_539 = vector.shape_cast %add3A_534 : vector<16xf32> to vector<1x16xf32>
        tpu.vector_store %arg12[%swap3A_535, %swap3A_536], %swap3A_539 {strides = array<i32>} : memref<128x128xf32, #tpu.memory_space<vmem>>, vector<1x16xf32>,
        %get3A_540 = arith.index_cast %scan3A_478 : i32 to index
        %get3A_541 = arith.constant 48 : index
        %get3A_542 = tpu.vector_load %arg9[%get3A_540, %get3A_541] {strides = array<i32>} : memref<256x128xf32, #tpu.memory_space<vmem>>, vector<1x16xf32>,
        %get3A_543 = vector.shape_cast %get3A_542 : vector<1x16xf32> to vector<16xf32>
        %add3A_544 = arith.constant 128 : i32
        %add3A_545 = arith.addi %add3A_544, %scan3A_478 : i32
        %get3A_546 = arith.index_cast %add3A_545 : i32 to index
        %get3A_547 = arith.constant 48 : index
        %get3A_548 = tpu.vector_load %arg9[%get3A_546, %get3A_547] {strides = array<i32>} : memref<256x128xf32, #tpu.memory_space<vmem>>, vector<1x16xf32>,
        %get3A_549 = vector.shape_cast %get3A_548 : vector<1x16xf32> to vector<16xf32>
        %add3A_550 = arith.addf %get3A_543, %get3A_549 : vector<16xf32>
        %get3A_551 = arith.index_cast %scan3A_478 : i32 to index
        %get3A_552 = arith.constant 48 : index
        %get3A_553 = tpu.vector_load %arg12[%get3A_551, %get3A_552] {strides = array<i32>} : memref<128x128xf32, #tpu.memory_space<vmem>>, vector<1x16xf32>,
        %get3A_554 = vector.shape_cast %get3A_553 : vector<1x16xf32> to vector<16xf32>
        %add3A_555 = arith.addf %get3A_554, %add3A_550 : vector<16xf32>
        %swap3A_556 = arith.index_cast %scan3A_478 : i32 to index
        %swap3A_557 = arith.constant 48 : index
        %swap3A_558 = tpu.vector_load %arg12[%swap3A_556, %swap3A_557] {strides = array<i32>} : memref<128x128xf32, #tpu.memory_space<vmem>>, vector<1x16xf32>,
        %swap3A_559 = vector.shape_cast %swap3A_558 : vector<1x16xf32> to vector<16xf32>
        %swap3A_560 = vector.shape_cast %add3A_555 : vector<16xf32> to vector<1x16xf32>
        tpu.vector_store %arg12[%swap3A_556, %swap3A_557], %swap3A_560 {strides = array<i32>} : memref<128x128xf32, #tpu.memory_space<vmem>>, vector<1x16xf32>,
        %get3A_561 = arith.index_cast %scan3A_478 : i32 to index
        %get3A_562 = arith.constant 64 : index
        %get3A_563 = tpu.vector_load %arg9[%get3A_561, %get3A_562] {strides = array<i32>} : memref<256x128xf32, #tpu.memory_space<vmem>>, vector<1x16xf32>,
        %get3A_564 = vector.shape_cast %get3A_563 : vector<1x16xf32> to vector<16xf32>
        %add3A_565 = arith.constant 128 : i32
        %add3A_566 = arith.addi %add3A_565, %scan3A_478 : i32
        %get3A_567 = arith.index_cast %add3A_566 : i32 to index
        %get3A_568 = arith.constant 64 : index
        %get3A_569 = tpu.vector_load %arg9[%get3A_567, %get3A_568] {strides = array<i32>} : memref<256x128xf32, #tpu.memory_space<vmem>>, vector<1x16xf32>,
        %get3A_570 = vector.shape_cast %get3A_569 : vector<1x16xf32> to vector<16xf32>
        %add3A_571 = arith.addf %get3A_564, %get3A_570 : vector<16xf32>
        %get3A_572 = arith.index_cast %scan3A_478 : i32 to index
        %get3A_573 = arith.constant 64 : index
        %get3A_574 = tpu.vector_load %arg12[%get3A_572, %get3A_573] {strides = array<i32>} : memref<128x128xf32, #tpu.memory_space<vmem>>, vector<1x16xf32>,
        %get3A_575 = vector.shape_cast %get3A_574 : vector<1x16xf32> to vector<16xf32>
        %add3A_576 = arith.addf %get3A_575, %add3A_571 : vector<16xf32>
        %swap3A_577 = arith.index_cast %scan3A_478 : i32 to index
        %swap3A_578 = arith.constant 64 : index
        %swap3A_579 = tpu.vector_load %arg12[%swap3A_577, %swap3A_578] {strides = array<i32>} : memref<128x128xf32, #tpu.memory_space<vmem>>, vector<1x16xf32>,
        %swap3A_580 = vector.shape_cast %swap3A_579 : vector<1x16xf32> to vector<16xf32>
        %swap3A_581 = vector.shape_cast %add3A_576 : vector<16xf32> to vector<1x16xf32>
        tpu.vector_store %arg12[%swap3A_577, %swap3A_578], %swap3A_581 {strides = array<i32>} : memref<128x128xf32, #tpu.memory_space<vmem>>, vector<1x16xf32>,
        %get3A_582 = arith.index_cast %scan3A_478 : i32 to index
        %get3A_583 = arith.constant 80 : index
        %get3A_584 = tpu.vector_load %arg9[%get3A_582, %get3A_583] {strides = array<i32>} : memref<256x128xf32, #tpu.memory_space<vmem>>, vector<1x16xf32>,
        %get3A_585 = vector.shape_cast %get3A_584 : vector<1x16xf32> to vector<16xf32>
        %add3A_586 = arith.constant 128 : i32
        %add3A_587 = arith.addi %add3A_586, %scan3A_478 : i32
        %get3A_588 = arith.index_cast %add3A_587 : i32 to index
        %get3A_589 = arith.constant 80 : index
        %get3A_590 = tpu.vector_load %arg9[%get3A_588, %get3A_589] {strides = array<i32>} : memref<256x128xf32, #tpu.memory_space<vmem>>, vector<1x16xf32>,
        %get3A_591 = vector.shape_cast %get3A_590 : vector<1x16xf32> to vector<16xf32>
        %add3A_592 = arith.addf %get3A_585, %get3A_591 : vector<16xf32>
        %get3A_593 = arith.index_cast %scan3A_478 : i32 to index
        %get3A_594 = arith.constant 80 : index
        %get3A_595 = tpu.vector_load %arg12[%get3A_593, %get3A_594] {strides = array<i32>} : memref<128x128xf32, #tpu.memory_space<vmem>>, vector<1x16xf32>,
        %get3A_596 = vector.shape_cast %get3A_595 : vector<1x16xf32> to vector<16xf32>
        %add3A_597 = arith.addf %get3A_596, %add3A_592 : vector<16xf32>
        %swap3A_598 = arith.index_cast %scan3A_478 : i32 to index
        %swap3A_599 = arith.constant 80 : index
        %swap3A_600 = tpu.vector_load %arg12[%swap3A_598, %swap3A_599] {strides = array<i32>} : memref<128x128xf32, #tpu.memory_space<vmem>>, vector<1x16xf32>,
        %swap3A_601 = vector.shape_cast %swap3A_600 : vector<1x16xf32> to vector<16xf32>
        %swap3A_602 = vector.shape_cast %add3A_597 : vector<16xf32> to vector<1x16xf32>
        tpu.vector_store %arg12[%swap3A_598, %swap3A_599], %swap3A_602 {strides = array<i32>} : memref<128x128xf32, #tpu.memory_space<vmem>>, vector<1x16xf32>,
        %get3A_603 = arith.index_cast %scan3A_478 : i32 to index
        %get3A_604 = arith.constant 96 : index
        %get3A_605 = tpu.vector_load %arg9[%get3A_603, %get3A_604] {strides = array<i32>} : memref<256x128xf32, #tpu.memory_space<vmem>>, vector<1x16xf32>,
        %get3A_606 = vector.shape_cast %get3A_605 : vector<1x16xf32> to vector<16xf32>
        %add3A_607 = arith.constant 128 : i32
        %add3A_608 = arith.addi %add3A_607, %scan3A_478 : i32
        %get3A_609 = arith.index_cast %add3A_608 : i32 to index
        %get3A_610 = arith.constant 96 : index
        %get3A_611 = tpu.vector_load %arg9[%get3A_609, %get3A_610] {strides = array<i32>} : memref<256x128xf32, #tpu.memory_space<vmem>>, vector<1x16xf32>,
        %get3A_612 = vector.shape_cast %get3A_611 : vector<1x16xf32> to vector<16xf32>
        %add3A_613 = arith.addf %get3A_606, %get3A_612 : vector<16xf32>
        %get3A_614 = arith.index_cast %scan3A_478 : i32 to index
        %get3A_615 = arith.constant 96 : index
        %get3A_616 = tpu.vector_load %arg12[%get3A_614, %get3A_615] {strides = array<i32>} : memref<128x128xf32, #tpu.memory_space<vmem>>, vector<1x16xf32>,
        %get3A_617 = vector.shape_cast %get3A_616 : vector<1x16xf32> to vector<16xf32>
        %add3A_618 = arith.addf %get3A_617, %add3A_613 : vector<16xf32>
        %swap3A_619 = arith.index_cast %scan3A_478 : i32 to index
        %swap3A_620 = arith.constant 96 : index
        %swap3A_621 = tpu.vector_load %arg12[%swap3A_619, %swap3A_620] {strides = array<i32>} : memref<128x128xf32, #tpu.memory_space<vmem>>, vector<1x16xf32>,
        %swap3A_622 = vector.shape_cast %swap3A_621 : vector<1x16xf32> to vector<16xf32>
        %swap3A_623 = vector.shape_cast %add3A_618 : vector<16xf32> to vector<1x16xf32>
        tpu.vector_store %arg12[%swap3A_619, %swap3A_620], %swap3A_623 {strides = array<i32>} : memref<128x128xf32, #tpu.memory_space<vmem>>, vector<1x16xf32>,
        %get3A_624 = arith.index_cast %scan3A_478 : i32 to index
        %get3A_625 = arith.constant 112 : index
        %get3A_626 = tpu.vector_load %arg9[%get3A_624, %get3A_625] {strides = array<i32>} : memref<256x128xf32, #tpu.memory_space<vmem>>, vector<1x16xf32>,
        %get3A_627 = vector.shape_cast %get3A_626 : vector<1x16xf32> to vector<16xf32>
        %add3A_628 = arith.constant 128 : i32
        %add3A_629 = arith.addi %add3A_628, %scan3A_478 : i32
        %get3A_630 = arith.index_cast %add3A_629 : i32 to index
        %get3A_631 = arith.constant 112 : index
        %get3A_632 = tpu.vector_load %arg9[%get3A_630, %get3A_631] {strides = array<i32>} : memref<256x128xf32, #tpu.memory_space<vmem>>, vector<1x16xf32>,
        %get3A_633 = vector.shape_cast %get3A_632 : vector<1x16xf32> to vector<16xf32>
        %add3A_634 = arith.addf %get3A_627, %get3A_633 : vector<16xf32>
        %get3A_635 = arith.index_cast %scan3A_478 : i32 to index
        %get3A_636 = arith.constant 112 : index
        %get3A_637 = tpu.vector_load %arg12[%get3A_635, %get3A_636] {strides = array<i32>} : memref<128x128xf32, #tpu.memory_space<vmem>>, vector<1x16xf32>,
        %get3A_638 = vector.shape_cast %get3A_637 : vector<1x16xf32> to vector<16xf32>
        %add3A_639 = arith.addf %get3A_638, %add3A_634 : vector<16xf32>
        %swap3A_640 = arith.index_cast %scan3A_478 : i32 to index
        %swap3A_641 = arith.constant 112 : index
        %swap3A_642 = tpu.vector_load %arg12[%swap3A_640, %swap3A_641] {strides = array<i32>} : memref<128x128xf32, #tpu.memory_space<vmem>>, vector<1x16xf32>,
        %swap3A_643 = vector.shape_cast %swap3A_642 : vector<1x16xf32> to vector<16xf32>
        %swap3A_644 = vector.shape_cast %add3A_639 : vector<16xf32> to vector<1x16xf32>
        tpu.vector_store %arg12[%swap3A_640, %swap3A_641], %swap3A_644 {strides = array<i32>} : memref<128x128xf32, #tpu.memory_space<vmem>>, vector<1x16xf32>,
      }
      %scan3A_403 = arith.constant 128 : i32
      %dma_wait3A_404 = arith.constant 0 : i32
      %dma_wait3A_405 = arith.constant 0 : i32
      %dma_wait3A_406 = tpu.memref_slice %arg4[%dma_wait3A_404, %dma_wait3A_405] : memref<100000x128xf32, #tpu.memory_space<hbm>> -> memref<256x128xf32, #tpu.memory_space<hbm>>
      %dma_wait3A_407 = arith.constant 0 : i32
      %dma_wait3A_408 = arith.constant 0 : i32
      %dma_wait3A_409 = tpu.memref_slice %arg4[%dma_wait3A_407, %dma_wait3A_408] : memref<100000x128xf32, #tpu.memory_space<hbm>> -> memref<256x128xf32, #tpu.memory_space<hbm>>
      tpu.wait_dma2 semaphore(%arg14 : memref<!tpu.dma_semaphore, #tpu.memory_space<semaphore_mem>>) src(%dma_wait3A_409 : memref<256x128xf32, #tpu.memory_space<hbm>>) dst(%arg10 : memref<256x128xf32, #tpu.memory_space<vmem>>)
      %add3A_410 = arith.constant 7 : i32
      %add3A_411 = arith.addi %mul3A_231, %add3A_410 : i32
      %add3A_412 = arith.constant 1 : i32
      %add3A_413 = arith.addi %add3A_411, %add3A_412 : i32
      %mul3A_414 = arith.constant 256 : i32
      %mul3A_415 = arith.muli %add3A_413, %mul3A_414 : i32
      %dma_start3A_416 = tpu.memref_slice %arg7[%mul3A_415] : memref<19200xi32, #tpu.memory_space<vmem>> -> memref<256xi32, #tpu.memory_space<vmem>>
      %dma_start3A_417 = arith.constant 0 : i32
      %dma_start3A_418 = arith.constant 0 : i32
      %dma_start3A_419 = tpu.memref_slice %arg4[%dma_start3A_417, %dma_start3A_418] : memref<100000x128xf32, #tpu.memory_space<hbm>> -> memref<100000x128xf32, #tpu.memory_space<hbm>>
      tpu.enqueue_indirect_dma source(%dma_start3A_419 : memref<100000x128xf32, #tpu.memory_space<hbm>>) target(%arg9 : memref<256x128xf32, #tpu.memory_space<vmem>>) offsets(%dma_start3A_416 : memref<256xi32, #tpu.memory_space<vmem>>) semaphore(%arg13 : memref<!tpu.dma_semaphore, #tpu.memory_space<semaphore_mem>>)
      %scan3A_420 = arith.constant 0 : i32
      %scan3A_421 = arith.constant 0 : i32
      %scan3A_422 = arith.constant 128 : i32
      %scan3A_423 = arith.addi %scan3A_421, %scan3A_422 : i32
      %scan3A_424 = arith.constant 1 : i32
      scf.for %scan3A_478 = %scan3A_421 to %scan3A_423 step %scan3A_424  : i32 {
        %get3A = arith.index_cast %scan3A_478 : i32 to index
        %get3A_479 = arith.constant 0 : index
        %get3A_480 = tpu.vector_load %arg10[%get3A, %get3A_479] {strides = array<i32>} : memref<256x128xf32, #tpu.memory_space<vmem>>, vector<1x16xf32>,
        %get3A_481 = vector.shape_cast %get3A_480 : vector<1x16xf32> to vector<16xf32>
        %add3A_482 = arith.constant 128 : i32
        %add3A_483 = arith.addi %add3A_482, %scan3A_478 : i32
        %get3A_484 = arith.index_cast %add3A_483 : i32 to index
        %get3A_485 = arith.constant 0 : index
        %get3A_486 = tpu.vector_load %arg10[%get3A_484, %get3A_485] {strides = array<i32>} : memref<256x128xf32, #tpu.memory_space<vmem>>, vector<1x16xf32>,
        %get3A_487 = vector.shape_cast %get3A_486 : vector<1x16xf32> to vector<16xf32>
        %add3A_488 = arith.addf %get3A_481, %get3A_487 : vector<16xf32>
        %get3A_489 = arith.index_cast %scan3A_478 : i32 to index
        %get3A_490 = arith.constant 0 : index
        %get3A_491 = tpu.vector_load %arg12[%get3A_489, %get3A_490] {strides = array<i32>} : memref<128x128xf32, #tpu.memory_space<vmem>>, vector<1x16xf32>,
        %get3A_492 = vector.shape_cast %get3A_491 : vector<1x16xf32> to vector<16xf32>
        %add3A_493 = arith.addf %get3A_492, %add3A_488 : vector<16xf32>
        %swap3A = arith.index_cast %scan3A_478 : i32 to index
        %swap3A_494 = arith.constant 0 : index
        %swap3A_495 = tpu.vector_load %arg12[%swap3A, %swap3A_494] {strides = array<i32>} : memref<128x128xf32, #tpu.memory_space<vmem>>, vector<1x16xf32>,
        %swap3A_496 = vector.shape_cast %swap3A_495 : vector<1x16xf32> to vector<16xf32>
        %swap3A_497 = vector.shape_cast %add3A_493 : vector<16xf32> to vector<1x16xf32>
        tpu.vector_store %arg12[%swap3A, %swap3A_494], %swap3A_497 {strides = array<i32>} : memref<128x128xf32, #tpu.memory_space<vmem>>, vector<1x16xf32>,
        %get3A_498 = arith.index_cast %scan3A_478 : i32 to index
        %get3A_499 = arith.constant 16 : index
        %get3A_500 = tpu.vector_load %arg10[%get3A_498, %get3A_499] {strides = array<i32>} : memref<256x128xf32, #tpu.memory_space<vmem>>, vector<1x16xf32>,
        %get3A_501 = vector.shape_cast %get3A_500 : vector<1x16xf32> to vector<16xf32>
        %add3A_502 = arith.constant 128 : i32
        %add3A_503 = arith.addi %add3A_502, %scan3A_478 : i32
        %get3A_504 = arith.index_cast %add3A_503 : i32 to index
        %get3A_505 = arith.constant 16 : index
        %get3A_506 = tpu.vector_load %arg10[%get3A_504, %get3A_505] {strides = array<i32>} : memref<256x128xf32, #tpu.memory_space<vmem>>, vector<1x16xf32>,
        %get3A_507 = vector.shape_cast %get3A_506 : vector<1x16xf32> to vector<16xf32>
        %add3A_508 = arith.addf %get3A_501, %get3A_507 : vector<16xf32>
        %get3A_509 = arith.index_cast %scan3A_478 : i32 to index
        %get3A_510 = arith.constant 16 : index
        %get3A_511 = tpu.vector_load %arg12[%get3A_509, %get3A_510] {strides = array<i32>} : memref<128x128xf32, #tpu.memory_space<vmem>>, vector<1x16xf32>,
        %get3A_512 = vector.shape_cast %get3A_511 : vector<1x16xf32> to vector<16xf32>
        %add3A_513 = arith.addf %get3A_512, %add3A_508 : vector<16xf32>
        %swap3A_514 = arith.index_cast %scan3A_478 : i32 to index
        %swap3A_515 = arith.constant 16 : index
        %swap3A_516 = tpu.vector_load %arg12[%swap3A_514, %swap3A_515] {strides = array<i32>} : memref<128x128xf32, #tpu.memory_space<vmem>>, vector<1x16xf32>,
        %swap3A_517 = vector.shape_cast %swap3A_516 : vector<1x16xf32> to vector<16xf32>
        %swap3A_518 = vector.shape_cast %add3A_513 : vector<16xf32> to vector<1x16xf32>
        tpu.vector_store %arg12[%swap3A_514, %swap3A_515], %swap3A_518 {strides = array<i32>} : memref<128x128xf32, #tpu.memory_space<vmem>>, vector<1x16xf32>,
        %get3A_519 = arith.index_cast %scan3A_478 : i32 to index
        %get3A_520 = arith.constant 32 : index
        %get3A_521 = tpu.vector_load %arg10[%get3A_519, %get3A_520] {strides = array<i32>} : memref<256x128xf32, #tpu.memory_space<vmem>>, vector<1x16xf32>,
        %get3A_522 = vector.shape_cast %get3A_521 : vector<1x16xf32> to vector<16xf32>
        %add3A_523 = arith.constant 128 : i32
        %add3A_524 = arith.addi %add3A_523, %scan3A_478 : i32
        %get3A_525 = arith.index_cast %add3A_524 : i32 to index
        %get3A_526 = arith.constant 32 : index
        %get3A_527 = tpu.vector_load %arg10[%get3A_525, %get3A_526] {strides = array<i32>} : memref<256x128xf32, #tpu.memory_space<vmem>>, vector<1x16xf32>,
        %get3A_528 = vector.shape_cast %get3A_527 : vector<1x16xf32> to vector<16xf32>
        %add3A_529 = arith.addf %get3A_522, %get3A_528 : vector<16xf32>
        %get3A_530 = arith.index_cast %scan3A_478 : i32 to index
        %get3A_531 = arith.constant 32 : index
        %get3A_532 = tpu.vector_load %arg12[%get3A_530, %get3A_531] {strides = array<i32>} : memref<128x128xf32, #tpu.memory_space<vmem>>, vector<1x16xf32>,
        %get3A_533 = vector.shape_cast %get3A_532 : vector<1x16xf32> to vector<16xf32>
        %add3A_534 = arith.addf %get3A_533, %add3A_529 : vector<16xf32>
        %swap3A_535 = arith.index_cast %scan3A_478 : i32 to index
        %swap3A_536 = arith.constant 32 : index
        %swap3A_537 = tpu.vector_load %arg12[%swap3A_535, %swap3A_536] {strides = array<i32>} : memref<128x128xf32, #tpu.memory_space<vmem>>, vector<1x16xf32>,
        %swap3A_538 = vector.shape_cast %swap3A_537 : vector<1x16xf32> to vector<16xf32>
        %swap3A_539 = vector.shape_cast %add3A_534 : vector<16xf32> to vector<1x16xf32>
        tpu.vector_store %arg12[%swap3A_535, %swap3A_536], %swap3A_539 {strides = array<i32>} : memref<128x128xf32, #tpu.memory_space<vmem>>, vector<1x16xf32>,
        %get3A_540 = arith.index_cast %scan3A_478 : i32 to index
        %get3A_541 = arith.constant 48 : index
        %get3A_542 = tpu.vector_load %arg10[%get3A_540, %get3A_541] {strides = array<i32>} : memref<256x128xf32, #tpu.memory_space<vmem>>, vector<1x16xf32>,
        %get3A_543 = vector.shape_cast %get3A_542 : vector<1x16xf32> to vector<16xf32>
        %add3A_544 = arith.constant 128 : i32
        %add3A_545 = arith.addi %add3A_544, %scan3A_478 : i32
        %get3A_546 = arith.index_cast %add3A_545 : i32 to index
        %get3A_547 = arith.constant 48 : index
        %get3A_548 = tpu.vector_load %arg10[%get3A_546, %get3A_547] {strides = array<i32>} : memref<256x128xf32, #tpu.memory_space<vmem>>, vector<1x16xf32>,
        %get3A_549 = vector.shape_cast %get3A_548 : vector<1x16xf32> to vector<16xf32>
        %add3A_550 = arith.addf %get3A_543, %get3A_549 : vector<16xf32>
        %get3A_551 = arith.index_cast %scan3A_478 : i32 to index
        %get3A_552 = arith.constant 48 : index
        %get3A_553 = tpu.vector_load %arg12[%get3A_551, %get3A_552] {strides = array<i32>} : memref<128x128xf32, #tpu.memory_space<vmem>>, vector<1x16xf32>,
        %get3A_554 = vector.shape_cast %get3A_553 : vector<1x16xf32> to vector<16xf32>
        %add3A_555 = arith.addf %get3A_554, %add3A_550 : vector<16xf32>
        %swap3A_556 = arith.index_cast %scan3A_478 : i32 to index
        %swap3A_557 = arith.constant 48 : index
        %swap3A_558 = tpu.vector_load %arg12[%swap3A_556, %swap3A_557] {strides = array<i32>} : memref<128x128xf32, #tpu.memory_space<vmem>>, vector<1x16xf32>,
        %swap3A_559 = vector.shape_cast %swap3A_558 : vector<1x16xf32> to vector<16xf32>
        %swap3A_560 = vector.shape_cast %add3A_555 : vector<16xf32> to vector<1x16xf32>
        tpu.vector_store %arg12[%swap3A_556, %swap3A_557], %swap3A_560 {strides = array<i32>} : memref<128x128xf32, #tpu.memory_space<vmem>>, vector<1x16xf32>,
        %get3A_561 = arith.index_cast %scan3A_478 : i32 to index
        %get3A_562 = arith.constant 64 : index
        %get3A_563 = tpu.vector_load %arg10[%get3A_561, %get3A_562] {strides = array<i32>} : memref<256x128xf32, #tpu.memory_space<vmem>>, vector<1x16xf32>,
        %get3A_564 = vector.shape_cast %get3A_563 : vector<1x16xf32> to vector<16xf32>
        %add3A_565 = arith.constant 128 : i32
        %add3A_566 = arith.addi %add3A_565, %scan3A_478 : i32
        %get3A_567 = arith.index_cast %add3A_566 : i32 to index
        %get3A_568 = arith.constant 64 : index
        %get3A_569 = tpu.vector_load %arg10[%get3A_567, %get3A_568] {strides = array<i32>} : memref<256x128xf32, #tpu.memory_space<vmem>>, vector<1x16xf32>,
        %get3A_570 = vector.shape_cast %get3A_569 : vector<1x16xf32> to vector<16xf32>
        %add3A_571 = arith.addf %get3A_564, %get3A_570 : vector<16xf32>
        %get3A_572 = arith.index_cast %scan3A_478 : i32 to index
        %get3A_573 = arith.constant 64 : index
        %get3A_574 = tpu.vector_load %arg12[%get3A_572, %get3A_573] {strides = array<i32>} : memref<128x128xf32, #tpu.memory_space<vmem>>, vector<1x16xf32>,
        %get3A_575 = vector.shape_cast %get3A_574 : vector<1x16xf32> to vector<16xf32>
        %add3A_576 = arith.addf %get3A_575, %add3A_571 : vector<16xf32>
        %swap3A_577 = arith.index_cast %scan3A_478 : i32 to index
        %swap3A_578 = arith.constant 64 : index
        %swap3A_579 = tpu.vector_load %arg12[%swap3A_577, %swap3A_578] {strides = array<i32>} : memref<128x128xf32, #tpu.memory_space<vmem>>, vector<1x16xf32>,
        %swap3A_580 = vector.shape_cast %swap3A_579 : vector<1x16xf32> to vector<16xf32>
        %swap3A_581 = vector.shape_cast %add3A_576 : vector<16xf32> to vector<1x16xf32>
        tpu.vector_store %arg12[%swap3A_577, %swap3A_578], %swap3A_581 {strides = array<i32>} : memref<128x128xf32, #tpu.memory_space<vmem>>, vector<1x16xf32>,
        %get3A_582 = arith.index_cast %scan3A_478 : i32 to index
        %get3A_583 = arith.constant 80 : index
        %get3A_584 = tpu.vector_load %arg10[%get3A_582, %get3A_583] {strides = array<i32>} : memref<256x128xf32, #tpu.memory_space<vmem>>, vector<1x16xf32>,
        %get3A_585 = vector.shape_cast %get3A_584 : vector<1x16xf32> to vector<16xf32>
        %add3A_586 = arith.constant 128 : i32
        %add3A_587 = arith.addi %add3A_586, %scan3A_478 : i32
        %get3A_588 = arith.index_cast %add3A_587 : i32 to index
        %get3A_589 = arith.constant 80 : index
        %get3A_590 = tpu.vector_load %arg10[%get3A_588, %get3A_589] {strides = array<i32>} : memref<256x128xf32, #tpu.memory_space<vmem>>, vector<1x16xf32>,
        %get3A_591 = vector.shape_cast %get3A_590 : vector<1x16xf32> to vector<16xf32>
        %add3A_592 = arith.addf %get3A_585, %get3A_591 : vector<16xf32>
        %get3A_593 = arith.index_cast %scan3A_478 : i32 to index
        %get3A_594 = arith.constant 80 : index
        %get3A_595 = tpu.vector_load %arg12[%get3A_593, %get3A_594] {strides = array<i32>} : memref<128x128xf32, #tpu.memory_space<vmem>>, vector<1x16xf32>,
        %get3A_596 = vector.shape_cast %get3A_595 : vector<1x16xf32> to vector<16xf32>
        %add3A_597 = arith.addf %get3A_596, %add3A_592 : vector<16xf32>
        %swap3A_598 = arith.index_cast %scan3A_478 : i32 to index
        %swap3A_599 = arith.constant 80 : index
        %swap3A_600 = tpu.vector_load %arg12[%swap3A_598, %swap3A_599] {strides = array<i32>} : memref<128x128xf32, #tpu.memory_space<vmem>>, vector<1x16xf32>,
        %swap3A_601 = vector.shape_cast %swap3A_600 : vector<1x16xf32> to vector<16xf32>
        %swap3A_602 = vector.shape_cast %add3A_597 : vector<16xf32> to vector<1x16xf32>
        tpu.vector_store %arg12[%swap3A_598, %swap3A_599], %swap3A_602 {strides = array<i32>} : memref<128x128xf32, #tpu.memory_space<vmem>>, vector<1x16xf32>,
        %get3A_603 = arith.index_cast %scan3A_478 : i32 to index
        %get3A_604 = arith.constant 96 : index
        %get3A_605 = tpu.vector_load %arg10[%get3A_603, %get3A_604] {strides = array<i32>} : memref<256x128xf32, #tpu.memory_space<vmem>>, vector<1x16xf32>,
        %get3A_606 = vector.shape_cast %get3A_605 : vector<1x16xf32> to vector<16xf32>
        %add3A_607 = arith.constant 128 : i32
        %add3A_608 = arith.addi %add3A_607, %scan3A_478 : i32
        %get3A_609 = arith.index_cast %add3A_608 : i32 to index
        %get3A_610 = arith.constant 96 : index
        %get3A_611 = tpu.vector_load %arg10[%get3A_609, %get3A_610] {strides = array<i32>} : memref<256x128xf32, #tpu.memory_space<vmem>>, vector<1x16xf32>,
        %get3A_612 = vector.shape_cast %get3A_611 : vector<1x16xf32> to vector<16xf32>
        %add3A_613 = arith.addf %get3A_606, %get3A_612 : vector<16xf32>
        %get3A_614 = arith.index_cast %scan3A_478 : i32 to index
        %get3A_615 = arith.constant 96 : index
        %get3A_616 = tpu.vector_load %arg12[%get3A_614, %get3A_615] {strides = array<i32>} : memref<128x128xf32, #tpu.memory_space<vmem>>, vector<1x16xf32>,
        %get3A_617 = vector.shape_cast %get3A_616 : vector<1x16xf32> to vector<16xf32>
        %add3A_618 = arith.addf %get3A_617, %add3A_613 : vector<16xf32>
        %swap3A_619 = arith.index_cast %scan3A_478 : i32 to index
        %swap3A_620 = arith.constant 96 : index
        %swap3A_621 = tpu.vector_load %arg12[%swap3A_619, %swap3A_620] {strides = array<i32>} : memref<128x128xf32, #tpu.memory_space<vmem>>, vector<1x16xf32>,
        %swap3A_622 = vector.shape_cast %swap3A_621 : vector<1x16xf32> to vector<16xf32>
        %swap3A_623 = vector.shape_cast %add3A_618 : vector<16xf32> to vector<1x16xf32>
        tpu.vector_store %arg12[%swap3A_619, %swap3A_620], %swap3A_623 {strides = array<i32>} : memref<128x128xf32, #tpu.memory_space<vmem>>, vector<1x16xf32>,
        %get3A_624 = arith.index_cast %scan3A_478 : i32 to index
        %get3A_625 = arith.constant 112 : index
        %get3A_626 = tpu.vector_load %arg10[%get3A_624, %get3A_625] {strides = array<i32>} : memref<256x128xf32, #tpu.memory_space<vmem>>, vector<1x16xf32>,
        %get3A_627 = vector.shape_cast %get3A_626 : vector<1x16xf32> to vector<16xf32>
        %add3A_628 = arith.constant 128 : i32
        %add3A_629 = arith.addi %add3A_628, %scan3A_478 : i32
        %get3A_630 = arith.index_cast %add3A_629 : i32 to index
        %get3A_631 = arith.constant 112 : index
        %get3A_632 = tpu.vector_load %arg10[%get3A_630, %get3A_631] {strides = array<i32>} : memref<256x128xf32, #tpu.memory_space<vmem>>, vector<1x16xf32>,
        %get3A_633 = vector.shape_cast %get3A_632 : vector<1x16xf32> to vector<16xf32>
        %add3A_634 = arith.addf %get3A_627, %get3A_633 : vector<16xf32>
        %get3A_635 = arith.index_cast %scan3A_478 : i32 to index
        %get3A_636 = arith.constant 112 : index
        %get3A_637 = tpu.vector_load %arg12[%get3A_635, %get3A_636] {strides = array<i32>} : memref<128x128xf32, #tpu.memory_space<vmem>>, vector<1x16xf32>,
        %get3A_638 = vector.shape_cast %get3A_637 : vector<1x16xf32> to vector<16xf32>
        %add3A_639 = arith.addf %get3A_638, %add3A_634 : vector<16xf32>
        %swap3A_640 = arith.index_cast %scan3A_478 : i32 to index
        %swap3A_641 = arith.constant 112 : index
        %swap3A_642 = tpu.vector_load %arg12[%swap3A_640, %swap3A_641] {strides = array<i32>} : memref<128x128xf32, #tpu.memory_space<vmem>>, vector<1x16xf32>,
        %swap3A_643 = vector.shape_cast %swap3A_642 : vector<1x16xf32> to vector<16xf32>
        %swap3A_644 = vector.shape_cast %add3A_639 : vector<16xf32> to vector<1x16xf32>
        tpu.vector_store %arg12[%swap3A_640, %swap3A_641], %swap3A_644 {strides = array<i32>} : memref<128x128xf32, #tpu.memory_space<vmem>>, vector<1x16xf32>,
      }
      %scan3A_425 = arith.constant 128 : i32
      %dma_wait3A_426 = arith.constant 0 : i32
      %dma_wait3A_427 = arith.constant 0 : i32
      %dma_wait3A_428 = tpu.memref_slice %arg4[%dma_wait3A_426, %dma_wait3A_427] : memref<100000x128xf32, #tpu.memory_space<hbm>> -> memref<256x128xf32, #tpu.memory_space<hbm>>
      %dma_wait3A_429 = arith.constant 0 : i32
      %dma_wait3A_430 = arith.constant 0 : i32
      %dma_wait3A_431 = tpu.memref_slice %arg4[%dma_wait3A_429, %dma_wait3A_430] : memref<100000x128xf32, #tpu.memory_space<hbm>> -> memref<256x128xf32, #tpu.memory_space<hbm>>
      tpu.wait_dma2 semaphore(%arg13 : memref<!tpu.dma_semaphore, #tpu.memory_space<semaphore_mem>>) src(%dma_wait3A_431 : memref<256x128xf32, #tpu.memory_space<hbm>>) dst(%arg9 : memref<256x128xf32, #tpu.memory_space<vmem>>)
      %add3A_432 = arith.constant 8 : i32
      %add3A_433 = arith.addi %mul3A_231, %add3A_432 : i32
      %add3A_434 = arith.constant 1 : i32
      %add3A_435 = arith.addi %add3A_433, %add3A_434 : i32
      %mul3A_436 = arith.constant 256 : i32
      %mul3A_437 = arith.muli %add3A_435, %mul3A_436 : i32
      %dma_start3A_438 = tpu.memref_slice %arg7[%mul3A_437] : memref<19200xi32, #tpu.memory_space<vmem>> -> memref<256xi32, #tpu.memory_space<vmem>>
      %dma_start3A_439 = arith.constant 0 : i32
      %dma_start3A_440 = arith.constant 0 : i32
      %dma_start3A_441 = tpu.memref_slice %arg4[%dma_start3A_439, %dma_start3A_440] : memref<100000x128xf32, #tpu.memory_space<hbm>> -> memref<100000x128xf32, #tpu.memory_space<hbm>>
      tpu.enqueue_indirect_dma source(%dma_start3A_441 : memref<100000x128xf32, #tpu.memory_space<hbm>>) target(%arg10 : memref<256x128xf32, #tpu.memory_space<vmem>>) offsets(%dma_start3A_438 : memref<256xi32, #tpu.memory_space<vmem>>) semaphore(%arg14 : memref<!tpu.dma_semaphore, #tpu.memory_space<semaphore_mem>>)
      %scan3A_442 = arith.constant 0 : i32
      %scan3A_443 = arith.constant 0 : i32
      %scan3A_444 = arith.constant 128 : i32
      %scan3A_445 = arith.addi %scan3A_443, %scan3A_444 : i32
      %scan3A_446 = arith.constant 1 : i32
      scf.for %scan3A_478 = %scan3A_443 to %scan3A_445 step %scan3A_446  : i32 {
        %get3A = arith.index_cast %scan3A_478 : i32 to index
        %get3A_479 = arith.constant 0 : index
        %get3A_480 = tpu.vector_load %arg9[%get3A, %get3A_479] {strides = array<i32>} : memref<256x128xf32, #tpu.memory_space<vmem>>, vector<1x16xf32>,
        %get3A_481 = vector.shape_cast %get3A_480 : vector<1x16xf32> to vector<16xf32>
        %add3A_482 = arith.constant 128 : i32
        %add3A_483 = arith.addi %add3A_482, %scan3A_478 : i32
        %get3A_484 = arith.index_cast %add3A_483 : i32 to index
        %get3A_485 = arith.constant 0 : index
        %get3A_486 = tpu.vector_load %arg9[%get3A_484, %get3A_485] {strides = array<i32>} : memref<256x128xf32, #tpu.memory_space<vmem>>, vector<1x16xf32>,
        %get3A_487 = vector.shape_cast %get3A_486 : vector<1x16xf32> to vector<16xf32>
        %add3A_488 = arith.addf %get3A_481, %get3A_487 : vector<16xf32>
        %get3A_489 = arith.index_cast %scan3A_478 : i32 to index
        %get3A_490 = arith.constant 0 : index
        %get3A_491 = tpu.vector_load %arg12[%get3A_489, %get3A_490] {strides = array<i32>} : memref<128x128xf32, #tpu.memory_space<vmem>>, vector<1x16xf32>,
        %get3A_492 = vector.shape_cast %get3A_491 : vector<1x16xf32> to vector<16xf32>
        %add3A_493 = arith.addf %get3A_492, %add3A_488 : vector<16xf32>
        %swap3A = arith.index_cast %scan3A_478 : i32 to index
        %swap3A_494 = arith.constant 0 : index
        %swap3A_495 = tpu.vector_load %arg12[%swap3A, %swap3A_494] {strides = array<i32>} : memref<128x128xf32, #tpu.memory_space<vmem>>, vector<1x16xf32>,
        %swap3A_496 = vector.shape_cast %swap3A_495 : vector<1x16xf32> to vector<16xf32>
        %swap3A_497 = vector.shape_cast %add3A_493 : vector<16xf32> to vector<1x16xf32>
        tpu.vector_store %arg12[%swap3A, %swap3A_494], %swap3A_497 {strides = array<i32>} : memref<128x128xf32, #tpu.memory_space<vmem>>, vector<1x16xf32>,
        %get3A_498 = arith.index_cast %scan3A_478 : i32 to index
        %get3A_499 = arith.constant 16 : index
        %get3A_500 = tpu.vector_load %arg9[%get3A_498, %get3A_499] {strides = array<i32>} : memref<256x128xf32, #tpu.memory_space<vmem>>, vector<1x16xf32>,
        %get3A_501 = vector.shape_cast %get3A_500 : vector<1x16xf32> to vector<16xf32>
        %add3A_502 = arith.constant 128 : i32
        %add3A_503 = arith.addi %add3A_502, %scan3A_478 : i32
        %get3A_504 = arith.index_cast %add3A_503 : i32 to index
        %get3A_505 = arith.constant 16 : index
        %get3A_506 = tpu.vector_load %arg9[%get3A_504, %get3A_505] {strides = array<i32>} : memref<256x128xf32, #tpu.memory_space<vmem>>, vector<1x16xf32>,
        %get3A_507 = vector.shape_cast %get3A_506 : vector<1x16xf32> to vector<16xf32>
        %add3A_508 = arith.addf %get3A_501, %get3A_507 : vector<16xf32>
        %get3A_509 = arith.index_cast %scan3A_478 : i32 to index
        %get3A_510 = arith.constant 16 : index
        %get3A_511 = tpu.vector_load %arg12[%get3A_509, %get3A_510] {strides = array<i32>} : memref<128x128xf32, #tpu.memory_space<vmem>>, vector<1x16xf32>,
        %get3A_512 = vector.shape_cast %get3A_511 : vector<1x16xf32> to vector<16xf32>
        %add3A_513 = arith.addf %get3A_512, %add3A_508 : vector<16xf32>
        %swap3A_514 = arith.index_cast %scan3A_478 : i32 to index
        %swap3A_515 = arith.constant 16 : index
        %swap3A_516 = tpu.vector_load %arg12[%swap3A_514, %swap3A_515] {strides = array<i32>} : memref<128x128xf32, #tpu.memory_space<vmem>>, vector<1x16xf32>,
        %swap3A_517 = vector.shape_cast %swap3A_516 : vector<1x16xf32> to vector<16xf32>
        %swap3A_518 = vector.shape_cast %add3A_513 : vector<16xf32> to vector<1x16xf32>
        tpu.vector_store %arg12[%swap3A_514, %swap3A_515], %swap3A_518 {strides = array<i32>} : memref<128x128xf32, #tpu.memory_space<vmem>>, vector<1x16xf32>,
        %get3A_519 = arith.index_cast %scan3A_478 : i32 to index
        %get3A_520 = arith.constant 32 : index
        %get3A_521 = tpu.vector_load %arg9[%get3A_519, %get3A_520] {strides = array<i32>} : memref<256x128xf32, #tpu.memory_space<vmem>>, vector<1x16xf32>,
        %get3A_522 = vector.shape_cast %get3A_521 : vector<1x16xf32> to vector<16xf32>
        %add3A_523 = arith.constant 128 : i32
        %add3A_524 = arith.addi %add3A_523, %scan3A_478 : i32
        %get3A_525 = arith.index_cast %add3A_524 : i32 to index
        %get3A_526 = arith.constant 32 : index
        %get3A_527 = tpu.vector_load %arg9[%get3A_525, %get3A_526] {strides = array<i32>} : memref<256x128xf32, #tpu.memory_space<vmem>>, vector<1x16xf32>,
        %get3A_528 = vector.shape_cast %get3A_527 : vector<1x16xf32> to vector<16xf32>
        %add3A_529 = arith.addf %get3A_522, %get3A_528 : vector<16xf32>
        %get3A_530 = arith.index_cast %scan3A_478 : i32 to index
        %get3A_531 = arith.constant 32 : index
        %get3A_532 = tpu.vector_load %arg12[%get3A_530, %get3A_531] {strides = array<i32>} : memref<128x128xf32, #tpu.memory_space<vmem>>, vector<1x16xf32>,
        %get3A_533 = vector.shape_cast %get3A_532 : vector<1x16xf32> to vector<16xf32>
        %add3A_534 = arith.addf %get3A_533, %add3A_529 : vector<16xf32>
        %swap3A_535 = arith.index_cast %scan3A_478 : i32 to index
        %swap3A_536 = arith.constant 32 : index
        %swap3A_537 = tpu.vector_load %arg12[%swap3A_535, %swap3A_536] {strides = array<i32>} : memref<128x128xf32, #tpu.memory_space<vmem>>, vector<1x16xf32>,
        %swap3A_538 = vector.shape_cast %swap3A_537 : vector<1x16xf32> to vector<16xf32>
        %swap3A_539 = vector.shape_cast %add3A_534 : vector<16xf32> to vector<1x16xf32>
        tpu.vector_store %arg12[%swap3A_535, %swap3A_536], %swap3A_539 {strides = array<i32>} : memref<128x128xf32, #tpu.memory_space<vmem>>, vector<1x16xf32>,
        %get3A_540 = arith.index_cast %scan3A_478 : i32 to index
        %get3A_541 = arith.constant 48 : index
        %get3A_542 = tpu.vector_load %arg9[%get3A_540, %get3A_541] {strides = array<i32>} : memref<256x128xf32, #tpu.memory_space<vmem>>, vector<1x16xf32>,
        %get3A_543 = vector.shape_cast %get3A_542 : vector<1x16xf32> to vector<16xf32>
        %add3A_544 = arith.constant 128 : i32
        %add3A_545 = arith.addi %add3A_544, %scan3A_478 : i32
        %get3A_546 = arith.index_cast %add3A_545 : i32 to index
        %get3A_547 = arith.constant 48 : index
        %get3A_548 = tpu.vector_load %arg9[%get3A_546, %get3A_547] {strides = array<i32>} : memref<256x128xf32, #tpu.memory_space<vmem>>, vector<1x16xf32>,
        %get3A_549 = vector.shape_cast %get3A_548 : vector<1x16xf32> to vector<16xf32>
        %add3A_550 = arith.addf %get3A_543, %get3A_549 : vector<16xf32>
        %get3A_551 = arith.index_cast %scan3A_478 : i32 to index
        %get3A_552 = arith.constant 48 : index
        %get3A_553 = tpu.vector_load %arg12[%get3A_551, %get3A_552] {strides = array<i32>} : memref<128x128xf32, #tpu.memory_space<vmem>>, vector<1x16xf32>,
        %get3A_554 = vector.shape_cast %get3A_553 : vector<1x16xf32> to vector<16xf32>
        %add3A_555 = arith.addf %get3A_554, %add3A_550 : vector<16xf32>
        %swap3A_556 = arith.index_cast %scan3A_478 : i32 to index
        %swap3A_557 = arith.constant 48 : index
        %swap3A_558 = tpu.vector_load %arg12[%swap3A_556, %swap3A_557] {strides = array<i32>} : memref<128x128xf32, #tpu.memory_space<vmem>>, vector<1x16xf32>,
        %swap3A_559 = vector.shape_cast %swap3A_558 : vector<1x16xf32> to vector<16xf32>
        %swap3A_560 = vector.shape_cast %add3A_555 : vector<16xf32> to vector<1x16xf32>
        tpu.vector_store %arg12[%swap3A_556, %swap3A_557], %swap3A_560 {strides = array<i32>} : memref<128x128xf32, #tpu.memory_space<vmem>>, vector<1x16xf32>,
        %get3A_561 = arith.index_cast %scan3A_478 : i32 to index
        %get3A_562 = arith.constant 64 : index
        %get3A_563 = tpu.vector_load %arg9[%get3A_561, %get3A_562] {strides = array<i32>} : memref<256x128xf32, #tpu.memory_space<vmem>>, vector<1x16xf32>,
        %get3A_564 = vector.shape_cast %get3A_563 : vector<1x16xf32> to vector<16xf32>
        %add3A_565 = arith.constant 128 : i32
        %add3A_566 = arith.addi %add3A_565, %scan3A_478 : i32
        %get3A_567 = arith.index_cast %add3A_566 : i32 to index
        %get3A_568 = arith.constant 64 : index
        %get3A_569 = tpu.vector_load %arg9[%get3A_567, %get3A_568] {strides = array<i32>} : memref<256x128xf32, #tpu.memory_space<vmem>>, vector<1x16xf32>,
        %get3A_570 = vector.shape_cast %get3A_569 : vector<1x16xf32> to vector<16xf32>
        %add3A_571 = arith.addf %get3A_564, %get3A_570 : vector<16xf32>
        %get3A_572 = arith.index_cast %scan3A_478 : i32 to index
        %get3A_573 = arith.constant 64 : index
        %get3A_574 = tpu.vector_load %arg12[%get3A_572, %get3A_573] {strides = array<i32>} : memref<128x128xf32, #tpu.memory_space<vmem>>, vector<1x16xf32>,
        %get3A_575 = vector.shape_cast %get3A_574 : vector<1x16xf32> to vector<16xf32>
        %add3A_576 = arith.addf %get3A_575, %add3A_571 : vector<16xf32>
        %swap3A_577 = arith.index_cast %scan3A_478 : i32 to index
        %swap3A_578 = arith.constant 64 : index
        %swap3A_579 = tpu.vector_load %arg12[%swap3A_577, %swap3A_578] {strides = array<i32>} : memref<128x128xf32, #tpu.memory_space<vmem>>, vector<1x16xf32>,
        %swap3A_580 = vector.shape_cast %swap3A_579 : vector<1x16xf32> to vector<16xf32>
        %swap3A_581 = vector.shape_cast %add3A_576 : vector<16xf32> to vector<1x16xf32>
        tpu.vector_store %arg12[%swap3A_577, %swap3A_578], %swap3A_581 {strides = array<i32>} : memref<128x128xf32, #tpu.memory_space<vmem>>, vector<1x16xf32>,
        %get3A_582 = arith.index_cast %scan3A_478 : i32 to index
        %get3A_583 = arith.constant 80 : index
        %get3A_584 = tpu.vector_load %arg9[%get3A_582, %get3A_583] {strides = array<i32>} : memref<256x128xf32, #tpu.memory_space<vmem>>, vector<1x16xf32>,
        %get3A_585 = vector.shape_cast %get3A_584 : vector<1x16xf32> to vector<16xf32>
        %add3A_586 = arith.constant 128 : i32
        %add3A_587 = arith.addi %add3A_586, %scan3A_478 : i32
        %get3A_588 = arith.index_cast %add3A_587 : i32 to index
        %get3A_589 = arith.constant 80 : index
        %get3A_590 = tpu.vector_load %arg9[%get3A_588, %get3A_589] {strides = array<i32>} : memref<256x128xf32, #tpu.memory_space<vmem>>, vector<1x16xf32>,
        %get3A_591 = vector.shape_cast %get3A_590 : vector<1x16xf32> to vector<16xf32>
        %add3A_592 = arith.addf %get3A_585, %get3A_591 : vector<16xf32>
        %get3A_593 = arith.index_cast %scan3A_478 : i32 to index
        %get3A_594 = arith.constant 80 : index
        %get3A_595 = tpu.vector_load %arg12[%get3A_593, %get3A_594] {strides = array<i32>} : memref<128x128xf32, #tpu.memory_space<vmem>>, vector<1x16xf32>,
        %get3A_596 = vector.shape_cast %get3A_595 : vector<1x16xf32> to vector<16xf32>
        %add3A_597 = arith.addf %get3A_596, %add3A_592 : vector<16xf32>
        %swap3A_598 = arith.index_cast %scan3A_478 : i32 to index
        %swap3A_599 = arith.constant 80 : index
        %swap3A_600 = tpu.vector_load %arg12[%swap3A_598, %swap3A_599] {strides = array<i32>} : memref<128x128xf32, #tpu.memory_space<vmem>>, vector<1x16xf32>,
        %swap3A_601 = vector.shape_cast %swap3A_600 : vector<1x16xf32> to vector<16xf32>
        %swap3A_602 = vector.shape_cast %add3A_597 : vector<16xf32> to vector<1x16xf32>
        tpu.vector_store %arg12[%swap3A_598, %swap3A_599], %swap3A_602 {strides = array<i32>} : memref<128x128xf32, #tpu.memory_space<vmem>>, vector<1x16xf32>,
        %get3A_603 = arith.index_cast %scan3A_478 : i32 to index
        %get3A_604 = arith.constant 96 : index
        %get3A_605 = tpu.vector_load %arg9[%get3A_603, %get3A_604] {strides = array<i32>} : memref<256x128xf32, #tpu.memory_space<vmem>>, vector<1x16xf32>,
        %get3A_606 = vector.shape_cast %get3A_605 : vector<1x16xf32> to vector<16xf32>
        %add3A_607 = arith.constant 128 : i32
        %add3A_608 = arith.addi %add3A_607, %scan3A_478 : i32
        %get3A_609 = arith.index_cast %add3A_608 : i32 to index
        %get3A_610 = arith.constant 96 : index
        %get3A_611 = tpu.vector_load %arg9[%get3A_609, %get3A_610] {strides = array<i32>} : memref<256x128xf32, #tpu.memory_space<vmem>>, vector<1x16xf32>,
        %get3A_612 = vector.shape_cast %get3A_611 : vector<1x16xf32> to vector<16xf32>
        %add3A_613 = arith.addf %get3A_606, %get3A_612 : vector<16xf32>
        %get3A_614 = arith.index_cast %scan3A_478 : i32 to index
        %get3A_615 = arith.constant 96 : index
        %get3A_616 = tpu.vector_load %arg12[%get3A_614, %get3A_615] {strides = array<i32>} : memref<128x128xf32, #tpu.memory_space<vmem>>, vector<1x16xf32>,
        %get3A_617 = vector.shape_cast %get3A_616 : vector<1x16xf32> to vector<16xf32>
        %add3A_618 = arith.addf %get3A_617, %add3A_613 : vector<16xf32>
        %swap3A_619 = arith.index_cast %scan3A_478 : i32 to index
        %swap3A_620 = arith.constant 96 : index
        %swap3A_621 = tpu.vector_load %arg12[%swap3A_619, %swap3A_620] {strides = array<i32>} : memref<128x128xf32, #tpu.memory_space<vmem>>, vector<1x16xf32>,
        %swap3A_622 = vector.shape_cast %swap3A_621 : vector<1x16xf32> to vector<16xf32>
        %swap3A_623 = vector.shape_cast %add3A_618 : vector<16xf32> to vector<1x16xf32>
        tpu.vector_store %arg12[%swap3A_619, %swap3A_620], %swap3A_623 {strides = array<i32>} : memref<128x128xf32, #tpu.memory_space<vmem>>, vector<1x16xf32>,
        %get3A_624 = arith.index_cast %scan3A_478 : i32 to index
        %get3A_625 = arith.constant 112 : index
        %get3A_626 = tpu.vector_load %arg9[%get3A_624, %get3A_625] {strides = array<i32>} : memref<256x128xf32, #tpu.memory_space<vmem>>, vector<1x16xf32>,
        %get3A_627 = vector.shape_cast %get3A_626 : vector<1x16xf32> to vector<16xf32>
        %add3A_628 = arith.constant 128 : i32
        %add3A_629 = arith.addi %add3A_628, %scan3A_478 : i32
        %get3A_630 = arith.index_cast %add3A_629 : i32 to index
        %get3A_631 = arith.constant 112 : index
        %get3A_632 = tpu.vector_load %arg9[%get3A_630, %get3A_631] {strides = array<i32>} : memref<256x128xf32, #tpu.memory_space<vmem>>, vector<1x16xf32>,
        %get3A_633 = vector.shape_cast %get3A_632 : vector<1x16xf32> to vector<16xf32>
        %add3A_634 = arith.addf %get3A_627, %get3A_633 : vector<16xf32>
        %get3A_635 = arith.index_cast %scan3A_478 : i32 to index
        %get3A_636 = arith.constant 112 : index
        %get3A_637 = tpu.vector_load %arg12[%get3A_635, %get3A_636] {strides = array<i32>} : memref<128x128xf32, #tpu.memory_space<vmem>>, vector<1x16xf32>,
        %get3A_638 = vector.shape_cast %get3A_637 : vector<1x16xf32> to vector<16xf32>
        %add3A_639 = arith.addf %get3A_638, %add3A_634 : vector<16xf32>
        %swap3A_640 = arith.index_cast %scan3A_478 : i32 to index
        %swap3A_641 = arith.constant 112 : index
        %swap3A_642 = tpu.vector_load %arg12[%swap3A_640, %swap3A_641] {strides = array<i32>} : memref<128x128xf32, #tpu.memory_space<vmem>>, vector<1x16xf32>,
        %swap3A_643 = vector.shape_cast %swap3A_642 : vector<1x16xf32> to vector<16xf32>
        %swap3A_644 = vector.shape_cast %add3A_639 : vector<16xf32> to vector<1x16xf32>
        tpu.vector_store %arg12[%swap3A_640, %swap3A_641], %swap3A_644 {strides = array<i32>} : memref<128x128xf32, #tpu.memory_space<vmem>>, vector<1x16xf32>,
      }
      %scan3A_447 = arith.constant 128 : i32
      %dma_wait3A_448 = arith.constant 0 : i32
      %dma_wait3A_449 = arith.constant 0 : i32
      %dma_wait3A_450 = tpu.memref_slice %arg4[%dma_wait3A_448, %dma_wait3A_449] : memref<100000x128xf32, #tpu.memory_space<hbm>> -> memref<256x128xf32, #tpu.memory_space<hbm>>
      %dma_wait3A_451 = arith.constant 0 : i32
      %dma_wait3A_452 = arith.constant 0 : i32
      %dma_wait3A_453 = tpu.memref_slice %arg4[%dma_wait3A_451, %dma_wait3A_452] : memref<100000x128xf32, #tpu.memory_space<hbm>> -> memref<256x128xf32, #tpu.memory_space<hbm>>
      tpu.wait_dma2 semaphore(%arg14 : memref<!tpu.dma_semaphore, #tpu.memory_space<semaphore_mem>>) src(%dma_wait3A_453 : memref<256x128xf32, #tpu.memory_space<hbm>>) dst(%arg10 : memref<256x128xf32, #tpu.memory_space<vmem>>)
      %add3A_454 = arith.constant 9 : i32
      %add3A_455 = arith.addi %mul3A_231, %add3A_454 : i32
      %add3A_456 = arith.constant 1 : i32
      %add3A_457 = arith.addi %add3A_455, %add3A_456 : i32
      %mul3A_458 = arith.constant 256 : i32
      %mul3A_459 = arith.muli %add3A_457, %mul3A_458 : i32
      %dma_start3A_460 = tpu.memref_slice %arg7[%mul3A_459] : memref<19200xi32, #tpu.memory_space<vmem>> -> memref<256xi32, #tpu.memory_space<vmem>>
      %dma_start3A_461 = arith.constant 0 : i32
      %dma_start3A_462 = arith.constant 0 : i32
      %dma_start3A_463 = tpu.memref_slice %arg4[%dma_start3A_461, %dma_start3A_462] : memref<100000x128xf32, #tpu.memory_space<hbm>> -> memref<100000x128xf32, #tpu.memory_space<hbm>>
      tpu.enqueue_indirect_dma source(%dma_start3A_463 : memref<100000x128xf32, #tpu.memory_space<hbm>>) target(%arg9 : memref<256x128xf32, #tpu.memory_space<vmem>>) offsets(%dma_start3A_460 : memref<256xi32, #tpu.memory_space<vmem>>) semaphore(%arg13 : memref<!tpu.dma_semaphore, #tpu.memory_space<semaphore_mem>>)
      %scan3A_464 = arith.constant 0 : i32
      %scan3A_465 = arith.constant 0 : i32
      %scan3A_466 = arith.constant 128 : i32
      %scan3A_467 = arith.addi %scan3A_465, %scan3A_466 : i32
      %scan3A_468 = arith.constant 1 : i32
      scf.for %scan3A_478 = %scan3A_465 to %scan3A_467 step %scan3A_468  : i32 {
        %get3A = arith.index_cast %scan3A_478 : i32 to index
        %get3A_479 = arith.constant 0 : index
        %get3A_480 = tpu.vector_load %arg10[%get3A, %get3A_479] {strides = array<i32>} : memref<256x128xf32, #tpu.memory_space<vmem>>, vector<1x16xf32>,
        %get3A_481 = vector.shape_cast %get3A_480 : vector<1x16xf32> to vector<16xf32>
        %add3A_482 = arith.constant 128 : i32
        %add3A_483 = arith.addi %add3A_482, %scan3A_478 : i32
        %get3A_484 = arith.index_cast %add3A_483 : i32 to index
        %get3A_485 = arith.constant 0 : index
        %get3A_486 = tpu.vector_load %arg10[%get3A_484, %get3A_485] {strides = array<i32>} : memref<256x128xf32, #tpu.memory_space<vmem>>, vector<1x16xf32>,
        %get3A_487 = vector.shape_cast %get3A_486 : vector<1x16xf32> to vector<16xf32>
        %add3A_488 = arith.addf %get3A_481, %get3A_487 : vector<16xf32>
        %get3A_489 = arith.index_cast %scan3A_478 : i32 to index
        %get3A_490 = arith.constant 0 : index
        %get3A_491 = tpu.vector_load %arg12[%get3A_489, %get3A_490] {strides = array<i32>} : memref<128x128xf32, #tpu.memory_space<vmem>>, vector<1x16xf32>,
        %get3A_492 = vector.shape_cast %get3A_491 : vector<1x16xf32> to vector<16xf32>
        %add3A_493 = arith.addf %get3A_492, %add3A_488 : vector<16xf32>
        %swap3A = arith.index_cast %scan3A_478 : i32 to index
        %swap3A_494 = arith.constant 0 : index
        %swap3A_495 = tpu.vector_load %arg12[%swap3A, %swap3A_494] {strides = array<i32>} : memref<128x128xf32, #tpu.memory_space<vmem>>, vector<1x16xf32>,
        %swap3A_496 = vector.shape_cast %swap3A_495 : vector<1x16xf32> to vector<16xf32>
        %swap3A_497 = vector.shape_cast %add3A_493 : vector<16xf32> to vector<1x16xf32>
        tpu.vector_store %arg12[%swap3A, %swap3A_494], %swap3A_497 {strides = array<i32>} : memref<128x128xf32, #tpu.memory_space<vmem>>, vector<1x16xf32>,
        %get3A_498 = arith.index_cast %scan3A_478 : i32 to index
        %get3A_499 = arith.constant 16 : index
        %get3A_500 = tpu.vector_load %arg10[%get3A_498, %get3A_499] {strides = array<i32>} : memref<256x128xf32, #tpu.memory_space<vmem>>, vector<1x16xf32>,
        %get3A_501 = vector.shape_cast %get3A_500 : vector<1x16xf32> to vector<16xf32>
        %add3A_502 = arith.constant 128 : i32
        %add3A_503 = arith.addi %add3A_502, %scan3A_478 : i32
        %get3A_504 = arith.index_cast %add3A_503 : i32 to index
        %get3A_505 = arith.constant 16 : index
        %get3A_506 = tpu.vector_load %arg10[%get3A_504, %get3A_505] {strides = array<i32>} : memref<256x128xf32, #tpu.memory_space<vmem>>, vector<1x16xf32>,
        %get3A_507 = vector.shape_cast %get3A_506 : vector<1x16xf32> to vector<16xf32>
        %add3A_508 = arith.addf %get3A_501, %get3A_507 : vector<16xf32>
        %get3A_509 = arith.index_cast %scan3A_478 : i32 to index
        %get3A_510 = arith.constant 16 : index
        %get3A_511 = tpu.vector_load %arg12[%get3A_509, %get3A_510] {strides = array<i32>} : memref<128x128xf32, #tpu.memory_space<vmem>>, vector<1x16xf32>,
        %get3A_512 = vector.shape_cast %get3A_511 : vector<1x16xf32> to vector<16xf32>
        %add3A_513 = arith.addf %get3A_512, %add3A_508 : vector<16xf32>
        %swap3A_514 = arith.index_cast %scan3A_478 : i32 to index
        %swap3A_515 = arith.constant 16 : index
        %swap3A_516 = tpu.vector_load %arg12[%swap3A_514, %swap3A_515] {strides = array<i32>} : memref<128x128xf32, #tpu.memory_space<vmem>>, vector<1x16xf32>,
        %swap3A_517 = vector.shape_cast %swap3A_516 : vector<1x16xf32> to vector<16xf32>
        %swap3A_518 = vector.shape_cast %add3A_513 : vector<16xf32> to vector<1x16xf32>
        tpu.vector_store %arg12[%swap3A_514, %swap3A_515], %swap3A_518 {strides = array<i32>} : memref<128x128xf32, #tpu.memory_space<vmem>>, vector<1x16xf32>,
        %get3A_519 = arith.index_cast %scan3A_478 : i32 to index
        %get3A_520 = arith.constant 32 : index
        %get3A_521 = tpu.vector_load %arg10[%get3A_519, %get3A_520] {strides = array<i32>} : memref<256x128xf32, #tpu.memory_space<vmem>>, vector<1x16xf32>,
        %get3A_522 = vector.shape_cast %get3A_521 : vector<1x16xf32> to vector<16xf32>
        %add3A_523 = arith.constant 128 : i32
        %add3A_524 = arith.addi %add3A_523, %scan3A_478 : i32
        %get3A_525 = arith.index_cast %add3A_524 : i32 to index
        %get3A_526 = arith.constant 32 : index
        %get3A_527 = tpu.vector_load %arg10[%get3A_525, %get3A_526] {strides = array<i32>} : memref<256x128xf32, #tpu.memory_space<vmem>>, vector<1x16xf32>,
        %get3A_528 = vector.shape_cast %get3A_527 : vector<1x16xf32> to vector<16xf32>
        %add3A_529 = arith.addf %get3A_522, %get3A_528 : vector<16xf32>
        %get3A_530 = arith.index_cast %scan3A_478 : i32 to index
        %get3A_531 = arith.constant 32 : index
        %get3A_532 = tpu.vector_load %arg12[%get3A_530, %get3A_531] {strides = array<i32>} : memref<128x128xf32, #tpu.memory_space<vmem>>, vector<1x16xf32>,
        %get3A_533 = vector.shape_cast %get3A_532 : vector<1x16xf32> to vector<16xf32>
        %add3A_534 = arith.addf %get3A_533, %add3A_529 : vector<16xf32>
        %swap3A_535 = arith.index_cast %scan3A_478 : i32 to index
        %swap3A_536 = arith.constant 32 : index
        %swap3A_537 = tpu.vector_load %arg12[%swap3A_535, %swap3A_536] {strides = array<i32>} : memref<128x128xf32, #tpu.memory_space<vmem>>, vector<1x16xf32>,
        %swap3A_538 = vector.shape_cast %swap3A_537 : vector<1x16xf32> to vector<16xf32>
        %swap3A_539 = vector.shape_cast %add3A_534 : vector<16xf32> to vector<1x16xf32>
        tpu.vector_store %arg12[%swap3A_535, %swap3A_536], %swap3A_539 {strides = array<i32>} : memref<128x128xf32, #tpu.memory_space<vmem>>, vector<1x16xf32>,
        %get3A_540 = arith.index_cast %scan3A_478 : i32 to index
        %get3A_541 = arith.constant 48 : index
        %get3A_542 = tpu.vector_load %arg10[%get3A_540, %get3A_541] {strides = array<i32>} : memref<256x128xf32, #tpu.memory_space<vmem>>, vector<1x16xf32>,
        %get3A_543 = vector.shape_cast %get3A_542 : vector<1x16xf32> to vector<16xf32>
        %add3A_544 = arith.constant 128 : i32
        %add3A_545 = arith.addi %add3A_544, %scan3A_478 : i32
        %get3A_546 = arith.index_cast %add3A_545 : i32 to index
        %get3A_547 = arith.constant 48 : index
        %get3A_548 = tpu.vector_load %arg10[%get3A_546, %get3A_547] {strides = array<i32>} : memref<256x128xf32, #tpu.memory_space<vmem>>, vector<1x16xf32>,
        %get3A_549 = vector.shape_cast %get3A_548 : vector<1x16xf32> to vector<16xf32>
        %add3A_550 = arith.addf %get3A_543, %get3A_549 : vector<16xf32>
        %get3A_551 = arith.index_cast %scan3A_478 : i32 to index
        %get3A_552 = arith.constant 48 : index
        %get3A_553 = tpu.vector_load %arg12[%get3A_551, %get3A_552] {strides = array<i32>} : memref<128x128xf32, #tpu.memory_space<vmem>>, vector<1x16xf32>,
        %get3A_554 = vector.shape_cast %get3A_553 : vector<1x16xf32> to vector<16xf32>
        %add3A_555 = arith.addf %get3A_554, %add3A_550 : vector<16xf32>
        %swap3A_556 = arith.index_cast %scan3A_478 : i32 to index
        %swap3A_557 = arith.constant 48 : index
        %swap3A_558 = tpu.vector_load %arg12[%swap3A_556, %swap3A_557] {strides = array<i32>} : memref<128x128xf32, #tpu.memory_space<vmem>>, vector<1x16xf32>,
        %swap3A_559 = vector.shape_cast %swap3A_558 : vector<1x16xf32> to vector<16xf32>
        %swap3A_560 = vector.shape_cast %add3A_555 : vector<16xf32> to vector<1x16xf32>
        tpu.vector_store %arg12[%swap3A_556, %swap3A_557], %swap3A_560 {strides = array<i32>} : memref<128x128xf32, #tpu.memory_space<vmem>>, vector<1x16xf32>,
        %get3A_561 = arith.index_cast %scan3A_478 : i32 to index
        %get3A_562 = arith.constant 64 : index
        %get3A_563 = tpu.vector_load %arg10[%get3A_561, %get3A_562] {strides = array<i32>} : memref<256x128xf32, #tpu.memory_space<vmem>>, vector<1x16xf32>,
        %get3A_564 = vector.shape_cast %get3A_563 : vector<1x16xf32> to vector<16xf32>
        %add3A_565 = arith.constant 128 : i32
        %add3A_566 = arith.addi %add3A_565, %scan3A_478 : i32
        %get3A_567 = arith.index_cast %add3A_566 : i32 to index
        %get3A_568 = arith.constant 64 : index
        %get3A_569 = tpu.vector_load %arg10[%get3A_567, %get3A_568] {strides = array<i32>} : memref<256x128xf32, #tpu.memory_space<vmem>>, vector<1x16xf32>,
        %get3A_570 = vector.shape_cast %get3A_569 : vector<1x16xf32> to vector<16xf32>
        %add3A_571 = arith.addf %get3A_564, %get3A_570 : vector<16xf32>
        %get3A_572 = arith.index_cast %scan3A_478 : i32 to index
        %get3A_573 = arith.constant 64 : index
        %get3A_574 = tpu.vector_load %arg12[%get3A_572, %get3A_573] {strides = array<i32>} : memref<128x128xf32, #tpu.memory_space<vmem>>, vector<1x16xf32>,
        %get3A_575 = vector.shape_cast %get3A_574 : vector<1x16xf32> to vector<16xf32>
        %add3A_576 = arith.addf %get3A_575, %add3A_571 : vector<16xf32>
        %swap3A_577 = arith.index_cast %scan3A_478 : i32 to index
        %swap3A_578 = arith.constant 64 : index
        %swap3A_579 = tpu.vector_load %arg12[%swap3A_577, %swap3A_578] {strides = array<i32>} : memref<128x128xf32, #tpu.memory_space<vmem>>, vector<1x16xf32>,
        %swap3A_580 = vector.shape_cast %swap3A_579 : vector<1x16xf32> to vector<16xf32>
        %swap3A_581 = vector.shape_cast %add3A_576 : vector<16xf32> to vector<1x16xf32>
        tpu.vector_store %arg12[%swap3A_577, %swap3A_578], %swap3A_581 {strides = array<i32>} : memref<128x128xf32, #tpu.memory_space<vmem>>, vector<1x16xf32>,
        %get3A_582 = arith.index_cast %scan3A_478 : i32 to index
        %get3A_583 = arith.constant 80 : index
        %get3A_584 = tpu.vector_load %arg10[%get3A_582, %get3A_583] {strides = array<i32>} : memref<256x128xf32, #tpu.memory_space<vmem>>, vector<1x16xf32>,
        %get3A_585 = vector.shape_cast %get3A_584 : vector<1x16xf32> to vector<16xf32>
        %add3A_586 = arith.constant 128 : i32
        %add3A_587 = arith.addi %add3A_586, %scan3A_478 : i32
        %get3A_588 = arith.index_cast %add3A_587 : i32 to index
        %get3A_589 = arith.constant 80 : index
        %get3A_590 = tpu.vector_load %arg10[%get3A_588, %get3A_589] {strides = array<i32>} : memref<256x128xf32, #tpu.memory_space<vmem>>, vector<1x16xf32>,
        %get3A_591 = vector.shape_cast %get3A_590 : vector<1x16xf32> to vector<16xf32>
        %add3A_592 = arith.addf %get3A_585, %get3A_591 : vector<16xf32>
        %get3A_593 = arith.index_cast %scan3A_478 : i32 to index
        %get3A_594 = arith.constant 80 : index
        %get3A_595 = tpu.vector_load %arg12[%get3A_593, %get3A_594] {strides = array<i32>} : memref<128x128xf32, #tpu.memory_space<vmem>>, vector<1x16xf32>,
        %get3A_596 = vector.shape_cast %get3A_595 : vector<1x16xf32> to vector<16xf32>
        %add3A_597 = arith.addf %get3A_596, %add3A_592 : vector<16xf32>
        %swap3A_598 = arith.index_cast %scan3A_478 : i32 to index
        %swap3A_599 = arith.constant 80 : index
        %swap3A_600 = tpu.vector_load %arg12[%swap3A_598, %swap3A_599] {strides = array<i32>} : memref<128x128xf32, #tpu.memory_space<vmem>>, vector<1x16xf32>,
        %swap3A_601 = vector.shape_cast %swap3A_600 : vector<1x16xf32> to vector<16xf32>
        %swap3A_602 = vector.shape_cast %add3A_597 : vector<16xf32> to vector<1x16xf32>
        tpu.vector_store %arg12[%swap3A_598, %swap3A_599], %swap3A_602 {strides = array<i32>} : memref<128x128xf32, #tpu.memory_space<vmem>>, vector<1x16xf32>,
        %get3A_603 = arith.index_cast %scan3A_478 : i32 to index
        %get3A_604 = arith.constant 96 : index
        %get3A_605 = tpu.vector_load %arg10[%get3A_603, %get3A_604] {strides = array<i32>} : memref<256x128xf32, #tpu.memory_space<vmem>>, vector<1x16xf32>,
        %get3A_606 = vector.shape_cast %get3A_605 : vector<1x16xf32> to vector<16xf32>
        %add3A_607 = arith.constant 128 : i32
        %add3A_608 = arith.addi %add3A_607, %scan3A_478 : i32
        %get3A_609 = arith.index_cast %add3A_608 : i32 to index
        %get3A_610 = arith.constant 96 : index
        %get3A_611 = tpu.vector_load %arg10[%get3A_609, %get3A_610] {strides = array<i32>} : memref<256x128xf32, #tpu.memory_space<vmem>>, vector<1x16xf32>,
        %get3A_612 = vector.shape_cast %get3A_611 : vector<1x16xf32> to vector<16xf32>
        %add3A_613 = arith.addf %get3A_606, %get3A_612 : vector<16xf32>
        %get3A_614 = arith.index_cast %scan3A_478 : i32 to index
        %get3A_615 = arith.constant 96 : index
        %get3A_616 = tpu.vector_load %arg12[%get3A_614, %get3A_615] {strides = array<i32>} : memref<128x128xf32, #tpu.memory_space<vmem>>, vector<1x16xf32>,
        %get3A_617 = vector.shape_cast %get3A_616 : vector<1x16xf32> to vector<16xf32>
        %add3A_618 = arith.addf %get3A_617, %add3A_613 : vector<16xf32>
        %swap3A_619 = arith.index_cast %scan3A_478 : i32 to index
        %swap3A_620 = arith.constant 96 : index
        %swap3A_621 = tpu.vector_load %arg12[%swap3A_619, %swap3A_620] {strides = array<i32>} : memref<128x128xf32, #tpu.memory_space<vmem>>, vector<1x16xf32>,
        %swap3A_622 = vector.shape_cast %swap3A_621 : vector<1x16xf32> to vector<16xf32>
        %swap3A_623 = vector.shape_cast %add3A_618 : vector<16xf32> to vector<1x16xf32>
        tpu.vector_store %arg12[%swap3A_619, %swap3A_620], %swap3A_623 {strides = array<i32>} : memref<128x128xf32, #tpu.memory_space<vmem>>, vector<1x16xf32>,
        %get3A_624 = arith.index_cast %scan3A_478 : i32 to index
        %get3A_625 = arith.constant 112 : index
        %get3A_626 = tpu.vector_load %arg10[%get3A_624, %get3A_625] {strides = array<i32>} : memref<256x128xf32, #tpu.memory_space<vmem>>, vector<1x16xf32>,
        %get3A_627 = vector.shape_cast %get3A_626 : vector<1x16xf32> to vector<16xf32>
        %add3A_628 = arith.constant 128 : i32
        %add3A_629 = arith.addi %add3A_628, %scan3A_478 : i32
        %get3A_630 = arith.index_cast %add3A_629 : i32 to index
        %get3A_631 = arith.constant 112 : index
        %get3A_632 = tpu.vector_load %arg10[%get3A_630, %get3A_631] {strides = array<i32>} : memref<256x128xf32, #tpu.memory_space<vmem>>, vector<1x16xf32>,
        %get3A_633 = vector.shape_cast %get3A_632 : vector<1x16xf32> to vector<16xf32>
        %add3A_634 = arith.addf %get3A_627, %get3A_633 : vector<16xf32>
        %get3A_635 = arith.index_cast %scan3A_478 : i32 to index
        %get3A_636 = arith.constant 112 : index
        %get3A_637 = tpu.vector_load %arg12[%get3A_635, %get3A_636] {strides = array<i32>} : memref<128x128xf32, #tpu.memory_space<vmem>>, vector<1x16xf32>,
        %get3A_638 = vector.shape_cast %get3A_637 : vector<1x16xf32> to vector<16xf32>
        %add3A_639 = arith.addf %get3A_638, %add3A_634 : vector<16xf32>
        %swap3A_640 = arith.index_cast %scan3A_478 : i32 to index
        %swap3A_641 = arith.constant 112 : index
        %swap3A_642 = tpu.vector_load %arg12[%swap3A_640, %swap3A_641] {strides = array<i32>} : memref<128x128xf32, #tpu.memory_space<vmem>>, vector<1x16xf32>,
        %swap3A_643 = vector.shape_cast %swap3A_642 : vector<1x16xf32> to vector<16xf32>
        %swap3A_644 = vector.shape_cast %add3A_639 : vector<16xf32> to vector<1x16xf32>
        tpu.vector_store %arg12[%swap3A_640, %swap3A_641], %swap3A_644 {strides = array<i32>} : memref<128x128xf32, #tpu.memory_space<vmem>>, vector<1x16xf32>,
      }
      %scan3A_469 = arith.constant 128 : i32
      %add3A_470 = arith.constant 1 : i32
      %add3A_471 = arith.addi %add3A_236, %add3A_470 : i32
      %mul3A_472 = arith.constant 128 : i32
      %mul3A_473 = arith.muli %add3A_471, %mul3A_472 : i32
      %dma_start3A_474 = arith.constant 0 : i32
      %dma_start3A_475 = tpu.memref_slice %arg6[%mul3A_473, %dma_start3A_474] : memref<61440x128xf32, #tpu.memory_space<hbm>> -> memref<128x128xf32, #tpu.memory_space<hbm>>
      %dma_start3A_476 = arith.constant 0 : i32
      %dma_start3A_477 = tpu.memref_slice %arg6[%mul3A_473, %dma_start3A_476] : memref<61440x128xf32, #tpu.memory_space<hbm>> -> memref<128x128xf32, #tpu.memory_space<hbm>>
      tpu.enqueue_dma source(%arg12 : memref<128x128xf32, #tpu.memory_space<vmem>>) target(%dma_start3A_477 : memref<128x128xf32, #tpu.memory_space<hbm>>) target_semaphore(%arg16 : memref<!tpu.dma_semaphore, #tpu.memory_space<semaphore_mem>>)
    }
    %scan3A_9 = arith.constant 7 : i32
    %mul3A_10 = arith.constant 15 : i32
    %mul3A_11 = arith.muli %add3A, %mul3A_10 : i32
    %add3A_12 = arith.constant 14 : i32
    %add3A_13 = arith.addi %mul3A_11, %add3A_12 : i32
    %dma_wait3A = arith.constant 0 : i32
    %dma_wait3A_14 = arith.constant 0 : i32
    %dma_wait3A_15 = tpu.memref_slice %arg4[%dma_wait3A, %dma_wait3A_14] : memref<100000x128xf32, #tpu.memory_space<hbm>> -> memref<256x128xf32, #tpu.memory_space<hbm>>
    %dma_wait3A_16 = arith.constant 0 : i32
    %dma_wait3A_17 = arith.constant 0 : i32
    %dma_wait3A_18 = tpu.memref_slice %arg4[%dma_wait3A_16, %dma_wait3A_17] : memref<100000x128xf32, #tpu.memory_space<hbm>> -> memref<256x128xf32, #tpu.memory_space<hbm>>
    tpu.wait_dma2 semaphore(%arg13 : memref<!tpu.dma_semaphore, #tpu.memory_space<semaphore_mem>>) src(%dma_wait3A_18 : memref<256x128xf32, #tpu.memory_space<hbm>>) dst(%arg9 : memref<256x128xf32, #tpu.memory_space<vmem>>)
    %dma_start3A_19 = arith.constant 18176 : i32
    %dma_start3A_20 = tpu.memref_slice %arg7[%dma_start3A_19] : memref<19200xi32, #tpu.memory_space<vmem>> -> memref<256xi32, #tpu.memory_space<vmem>>
    %dma_start3A_21 = arith.constant 0 : i32
    %dma_start3A_22 = arith.constant 0 : i32
    %dma_start3A_23 = tpu.memref_slice %arg4[%dma_start3A_21, %dma_start3A_22] : memref<100000x128xf32, #tpu.memory_space<hbm>> -> memref<100000x128xf32, #tpu.memory_space<hbm>>
    tpu.enqueue_indirect_dma source(%dma_start3A_23 : memref<100000x128xf32, #tpu.memory_space<hbm>>) target(%arg10 : memref<256x128xf32, #tpu.memory_space<vmem>>) offsets(%dma_start3A_20 : memref<256xi32, #tpu.memory_space<vmem>>) semaphore(%arg14 : memref<!tpu.dma_semaphore, #tpu.memory_space<semaphore_mem>>)
    %dma_wait3A_24 = arith.constant 0 : i32
    %dma_wait3A_25 = arith.constant 0 : i32
    %dma_wait3A_26 = tpu.memref_slice %arg4[%dma_wait3A_24, %dma_wait3A_25] : memref<100000x128xf32, #tpu.memory_space<hbm>> -> memref<128x128xf32, #tpu.memory_space<hbm>>
    %dma_wait3A_27 = arith.constant 0 : i32
    %dma_wait3A_28 = arith.constant 0 : i32
    %dma_wait3A_29 = tpu.memref_slice %arg4[%dma_wait3A_27, %dma_wait3A_28] : memref<100000x128xf32, #tpu.memory_space<hbm>> -> memref<128x128xf32, #tpu.memory_space<hbm>>
    tpu.wait_dma2 semaphore(%arg15 : memref<!tpu.dma_semaphore, #tpu.memory_space<semaphore_mem>>) src(%dma_wait3A_29 : memref<128x128xf32, #tpu.memory_space<hbm>>) dst(%arg11 : memref<128x128xf32, #tpu.memory_space<vmem>>)
    %scan3A_30 = arith.constant 0 : i32
    %scan3A_31 = arith.constant 0 : i32
    %scan3A_32 = arith.constant 128 : i32
    %scan3A_33 = arith.addi %scan3A_31, %scan3A_32 : i32
    %scan3A_34 = arith.constant 1 : i32
    scf.for %scan3A_227 = %scan3A_31 to %scan3A_33 step %scan3A_34  : i32 {
      %get3A = arith.index_cast %scan3A_227 : i32 to index
      %get3A_228 = arith.constant 0 : index
      %get3A_229 = tpu.vector_load %arg9[%get3A, %get3A_228] {strides = array<i32>} : memref<256x128xf32, #tpu.memory_space<vmem>>, vector<1x16xf32>,
      %get3A_230 = vector.shape_cast %get3A_229 : vector<1x16xf32> to vector<16xf32>
      %add3A_231 = arith.constant 128 : i32
      %add3A_232 = arith.addi %add3A_231, %scan3A_227 : i32
      %get3A_233 = arith.index_cast %add3A_232 : i32 to index
      %get3A_234 = arith.constant 0 : index
      %get3A_235 = tpu.vector_load %arg9[%get3A_233, %get3A_234] {strides = array<i32>} : memref<256x128xf32, #tpu.memory_space<vmem>>, vector<1x16xf32>,
      %get3A_236 = vector.shape_cast %get3A_235 : vector<1x16xf32> to vector<16xf32>
      %add3A_237 = arith.addf %get3A_230, %get3A_236 : vector<16xf32>
      %swap3A = arith.index_cast %scan3A_227 : i32 to index
      %swap3A_238 = arith.constant 0 : index
      %swap3A_239 = tpu.vector_load %arg11[%swap3A, %swap3A_238] {strides = array<i32>} : memref<128x128xf32, #tpu.memory_space<vmem>>, vector<1x16xf32>,
      %swap3A_240 = vector.shape_cast %swap3A_239 : vector<1x16xf32> to vector<16xf32>
      %swap3A_241 = vector.shape_cast %add3A_237 : vector<16xf32> to vector<1x16xf32>
      tpu.vector_store %arg11[%swap3A, %swap3A_238], %swap3A_241 {strides = array<i32>} : memref<128x128xf32, #tpu.memory_space<vmem>>, vector<1x16xf32>,
      %get3A_242 = arith.index_cast %scan3A_227 : i32 to index
      %get3A_243 = arith.constant 16 : index
      %get3A_244 = tpu.vector_load %arg9[%get3A_242, %get3A_243] {strides = array<i32>} : memref<256x128xf32, #tpu.memory_space<vmem>>, vector<1x16xf32>,
      %get3A_245 = vector.shape_cast %get3A_244 : vector<1x16xf32> to vector<16xf32>
      %add3A_246 = arith.constant 128 : i32
      %add3A_247 = arith.addi %add3A_246, %scan3A_227 : i32
      %get3A_248 = arith.index_cast %add3A_247 : i32 to index
      %get3A_249 = arith.constant 16 : index
      %get3A_250 = tpu.vector_load %arg9[%get3A_248, %get3A_249] {strides = array<i32>} : memref<256x128xf32, #tpu.memory_space<vmem>>, vector<1x16xf32>,
      %get3A_251 = vector.shape_cast %get3A_250 : vector<1x16xf32> to vector<16xf32>
      %add3A_252 = arith.addf %get3A_245, %get3A_251 : vector<16xf32>
      %swap3A_253 = arith.index_cast %scan3A_227 : i32 to index
      %swap3A_254 = arith.constant 16 : index
      %swap3A_255 = tpu.vector_load %arg11[%swap3A_253, %swap3A_254] {strides = array<i32>} : memref<128x128xf32, #tpu.memory_space<vmem>>, vector<1x16xf32>,
      %swap3A_256 = vector.shape_cast %swap3A_255 : vector<1x16xf32> to vector<16xf32>
      %swap3A_257 = vector.shape_cast %add3A_252 : vector<16xf32> to vector<1x16xf32>
      tpu.vector_store %arg11[%swap3A_253, %swap3A_254], %swap3A_257 {strides = array<i32>} : memref<128x128xf32, #tpu.memory_space<vmem>>, vector<1x16xf32>,
      %get3A_258 = arith.index_cast %scan3A_227 : i32 to index
      %get3A_259 = arith.constant 32 : index
      %get3A_260 = tpu.vector_load %arg9[%get3A_258, %get3A_259] {strides = array<i32>} : memref<256x128xf32, #tpu.memory_space<vmem>>, vector<1x16xf32>,
      %get3A_261 = vector.shape_cast %get3A_260 : vector<1x16xf32> to vector<16xf32>
      %add3A_262 = arith.constant 128 : i32
      %add3A_263 = arith.addi %add3A_262, %scan3A_227 : i32
      %get3A_264 = arith.index_cast %add3A_263 : i32 to index
      %get3A_265 = arith.constant 32 : index
      %get3A_266 = tpu.vector_load %arg9[%get3A_264, %get3A_265] {strides = array<i32>} : memref<256x128xf32, #tpu.memory_space<vmem>>, vector<1x16xf32>,
      %get3A_267 = vector.shape_cast %get3A_266 : vector<1x16xf32> to vector<16xf32>
      %add3A_268 = arith.addf %get3A_261, %get3A_267 : vector<16xf32>
      %swap3A_269 = arith.index_cast %scan3A_227 : i32 to index
      %swap3A_270 = arith.constant 32 : index
      %swap3A_271 = tpu.vector_load %arg11[%swap3A_269, %swap3A_270] {strides = array<i32>} : memref<128x128xf32, #tpu.memory_space<vmem>>, vector<1x16xf32>,
      %swap3A_272 = vector.shape_cast %swap3A_271 : vector<1x16xf32> to vector<16xf32>
      %swap3A_273 = vector.shape_cast %add3A_268 : vector<16xf32> to vector<1x16xf32>
      tpu.vector_store %arg11[%swap3A_269, %swap3A_270], %swap3A_273 {strides = array<i32>} : memref<128x128xf32, #tpu.memory_space<vmem>>, vector<1x16xf32>,
      %get3A_274 = arith.index_cast %scan3A_227 : i32 to index
      %get3A_275 = arith.constant 48 : index
      %get3A_276 = tpu.vector_load %arg9[%get3A_274, %get3A_275] {strides = array<i32>} : memref<256x128xf32, #tpu.memory_space<vmem>>, vector<1x16xf32>,
      %get3A_277 = vector.shape_cast %get3A_276 : vector<1x16xf32> to vector<16xf32>
      %add3A_278 = arith.constant 128 : i32
      %add3A_279 = arith.addi %add3A_278, %scan3A_227 : i32
      %get3A_280 = arith.index_cast %add3A_279 : i32 to index
      %get3A_281 = arith.constant 48 : index
      %get3A_282 = tpu.vector_load %arg9[%get3A_280, %get3A_281] {strides = array<i32>} : memref<256x128xf32, #tpu.memory_space<vmem>>, vector<1x16xf32>,
      %get3A_283 = vector.shape_cast %get3A_282 : vector<1x16xf32> to vector<16xf32>
      %add3A_284 = arith.addf %get3A_277, %get3A_283 : vector<16xf32>
      %swap3A_285 = arith.index_cast %scan3A_227 : i32 to index
      %swap3A_286 = arith.constant 48 : index
      %swap3A_287 = tpu.vector_load %arg11[%swap3A_285, %swap3A_286] {strides = array<i32>} : memref<128x128xf32, #tpu.memory_space<vmem>>, vector<1x16xf32>,
      %swap3A_288 = vector.shape_cast %swap3A_287 : vector<1x16xf32> to vector<16xf32>
      %swap3A_289 = vector.shape_cast %add3A_284 : vector<16xf32> to vector<1x16xf32>
      tpu.vector_store %arg11[%swap3A_285, %swap3A_286], %swap3A_289 {strides = array<i32>} : memref<128x128xf32, #tpu.memory_space<vmem>>, vector<1x16xf32>,
      %get3A_290 = arith.index_cast %scan3A_227 : i32 to index
      %get3A_291 = arith.constant 64 : index
      %get3A_292 = tpu.vector_load %arg9[%get3A_290, %get3A_291] {strides = array<i32>} : memref<256x128xf32, #tpu.memory_space<vmem>>, vector<1x16xf32>,
      %get3A_293 = vector.shape_cast %get3A_292 : vector<1x16xf32> to vector<16xf32>
      %add3A_294 = arith.constant 128 : i32
      %add3A_295 = arith.addi %add3A_294, %scan3A_227 : i32
      %get3A_296 = arith.index_cast %add3A_295 : i32 to index
      %get3A_297 = arith.constant 64 : index
      %get3A_298 = tpu.vector_load %arg9[%get3A_296, %get3A_297] {strides = array<i32>} : memref<256x128xf32, #tpu.memory_space<vmem>>, vector<1x16xf32>,
      %get3A_299 = vector.shape_cast %get3A_298 : vector<1x16xf32> to vector<16xf32>
      %add3A_300 = arith.addf %get3A_293, %get3A_299 : vector<16xf32>
      %swap3A_301 = arith.index_cast %scan3A_227 : i32 to index
      %swap3A_302 = arith.constant 64 : index
      %swap3A_303 = tpu.vector_load %arg11[%swap3A_301, %swap3A_302] {strides = array<i32>} : memref<128x128xf32, #tpu.memory_space<vmem>>, vector<1x16xf32>,
      %swap3A_304 = vector.shape_cast %swap3A_303 : vector<1x16xf32> to vector<16xf32>
      %swap3A_305 = vector.shape_cast %add3A_300 : vector<16xf32> to vector<1x16xf32>
      tpu.vector_store %arg11[%swap3A_301, %swap3A_302], %swap3A_305 {strides = array<i32>} : memref<128x128xf32, #tpu.memory_space<vmem>>, vector<1x16xf32>,
      %get3A_306 = arith.index_cast %scan3A_227 : i32 to index
      %get3A_307 = arith.constant 80 : index
      %get3A_308 = tpu.vector_load %arg9[%get3A_306, %get3A_307] {strides = array<i32>} : memref<256x128xf32, #tpu.memory_space<vmem>>, vector<1x16xf32>,
      %get3A_309 = vector.shape_cast %get3A_308 : vector<1x16xf32> to vector<16xf32>
      %add3A_310 = arith.constant 128 : i32
      %add3A_311 = arith.addi %add3A_310, %scan3A_227 : i32
      %get3A_312 = arith.index_cast %add3A_311 : i32 to index
      %get3A_313 = arith.constant 80 : index
      %get3A_314 = tpu.vector_load %arg9[%get3A_312, %get3A_313] {strides = array<i32>} : memref<256x128xf32, #tpu.memory_space<vmem>>, vector<1x16xf32>,
      %get3A_315 = vector.shape_cast %get3A_314 : vector<1x16xf32> to vector<16xf32>
      %add3A_316 = arith.addf %get3A_309, %get3A_315 : vector<16xf32>
      %swap3A_317 = arith.index_cast %scan3A_227 : i32 to index
      %swap3A_318 = arith.constant 80 : index
      %swap3A_319 = tpu.vector_load %arg11[%swap3A_317, %swap3A_318] {strides = array<i32>} : memref<128x128xf32, #tpu.memory_space<vmem>>, vector<1x16xf32>,
      %swap3A_320 = vector.shape_cast %swap3A_319 : vector<1x16xf32> to vector<16xf32>
      %swap3A_321 = vector.shape_cast %add3A_316 : vector<16xf32> to vector<1x16xf32>
      tpu.vector_store %arg11[%swap3A_317, %swap3A_318], %swap3A_321 {strides = array<i32>} : memref<128x128xf32, #tpu.memory_space<vmem>>, vector<1x16xf32>,
      %get3A_322 = arith.index_cast %scan3A_227 : i32 to index
      %get3A_323 = arith.constant 96 : index
      %get3A_324 = tpu.vector_load %arg9[%get3A_322, %get3A_323] {strides = array<i32>} : memref<256x128xf32, #tpu.memory_space<vmem>>, vector<1x16xf32>,
      %get3A_325 = vector.shape_cast %get3A_324 : vector<1x16xf32> to vector<16xf32>
      %add3A_326 = arith.constant 128 : i32
      %add3A_327 = arith.addi %add3A_326, %scan3A_227 : i32
      %get3A_328 = arith.index_cast %add3A_327 : i32 to index
      %get3A_329 = arith.constant 96 : index
      %get3A_330 = tpu.vector_load %arg9[%get3A_328, %get3A_329] {strides = array<i32>} : memref<256x128xf32, #tpu.memory_space<vmem>>, vector<1x16xf32>,
      %get3A_331 = vector.shape_cast %get3A_330 : vector<1x16xf32> to vector<16xf32>
      %add3A_332 = arith.addf %get3A_325, %get3A_331 : vector<16xf32>
      %swap3A_333 = arith.index_cast %scan3A_227 : i32 to index
      %swap3A_334 = arith.constant 96 : index
      %swap3A_335 = tpu.vector_load %arg11[%swap3A_333, %swap3A_334] {strides = array<i32>} : memref<128x128xf32, #tpu.memory_space<vmem>>, vector<1x16xf32>,
      %swap3A_336 = vector.shape_cast %swap3A_335 : vector<1x16xf32> to vector<16xf32>
      %swap3A_337 = vector.shape_cast %add3A_332 : vector<16xf32> to vector<1x16xf32>
      tpu.vector_store %arg11[%swap3A_333, %swap3A_334], %swap3A_337 {strides = array<i32>} : memref<128x128xf32, #tpu.memory_space<vmem>>, vector<1x16xf32>,
      %get3A_338 = arith.index_cast %scan3A_227 : i32 to index
      %get3A_339 = arith.constant 112 : index
      %get3A_340 = tpu.vector_load %arg9[%get3A_338, %get3A_339] {strides = array<i32>} : memref<256x128xf32, #tpu.memory_space<vmem>>, vector<1x16xf32>,
      %get3A_341 = vector.shape_cast %get3A_340 : vector<1x16xf32> to vector<16xf32>
      %add3A_342 = arith.constant 128 : i32
      %add3A_343 = arith.addi %add3A_342, %scan3A_227 : i32
      %get3A_344 = arith.index_cast %add3A_343 : i32 to index
      %get3A_345 = arith.constant 112 : index
      %get3A_346 = tpu.vector_load %arg9[%get3A_344, %get3A_345] {strides = array<i32>} : memref<256x128xf32, #tpu.memory_space<vmem>>, vector<1x16xf32>,
      %get3A_347 = vector.shape_cast %get3A_346 : vector<1x16xf32> to vector<16xf32>
      %add3A_348 = arith.addf %get3A_341, %get3A_347 : vector<16xf32>
      %swap3A_349 = arith.index_cast %scan3A_227 : i32 to index
      %swap3A_350 = arith.constant 112 : index
      %swap3A_351 = tpu.vector_load %arg11[%swap3A_349, %swap3A_350] {strides = array<i32>} : memref<128x128xf32, #tpu.memory_space<vmem>>, vector<1x16xf32>,
      %swap3A_352 = vector.shape_cast %swap3A_351 : vector<1x16xf32> to vector<16xf32>
      %swap3A_353 = vector.shape_cast %add3A_348 : vector<16xf32> to vector<1x16xf32>
      tpu.vector_store %arg11[%swap3A_349, %swap3A_350], %swap3A_353 {strides = array<i32>} : memref<128x128xf32, #tpu.memory_space<vmem>>, vector<1x16xf32>,
    }
    %scan3A_35 = arith.constant 128 : i32
    %dma_wait3A_36 = arith.constant 0 : i32
    %dma_wait3A_37 = arith.constant 0 : i32
    %dma_wait3A_38 = tpu.memref_slice %arg4[%dma_wait3A_36, %dma_wait3A_37] : memref<100000x128xf32, #tpu.memory_space<hbm>> -> memref<256x128xf32, #tpu.memory_space<hbm>>
    %dma_wait3A_39 = arith.constant 0 : i32
    %dma_wait3A_40 = arith.constant 0 : i32
    %dma_wait3A_41 = tpu.memref_slice %arg4[%dma_wait3A_39, %dma_wait3A_40] : memref<100000x128xf32, #tpu.memory_space<hbm>> -> memref<256x128xf32, #tpu.memory_space<hbm>>
    tpu.wait_dma2 semaphore(%arg14 : memref<!tpu.dma_semaphore, #tpu.memory_space<semaphore_mem>>) src(%dma_wait3A_41 : memref<256x128xf32, #tpu.memory_space<hbm>>) dst(%arg10 : memref<256x128xf32, #tpu.memory_space<vmem>>)
    %dma_start3A_42 = arith.constant 18432 : i32
    %dma_start3A_43 = tpu.memref_slice %arg7[%dma_start3A_42] : memref<19200xi32, #tpu.memory_space<vmem>> -> memref<256xi32, #tpu.memory_space<vmem>>
    %dma_start3A_44 = arith.constant 0 : i32
    %dma_start3A_45 = arith.constant 0 : i32
    %dma_start3A_46 = tpu.memref_slice %arg4[%dma_start3A_44, %dma_start3A_45] : memref<100000x128xf32, #tpu.memory_space<hbm>> -> memref<100000x128xf32, #tpu.memory_space<hbm>>
    tpu.enqueue_indirect_dma source(%dma_start3A_46 : memref<100000x128xf32, #tpu.memory_space<hbm>>) target(%arg9 : memref<256x128xf32, #tpu.memory_space<vmem>>) offsets(%dma_start3A_43 : memref<256xi32, #tpu.memory_space<vmem>>) semaphore(%arg13 : memref<!tpu.dma_semaphore, #tpu.memory_space<semaphore_mem>>)
    %scan3A_47 = arith.constant 0 : i32
    %scan3A_48 = arith.constant 0 : i32
    %scan3A_49 = arith.constant 128 : i32
    %scan3A_50 = arith.addi %scan3A_48, %scan3A_49 : i32
    %scan3A_51 = arith.constant 1 : i32
    scf.for %scan3A_227 = %scan3A_48 to %scan3A_50 step %scan3A_51  : i32 {
      %get3A = arith.index_cast %scan3A_227 : i32 to index
      %get3A_228 = arith.constant 0 : index
      %get3A_229 = tpu.vector_load %arg10[%get3A, %get3A_228] {strides = array<i32>} : memref<256x128xf32, #tpu.memory_space<vmem>>, vector<1x16xf32>,
      %get3A_230 = vector.shape_cast %get3A_229 : vector<1x16xf32> to vector<16xf32>
      %add3A_231 = arith.constant 128 : i32
      %add3A_232 = arith.addi %add3A_231, %scan3A_227 : i32
      %get3A_233 = arith.index_cast %add3A_232 : i32 to index
      %get3A_234 = arith.constant 0 : index
      %get3A_235 = tpu.vector_load %arg10[%get3A_233, %get3A_234] {strides = array<i32>} : memref<256x128xf32, #tpu.memory_space<vmem>>, vector<1x16xf32>,
      %get3A_236 = vector.shape_cast %get3A_235 : vector<1x16xf32> to vector<16xf32>
      %add3A_237 = arith.addf %get3A_230, %get3A_236 : vector<16xf32>
      %get3A_238 = arith.index_cast %scan3A_227 : i32 to index
      %get3A_239 = arith.constant 0 : index
      %get3A_240 = tpu.vector_load %arg11[%get3A_238, %get3A_239] {strides = array<i32>} : memref<128x128xf32, #tpu.memory_space<vmem>>, vector<1x16xf32>,
      %get3A_241 = vector.shape_cast %get3A_240 : vector<1x16xf32> to vector<16xf32>
      %add3A_242 = arith.addf %get3A_241, %add3A_237 : vector<16xf32>
      %swap3A = arith.index_cast %scan3A_227 : i32 to index
      %swap3A_243 = arith.constant 0 : index
      %swap3A_244 = tpu.vector_load %arg11[%swap3A, %swap3A_243] {strides = array<i32>} : memref<128x128xf32, #tpu.memory_space<vmem>>, vector<1x16xf32>,
      %swap3A_245 = vector.shape_cast %swap3A_244 : vector<1x16xf32> to vector<16xf32>
      %swap3A_246 = vector.shape_cast %add3A_242 : vector<16xf32> to vector<1x16xf32>
      tpu.vector_store %arg11[%swap3A, %swap3A_243], %swap3A_246 {strides = array<i32>} : memref<128x128xf32, #tpu.memory_space<vmem>>, vector<1x16xf32>,
      %get3A_247 = arith.index_cast %scan3A_227 : i32 to index
      %get3A_248 = arith.constant 16 : index
      %get3A_249 = tpu.vector_load %arg10[%get3A_247, %get3A_248] {strides = array<i32>} : memref<256x128xf32, #tpu.memory_space<vmem>>, vector<1x16xf32>,
      %get3A_250 = vector.shape_cast %get3A_249 : vector<1x16xf32> to vector<16xf32>
      %add3A_251 = arith.constant 128 : i32
      %add3A_252 = arith.addi %add3A_251, %scan3A_227 : i32
      %get3A_253 = arith.index_cast %add3A_252 : i32 to index
      %get3A_254 = arith.constant 16 : index
      %get3A_255 = tpu.vector_load %arg10[%get3A_253, %get3A_254] {strides = array<i32>} : memref<256x128xf32, #tpu.memory_space<vmem>>, vector<1x16xf32>,
      %get3A_256 = vector.shape_cast %get3A_255 : vector<1x16xf32> to vector<16xf32>
      %add3A_257 = arith.addf %get3A_250, %get3A_256 : vector<16xf32>
      %get3A_258 = arith.index_cast %scan3A_227 : i32 to index
      %get3A_259 = arith.constant 16 : index
      %get3A_260 = tpu.vector_load %arg11[%get3A_258, %get3A_259] {strides = array<i32>} : memref<128x128xf32, #tpu.memory_space<vmem>>, vector<1x16xf32>,
      %get3A_261 = vector.shape_cast %get3A_260 : vector<1x16xf32> to vector<16xf32>
      %add3A_262 = arith.addf %get3A_261, %add3A_257 : vector<16xf32>
      %swap3A_263 = arith.index_cast %scan3A_227 : i32 to index
      %swap3A_264 = arith.constant 16 : index
      %swap3A_265 = tpu.vector_load %arg11[%swap3A_263, %swap3A_264] {strides = array<i32>} : memref<128x128xf32, #tpu.memory_space<vmem>>, vector<1x16xf32>,
      %swap3A_266 = vector.shape_cast %swap3A_265 : vector<1x16xf32> to vector<16xf32>
      %swap3A_267 = vector.shape_cast %add3A_262 : vector<16xf32> to vector<1x16xf32>
      tpu.vector_store %arg11[%swap3A_263, %swap3A_264], %swap3A_267 {strides = array<i32>} : memref<128x128xf32, #tpu.memory_space<vmem>>, vector<1x16xf32>,
      %get3A_268 = arith.index_cast %scan3A_227 : i32 to index
      %get3A_269 = arith.constant 32 : index
      %get3A_270 = tpu.vector_load %arg10[%get3A_268, %get3A_269] {strides = array<i32>} : memref<256x128xf32, #tpu.memory_space<vmem>>, vector<1x16xf32>,
      %get3A_271 = vector.shape_cast %get3A_270 : vector<1x16xf32> to vector<16xf32>
      %add3A_272 = arith.constant 128 : i32
      %add3A_273 = arith.addi %add3A_272, %scan3A_227 : i32
      %get3A_274 = arith.index_cast %add3A_273 : i32 to index
      %get3A_275 = arith.constant 32 : index
      %get3A_276 = tpu.vector_load %arg10[%get3A_274, %get3A_275] {strides = array<i32>} : memref<256x128xf32, #tpu.memory_space<vmem>>, vector<1x16xf32>,
      %get3A_277 = vector.shape_cast %get3A_276 : vector<1x16xf32> to vector<16xf32>
      %add3A_278 = arith.addf %get3A_271, %get3A_277 : vector<16xf32>
      %get3A_279 = arith.index_cast %scan3A_227 : i32 to index
      %get3A_280 = arith.constant 32 : index
      %get3A_281 = tpu.vector_load %arg11[%get3A_279, %get3A_280] {strides = array<i32>} : memref<128x128xf32, #tpu.memory_space<vmem>>, vector<1x16xf32>,
      %get3A_282 = vector.shape_cast %get3A_281 : vector<1x16xf32> to vector<16xf32>
      %add3A_283 = arith.addf %get3A_282, %add3A_278 : vector<16xf32>
      %swap3A_284 = arith.index_cast %scan3A_227 : i32 to index
      %swap3A_285 = arith.constant 32 : index
      %swap3A_286 = tpu.vector_load %arg11[%swap3A_284, %swap3A_285] {strides = array<i32>} : memref<128x128xf32, #tpu.memory_space<vmem>>, vector<1x16xf32>,
      %swap3A_287 = vector.shape_cast %swap3A_286 : vector<1x16xf32> to vector<16xf32>
      %swap3A_288 = vector.shape_cast %add3A_283 : vector<16xf32> to vector<1x16xf32>
      tpu.vector_store %arg11[%swap3A_284, %swap3A_285], %swap3A_288 {strides = array<i32>} : memref<128x128xf32, #tpu.memory_space<vmem>>, vector<1x16xf32>,
      %get3A_289 = arith.index_cast %scan3A_227 : i32 to index
      %get3A_290 = arith.constant 48 : index
      %get3A_291 = tpu.vector_load %arg10[%get3A_289, %get3A_290] {strides = array<i32>} : memref<256x128xf32, #tpu.memory_space<vmem>>, vector<1x16xf32>,
      %get3A_292 = vector.shape_cast %get3A_291 : vector<1x16xf32> to vector<16xf32>
      %add3A_293 = arith.constant 128 : i32
      %add3A_294 = arith.addi %add3A_293, %scan3A_227 : i32
      %get3A_295 = arith.index_cast %add3A_294 : i32 to index
      %get3A_296 = arith.constant 48 : index
      %get3A_297 = tpu.vector_load %arg10[%get3A_295, %get3A_296] {strides = array<i32>} : memref<256x128xf32, #tpu.memory_space<vmem>>, vector<1x16xf32>,
      %get3A_298 = vector.shape_cast %get3A_297 : vector<1x16xf32> to vector<16xf32>
      %add3A_299 = arith.addf %get3A_292, %get3A_298 : vector<16xf32>
      %get3A_300 = arith.index_cast %scan3A_227 : i32 to index
      %get3A_301 = arith.constant 48 : index
      %get3A_302 = tpu.vector_load %arg11[%get3A_300, %get3A_301] {strides = array<i32>} : memref<128x128xf32, #tpu.memory_space<vmem>>, vector<1x16xf32>,
      %get3A_303 = vector.shape_cast %get3A_302 : vector<1x16xf32> to vector<16xf32>
      %add3A_304 = arith.addf %get3A_303, %add3A_299 : vector<16xf32>
      %swap3A_305 = arith.index_cast %scan3A_227 : i32 to index
      %swap3A_306 = arith.constant 48 : index
      %swap3A_307 = tpu.vector_load %arg11[%swap3A_305, %swap3A_306] {strides = array<i32>} : memref<128x128xf32, #tpu.memory_space<vmem>>, vector<1x16xf32>,
      %swap3A_308 = vector.shape_cast %swap3A_307 : vector<1x16xf32> to vector<16xf32>
      %swap3A_309 = vector.shape_cast %add3A_304 : vector<16xf32> to vector<1x16xf32>
      tpu.vector_store %arg11[%swap3A_305, %swap3A_306], %swap3A_309 {strides = array<i32>} : memref<128x128xf32, #tpu.memory_space<vmem>>, vector<1x16xf32>,
      %get3A_310 = arith.index_cast %scan3A_227 : i32 to index
      %get3A_311 = arith.constant 64 : index
      %get3A_312 = tpu.vector_load %arg10[%get3A_310, %get3A_311] {strides = array<i32>} : memref<256x128xf32, #tpu.memory_space<vmem>>, vector<1x16xf32>,
      %get3A_313 = vector.shape_cast %get3A_312 : vector<1x16xf32> to vector<16xf32>
      %add3A_314 = arith.constant 128 : i32
      %add3A_315 = arith.addi %add3A_314, %scan3A_227 : i32
      %get3A_316 = arith.index_cast %add3A_315 : i32 to index
      %get3A_317 = arith.constant 64 : index
      %get3A_318 = tpu.vector_load %arg10[%get3A_316, %get3A_317] {strides = array<i32>} : memref<256x128xf32, #tpu.memory_space<vmem>>, vector<1x16xf32>,
      %get3A_319 = vector.shape_cast %get3A_318 : vector<1x16xf32> to vector<16xf32>
      %add3A_320 = arith.addf %get3A_313, %get3A_319 : vector<16xf32>
      %get3A_321 = arith.index_cast %scan3A_227 : i32 to index
      %get3A_322 = arith.constant 64 : index
      %get3A_323 = tpu.vector_load %arg11[%get3A_321, %get3A_322] {strides = array<i32>} : memref<128x128xf32, #tpu.memory_space<vmem>>, vector<1x16xf32>,
      %get3A_324 = vector.shape_cast %get3A_323 : vector<1x16xf32> to vector<16xf32>
      %add3A_325 = arith.addf %get3A_324, %add3A_320 : vector<16xf32>
      %swap3A_326 = arith.index_cast %scan3A_227 : i32 to index
      %swap3A_327 = arith.constant 64 : index
      %swap3A_328 = tpu.vector_load %arg11[%swap3A_326, %swap3A_327] {strides = array<i32>} : memref<128x128xf32, #tpu.memory_space<vmem>>, vector<1x16xf32>,
      %swap3A_329 = vector.shape_cast %swap3A_328 : vector<1x16xf32> to vector<16xf32>
      %swap3A_330 = vector.shape_cast %add3A_325 : vector<16xf32> to vector<1x16xf32>
      tpu.vector_store %arg11[%swap3A_326, %swap3A_327], %swap3A_330 {strides = array<i32>} : memref<128x128xf32, #tpu.memory_space<vmem>>, vector<1x16xf32>,
      %get3A_331 = arith.index_cast %scan3A_227 : i32 to index
      %get3A_332 = arith.constant 80 : index
      %get3A_333 = tpu.vector_load %arg10[%get3A_331, %get3A_332] {strides = array<i32>} : memref<256x128xf32, #tpu.memory_space<vmem>>, vector<1x16xf32>,
      %get3A_334 = vector.shape_cast %get3A_333 : vector<1x16xf32> to vector<16xf32>
      %add3A_335 = arith.constant 128 : i32
      %add3A_336 = arith.addi %add3A_335, %scan3A_227 : i32
      %get3A_337 = arith.index_cast %add3A_336 : i32 to index
      %get3A_338 = arith.constant 80 : index
      %get3A_339 = tpu.vector_load %arg10[%get3A_337, %get3A_338] {strides = array<i32>} : memref<256x128xf32, #tpu.memory_space<vmem>>, vector<1x16xf32>,
      %get3A_340 = vector.shape_cast %get3A_339 : vector<1x16xf32> to vector<16xf32>
      %add3A_341 = arith.addf %get3A_334, %get3A_340 : vector<16xf32>
      %get3A_342 = arith.index_cast %scan3A_227 : i32 to index
      %get3A_343 = arith.constant 80 : index
      %get3A_344 = tpu.vector_load %arg11[%get3A_342, %get3A_343] {strides = array<i32>} : memref<128x128xf32, #tpu.memory_space<vmem>>, vector<1x16xf32>,
      %get3A_345 = vector.shape_cast %get3A_344 : vector<1x16xf32> to vector<16xf32>
      %add3A_346 = arith.addf %get3A_345, %add3A_341 : vector<16xf32>
      %swap3A_347 = arith.index_cast %scan3A_227 : i32 to index
      %swap3A_348 = arith.constant 80 : index
      %swap3A_349 = tpu.vector_load %arg11[%swap3A_347, %swap3A_348] {strides = array<i32>} : memref<128x128xf32, #tpu.memory_space<vmem>>, vector<1x16xf32>,
      %swap3A_350 = vector.shape_cast %swap3A_349 : vector<1x16xf32> to vector<16xf32>
      %swap3A_351 = vector.shape_cast %add3A_346 : vector<16xf32> to vector<1x16xf32>
      tpu.vector_store %arg11[%swap3A_347, %swap3A_348], %swap3A_351 {strides = array<i32>} : memref<128x128xf32, #tpu.memory_space<vmem>>, vector<1x16xf32>,
      %get3A_352 = arith.index_cast %scan3A_227 : i32 to index
      %get3A_353 = arith.constant 96 : index
      %get3A_354 = tpu.vector_load %arg10[%get3A_352, %get3A_353] {strides = array<i32>} : memref<256x128xf32, #tpu.memory_space<vmem>>, vector<1x16xf32>,
      %get3A_355 = vector.shape_cast %get3A_354 : vector<1x16xf32> to vector<16xf32>
      %add3A_356 = arith.constant 128 : i32
      %add3A_357 = arith.addi %add3A_356, %scan3A_227 : i32
      %get3A_358 = arith.index_cast %add3A_357 : i32 to index
      %get3A_359 = arith.constant 96 : index
      %get3A_360 = tpu.vector_load %arg10[%get3A_358, %get3A_359] {strides = array<i32>} : memref<256x128xf32, #tpu.memory_space<vmem>>, vector<1x16xf32>,
      %get3A_361 = vector.shape_cast %get3A_360 : vector<1x16xf32> to vector<16xf32>
      %add3A_362 = arith.addf %get3A_355, %get3A_361 : vector<16xf32>
      %get3A_363 = arith.index_cast %scan3A_227 : i32 to index
      %get3A_364 = arith.constant 96 : index
      %get3A_365 = tpu.vector_load %arg11[%get3A_363, %get3A_364] {strides = array<i32>} : memref<128x128xf32, #tpu.memory_space<vmem>>, vector<1x16xf32>,
      %get3A_366 = vector.shape_cast %get3A_365 : vector<1x16xf32> to vector<16xf32>
      %add3A_367 = arith.addf %get3A_366, %add3A_362 : vector<16xf32>
      %swap3A_368 = arith.index_cast %scan3A_227 : i32 to index
      %swap3A_369 = arith.constant 96 : index
      %swap3A_370 = tpu.vector_load %arg11[%swap3A_368, %swap3A_369] {strides = array<i32>} : memref<128x128xf32, #tpu.memory_space<vmem>>, vector<1x16xf32>,
      %swap3A_371 = vector.shape_cast %swap3A_370 : vector<1x16xf32> to vector<16xf32>
      %swap3A_372 = vector.shape_cast %add3A_367 : vector<16xf32> to vector<1x16xf32>
      tpu.vector_store %arg11[%swap3A_368, %swap3A_369], %swap3A_372 {strides = array<i32>} : memref<128x128xf32, #tpu.memory_space<vmem>>, vector<1x16xf32>,
      %get3A_373 = arith.index_cast %scan3A_227 : i32 to index
      %get3A_374 = arith.constant 112 : index
      %get3A_375 = tpu.vector_load %arg10[%get3A_373, %get3A_374] {strides = array<i32>} : memref<256x128xf32, #tpu.memory_space<vmem>>, vector<1x16xf32>,
      %get3A_376 = vector.shape_cast %get3A_375 : vector<1x16xf32> to vector<16xf32>
      %add3A_377 = arith.constant 128 : i32
      %add3A_378 = arith.addi %add3A_377, %scan3A_227 : i32
      %get3A_379 = arith.index_cast %add3A_378 : i32 to index
      %get3A_380 = arith.constant 112 : index
      %get3A_381 = tpu.vector_load %arg10[%get3A_379, %get3A_380] {strides = array<i32>} : memref<256x128xf32, #tpu.memory_space<vmem>>, vector<1x16xf32>,
      %get3A_382 = vector.shape_cast %get3A_381 : vector<1x16xf32> to vector<16xf32>
      %add3A_383 = arith.addf %get3A_376, %get3A_382 : vector<16xf32>
      %get3A_384 = arith.index_cast %scan3A_227 : i32 to index
      %get3A_385 = arith.constant 112 : index
      %get3A_386 = tpu.vector_load %arg11[%get3A_384, %get3A_385] {strides = array<i32>} : memref<128x128xf32, #tpu.memory_space<vmem>>, vector<1x16xf32>,
      %get3A_387 = vector.shape_cast %get3A_386 : vector<1x16xf32> to vector<16xf32>
      %add3A_388 = arith.addf %get3A_387, %add3A_383 : vector<16xf32>
      %swap3A_389 = arith.index_cast %scan3A_227 : i32 to index
      %swap3A_390 = arith.constant 112 : index
      %swap3A_391 = tpu.vector_load %arg11[%swap3A_389, %swap3A_390] {strides = array<i32>} : memref<128x128xf32, #tpu.memory_space<vmem>>, vector<1x16xf32>,
      %swap3A_392 = vector.shape_cast %swap3A_391 : vector<1x16xf32> to vector<16xf32>
      %swap3A_393 = vector.shape_cast %add3A_388 : vector<16xf32> to vector<1x16xf32>
      tpu.vector_store %arg11[%swap3A_389, %swap3A_390], %swap3A_393 {strides = array<i32>} : memref<128x128xf32, #tpu.memory_space<vmem>>, vector<1x16xf32>,
    }
    %scan3A_52 = arith.constant 128 : i32
    %dma_wait3A_53 = arith.constant 0 : i32
    %dma_wait3A_54 = arith.constant 0 : i32
    %dma_wait3A_55 = tpu.memref_slice %arg4[%dma_wait3A_53, %dma_wait3A_54] : memref<100000x128xf32, #tpu.memory_space<hbm>> -> memref<256x128xf32, #tpu.memory_space<hbm>>
    %dma_wait3A_56 = arith.constant 0 : i32
    %dma_wait3A_57 = arith.constant 0 : i32
    %dma_wait3A_58 = tpu.memref_slice %arg4[%dma_wait3A_56, %dma_wait3A_57] : memref<100000x128xf32, #tpu.memory_space<hbm>> -> memref<256x128xf32, #tpu.memory_space<hbm>>
    tpu.wait_dma2 semaphore(%arg13 : memref<!tpu.dma_semaphore, #tpu.memory_space<semaphore_mem>>) src(%dma_wait3A_58 : memref<256x128xf32, #tpu.memory_space<hbm>>) dst(%arg9 : memref<256x128xf32, #tpu.memory_space<vmem>>)
    %dma_start3A_59 = arith.constant 18688 : i32
    %dma_start3A_60 = tpu.memref_slice %arg7[%dma_start3A_59] : memref<19200xi32, #tpu.memory_space<vmem>> -> memref<256xi32, #tpu.memory_space<vmem>>
    %dma_start3A_61 = arith.constant 0 : i32
    %dma_start3A_62 = arith.constant 0 : i32
    %dma_start3A_63 = tpu.memref_slice %arg4[%dma_start3A_61, %dma_start3A_62] : memref<100000x128xf32, #tpu.memory_space<hbm>> -> memref<100000x128xf32, #tpu.memory_space<hbm>>
    tpu.enqueue_indirect_dma source(%dma_start3A_63 : memref<100000x128xf32, #tpu.memory_space<hbm>>) target(%arg10 : memref<256x128xf32, #tpu.memory_space<vmem>>) offsets(%dma_start3A_60 : memref<256xi32, #tpu.memory_space<vmem>>) semaphore(%arg14 : memref<!tpu.dma_semaphore, #tpu.memory_space<semaphore_mem>>)
    %scan3A_64 = arith.constant 0 : i32
    %scan3A_65 = arith.constant 0 : i32
    %scan3A_66 = arith.constant 128 : i32
    %scan3A_67 = arith.addi %scan3A_65, %scan3A_66 : i32
    %scan3A_68 = arith.constant 1 : i32
    scf.for %scan3A_227 = %scan3A_65 to %scan3A_67 step %scan3A_68  : i32 {
      %get3A = arith.index_cast %scan3A_227 : i32 to index
      %get3A_228 = arith.constant 0 : index
      %get3A_229 = tpu.vector_load %arg9[%get3A, %get3A_228] {strides = array<i32>} : memref<256x128xf32, #tpu.memory_space<vmem>>, vector<1x16xf32>,
      %get3A_230 = vector.shape_cast %get3A_229 : vector<1x16xf32> to vector<16xf32>
      %add3A_231 = arith.constant 128 : i32
      %add3A_232 = arith.addi %add3A_231, %scan3A_227 : i32
      %get3A_233 = arith.index_cast %add3A_232 : i32 to index
      %get3A_234 = arith.constant 0 : index
      %get3A_235 = tpu.vector_load %arg9[%get3A_233, %get3A_234] {strides = array<i32>} : memref<256x128xf32, #tpu.memory_space<vmem>>, vector<1x16xf32>,
      %get3A_236 = vector.shape_cast %get3A_235 : vector<1x16xf32> to vector<16xf32>
      %add3A_237 = arith.addf %get3A_230, %get3A_236 : vector<16xf32>
      %get3A_238 = arith.index_cast %scan3A_227 : i32 to index
      %get3A_239 = arith.constant 0 : index
      %get3A_240 = tpu.vector_load %arg11[%get3A_238, %get3A_239] {strides = array<i32>} : memref<128x128xf32, #tpu.memory_space<vmem>>, vector<1x16xf32>,
      %get3A_241 = vector.shape_cast %get3A_240 : vector<1x16xf32> to vector<16xf32>
      %add3A_242 = arith.addf %get3A_241, %add3A_237 : vector<16xf32>
      %swap3A = arith.index_cast %scan3A_227 : i32 to index
      %swap3A_243 = arith.constant 0 : index
      %swap3A_244 = tpu.vector_load %arg11[%swap3A, %swap3A_243] {strides = array<i32>} : memref<128x128xf32, #tpu.memory_space<vmem>>, vector<1x16xf32>,
      %swap3A_245 = vector.shape_cast %swap3A_244 : vector<1x16xf32> to vector<16xf32>
      %swap3A_246 = vector.shape_cast %add3A_242 : vector<16xf32> to vector<1x16xf32>
      tpu.vector_store %arg11[%swap3A, %swap3A_243], %swap3A_246 {strides = array<i32>} : memref<128x128xf32, #tpu.memory_space<vmem>>, vector<1x16xf32>,
      %get3A_247 = arith.index_cast %scan3A_227 : i32 to index
      %get3A_248 = arith.constant 16 : index
      %get3A_249 = tpu.vector_load %arg9[%get3A_247, %get3A_248] {strides = array<i32>} : memref<256x128xf32, #tpu.memory_space<vmem>>, vector<1x16xf32>,
      %get3A_250 = vector.shape_cast %get3A_249 : vector<1x16xf32> to vector<16xf32>
      %add3A_251 = arith.constant 128 : i32
      %add3A_252 = arith.addi %add3A_251, %scan3A_227 : i32
      %get3A_253 = arith.index_cast %add3A_252 : i32 to index
      %get3A_254 = arith.constant 16 : index
      %get3A_255 = tpu.vector_load %arg9[%get3A_253, %get3A_254] {strides = array<i32>} : memref<256x128xf32, #tpu.memory_space<vmem>>, vector<1x16xf32>,
      %get3A_256 = vector.shape_cast %get3A_255 : vector<1x16xf32> to vector<16xf32>
      %add3A_257 = arith.addf %get3A_250, %get3A_256 : vector<16xf32>
      %get3A_258 = arith.index_cast %scan3A_227 : i32 to index
      %get3A_259 = arith.constant 16 : index
      %get3A_260 = tpu.vector_load %arg11[%get3A_258, %get3A_259] {strides = array<i32>} : memref<128x128xf32, #tpu.memory_space<vmem>>, vector<1x16xf32>,
      %get3A_261 = vector.shape_cast %get3A_260 : vector<1x16xf32> to vector<16xf32>
      %add3A_262 = arith.addf %get3A_261, %add3A_257 : vector<16xf32>
      %swap3A_263 = arith.index_cast %scan3A_227 : i32 to index
      %swap3A_264 = arith.constant 16 : index
      %swap3A_265 = tpu.vector_load %arg11[%swap3A_263, %swap3A_264] {strides = array<i32>} : memref<128x128xf32, #tpu.memory_space<vmem>>, vector<1x16xf32>,
      %swap3A_266 = vector.shape_cast %swap3A_265 : vector<1x16xf32> to vector<16xf32>
      %swap3A_267 = vector.shape_cast %add3A_262 : vector<16xf32> to vector<1x16xf32>
      tpu.vector_store %arg11[%swap3A_263, %swap3A_264], %swap3A_267 {strides = array<i32>} : memref<128x128xf32, #tpu.memory_space<vmem>>, vector<1x16xf32>,
      %get3A_268 = arith.index_cast %scan3A_227 : i32 to index
      %get3A_269 = arith.constant 32 : index
      %get3A_270 = tpu.vector_load %arg9[%get3A_268, %get3A_269] {strides = array<i32>} : memref<256x128xf32, #tpu.memory_space<vmem>>, vector<1x16xf32>,
      %get3A_271 = vector.shape_cast %get3A_270 : vector<1x16xf32> to vector<16xf32>
      %add3A_272 = arith.constant 128 : i32
      %add3A_273 = arith.addi %add3A_272, %scan3A_227 : i32
      %get3A_274 = arith.index_cast %add3A_273 : i32 to index
      %get3A_275 = arith.constant 32 : index
      %get3A_276 = tpu.vector_load %arg9[%get3A_274, %get3A_275] {strides = array<i32>} : memref<256x128xf32, #tpu.memory_space<vmem>>, vector<1x16xf32>,
      %get3A_277 = vector.shape_cast %get3A_276 : vector<1x16xf32> to vector<16xf32>
      %add3A_278 = arith.addf %get3A_271, %get3A_277 : vector<16xf32>
      %get3A_279 = arith.index_cast %scan3A_227 : i32 to index
      %get3A_280 = arith.constant 32 : index
      %get3A_281 = tpu.vector_load %arg11[%get3A_279, %get3A_280] {strides = array<i32>} : memref<128x128xf32, #tpu.memory_space<vmem>>, vector<1x16xf32>,
      %get3A_282 = vector.shape_cast %get3A_281 : vector<1x16xf32> to vector<16xf32>
      %add3A_283 = arith.addf %get3A_282, %add3A_278 : vector<16xf32>
      %swap3A_284 = arith.index_cast %scan3A_227 : i32 to index
      %swap3A_285 = arith.constant 32 : index
      %swap3A_286 = tpu.vector_load %arg11[%swap3A_284, %swap3A_285] {strides = array<i32>} : memref<128x128xf32, #tpu.memory_space<vmem>>, vector<1x16xf32>,
      %swap3A_287 = vector.shape_cast %swap3A_286 : vector<1x16xf32> to vector<16xf32>
      %swap3A_288 = vector.shape_cast %add3A_283 : vector<16xf32> to vector<1x16xf32>
      tpu.vector_store %arg11[%swap3A_284, %swap3A_285], %swap3A_288 {strides = array<i32>} : memref<128x128xf32, #tpu.memory_space<vmem>>, vector<1x16xf32>,
      %get3A_289 = arith.index_cast %scan3A_227 : i32 to index
      %get3A_290 = arith.constant 48 : index
      %get3A_291 = tpu.vector_load %arg9[%get3A_289, %get3A_290] {strides = array<i32>} : memref<256x128xf32, #tpu.memory_space<vmem>>, vector<1x16xf32>,
      %get3A_292 = vector.shape_cast %get3A_291 : vector<1x16xf32> to vector<16xf32>
      %add3A_293 = arith.constant 128 : i32
      %add3A_294 = arith.addi %add3A_293, %scan3A_227 : i32
      %get3A_295 = arith.index_cast %add3A_294 : i32 to index
      %get3A_296 = arith.constant 48 : index
      %get3A_297 = tpu.vector_load %arg9[%get3A_295, %get3A_296] {strides = array<i32>} : memref<256x128xf32, #tpu.memory_space<vmem>>, vector<1x16xf32>,
      %get3A_298 = vector.shape_cast %get3A_297 : vector<1x16xf32> to vector<16xf32>
      %add3A_299 = arith.addf %get3A_292, %get3A_298 : vector<16xf32>
      %get3A_300 = arith.index_cast %scan3A_227 : i32 to index
      %get3A_301 = arith.constant 48 : index
      %get3A_302 = tpu.vector_load %arg11[%get3A_300, %get3A_301] {strides = array<i32>} : memref<128x128xf32, #tpu.memory_space<vmem>>, vector<1x16xf32>,
      %get3A_303 = vector.shape_cast %get3A_302 : vector<1x16xf32> to vector<16xf32>
      %add3A_304 = arith.addf %get3A_303, %add3A_299 : vector<16xf32>
      %swap3A_305 = arith.index_cast %scan3A_227 : i32 to index
      %swap3A_306 = arith.constant 48 : index
      %swap3A_307 = tpu.vector_load %arg11[%swap3A_305, %swap3A_306] {strides = array<i32>} : memref<128x128xf32, #tpu.memory_space<vmem>>, vector<1x16xf32>,
      %swap3A_308 = vector.shape_cast %swap3A_307 : vector<1x16xf32> to vector<16xf32>
      %swap3A_309 = vector.shape_cast %add3A_304 : vector<16xf32> to vector<1x16xf32>
      tpu.vector_store %arg11[%swap3A_305, %swap3A_306], %swap3A_309 {strides = array<i32>} : memref<128x128xf32, #tpu.memory_space<vmem>>, vector<1x16xf32>,
      %get3A_310 = arith.index_cast %scan3A_227 : i32 to index
      %get3A_311 = arith.constant 64 : index
      %get3A_312 = tpu.vector_load %arg9[%get3A_310, %get3A_311] {strides = array<i32>} : memref<256x128xf32, #tpu.memory_space<vmem>>, vector<1x16xf32>,
      %get3A_313 = vector.shape_cast %get3A_312 : vector<1x16xf32> to vector<16xf32>
      %add3A_314 = arith.constant 128 : i32
      %add3A_315 = arith.addi %add3A_314, %scan3A_227 : i32
      %get3A_316 = arith.index_cast %add3A_315 : i32 to index
      %get3A_317 = arith.constant 64 : index
      %get3A_318 = tpu.vector_load %arg9[%get3A_316, %get3A_317] {strides = array<i32>} : memref<256x128xf32, #tpu.memory_space<vmem>>, vector<1x16xf32>,
      %get3A_319 = vector.shape_cast %get3A_318 : vector<1x16xf32> to vector<16xf32>
      %add3A_320 = arith.addf %get3A_313, %get3A_319 : vector<16xf32>
      %get3A_321 = arith.index_cast %scan3A_227 : i32 to index
      %get3A_322 = arith.constant 64 : index
      %get3A_323 = tpu.vector_load %arg11[%get3A_321, %get3A_322] {strides = array<i32>} : memref<128x128xf32, #tpu.memory_space<vmem>>, vector<1x16xf32>,
      %get3A_324 = vector.shape_cast %get3A_323 : vector<1x16xf32> to vector<16xf32>
      %add3A_325 = arith.addf %get3A_324, %add3A_320 : vector<16xf32>
      %swap3A_326 = arith.index_cast %scan3A_227 : i32 to index
      %swap3A_327 = arith.constant 64 : index
      %swap3A_328 = tpu.vector_load %arg11[%swap3A_326, %swap3A_327] {strides = array<i32>} : memref<128x128xf32, #tpu.memory_space<vmem>>, vector<1x16xf32>,
      %swap3A_329 = vector.shape_cast %swap3A_328 : vector<1x16xf32> to vector<16xf32>
      %swap3A_330 = vector.shape_cast %add3A_325 : vector<16xf32> to vector<1x16xf32>
      tpu.vector_store %arg11[%swap3A_326, %swap3A_327], %swap3A_330 {strides = array<i32>} : memref<128x128xf32, #tpu.memory_space<vmem>>, vector<1x16xf32>,
      %get3A_331 = arith.index_cast %scan3A_227 : i32 to index
      %get3A_332 = arith.constant 80 : index
      %get3A_333 = tpu.vector_load %arg9[%get3A_331, %get3A_332] {strides = array<i32>} : memref<256x128xf32, #tpu.memory_space<vmem>>, vector<1x16xf32>,
      %get3A_334 = vector.shape_cast %get3A_333 : vector<1x16xf32> to vector<16xf32>
      %add3A_335 = arith.constant 128 : i32
      %add3A_336 = arith.addi %add3A_335, %scan3A_227 : i32
      %get3A_337 = arith.index_cast %add3A_336 : i32 to index
      %get3A_338 = arith.constant 80 : index
      %get3A_339 = tpu.vector_load %arg9[%get3A_337, %get3A_338] {strides = array<i32>} : memref<256x128xf32, #tpu.memory_space<vmem>>, vector<1x16xf32>,
      %get3A_340 = vector.shape_cast %get3A_339 : vector<1x16xf32> to vector<16xf32>
      %add3A_341 = arith.addf %get3A_334, %get3A_340 : vector<16xf32>
      %get3A_342 = arith.index_cast %scan3A_227 : i32 to index
      %get3A_343 = arith.constant 80 : index
      %get3A_344 = tpu.vector_load %arg11[%get3A_342, %get3A_343] {strides = array<i32>} : memref<128x128xf32, #tpu.memory_space<vmem>>, vector<1x16xf32>,
      %get3A_345 = vector.shape_cast %get3A_344 : vector<1x16xf32> to vector<16xf32>
      %add3A_346 = arith.addf %get3A_345, %add3A_341 : vector<16xf32>
      %swap3A_347 = arith.index_cast %scan3A_227 : i32 to index
      %swap3A_348 = arith.constant 80 : index
      %swap3A_349 = tpu.vector_load %arg11[%swap3A_347, %swap3A_348] {strides = array<i32>} : memref<128x128xf32, #tpu.memory_space<vmem>>, vector<1x16xf32>,
      %swap3A_350 = vector.shape_cast %swap3A_349 : vector<1x16xf32> to vector<16xf32>
      %swap3A_351 = vector.shape_cast %add3A_346 : vector<16xf32> to vector<1x16xf32>
      tpu.vector_store %arg11[%swap3A_347, %swap3A_348], %swap3A_351 {strides = array<i32>} : memref<128x128xf32, #tpu.memory_space<vmem>>, vector<1x16xf32>,
      %get3A_352 = arith.index_cast %scan3A_227 : i32 to index
      %get3A_353 = arith.constant 96 : index
      %get3A_354 = tpu.vector_load %arg9[%get3A_352, %get3A_353] {strides = array<i32>} : memref<256x128xf32, #tpu.memory_space<vmem>>, vector<1x16xf32>,
      %get3A_355 = vector.shape_cast %get3A_354 : vector<1x16xf32> to vector<16xf32>
      %add3A_356 = arith.constant 128 : i32
      %add3A_357 = arith.addi %add3A_356, %scan3A_227 : i32
      %get3A_358 = arith.index_cast %add3A_357 : i32 to index
      %get3A_359 = arith.constant 96 : index
      %get3A_360 = tpu.vector_load %arg9[%get3A_358, %get3A_359] {strides = array<i32>} : memref<256x128xf32, #tpu.memory_space<vmem>>, vector<1x16xf32>,
      %get3A_361 = vector.shape_cast %get3A_360 : vector<1x16xf32> to vector<16xf32>
      %add3A_362 = arith.addf %get3A_355, %get3A_361 : vector<16xf32>
      %get3A_363 = arith.index_cast %scan3A_227 : i32 to index
      %get3A_364 = arith.constant 96 : index
      %get3A_365 = tpu.vector_load %arg11[%get3A_363, %get3A_364] {strides = array<i32>} : memref<128x128xf32, #tpu.memory_space<vmem>>, vector<1x16xf32>,
      %get3A_366 = vector.shape_cast %get3A_365 : vector<1x16xf32> to vector<16xf32>
      %add3A_367 = arith.addf %get3A_366, %add3A_362 : vector<16xf32>
      %swap3A_368 = arith.index_cast %scan3A_227 : i32 to index
      %swap3A_369 = arith.constant 96 : index
      %swap3A_370 = tpu.vector_load %arg11[%swap3A_368, %swap3A_369] {strides = array<i32>} : memref<128x128xf32, #tpu.memory_space<vmem>>, vector<1x16xf32>,
      %swap3A_371 = vector.shape_cast %swap3A_370 : vector<1x16xf32> to vector<16xf32>
      %swap3A_372 = vector.shape_cast %add3A_367 : vector<16xf32> to vector<1x16xf32>
      tpu.vector_store %arg11[%swap3A_368, %swap3A_369], %swap3A_372 {strides = array<i32>} : memref<128x128xf32, #tpu.memory_space<vmem>>, vector<1x16xf32>,
      %get3A_373 = arith.index_cast %scan3A_227 : i32 to index
      %get3A_374 = arith.constant 112 : index
      %get3A_375 = tpu.vector_load %arg9[%get3A_373, %get3A_374] {strides = array<i32>} : memref<256x128xf32, #tpu.memory_space<vmem>>, vector<1x16xf32>,
      %get3A_376 = vector.shape_cast %get3A_375 : vector<1x16xf32> to vector<16xf32>
      %add3A_377 = arith.constant 128 : i32
      %add3A_378 = arith.addi %add3A_377, %scan3A_227 : i32
      %get3A_379 = arith.index_cast %add3A_378 : i32 to index
      %get3A_380 = arith.constant 112 : index
      %get3A_381 = tpu.vector_load %arg9[%get3A_379, %get3A_380] {strides = array<i32>} : memref<256x128xf32, #tpu.memory_space<vmem>>, vector<1x16xf32>,
      %get3A_382 = vector.shape_cast %get3A_381 : vector<1x16xf32> to vector<16xf32>
      %add3A_383 = arith.addf %get3A_376, %get3A_382 : vector<16xf32>
      %get3A_384 = arith.index_cast %scan3A_227 : i32 to index
      %get3A_385 = arith.constant 112 : index
      %get3A_386 = tpu.vector_load %arg11[%get3A_384, %get3A_385] {strides = array<i32>} : memref<128x128xf32, #tpu.memory_space<vmem>>, vector<1x16xf32>,
      %get3A_387 = vector.shape_cast %get3A_386 : vector<1x16xf32> to vector<16xf32>
      %add3A_388 = arith.addf %get3A_387, %add3A_383 : vector<16xf32>
      %swap3A_389 = arith.index_cast %scan3A_227 : i32 to index
      %swap3A_390 = arith.constant 112 : index
      %swap3A_391 = tpu.vector_load %arg11[%swap3A_389, %swap3A_390] {strides = array<i32>} : memref<128x128xf32, #tpu.memory_space<vmem>>, vector<1x16xf32>,
      %swap3A_392 = vector.shape_cast %swap3A_391 : vector<1x16xf32> to vector<16xf32>
      %swap3A_393 = vector.shape_cast %add3A_388 : vector<16xf32> to vector<1x16xf32>
      tpu.vector_store %arg11[%swap3A_389, %swap3A_390], %swap3A_393 {strides = array<i32>} : memref<128x128xf32, #tpu.memory_space<vmem>>, vector<1x16xf32>,
    }
    %scan3A_69 = arith.constant 128 : i32
    %dma_wait3A_70 = arith.constant 0 : i32
    %dma_wait3A_71 = arith.constant 0 : i32
    %dma_wait3A_72 = tpu.memref_slice %arg4[%dma_wait3A_70, %dma_wait3A_71] : memref<100000x128xf32, #tpu.memory_space<hbm>> -> memref<256x128xf32, #tpu.memory_space<hbm>>
    %dma_wait3A_73 = arith.constant 0 : i32
    %dma_wait3A_74 = arith.constant 0 : i32
    %dma_wait3A_75 = tpu.memref_slice %arg4[%dma_wait3A_73, %dma_wait3A_74] : memref<100000x128xf32, #tpu.memory_space<hbm>> -> memref<256x128xf32, #tpu.memory_space<hbm>>
    tpu.wait_dma2 semaphore(%arg14 : memref<!tpu.dma_semaphore, #tpu.memory_space<semaphore_mem>>) src(%dma_wait3A_75 : memref<256x128xf32, #tpu.memory_space<hbm>>) dst(%arg10 : memref<256x128xf32, #tpu.memory_space<vmem>>)
    %dma_start3A_76 = arith.constant 18944 : i32
    %dma_start3A_77 = tpu.memref_slice %arg7[%dma_start3A_76] : memref<19200xi32, #tpu.memory_space<vmem>> -> memref<256xi32, #tpu.memory_space<vmem>>
    %dma_start3A_78 = arith.constant 0 : i32
    %dma_start3A_79 = arith.constant 0 : i32
    %dma_start3A_80 = tpu.memref_slice %arg4[%dma_start3A_78, %dma_start3A_79] : memref<100000x128xf32, #tpu.memory_space<hbm>> -> memref<100000x128xf32, #tpu.memory_space<hbm>>
    tpu.enqueue_indirect_dma source(%dma_start3A_80 : memref<100000x128xf32, #tpu.memory_space<hbm>>) target(%arg9 : memref<256x128xf32, #tpu.memory_space<vmem>>) offsets(%dma_start3A_77 : memref<256xi32, #tpu.memory_space<vmem>>) semaphore(%arg13 : memref<!tpu.dma_semaphore, #tpu.memory_space<semaphore_mem>>)
    %scan3A_81 = arith.constant 0 : i32
    %scan3A_82 = arith.constant 0 : i32
    %scan3A_83 = arith.constant 128 : i32
    %scan3A_84 = arith.addi %scan3A_82, %scan3A_83 : i32
    %scan3A_85 = arith.constant 1 : i32
    scf.for %scan3A_227 = %scan3A_82 to %scan3A_84 step %scan3A_85  : i32 {
      %get3A = arith.index_cast %scan3A_227 : i32 to index
      %get3A_228 = arith.constant 0 : index
      %get3A_229 = tpu.vector_load %arg10[%get3A, %get3A_228] {strides = array<i32>} : memref<256x128xf32, #tpu.memory_space<vmem>>, vector<1x16xf32>,
      %get3A_230 = vector.shape_cast %get3A_229 : vector<1x16xf32> to vector<16xf32>
      %add3A_231 = arith.constant 128 : i32
      %add3A_232 = arith.addi %add3A_231, %scan3A_227 : i32
      %get3A_233 = arith.index_cast %add3A_232 : i32 to index
      %get3A_234 = arith.constant 0 : index
      %get3A_235 = tpu.vector_load %arg10[%get3A_233, %get3A_234] {strides = array<i32>} : memref<256x128xf32, #tpu.memory_space<vmem>>, vector<1x16xf32>,
      %get3A_236 = vector.shape_cast %get3A_235 : vector<1x16xf32> to vector<16xf32>
      %add3A_237 = arith.addf %get3A_230, %get3A_236 : vector<16xf32>
      %get3A_238 = arith.index_cast %scan3A_227 : i32 to index
      %get3A_239 = arith.constant 0 : index
      %get3A_240 = tpu.vector_load %arg11[%get3A_238, %get3A_239] {strides = array<i32>} : memref<128x128xf32, #tpu.memory_space<vmem>>, vector<1x16xf32>,
      %get3A_241 = vector.shape_cast %get3A_240 : vector<1x16xf32> to vector<16xf32>
      %add3A_242 = arith.addf %get3A_241, %add3A_237 : vector<16xf32>
      %swap3A = arith.index_cast %scan3A_227 : i32 to index
      %swap3A_243 = arith.constant 0 : index
      %swap3A_244 = tpu.vector_load %arg11[%swap3A, %swap3A_243] {strides = array<i32>} : memref<128x128xf32, #tpu.memory_space<vmem>>, vector<1x16xf32>,
      %swap3A_245 = vector.shape_cast %swap3A_244 : vector<1x16xf32> to vector<16xf32>
      %swap3A_246 = vector.shape_cast %add3A_242 : vector<16xf32> to vector<1x16xf32>
      tpu.vector_store %arg11[%swap3A, %swap3A_243], %swap3A_246 {strides = array<i32>} : memref<128x128xf32, #tpu.memory_space<vmem>>, vector<1x16xf32>,
      %get3A_247 = arith.index_cast %scan3A_227 : i32 to index
      %get3A_248 = arith.constant 16 : index
      %get3A_249 = tpu.vector_load %arg10[%get3A_247, %get3A_248] {strides = array<i32>} : memref<256x128xf32, #tpu.memory_space<vmem>>, vector<1x16xf32>,
      %get3A_250 = vector.shape_cast %get3A_249 : vector<1x16xf32> to vector<16xf32>
      %add3A_251 = arith.constant 128 : i32
      %add3A_252 = arith.addi %add3A_251, %scan3A_227 : i32
      %get3A_253 = arith.index_cast %add3A_252 : i32 to index
      %get3A_254 = arith.constant 16 : index
      %get3A_255 = tpu.vector_load %arg10[%get3A_253, %get3A_254] {strides = array<i32>} : memref<256x128xf32, #tpu.memory_space<vmem>>, vector<1x16xf32>,
      %get3A_256 = vector.shape_cast %get3A_255 : vector<1x16xf32> to vector<16xf32>
      %add3A_257 = arith.addf %get3A_250, %get3A_256 : vector<16xf32>
      %get3A_258 = arith.index_cast %scan3A_227 : i32 to index
      %get3A_259 = arith.constant 16 : index
      %get3A_260 = tpu.vector_load %arg11[%get3A_258, %get3A_259] {strides = array<i32>} : memref<128x128xf32, #tpu.memory_space<vmem>>, vector<1x16xf32>,
      %get3A_261 = vector.shape_cast %get3A_260 : vector<1x16xf32> to vector<16xf32>
      %add3A_262 = arith.addf %get3A_261, %add3A_257 : vector<16xf32>
      %swap3A_263 = arith.index_cast %scan3A_227 : i32 to index
      %swap3A_264 = arith.constant 16 : index
      %swap3A_265 = tpu.vector_load %arg11[%swap3A_263, %swap3A_264] {strides = array<i32>} : memref<128x128xf32, #tpu.memory_space<vmem>>, vector<1x16xf32>,
      %swap3A_266 = vector.shape_cast %swap3A_265 : vector<1x16xf32> to vector<16xf32>
      %swap3A_267 = vector.shape_cast %add3A_262 : vector<16xf32> to vector<1x16xf32>
      tpu.vector_store %arg11[%swap3A_263, %swap3A_264], %swap3A_267 {strides = array<i32>} : memref<128x128xf32, #tpu.memory_space<vmem>>, vector<1x16xf32>,
      %get3A_268 = arith.index_cast %scan3A_227 : i32 to index
      %get3A_269 = arith.constant 32 : index
      %get3A_270 = tpu.vector_load %arg10[%get3A_268, %get3A_269] {strides = array<i32>} : memref<256x128xf32, #tpu.memory_space<vmem>>, vector<1x16xf32>,
      %get3A_271 = vector.shape_cast %get3A_270 : vector<1x16xf32> to vector<16xf32>
      %add3A_272 = arith.constant 128 : i32
      %add3A_273 = arith.addi %add3A_272, %scan3A_227 : i32
      %get3A_274 = arith.index_cast %add3A_273 : i32 to index
      %get3A_275 = arith.constant 32 : index
      %get3A_276 = tpu.vector_load %arg10[%get3A_274, %get3A_275] {strides = array<i32>} : memref<256x128xf32, #tpu.memory_space<vmem>>, vector<1x16xf32>,
      %get3A_277 = vector.shape_cast %get3A_276 : vector<1x16xf32> to vector<16xf32>
      %add3A_278 = arith.addf %get3A_271, %get3A_277 : vector<16xf32>
      %get3A_279 = arith.index_cast %scan3A_227 : i32 to index
      %get3A_280 = arith.constant 32 : index
      %get3A_281 = tpu.vector_load %arg11[%get3A_279, %get3A_280] {strides = array<i32>} : memref<128x128xf32, #tpu.memory_space<vmem>>, vector<1x16xf32>,
      %get3A_282 = vector.shape_cast %get3A_281 : vector<1x16xf32> to vector<16xf32>
      %add3A_283 = arith.addf %get3A_282, %add3A_278 : vector<16xf32>
      %swap3A_284 = arith.index_cast %scan3A_227 : i32 to index
      %swap3A_285 = arith.constant 32 : index
      %swap3A_286 = tpu.vector_load %arg11[%swap3A_284, %swap3A_285] {strides = array<i32>} : memref<128x128xf32, #tpu.memory_space<vmem>>, vector<1x16xf32>,
      %swap3A_287 = vector.shape_cast %swap3A_286 : vector<1x16xf32> to vector<16xf32>
      %swap3A_288 = vector.shape_cast %add3A_283 : vector<16xf32> to vector<1x16xf32>
      tpu.vector_store %arg11[%swap3A_284, %swap3A_285], %swap3A_288 {strides = array<i32>} : memref<128x128xf32, #tpu.memory_space<vmem>>, vector<1x16xf32>,
      %get3A_289 = arith.index_cast %scan3A_227 : i32 to index
      %get3A_290 = arith.constant 48 : index
      %get3A_291 = tpu.vector_load %arg10[%get3A_289, %get3A_290] {strides = array<i32>} : memref<256x128xf32, #tpu.memory_space<vmem>>, vector<1x16xf32>,
      %get3A_292 = vector.shape_cast %get3A_291 : vector<1x16xf32> to vector<16xf32>
      %add3A_293 = arith.constant 128 : i32
      %add3A_294 = arith.addi %add3A_293, %scan3A_227 : i32
      %get3A_295 = arith.index_cast %add3A_294 : i32 to index
      %get3A_296 = arith.constant 48 : index
      %get3A_297 = tpu.vector_load %arg10[%get3A_295, %get3A_296] {strides = array<i32>} : memref<256x128xf32, #tpu.memory_space<vmem>>, vector<1x16xf32>,
      %get3A_298 = vector.shape_cast %get3A_297 : vector<1x16xf32> to vector<16xf32>
      %add3A_299 = arith.addf %get3A_292, %get3A_298 : vector<16xf32>
      %get3A_300 = arith.index_cast %scan3A_227 : i32 to index
      %get3A_301 = arith.constant 48 : index
      %get3A_302 = tpu.vector_load %arg11[%get3A_300, %get3A_301] {strides = array<i32>} : memref<128x128xf32, #tpu.memory_space<vmem>>, vector<1x16xf32>,
      %get3A_303 = vector.shape_cast %get3A_302 : vector<1x16xf32> to vector<16xf32>
      %add3A_304 = arith.addf %get3A_303, %add3A_299 : vector<16xf32>
      %swap3A_305 = arith.index_cast %scan3A_227 : i32 to index
      %swap3A_306 = arith.constant 48 : index
      %swap3A_307 = tpu.vector_load %arg11[%swap3A_305, %swap3A_306] {strides = array<i32>} : memref<128x128xf32, #tpu.memory_space<vmem>>, vector<1x16xf32>,
      %swap3A_308 = vector.shape_cast %swap3A_307 : vector<1x16xf32> to vector<16xf32>
      %swap3A_309 = vector.shape_cast %add3A_304 : vector<16xf32> to vector<1x16xf32>
      tpu.vector_store %arg11[%swap3A_305, %swap3A_306], %swap3A_309 {strides = array<i32>} : memref<128x128xf32, #tpu.memory_space<vmem>>, vector<1x16xf32>,
      %get3A_310 = arith.index_cast %scan3A_227 : i32 to index
      %get3A_311 = arith.constant 64 : index
      %get3A_312 = tpu.vector_load %arg10[%get3A_310, %get3A_311] {strides = array<i32>} : memref<256x128xf32, #tpu.memory_space<vmem>>, vector<1x16xf32>,
      %get3A_313 = vector.shape_cast %get3A_312 : vector<1x16xf32> to vector<16xf32>
      %add3A_314 = arith.constant 128 : i32
      %add3A_315 = arith.addi %add3A_314, %scan3A_227 : i32
      %get3A_316 = arith.index_cast %add3A_315 : i32 to index
      %get3A_317 = arith.constant 64 : index
      %get3A_318 = tpu.vector_load %arg10[%get3A_316, %get3A_317] {strides = array<i32>} : memref<256x128xf32, #tpu.memory_space<vmem>>, vector<1x16xf32>,
      %get3A_319 = vector.shape_cast %get3A_318 : vector<1x16xf32> to vector<16xf32>
      %add3A_320 = arith.addf %get3A_313, %get3A_319 : vector<16xf32>
      %get3A_321 = arith.index_cast %scan3A_227 : i32 to index
      %get3A_322 = arith.constant 64 : index
      %get3A_323 = tpu.vector_load %arg11[%get3A_321, %get3A_322] {strides = array<i32>} : memref<128x128xf32, #tpu.memory_space<vmem>>, vector<1x16xf32>,
      %get3A_324 = vector.shape_cast %get3A_323 : vector<1x16xf32> to vector<16xf32>
      %add3A_325 = arith.addf %get3A_324, %add3A_320 : vector<16xf32>
      %swap3A_326 = arith.index_cast %scan3A_227 : i32 to index
      %swap3A_327 = arith.constant 64 : index
      %swap3A_328 = tpu.vector_load %arg11[%swap3A_326, %swap3A_327] {strides = array<i32>} : memref<128x128xf32, #tpu.memory_space<vmem>>, vector<1x16xf32>,
      %swap3A_329 = vector.shape_cast %swap3A_328 : vector<1x16xf32> to vector<16xf32>
      %swap3A_330 = vector.shape_cast %add3A_325 : vector<16xf32> to vector<1x16xf32>
      tpu.vector_store %arg11[%swap3A_326, %swap3A_327], %swap3A_330 {strides = array<i32>} : memref<128x128xf32, #tpu.memory_space<vmem>>, vector<1x16xf32>,
      %get3A_331 = arith.index_cast %scan3A_227 : i32 to index
      %get3A_332 = arith.constant 80 : index
      %get3A_333 = tpu.vector_load %arg10[%get3A_331, %get3A_332] {strides = array<i32>} : memref<256x128xf32, #tpu.memory_space<vmem>>, vector<1x16xf32>,
      %get3A_334 = vector.shape_cast %get3A_333 : vector<1x16xf32> to vector<16xf32>
      %add3A_335 = arith.constant 128 : i32
      %add3A_336 = arith.addi %add3A_335, %scan3A_227 : i32
      %get3A_337 = arith.index_cast %add3A_336 : i32 to index
      %get3A_338 = arith.constant 80 : index
      %get3A_339 = tpu.vector_load %arg10[%get3A_337, %get3A_338] {strides = array<i32>} : memref<256x128xf32, #tpu.memory_space<vmem>>, vector<1x16xf32>,
      %get3A_340 = vector.shape_cast %get3A_339 : vector<1x16xf32> to vector<16xf32>
      %add3A_341 = arith.addf %get3A_334, %get3A_340 : vector<16xf32>
      %get3A_342 = arith.index_cast %scan3A_227 : i32 to index
      %get3A_343 = arith.constant 80 : index
      %get3A_344 = tpu.vector_load %arg11[%get3A_342, %get3A_343] {strides = array<i32>} : memref<128x128xf32, #tpu.memory_space<vmem>>, vector<1x16xf32>,
      %get3A_345 = vector.shape_cast %get3A_344 : vector<1x16xf32> to vector<16xf32>
      %add3A_346 = arith.addf %get3A_345, %add3A_341 : vector<16xf32>
      %swap3A_347 = arith.index_cast %scan3A_227 : i32 to index
      %swap3A_348 = arith.constant 80 : index
      %swap3A_349 = tpu.vector_load %arg11[%swap3A_347, %swap3A_348] {strides = array<i32>} : memref<128x128xf32, #tpu.memory_space<vmem>>, vector<1x16xf32>,
      %swap3A_350 = vector.shape_cast %swap3A_349 : vector<1x16xf32> to vector<16xf32>
      %swap3A_351 = vector.shape_cast %add3A_346 : vector<16xf32> to vector<1x16xf32>
      tpu.vector_store %arg11[%swap3A_347, %swap3A_348], %swap3A_351 {strides = array<i32>} : memref<128x128xf32, #tpu.memory_space<vmem>>, vector<1x16xf32>,
      %get3A_352 = arith.index_cast %scan3A_227 : i32 to index
      %get3A_353 = arith.constant 96 : index
      %get3A_354 = tpu.vector_load %arg10[%get3A_352, %get3A_353] {strides = array<i32>} : memref<256x128xf32, #tpu.memory_space<vmem>>, vector<1x16xf32>,
      %get3A_355 = vector.shape_cast %get3A_354 : vector<1x16xf32> to vector<16xf32>
      %add3A_356 = arith.constant 128 : i32
      %add3A_357 = arith.addi %add3A_356, %scan3A_227 : i32
      %get3A_358 = arith.index_cast %add3A_357 : i32 to index
      %get3A_359 = arith.constant 96 : index
      %get3A_360 = tpu.vector_load %arg10[%get3A_358, %get3A_359] {strides = array<i32>} : memref<256x128xf32, #tpu.memory_space<vmem>>, vector<1x16xf32>,
      %get3A_361 = vector.shape_cast %get3A_360 : vector<1x16xf32> to vector<16xf32>
      %add3A_362 = arith.addf %get3A_355, %get3A_361 : vector<16xf32>
      %get3A_363 = arith.index_cast %scan3A_227 : i32 to index
      %get3A_364 = arith.constant 96 : index
      %get3A_365 = tpu.vector_load %arg11[%get3A_363, %get3A_364] {strides = array<i32>} : memref<128x128xf32, #tpu.memory_space<vmem>>, vector<1x16xf32>,
      %get3A_366 = vector.shape_cast %get3A_365 : vector<1x16xf32> to vector<16xf32>
      %add3A_367 = arith.addf %get3A_366, %add3A_362 : vector<16xf32>
      %swap3A_368 = arith.index_cast %scan3A_227 : i32 to index
      %swap3A_369 = arith.constant 96 : index
      %swap3A_370 = tpu.vector_load %arg11[%swap3A_368, %swap3A_369] {strides = array<i32>} : memref<128x128xf32, #tpu.memory_space<vmem>>, vector<1x16xf32>,
      %swap3A_371 = vector.shape_cast %swap3A_370 : vector<1x16xf32> to vector<16xf32>
      %swap3A_372 = vector.shape_cast %add3A_367 : vector<16xf32> to vector<1x16xf32>
      tpu.vector_store %arg11[%swap3A_368, %swap3A_369], %swap3A_372 {strides = array<i32>} : memref<128x128xf32, #tpu.memory_space<vmem>>, vector<1x16xf32>,
      %get3A_373 = arith.index_cast %scan3A_227 : i32 to index
      %get3A_374 = arith.constant 112 : index
      %get3A_375 = tpu.vector_load %arg10[%get3A_373, %get3A_374] {strides = array<i32>} : memref<256x128xf32, #tpu.memory_space<vmem>>, vector<1x16xf32>,
      %get3A_376 = vector.shape_cast %get3A_375 : vector<1x16xf32> to vector<16xf32>
      %add3A_377 = arith.constant 128 : i32
      %add3A_378 = arith.addi %add3A_377, %scan3A_227 : i32
      %get3A_379 = arith.index_cast %add3A_378 : i32 to index
      %get3A_380 = arith.constant 112 : index
      %get3A_381 = tpu.vector_load %arg10[%get3A_379, %get3A_380] {strides = array<i32>} : memref<256x128xf32, #tpu.memory_space<vmem>>, vector<1x16xf32>,
      %get3A_382 = vector.shape_cast %get3A_381 : vector<1x16xf32> to vector<16xf32>
      %add3A_383 = arith.addf %get3A_376, %get3A_382 : vector<16xf32>
      %get3A_384 = arith.index_cast %scan3A_227 : i32 to index
      %get3A_385 = arith.constant 112 : index
      %get3A_386 = tpu.vector_load %arg11[%get3A_384, %get3A_385] {strides = array<i32>} : memref<128x128xf32, #tpu.memory_space<vmem>>, vector<1x16xf32>,
      %get3A_387 = vector.shape_cast %get3A_386 : vector<1x16xf32> to vector<16xf32>
      %add3A_388 = arith.addf %get3A_387, %add3A_383 : vector<16xf32>
      %swap3A_389 = arith.index_cast %scan3A_227 : i32 to index
      %swap3A_390 = arith.constant 112 : index
      %swap3A_391 = tpu.vector_load %arg11[%swap3A_389, %swap3A_390] {strides = array<i32>} : memref<128x128xf32, #tpu.memory_space<vmem>>, vector<1x16xf32>,
      %swap3A_392 = vector.shape_cast %swap3A_391 : vector<1x16xf32> to vector<16xf32>
      %swap3A_393 = vector.shape_cast %add3A_388 : vector<16xf32> to vector<1x16xf32>
      tpu.vector_store %arg11[%swap3A_389, %swap3A_390], %swap3A_393 {strides = array<i32>} : memref<128x128xf32, #tpu.memory_space<vmem>>, vector<1x16xf32>,
    }
    %scan3A_86 = arith.constant 128 : i32
    %dma_wait3A_87 = arith.constant 0 : i32
    %dma_wait3A_88 = arith.constant 0 : i32
    %dma_wait3A_89 = tpu.memref_slice %arg4[%dma_wait3A_87, %dma_wait3A_88] : memref<100000x128xf32, #tpu.memory_space<hbm>> -> memref<256x128xf32, #tpu.memory_space<hbm>>
    %dma_wait3A_90 = arith.constant 0 : i32
    %dma_wait3A_91 = arith.constant 0 : i32
    %dma_wait3A_92 = tpu.memref_slice %arg4[%dma_wait3A_90, %dma_wait3A_91] : memref<100000x128xf32, #tpu.memory_space<hbm>> -> memref<256x128xf32, #tpu.memory_space<hbm>>
    tpu.wait_dma2 semaphore(%arg13 : memref<!tpu.dma_semaphore, #tpu.memory_space<semaphore_mem>>) src(%dma_wait3A_92 : memref<256x128xf32, #tpu.memory_space<hbm>>) dst(%arg9 : memref<256x128xf32, #tpu.memory_space<vmem>>)
    %scan3A_93 = arith.constant 0 : i32
    %scan3A_94 = arith.constant 0 : i32
    %scan3A_95 = arith.constant 128 : i32
    %scan3A_96 = arith.addi %scan3A_94, %scan3A_95 : i32
    %scan3A_97 = arith.constant 1 : i32
    scf.for %scan3A_227 = %scan3A_94 to %scan3A_96 step %scan3A_97  : i32 {
      %get3A = arith.index_cast %scan3A_227 : i32 to index
      %get3A_228 = arith.constant 0 : index
      %get3A_229 = tpu.vector_load %arg9[%get3A, %get3A_228] {strides = array<i32>} : memref<256x128xf32, #tpu.memory_space<vmem>>, vector<1x16xf32>,
      %get3A_230 = vector.shape_cast %get3A_229 : vector<1x16xf32> to vector<16xf32>
      %add3A_231 = arith.constant 128 : i32
      %add3A_232 = arith.addi %add3A_231, %scan3A_227 : i32
      %get3A_233 = arith.index_cast %add3A_232 : i32 to index
      %get3A_234 = arith.constant 0 : index
      %get3A_235 = tpu.vector_load %arg9[%get3A_233, %get3A_234] {strides = array<i32>} : memref<256x128xf32, #tpu.memory_space<vmem>>, vector<1x16xf32>,
      %get3A_236 = vector.shape_cast %get3A_235 : vector<1x16xf32> to vector<16xf32>
      %add3A_237 = arith.addf %get3A_230, %get3A_236 : vector<16xf32>
      %get3A_238 = arith.index_cast %scan3A_227 : i32 to index
      %get3A_239 = arith.constant 0 : index
      %get3A_240 = tpu.vector_load %arg11[%get3A_238, %get3A_239] {strides = array<i32>} : memref<128x128xf32, #tpu.memory_space<vmem>>, vector<1x16xf32>,
      %get3A_241 = vector.shape_cast %get3A_240 : vector<1x16xf32> to vector<16xf32>
      %add3A_242 = arith.addf %get3A_241, %add3A_237 : vector<16xf32>
      %swap3A = arith.index_cast %scan3A_227 : i32 to index
      %swap3A_243 = arith.constant 0 : index
      %swap3A_244 = tpu.vector_load %arg11[%swap3A, %swap3A_243] {strides = array<i32>} : memref<128x128xf32, #tpu.memory_space<vmem>>, vector<1x16xf32>,
      %swap3A_245 = vector.shape_cast %swap3A_244 : vector<1x16xf32> to vector<16xf32>
      %swap3A_246 = vector.shape_cast %add3A_242 : vector<16xf32> to vector<1x16xf32>
      tpu.vector_store %arg11[%swap3A, %swap3A_243], %swap3A_246 {strides = array<i32>} : memref<128x128xf32, #tpu.memory_space<vmem>>, vector<1x16xf32>,
      %get3A_247 = arith.index_cast %scan3A_227 : i32 to index
      %get3A_248 = arith.constant 16 : index
      %get3A_249 = tpu.vector_load %arg9[%get3A_247, %get3A_248] {strides = array<i32>} : memref<256x128xf32, #tpu.memory_space<vmem>>, vector<1x16xf32>,
      %get3A_250 = vector.shape_cast %get3A_249 : vector<1x16xf32> to vector<16xf32>
      %add3A_251 = arith.constant 128 : i32
      %add3A_252 = arith.addi %add3A_251, %scan3A_227 : i32
      %get3A_253 = arith.index_cast %add3A_252 : i32 to index
      %get3A_254 = arith.constant 16 : index
      %get3A_255 = tpu.vector_load %arg9[%get3A_253, %get3A_254] {strides = array<i32>} : memref<256x128xf32, #tpu.memory_space<vmem>>, vector<1x16xf32>,
      %get3A_256 = vector.shape_cast %get3A_255 : vector<1x16xf32> to vector<16xf32>
      %add3A_257 = arith.addf %get3A_250, %get3A_256 : vector<16xf32>
      %get3A_258 = arith.index_cast %scan3A_227 : i32 to index
      %get3A_259 = arith.constant 16 : index
      %get3A_260 = tpu.vector_load %arg11[%get3A_258, %get3A_259] {strides = array<i32>} : memref<128x128xf32, #tpu.memory_space<vmem>>, vector<1x16xf32>,
      %get3A_261 = vector.shape_cast %get3A_260 : vector<1x16xf32> to vector<16xf32>
      %add3A_262 = arith.addf %get3A_261, %add3A_257 : vector<16xf32>
      %swap3A_263 = arith.index_cast %scan3A_227 : i32 to index
      %swap3A_264 = arith.constant 16 : index
      %swap3A_265 = tpu.vector_load %arg11[%swap3A_263, %swap3A_264] {strides = array<i32>} : memref<128x128xf32, #tpu.memory_space<vmem>>, vector<1x16xf32>,
      %swap3A_266 = vector.shape_cast %swap3A_265 : vector<1x16xf32> to vector<16xf32>
      %swap3A_267 = vector.shape_cast %add3A_262 : vector<16xf32> to vector<1x16xf32>
      tpu.vector_store %arg11[%swap3A_263, %swap3A_264], %swap3A_267 {strides = array<i32>} : memref<128x128xf32, #tpu.memory_space<vmem>>, vector<1x16xf32>,
      %get3A_268 = arith.index_cast %scan3A_227 : i32 to index
      %get3A_269 = arith.constant 32 : index
      %get3A_270 = tpu.vector_load %arg9[%get3A_268, %get3A_269] {strides = array<i32>} : memref<256x128xf32, #tpu.memory_space<vmem>>, vector<1x16xf32>,
      %get3A_271 = vector.shape_cast %get3A_270 : vector<1x16xf32> to vector<16xf32>
      %add3A_272 = arith.constant 128 : i32
      %add3A_273 = arith.addi %add3A_272, %scan3A_227 : i32
      %get3A_274 = arith.index_cast %add3A_273 : i32 to index
      %get3A_275 = arith.constant 32 : index
      %get3A_276 = tpu.vector_load %arg9[%get3A_274, %get3A_275] {strides = array<i32>} : memref<256x128xf32, #tpu.memory_space<vmem>>, vector<1x16xf32>,
      %get3A_277 = vector.shape_cast %get3A_276 : vector<1x16xf32> to vector<16xf32>
      %add3A_278 = arith.addf %get3A_271, %get3A_277 : vector<16xf32>
      %get3A_279 = arith.index_cast %scan3A_227 : i32 to index
      %get3A_280 = arith.constant 32 : index
      %get3A_281 = tpu.vector_load %arg11[%get3A_279, %get3A_280] {strides = array<i32>} : memref<128x128xf32, #tpu.memory_space<vmem>>, vector<1x16xf32>,
      %get3A_282 = vector.shape_cast %get3A_281 : vector<1x16xf32> to vector<16xf32>
      %add3A_283 = arith.addf %get3A_282, %add3A_278 : vector<16xf32>
      %swap3A_284 = arith.index_cast %scan3A_227 : i32 to index
      %swap3A_285 = arith.constant 32 : index
      %swap3A_286 = tpu.vector_load %arg11[%swap3A_284, %swap3A_285] {strides = array<i32>} : memref<128x128xf32, #tpu.memory_space<vmem>>, vector<1x16xf32>,
      %swap3A_287 = vector.shape_cast %swap3A_286 : vector<1x16xf32> to vector<16xf32>
      %swap3A_288 = vector.shape_cast %add3A_283 : vector<16xf32> to vector<1x16xf32>
      tpu.vector_store %arg11[%swap3A_284, %swap3A_285], %swap3A_288 {strides = array<i32>} : memref<128x128xf32, #tpu.memory_space<vmem>>, vector<1x16xf32>,
      %get3A_289 = arith.index_cast %scan3A_227 : i32 to index
      %get3A_290 = arith.constant 48 : index
      %get3A_291 = tpu.vector_load %arg9[%get3A_289, %get3A_290] {strides = array<i32>} : memref<256x128xf32, #tpu.memory_space<vmem>>, vector<1x16xf32>,
      %get3A_292 = vector.shape_cast %get3A_291 : vector<1x16xf32> to vector<16xf32>
      %add3A_293 = arith.constant 128 : i32
      %add3A_294 = arith.addi %add3A_293, %scan3A_227 : i32
      %get3A_295 = arith.index_cast %add3A_294 : i32 to index
      %get3A_296 = arith.constant 48 : index
      %get3A_297 = tpu.vector_load %arg9[%get3A_295, %get3A_296] {strides = array<i32>} : memref<256x128xf32, #tpu.memory_space<vmem>>, vector<1x16xf32>,
      %get3A_298 = vector.shape_cast %get3A_297 : vector<1x16xf32> to vector<16xf32>
      %add3A_299 = arith.addf %get3A_292, %get3A_298 : vector<16xf32>
      %get3A_300 = arith.index_cast %scan3A_227 : i32 to index
      %get3A_301 = arith.constant 48 : index
      %get3A_302 = tpu.vector_load %arg11[%get3A_300, %get3A_301] {strides = array<i32>} : memref<128x128xf32, #tpu.memory_space<vmem>>, vector<1x16xf32>,
      %get3A_303 = vector.shape_cast %get3A_302 : vector<1x16xf32> to vector<16xf32>
      %add3A_304 = arith.addf %get3A_303, %add3A_299 : vector<16xf32>
      %swap3A_305 = arith.index_cast %scan3A_227 : i32 to index
      %swap3A_306 = arith.constant 48 : index
      %swap3A_307 = tpu.vector_load %arg11[%swap3A_305, %swap3A_306] {strides = array<i32>} : memref<128x128xf32, #tpu.memory_space<vmem>>, vector<1x16xf32>,
      %swap3A_308 = vector.shape_cast %swap3A_307 : vector<1x16xf32> to vector<16xf32>
      %swap3A_309 = vector.shape_cast %add3A_304 : vector<16xf32> to vector<1x16xf32>
      tpu.vector_store %arg11[%swap3A_305, %swap3A_306], %swap3A_309 {strides = array<i32>} : memref<128x128xf32, #tpu.memory_space<vmem>>, vector<1x16xf32>,
      %get3A_310 = arith.index_cast %scan3A_227 : i32 to index
      %get3A_311 = arith.constant 64 : index
      %get3A_312 = tpu.vector_load %arg9[%get3A_310, %get3A_311] {strides = array<i32>} : memref<256x128xf32, #tpu.memory_space<vmem>>, vector<1x16xf32>,
      %get3A_313 = vector.shape_cast %get3A_312 : vector<1x16xf32> to vector<16xf32>
      %add3A_314 = arith.constant 128 : i32
      %add3A_315 = arith.addi %add3A_314, %scan3A_227 : i32
      %get3A_316 = arith.index_cast %add3A_315 : i32 to index
      %get3A_317 = arith.constant 64 : index
      %get3A_318 = tpu.vector_load %arg9[%get3A_316, %get3A_317] {strides = array<i32>} : memref<256x128xf32, #tpu.memory_space<vmem>>, vector<1x16xf32>,
      %get3A_319 = vector.shape_cast %get3A_318 : vector<1x16xf32> to vector<16xf32>
      %add3A_320 = arith.addf %get3A_313, %get3A_319 : vector<16xf32>
      %get3A_321 = arith.index_cast %scan3A_227 : i32 to index
      %get3A_322 = arith.constant 64 : index
      %get3A_323 = tpu.vector_load %arg11[%get3A_321, %get3A_322] {strides = array<i32>} : memref<128x128xf32, #tpu.memory_space<vmem>>, vector<1x16xf32>,
      %get3A_324 = vector.shape_cast %get3A_323 : vector<1x16xf32> to vector<16xf32>
      %add3A_325 = arith.addf %get3A_324, %add3A_320 : vector<16xf32>
      %swap3A_326 = arith.index_cast %scan3A_227 : i32 to index
      %swap3A_327 = arith.constant 64 : index
      %swap3A_328 = tpu.vector_load %arg11[%swap3A_326, %swap3A_327] {strides = array<i32>} : memref<128x128xf32, #tpu.memory_space<vmem>>, vector<1x16xf32>,
      %swap3A_329 = vector.shape_cast %swap3A_328 : vector<1x16xf32> to vector<16xf32>
      %swap3A_330 = vector.shape_cast %add3A_325 : vector<16xf32> to vector<1x16xf32>
      tpu.vector_store %arg11[%swap3A_326, %swap3A_327], %swap3A_330 {strides = array<i32>} : memref<128x128xf32, #tpu.memory_space<vmem>>, vector<1x16xf32>,
      %get3A_331 = arith.index_cast %scan3A_227 : i32 to index
      %get3A_332 = arith.constant 80 : index
      %get3A_333 = tpu.vector_load %arg9[%get3A_331, %get3A_332] {strides = array<i32>} : memref<256x128xf32, #tpu.memory_space<vmem>>, vector<1x16xf32>,
      %get3A_334 = vector.shape_cast %get3A_333 : vector<1x16xf32> to vector<16xf32>
      %add3A_335 = arith.constant 128 : i32
      %add3A_336 = arith.addi %add3A_335, %scan3A_227 : i32
      %get3A_337 = arith.index_cast %add3A_336 : i32 to index
      %get3A_338 = arith.constant 80 : index
      %get3A_339 = tpu.vector_load %arg9[%get3A_337, %get3A_338] {strides = array<i32>} : memref<256x128xf32, #tpu.memory_space<vmem>>, vector<1x16xf32>,
      %get3A_340 = vector.shape_cast %get3A_339 : vector<1x16xf32> to vector<16xf32>
      %add3A_341 = arith.addf %get3A_334, %get3A_340 : vector<16xf32>
      %get3A_342 = arith.index_cast %scan3A_227 : i32 to index
      %get3A_343 = arith.constant 80 : index
      %get3A_344 = tpu.vector_load %arg11[%get3A_342, %get3A_343] {strides = array<i32>} : memref<128x128xf32, #tpu.memory_space<vmem>>, vector<1x16xf32>,
      %get3A_345 = vector.shape_cast %get3A_344 : vector<1x16xf32> to vector<16xf32>
      %add3A_346 = arith.addf %get3A_345, %add3A_341 : vector<16xf32>
      %swap3A_347 = arith.index_cast %scan3A_227 : i32 to index
      %swap3A_348 = arith.constant 80 : index
      %swap3A_349 = tpu.vector_load %arg11[%swap3A_347, %swap3A_348] {strides = array<i32>} : memref<128x128xf32, #tpu.memory_space<vmem>>, vector<1x16xf32>,
      %swap3A_350 = vector.shape_cast %swap3A_349 : vector<1x16xf32> to vector<16xf32>
      %swap3A_351 = vector.shape_cast %add3A_346 : vector<16xf32> to vector<1x16xf32>
      tpu.vector_store %arg11[%swap3A_347, %swap3A_348], %swap3A_351 {strides = array<i32>} : memref<128x128xf32, #tpu.memory_space<vmem>>, vector<1x16xf32>,
      %get3A_352 = arith.index_cast %scan3A_227 : i32 to index
      %get3A_353 = arith.constant 96 : index
      %get3A_354 = tpu.vector_load %arg9[%get3A_352, %get3A_353] {strides = array<i32>} : memref<256x128xf32, #tpu.memory_space<vmem>>, vector<1x16xf32>,
      %get3A_355 = vector.shape_cast %get3A_354 : vector<1x16xf32> to vector<16xf32>
      %add3A_356 = arith.constant 128 : i32
      %add3A_357 = arith.addi %add3A_356, %scan3A_227 : i32
      %get3A_358 = arith.index_cast %add3A_357 : i32 to index
      %get3A_359 = arith.constant 96 : index
      %get3A_360 = tpu.vector_load %arg9[%get3A_358, %get3A_359] {strides = array<i32>} : memref<256x128xf32, #tpu.memory_space<vmem>>, vector<1x16xf32>,
      %get3A_361 = vector.shape_cast %get3A_360 : vector<1x16xf32> to vector<16xf32>
      %add3A_362 = arith.addf %get3A_355, %get3A_361 : vector<16xf32>
      %get3A_363 = arith.index_cast %scan3A_227 : i32 to index
      %get3A_364 = arith.constant 96 : index
      %get3A_365 = tpu.vector_load %arg11[%get3A_363, %get3A_364] {strides = array<i32>} : memref<128x128xf32, #tpu.memory_space<vmem>>, vector<1x16xf32>,
      %get3A_366 = vector.shape_cast %get3A_365 : vector<1x16xf32> to vector<16xf32>
      %add3A_367 = arith.addf %get3A_366, %add3A_362 : vector<16xf32>
      %swap3A_368 = arith.index_cast %scan3A_227 : i32 to index
      %swap3A_369 = arith.constant 96 : index
      %swap3A_370 = tpu.vector_load %arg11[%swap3A_368, %swap3A_369] {strides = array<i32>} : memref<128x128xf32, #tpu.memory_space<vmem>>, vector<1x16xf32>,
      %swap3A_371 = vector.shape_cast %swap3A_370 : vector<1x16xf32> to vector<16xf32>
      %swap3A_372 = vector.shape_cast %add3A_367 : vector<16xf32> to vector<1x16xf32>
      tpu.vector_store %arg11[%swap3A_368, %swap3A_369], %swap3A_372 {strides = array<i32>} : memref<128x128xf32, #tpu.memory_space<vmem>>, vector<1x16xf32>,
      %get3A_373 = arith.index_cast %scan3A_227 : i32 to index
      %get3A_374 = arith.constant 112 : index
      %get3A_375 = tpu.vector_load %arg9[%get3A_373, %get3A_374] {strides = array<i32>} : memref<256x128xf32, #tpu.memory_space<vmem>>, vector<1x16xf32>,
      %get3A_376 = vector.shape_cast %get3A_375 : vector<1x16xf32> to vector<16xf32>
      %add3A_377 = arith.constant 128 : i32
      %add3A_378 = arith.addi %add3A_377, %scan3A_227 : i32
      %get3A_379 = arith.index_cast %add3A_378 : i32 to index
      %get3A_380 = arith.constant 112 : index
      %get3A_381 = tpu.vector_load %arg9[%get3A_379, %get3A_380] {strides = array<i32>} : memref<256x128xf32, #tpu.memory_space<vmem>>, vector<1x16xf32>,
      %get3A_382 = vector.shape_cast %get3A_381 : vector<1x16xf32> to vector<16xf32>
      %add3A_383 = arith.addf %get3A_376, %get3A_382 : vector<16xf32>
      %get3A_384 = arith.index_cast %scan3A_227 : i32 to index
      %get3A_385 = arith.constant 112 : index
      %get3A_386 = tpu.vector_load %arg11[%get3A_384, %get3A_385] {strides = array<i32>} : memref<128x128xf32, #tpu.memory_space<vmem>>, vector<1x16xf32>,
      %get3A_387 = vector.shape_cast %get3A_386 : vector<1x16xf32> to vector<16xf32>
      %add3A_388 = arith.addf %get3A_387, %add3A_383 : vector<16xf32>
      %swap3A_389 = arith.index_cast %scan3A_227 : i32 to index
      %swap3A_390 = arith.constant 112 : index
      %swap3A_391 = tpu.vector_load %arg11[%swap3A_389, %swap3A_390] {strides = array<i32>} : memref<128x128xf32, #tpu.memory_space<vmem>>, vector<1x16xf32>,
      %swap3A_392 = vector.shape_cast %swap3A_391 : vector<1x16xf32> to vector<16xf32>
      %swap3A_393 = vector.shape_cast %add3A_388 : vector<16xf32> to vector<1x16xf32>
      tpu.vector_store %arg11[%swap3A_389, %swap3A_390], %swap3A_393 {strides = array<i32>} : memref<128x128xf32, #tpu.memory_space<vmem>>, vector<1x16xf32>,
    }
    %scan3A_98 = arith.constant 128 : i32
    %mul3A_99 = arith.constant 128 : i32
    %mul3A_100 = arith.muli %add3A_13, %mul3A_99 : i32
    %dma_start3A_101 = arith.constant 0 : i32
    %dma_start3A_102 = tpu.memref_slice %arg6[%mul3A_100, %dma_start3A_101] : memref<61440x128xf32, #tpu.memory_space<hbm>> -> memref<128x128xf32, #tpu.memory_space<hbm>>
    %dma_start3A_103 = arith.constant 0 : i32
    %dma_start3A_104 = tpu.memref_slice %arg6[%mul3A_100, %dma_start3A_103] : memref<61440x128xf32, #tpu.memory_space<hbm>> -> memref<128x128xf32, #tpu.memory_space<hbm>>
    tpu.enqueue_dma source(%arg11 : memref<128x128xf32, #tpu.memory_space<vmem>>) target(%dma_start3A_104 : memref<128x128xf32, #tpu.memory_space<hbm>>) target_semaphore(%arg15 : memref<!tpu.dma_semaphore, #tpu.memory_space<semaphore_mem>>)
    %dma_start3A_105 = arith.constant 0 : i32
    %dma_start3A_106 = arith.constant 0 : i32
    %dma_start3A_107 = tpu.memref_slice %arg9[%dma_start3A_105, %dma_start3A_106] : memref<256x128xf32, #tpu.memory_space<vmem>> -> memref<128x128xf32, #tpu.memory_space<vmem>>
    %dma_start3A_108 = arith.constant 0 : i32
    %dma_start3A_109 = tpu.memref_slice %arg8[%dma_start3A_108] : memref<640xi32, #tpu.memory_space<vmem>> -> memref<128xi32, #tpu.memory_space<vmem>>
    %dma_start3A_110 = arith.constant 0 : i32
    %dma_start3A_111 = arith.constant 0 : i32
    %dma_start3A_112 = tpu.memref_slice %arg4[%dma_start3A_110, %dma_start3A_111] : memref<100000x128xf32, #tpu.memory_space<hbm>> -> memref<100000x128xf32, #tpu.memory_space<hbm>>
    tpu.enqueue_indirect_dma source(%dma_start3A_112 : memref<100000x128xf32, #tpu.memory_space<hbm>>) target(%dma_start3A_107 : memref<128x128xf32, #tpu.memory_space<vmem>>) offsets(%dma_start3A_109 : memref<128xi32, #tpu.memory_space<vmem>>) semaphore(%arg13 : memref<!tpu.dma_semaphore, #tpu.memory_space<semaphore_mem>>)
    %dma_wait3A_113 = arith.constant 0 : i32
    %dma_wait3A_114 = arith.constant 0 : i32
    %dma_wait3A_115 = tpu.memref_slice %arg9[%dma_wait3A_113, %dma_wait3A_114] : memref<256x128xf32, #tpu.memory_space<vmem>> -> memref<128x128xf32, #tpu.memory_space<vmem>>
    %dma_wait3A_116 = arith.constant 0 : i32
    %dma_wait3A_117 = tpu.memref_slice %arg8[%dma_wait3A_116] : memref<640xi32, #tpu.memory_space<vmem>> -> memref<128xi32, #tpu.memory_space<vmem>>
    %dma_wait3A_118 = arith.constant 0 : i32
    %dma_wait3A_119 = arith.constant 0 : i32
    %dma_wait3A_120 = tpu.memref_slice %arg4[%dma_wait3A_118, %dma_wait3A_119] : memref<100000x128xf32, #tpu.memory_space<hbm>> -> memref<100000x128xf32, #tpu.memory_space<hbm>>
    tpu.wait_indirect_dma semaphore(%arg13 : memref<!tpu.dma_semaphore, #tpu.memory_space<semaphore_mem>>) src(%dma_wait3A_120 : memref<100000x128xf32, #tpu.memory_space<hbm>>) dst(%dma_wait3A_115 : memref<128x128xf32, #tpu.memory_space<vmem>>)
    %dma_start3A_121 = arith.constant 0 : i32
    %dma_start3A_122 = arith.constant 0 : i32
    %dma_start3A_123 = tpu.memref_slice %arg10[%dma_start3A_121, %dma_start3A_122] : memref<256x128xf32, #tpu.memory_space<vmem>> -> memref<128x128xf32, #tpu.memory_space<vmem>>
    %dma_start3A_124 = arith.constant 128 : i32
    %dma_start3A_125 = tpu.memref_slice %arg8[%dma_start3A_124] : memref<640xi32, #tpu.memory_space<vmem>> -> memref<128xi32, #tpu.memory_space<vmem>>
    %dma_start3A_126 = arith.constant 0 : i32
    %dma_start3A_127 = arith.constant 0 : i32
    %dma_start3A_128 = tpu.memref_slice %arg4[%dma_start3A_126, %dma_start3A_127] : memref<100000x128xf32, #tpu.memory_space<hbm>> -> memref<100000x128xf32, #tpu.memory_space<hbm>>
    tpu.enqueue_indirect_dma source(%dma_start3A_128 : memref<100000x128xf32, #tpu.memory_space<hbm>>) target(%dma_start3A_123 : memref<128x128xf32, #tpu.memory_space<vmem>>) offsets(%dma_start3A_125 : memref<128xi32, #tpu.memory_space<vmem>>) semaphore(%arg14 : memref<!tpu.dma_semaphore, #tpu.memory_space<semaphore_mem>>)
    %mul3A_129 = arith.constant 5 : i32
    %mul3A_130 = arith.muli %add3A, %mul3A_129 : i32
    %add3A_131 = arith.constant 0 : i32
    %add3A_132 = arith.addi %mul3A_130, %add3A_131 : i32
    %mul3A_133 = arith.constant 128 : i32
    %mul3A_134 = arith.muli %add3A_132, %mul3A_133 : i32
    "tpu.region"() ({
      %run_scoped3A = tpu.sem_alloc : memref<!tpu.dma_semaphore, #tpu.memory_space<semaphore_mem>>
      %dma_start3A_227 = arith.constant 0 : i32
      %dma_start3A_228 = arith.constant 0 : i32
      %dma_start3A_229 = tpu.memref_slice %arg9[%dma_start3A_227, %dma_start3A_228] : memref<256x128xf32, #tpu.memory_space<vmem>> -> memref<128x128xf32, #tpu.memory_space<vmem>>
      %dma_start3A_230 = arith.constant 0 : i32
      %dma_start3A_231 = tpu.memref_slice %arg5[%mul3A_134, %dma_start3A_230] : memref<20480x128xf32, #tpu.memory_space<hbm>> -> memref<128x128xf32, #tpu.memory_space<hbm>>
      %dma_start3A_232 = arith.constant 0 : i32
      %dma_start3A_233 = tpu.memref_slice %arg5[%mul3A_134, %dma_start3A_232] : memref<20480x128xf32, #tpu.memory_space<hbm>> -> memref<128x128xf32, #tpu.memory_space<hbm>>
      %dma_start3A_234 = arith.constant 0 : i32
      %dma_start3A_235 = arith.constant 0 : i32
      %dma_start3A_236 = tpu.memref_slice %arg9[%dma_start3A_234, %dma_start3A_235] : memref<256x128xf32, #tpu.memory_space<vmem>> -> memref<128x128xf32, #tpu.memory_space<vmem>>
      tpu.enqueue_dma source(%dma_start3A_236 : memref<128x128xf32, #tpu.memory_space<vmem>>) target(%dma_start3A_233 : memref<128x128xf32, #tpu.memory_space<hbm>>) target_semaphore(%run_scoped3A : memref<!tpu.dma_semaphore, #tpu.memory_space<semaphore_mem>>)
      %dma_wait3A_237 = arith.constant 0 : i32
      %dma_wait3A_238 = arith.constant 0 : i32
      %dma_wait3A_239 = tpu.memref_slice %arg9[%dma_wait3A_237, %dma_wait3A_238] : memref<256x128xf32, #tpu.memory_space<vmem>> -> memref<128x128xf32, #tpu.memory_space<vmem>>
      %dma_wait3A_240 = arith.constant 0 : i32
      %dma_wait3A_241 = tpu.memref_slice %arg5[%mul3A_134, %dma_wait3A_240] : memref<20480x128xf32, #tpu.memory_space<hbm>> -> memref<128x128xf32, #tpu.memory_space<hbm>>
      %dma_wait3A_242 = arith.constant 0 : i32
      %dma_wait3A_243 = tpu.memref_slice %arg5[%mul3A_134, %dma_wait3A_242] : memref<20480x128xf32, #tpu.memory_space<hbm>> -> memref<128x128xf32, #tpu.memory_space<hbm>>
      %dma_wait3A_244 = arith.constant 0 : i32
      %dma_wait3A_245 = arith.constant 0 : i32
      %dma_wait3A_246 = tpu.memref_slice %arg9[%dma_wait3A_244, %dma_wait3A_245] : memref<256x128xf32, #tpu.memory_space<vmem>> -> memref<128x128xf32, #tpu.memory_space<vmem>>
      tpu.wait_dma2 semaphore(%run_scoped3A : memref<!tpu.dma_semaphore, #tpu.memory_space<semaphore_mem>>) src(%dma_wait3A_246 : memref<128x128xf32, #tpu.memory_space<vmem>>) dst(%dma_wait3A_243 : memref<128x128xf32, #tpu.memory_space<hbm>>)
      tpu.yield
    }) : () -> ()
    %dma_wait3A_135 = arith.constant 0 : i32
    %dma_wait3A_136 = arith.constant 0 : i32
    %dma_wait3A_137 = tpu.memref_slice %arg10[%dma_wait3A_135, %dma_wait3A_136] : memref<256x128xf32, #tpu.memory_space<vmem>> -> memref<128x128xf32, #tpu.memory_space<vmem>>
    %dma_wait3A_138 = arith.constant 128 : i32
    %dma_wait3A_139 = tpu.memref_slice %arg8[%dma_wait3A_138] : memref<640xi32, #tpu.memory_space<vmem>> -> memref<128xi32, #tpu.memory_space<vmem>>
    %dma_wait3A_140 = arith.constant 0 : i32
    %dma_wait3A_141 = arith.constant 0 : i32
    %dma_wait3A_142 = tpu.memref_slice %arg4[%dma_wait3A_140, %dma_wait3A_141] : memref<100000x128xf32, #tpu.memory_space<hbm>> -> memref<100000x128xf32, #tpu.memory_space<hbm>>
    tpu.wait_indirect_dma semaphore(%arg14 : memref<!tpu.dma_semaphore, #tpu.memory_space<semaphore_mem>>) src(%dma_wait3A_142 : memref<100000x128xf32, #tpu.memory_space<hbm>>) dst(%dma_wait3A_137 : memref<128x128xf32, #tpu.memory_space<vmem>>)
    %dma_start3A_143 = arith.constant 0 : i32
    %dma_start3A_144 = arith.constant 0 : i32
    %dma_start3A_145 = tpu.memref_slice %arg9[%dma_start3A_143, %dma_start3A_144] : memref<256x128xf32, #tpu.memory_space<vmem>> -> memref<128x128xf32, #tpu.memory_space<vmem>>
    %dma_start3A_146 = arith.constant 256 : i32
    %dma_start3A_147 = tpu.memref_slice %arg8[%dma_start3A_146] : memref<640xi32, #tpu.memory_space<vmem>> -> memref<128xi32, #tpu.memory_space<vmem>>
    %dma_start3A_148 = arith.constant 0 : i32
    %dma_start3A_149 = arith.constant 0 : i32
    %dma_start3A_150 = tpu.memref_slice %arg4[%dma_start3A_148, %dma_start3A_149] : memref<100000x128xf32, #tpu.memory_space<hbm>> -> memref<100000x128xf32, #tpu.memory_space<hbm>>
    tpu.enqueue_indirect_dma source(%dma_start3A_150 : memref<100000x128xf32, #tpu.memory_space<hbm>>) target(%dma_start3A_145 : memref<128x128xf32, #tpu.memory_space<vmem>>) offsets(%dma_start3A_147 : memref<128xi32, #tpu.memory_space<vmem>>) semaphore(%arg13 : memref<!tpu.dma_semaphore, #tpu.memory_space<semaphore_mem>>)
    %mul3A_151 = arith.constant 5 : i32
    %mul3A_152 = arith.muli %add3A, %mul3A_151 : i32
    %add3A_153 = arith.constant 1 : i32
    %add3A_154 = arith.addi %mul3A_152, %add3A_153 : i32
    %mul3A_155 = arith.constant 128 : i32
    %mul3A_156 = arith.muli %add3A_154, %mul3A_155 : i32
    "tpu.region"() ({
      %run_scoped3A = tpu.sem_alloc : memref<!tpu.dma_semaphore, #tpu.memory_space<semaphore_mem>>
      %dma_start3A_227 = arith.constant 0 : i32
      %dma_start3A_228 = arith.constant 0 : i32
      %dma_start3A_229 = tpu.memref_slice %arg10[%dma_start3A_227, %dma_start3A_228] : memref<256x128xf32, #tpu.memory_space<vmem>> -> memref<128x128xf32, #tpu.memory_space<vmem>>
      %dma_start3A_230 = arith.constant 0 : i32
      %dma_start3A_231 = tpu.memref_slice %arg5[%mul3A_156, %dma_start3A_230] : memref<20480x128xf32, #tpu.memory_space<hbm>> -> memref<128x128xf32, #tpu.memory_space<hbm>>
      %dma_start3A_232 = arith.constant 0 : i32
      %dma_start3A_233 = tpu.memref_slice %arg5[%mul3A_156, %dma_start3A_232] : memref<20480x128xf32, #tpu.memory_space<hbm>> -> memref<128x128xf32, #tpu.memory_space<hbm>>
      %dma_start3A_234 = arith.constant 0 : i32
      %dma_start3A_235 = arith.constant 0 : i32
      %dma_start3A_236 = tpu.memref_slice %arg10[%dma_start3A_234, %dma_start3A_235] : memref<256x128xf32, #tpu.memory_space<vmem>> -> memref<128x128xf32, #tpu.memory_space<vmem>>
      tpu.enqueue_dma source(%dma_start3A_236 : memref<128x128xf32, #tpu.memory_space<vmem>>) target(%dma_start3A_233 : memref<128x128xf32, #tpu.memory_space<hbm>>) target_semaphore(%run_scoped3A : memref<!tpu.dma_semaphore, #tpu.memory_space<semaphore_mem>>)
      %dma_wait3A_237 = arith.constant 0 : i32
      %dma_wait3A_238 = arith.constant 0 : i32
      %dma_wait3A_239 = tpu.memref_slice %arg10[%dma_wait3A_237, %dma_wait3A_238] : memref<256x128xf32, #tpu.memory_space<vmem>> -> memref<128x128xf32, #tpu.memory_space<vmem>>
      %dma_wait3A_240 = arith.constant 0 : i32
      %dma_wait3A_241 = tpu.memref_slice %arg5[%mul3A_156, %dma_wait3A_240] : memref<20480x128xf32, #tpu.memory_space<hbm>> -> memref<128x128xf32, #tpu.memory_space<hbm>>
      %dma_wait3A_242 = arith.constant 0 : i32
      %dma_wait3A_243 = tpu.memref_slice %arg5[%mul3A_156, %dma_wait3A_242] : memref<20480x128xf32, #tpu.memory_space<hbm>> -> memref<128x128xf32, #tpu.memory_space<hbm>>
      %dma_wait3A_244 = arith.constant 0 : i32
      %dma_wait3A_245 = arith.constant 0 : i32
      %dma_wait3A_246 = tpu.memref_slice %arg10[%dma_wait3A_244, %dma_wait3A_245] : memref<256x128xf32, #tpu.memory_space<vmem>> -> memref<128x128xf32, #tpu.memory_space<vmem>>
      tpu.wait_dma2 semaphore(%run_scoped3A : memref<!tpu.dma_semaphore, #tpu.memory_space<semaphore_mem>>) src(%dma_wait3A_246 : memref<128x128xf32, #tpu.memory_space<vmem>>) dst(%dma_wait3A_243 : memref<128x128xf32, #tpu.memory_space<hbm>>)
      tpu.yield
    }) : () -> ()
    %dma_wait3A_157 = arith.constant 0 : i32
    %dma_wait3A_158 = arith.constant 0 : i32
    %dma_wait3A_159 = tpu.memref_slice %arg9[%dma_wait3A_157, %dma_wait3A_158] : memref<256x128xf32, #tpu.memory_space<vmem>> -> memref<128x128xf32, #tpu.memory_space<vmem>>
    %dma_wait3A_160 = arith.constant 256 : i32
    %dma_wait3A_161 = tpu.memref_slice %arg8[%dma_wait3A_160] : memref<640xi32, #tpu.memory_space<vmem>> -> memref<128xi32, #tpu.memory_space<vmem>>
    %dma_wait3A_162 = arith.constant 0 : i32
    %dma_wait3A_163 = arith.constant 0 : i32
    %dma_wait3A_164 = tpu.memref_slice %arg4[%dma_wait3A_162, %dma_wait3A_163] : memref<100000x128xf32, #tpu.memory_space<hbm>> -> memref<100000x128xf32, #tpu.memory_space<hbm>>
    tpu.wait_indirect_dma semaphore(%arg13 : memref<!tpu.dma_semaphore, #tpu.memory_space<semaphore_mem>>) src(%dma_wait3A_164 : memref<100000x128xf32, #tpu.memory_space<hbm>>) dst(%dma_wait3A_159 : memref<128x128xf32, #tpu.memory_space<vmem>>)
    %dma_start3A_165 = arith.constant 0 : i32
    %dma_start3A_166 = arith.constant 0 : i32
    %dma_start3A_167 = tpu.memref_slice %arg10[%dma_start3A_165, %dma_start3A_166] : memref<256x128xf32, #tpu.memory_space<vmem>> -> memref<128x128xf32, #tpu.memory_space<vmem>>
    %dma_start3A_168 = arith.constant 384 : i32
    %dma_start3A_169 = tpu.memref_slice %arg8[%dma_start3A_168] : memref<640xi32, #tpu.memory_space<vmem>> -> memref<128xi32, #tpu.memory_space<vmem>>
    %dma_start3A_170 = arith.constant 0 : i32
    %dma_start3A_171 = arith.constant 0 : i32
    %dma_start3A_172 = tpu.memref_slice %arg4[%dma_start3A_170, %dma_start3A_171] : memref<100000x128xf32, #tpu.memory_space<hbm>> -> memref<100000x128xf32, #tpu.memory_space<hbm>>
    tpu.enqueue_indirect_dma source(%dma_start3A_172 : memref<100000x128xf32, #tpu.memory_space<hbm>>) target(%dma_start3A_167 : memref<128x128xf32, #tpu.memory_space<vmem>>) offsets(%dma_start3A_169 : memref<128xi32, #tpu.memory_space<vmem>>) semaphore(%arg14 : memref<!tpu.dma_semaphore, #tpu.memory_space<semaphore_mem>>)
    %mul3A_173 = arith.constant 5 : i32
    %mul3A_174 = arith.muli %add3A, %mul3A_173 : i32
    %add3A_175 = arith.constant 2 : i32
    %add3A_176 = arith.addi %mul3A_174, %add3A_175 : i32
    %mul3A_177 = arith.constant 128 : i32
    %mul3A_178 = arith.muli %add3A_176, %mul3A_177 : i32
    "tpu.region"() ({
      %run_scoped3A = tpu.sem_alloc : memref<!tpu.dma_semaphore, #tpu.memory_space<semaphore_mem>>
      %dma_start3A_227 = arith.constant 0 : i32
      %dma_start3A_228 = arith.constant 0 : i32
      %dma_start3A_229 = tpu.memref_slice %arg9[%dma_start3A_227, %dma_start3A_228] : memref<256x128xf32, #tpu.memory_space<vmem>> -> memref<128x128xf32, #tpu.memory_space<vmem>>
      %dma_start3A_230 = arith.constant 0 : i32
      %dma_start3A_231 = tpu.memref_slice %arg5[%mul3A_178, %dma_start3A_230] : memref<20480x128xf32, #tpu.memory_space<hbm>> -> memref<128x128xf32, #tpu.memory_space<hbm>>
      %dma_start3A_232 = arith.constant 0 : i32
      %dma_start3A_233 = tpu.memref_slice %arg5[%mul3A_178, %dma_start3A_232] : memref<20480x128xf32, #tpu.memory_space<hbm>> -> memref<128x128xf32, #tpu.memory_space<hbm>>
      %dma_start3A_234 = arith.constant 0 : i32
      %dma_start3A_235 = arith.constant 0 : i32
      %dma_start3A_236 = tpu.memref_slice %arg9[%dma_start3A_234, %dma_start3A_235] : memref<256x128xf32, #tpu.memory_space<vmem>> -> memref<128x128xf32, #tpu.memory_space<vmem>>
      tpu.enqueue_dma source(%dma_start3A_236 : memref<128x128xf32, #tpu.memory_space<vmem>>) target(%dma_start3A_233 : memref<128x128xf32, #tpu.memory_space<hbm>>) target_semaphore(%run_scoped3A : memref<!tpu.dma_semaphore, #tpu.memory_space<semaphore_mem>>)
      %dma_wait3A_237 = arith.constant 0 : i32
      %dma_wait3A_238 = arith.constant 0 : i32
      %dma_wait3A_239 = tpu.memref_slice %arg9[%dma_wait3A_237, %dma_wait3A_238] : memref<256x128xf32, #tpu.memory_space<vmem>> -> memref<128x128xf32, #tpu.memory_space<vmem>>
      %dma_wait3A_240 = arith.constant 0 : i32
      %dma_wait3A_241 = tpu.memref_slice %arg5[%mul3A_178, %dma_wait3A_240] : memref<20480x128xf32, #tpu.memory_space<hbm>> -> memref<128x128xf32, #tpu.memory_space<hbm>>
      %dma_wait3A_242 = arith.constant 0 : i32
      %dma_wait3A_243 = tpu.memref_slice %arg5[%mul3A_178, %dma_wait3A_242] : memref<20480x128xf32, #tpu.memory_space<hbm>> -> memref<128x128xf32, #tpu.memory_space<hbm>>
      %dma_wait3A_244 = arith.constant 0 : i32
      %dma_wait3A_245 = arith.constant 0 : i32
      %dma_wait3A_246 = tpu.memref_slice %arg9[%dma_wait3A_244, %dma_wait3A_245] : memref<256x128xf32, #tpu.memory_space<vmem>> -> memref<128x128xf32, #tpu.memory_space<vmem>>
      tpu.wait_dma2 semaphore(%run_scoped3A : memref<!tpu.dma_semaphore, #tpu.memory_space<semaphore_mem>>) src(%dma_wait3A_246 : memref<128x128xf32, #tpu.memory_space<vmem>>) dst(%dma_wait3A_243 : memref<128x128xf32, #tpu.memory_space<hbm>>)
      tpu.yield
    }) : () -> ()
    %dma_wait3A_179 = arith.constant 0 : i32
    %dma_wait3A_180 = arith.constant 0 : i32
    %dma_wait3A_181 = tpu.memref_slice %arg10[%dma_wait3A_179, %dma_wait3A_180] : memref<256x128xf32, #tpu.memory_space<vmem>> -> memref<128x128xf32, #tpu.memory_space<vmem>>
    %dma_wait3A_182 = arith.constant 384 : i32
    %dma_wait3A_183 = tpu.memref_slice %arg8[%dma_wait3A_182] : memref<640xi32, #tpu.memory_space<vmem>> -> memref<128xi32, #tpu.memory_space<vmem>>
    %dma_wait3A_184 = arith.constant 0 : i32
    %dma_wait3A_185 = arith.constant 0 : i32
    %dma_wait3A_186 = tpu.memref_slice %arg4[%dma_wait3A_184, %dma_wait3A_185] : memref<100000x128xf32, #tpu.memory_space<hbm>> -> memref<100000x128xf32, #tpu.memory_space<hbm>>
    tpu.wait_indirect_dma semaphore(%arg14 : memref<!tpu.dma_semaphore, #tpu.memory_space<semaphore_mem>>) src(%dma_wait3A_186 : memref<100000x128xf32, #tpu.memory_space<hbm>>) dst(%dma_wait3A_181 : memref<128x128xf32, #tpu.memory_space<vmem>>)
    %dma_start3A_187 = arith.constant 0 : i32
    %dma_start3A_188 = arith.constant 0 : i32
    %dma_start3A_189 = tpu.memref_slice %arg9[%dma_start3A_187, %dma_start3A_188] : memref<256x128xf32, #tpu.memory_space<vmem>> -> memref<128x128xf32, #tpu.memory_space<vmem>>
    %dma_start3A_190 = arith.constant 512 : i32
    %dma_start3A_191 = tpu.memref_slice %arg8[%dma_start3A_190] : memref<640xi32, #tpu.memory_space<vmem>> -> memref<128xi32, #tpu.memory_space<vmem>>
    %dma_start3A_192 = arith.constant 0 : i32
    %dma_start3A_193 = arith.constant 0 : i32
    %dma_start3A_194 = tpu.memref_slice %arg4[%dma_start3A_192, %dma_start3A_193] : memref<100000x128xf32, #tpu.memory_space<hbm>> -> memref<100000x128xf32, #tpu.memory_space<hbm>>
    tpu.enqueue_indirect_dma source(%dma_start3A_194 : memref<100000x128xf32, #tpu.memory_space<hbm>>) target(%dma_start3A_189 : memref<128x128xf32, #tpu.memory_space<vmem>>) offsets(%dma_start3A_191 : memref<128xi32, #tpu.memory_space<vmem>>) semaphore(%arg13 : memref<!tpu.dma_semaphore, #tpu.memory_space<semaphore_mem>>)
    %mul3A_195 = arith.constant 5 : i32
    %mul3A_196 = arith.muli %add3A, %mul3A_195 : i32
    %add3A_197 = arith.constant 3 : i32
    %add3A_198 = arith.addi %mul3A_196, %add3A_197 : i32
    %mul3A_199 = arith.constant 128 : i32
    %mul3A_200 = arith.muli %add3A_198, %mul3A_199 : i32
    "tpu.region"() ({
      %run_scoped3A = tpu.sem_alloc : memref<!tpu.dma_semaphore, #tpu.memory_space<semaphore_mem>>
      %dma_start3A_227 = arith.constant 0 : i32
      %dma_start3A_228 = arith.constant 0 : i32
      %dma_start3A_229 = tpu.memref_slice %arg10[%dma_start3A_227, %dma_start3A_228] : memref<256x128xf32, #tpu.memory_space<vmem>> -> memref<128x128xf32, #tpu.memory_space<vmem>>
      %dma_start3A_230 = arith.constant 0 : i32
      %dma_start3A_231 = tpu.memref_slice %arg5[%mul3A_200, %dma_start3A_230] : memref<20480x128xf32, #tpu.memory_space<hbm>> -> memref<128x128xf32, #tpu.memory_space<hbm>>
      %dma_start3A_232 = arith.constant 0 : i32
      %dma_start3A_233 = tpu.memref_slice %arg5[%mul3A_200, %dma_start3A_232] : memref<20480x128xf32, #tpu.memory_space<hbm>> -> memref<128x128xf32, #tpu.memory_space<hbm>>
      %dma_start3A_234 = arith.constant 0 : i32
      %dma_start3A_235 = arith.constant 0 : i32
      %dma_start3A_236 = tpu.memref_slice %arg10[%dma_start3A_234, %dma_start3A_235] : memref<256x128xf32, #tpu.memory_space<vmem>> -> memref<128x128xf32, #tpu.memory_space<vmem>>
      tpu.enqueue_dma source(%dma_start3A_236 : memref<128x128xf32, #tpu.memory_space<vmem>>) target(%dma_start3A_233 : memref<128x128xf32, #tpu.memory_space<hbm>>) target_semaphore(%run_scoped3A : memref<!tpu.dma_semaphore, #tpu.memory_space<semaphore_mem>>)
      %dma_wait3A_237 = arith.constant 0 : i32
      %dma_wait3A_238 = arith.constant 0 : i32
      %dma_wait3A_239 = tpu.memref_slice %arg10[%dma_wait3A_237, %dma_wait3A_238] : memref<256x128xf32, #tpu.memory_space<vmem>> -> memref<128x128xf32, #tpu.memory_space<vmem>>
      %dma_wait3A_240 = arith.constant 0 : i32
      %dma_wait3A_241 = tpu.memref_slice %arg5[%mul3A_200, %dma_wait3A_240] : memref<20480x128xf32, #tpu.memory_space<hbm>> -> memref<128x128xf32, #tpu.memory_space<hbm>>
      %dma_wait3A_242 = arith.constant 0 : i32
      %dma_wait3A_243 = tpu.memref_slice %arg5[%mul3A_200, %dma_wait3A_242] : memref<20480x128xf32, #tpu.memory_space<hbm>> -> memref<128x128xf32, #tpu.memory_space<hbm>>
      %dma_wait3A_244 = arith.constant 0 : i32
      %dma_wait3A_245 = arith.constant 0 : i32
      %dma_wait3A_246 = tpu.memref_slice %arg10[%dma_wait3A_244, %dma_wait3A_245] : memref<256x128xf32, #tpu.memory_space<vmem>> -> memref<128x128xf32, #tpu.memory_space<vmem>>
      tpu.wait_dma2 semaphore(%run_scoped3A : memref<!tpu.dma_semaphore, #tpu.memory_space<semaphore_mem>>) src(%dma_wait3A_246 : memref<128x128xf32, #tpu.memory_space<vmem>>) dst(%dma_wait3A_243 : memref<128x128xf32, #tpu.memory_space<hbm>>)
      tpu.yield
    }) : () -> ()
    %dma_wait3A_201 = arith.constant 0 : i32
    %dma_wait3A_202 = arith.constant 0 : i32
    %dma_wait3A_203 = tpu.memref_slice %arg9[%dma_wait3A_201, %dma_wait3A_202] : memref<256x128xf32, #tpu.memory_space<vmem>> -> memref<128x128xf32, #tpu.memory_space<vmem>>
    %dma_wait3A_204 = arith.constant 512 : i32
    %dma_wait3A_205 = tpu.memref_slice %arg8[%dma_wait3A_204] : memref<640xi32, #tpu.memory_space<vmem>> -> memref<128xi32, #tpu.memory_space<vmem>>
    %dma_wait3A_206 = arith.constant 0 : i32
    %dma_wait3A_207 = arith.constant 0 : i32
    %dma_wait3A_208 = tpu.memref_slice %arg4[%dma_wait3A_206, %dma_wait3A_207] : memref<100000x128xf32, #tpu.memory_space<hbm>> -> memref<100000x128xf32, #tpu.memory_space<hbm>>
    tpu.wait_indirect_dma semaphore(%arg13 : memref<!tpu.dma_semaphore, #tpu.memory_space<semaphore_mem>>) src(%dma_wait3A_208 : memref<100000x128xf32, #tpu.memory_space<hbm>>) dst(%dma_wait3A_203 : memref<128x128xf32, #tpu.memory_space<vmem>>)
    %mul3A_209 = arith.constant 5 : i32
    %mul3A_210 = arith.muli %add3A, %mul3A_209 : i32
    %add3A_211 = arith.constant 4 : i32
    %add3A_212 = arith.addi %mul3A_210, %add3A_211 : i32
    %mul3A_213 = arith.constant 128 : i32
    %mul3A_214 = arith.muli %add3A_212, %mul3A_213 : i32
    "tpu.region"() ({
      %run_scoped3A = tpu.sem_alloc : memref<!tpu.dma_semaphore, #tpu.memory_space<semaphore_mem>>
      %dma_start3A_227 = arith.constant 0 : i32
      %dma_start3A_228 = arith.constant 0 : i32
      %dma_start3A_229 = tpu.memref_slice %arg9[%dma_start3A_227, %dma_start3A_228] : memref<256x128xf32, #tpu.memory_space<vmem>> -> memref<128x128xf32, #tpu.memory_space<vmem>>
      %dma_start3A_230 = arith.constant 0 : i32
      %dma_start3A_231 = tpu.memref_slice %arg5[%mul3A_214, %dma_start3A_230] : memref<20480x128xf32, #tpu.memory_space<hbm>> -> memref<128x128xf32, #tpu.memory_space<hbm>>
      %dma_start3A_232 = arith.constant 0 : i32
      %dma_start3A_233 = tpu.memref_slice %arg5[%mul3A_214, %dma_start3A_232] : memref<20480x128xf32, #tpu.memory_space<hbm>> -> memref<128x128xf32, #tpu.memory_space<hbm>>
      %dma_start3A_234 = arith.constant 0 : i32
      %dma_start3A_235 = arith.constant 0 : i32
      %dma_start3A_236 = tpu.memref_slice %arg9[%dma_start3A_234, %dma_start3A_235] : memref<256x128xf32, #tpu.memory_space<vmem>> -> memref<128x128xf32, #tpu.memory_space<vmem>>
      tpu.enqueue_dma source(%dma_start3A_236 : memref<128x128xf32, #tpu.memory_space<vmem>>) target(%dma_start3A_233 : memref<128x128xf32, #tpu.memory_space<hbm>>) target_semaphore(%run_scoped3A : memref<!tpu.dma_semaphore, #tpu.memory_space<semaphore_mem>>)
      %dma_wait3A_237 = arith.constant 0 : i32
      %dma_wait3A_238 = arith.constant 0 : i32
      %dma_wait3A_239 = tpu.memref_slice %arg9[%dma_wait3A_237, %dma_wait3A_238] : memref<256x128xf32, #tpu.memory_space<vmem>> -> memref<128x128xf32, #tpu.memory_space<vmem>>
      %dma_wait3A_240 = arith.constant 0 : i32
      %dma_wait3A_241 = tpu.memref_slice %arg5[%mul3A_214, %dma_wait3A_240] : memref<20480x128xf32, #tpu.memory_space<hbm>> -> memref<128x128xf32, #tpu.memory_space<hbm>>
      %dma_wait3A_242 = arith.constant 0 : i32
      %dma_wait3A_243 = tpu.memref_slice %arg5[%mul3A_214, %dma_wait3A_242] : memref<20480x128xf32, #tpu.memory_space<hbm>> -> memref<128x128xf32, #tpu.memory_space<hbm>>
      %dma_wait3A_244 = arith.constant 0 : i32
      %dma_wait3A_245 = arith.constant 0 : i32
      %dma_wait3A_246 = tpu.memref_slice %arg9[%dma_wait3A_244, %dma_wait3A_245] : memref<256x128xf32, #tpu.memory_space<vmem>> -> memref<128x128xf32, #tpu.memory_space<vmem>>
      tpu.wait_dma2 semaphore(%run_scoped3A : memref<!tpu.dma_semaphore, #tpu.memory_space<semaphore_mem>>) src(%dma_wait3A_246 : memref<128x128xf32, #tpu.memory_space<vmem>>) dst(%dma_wait3A_243 : memref<128x128xf32, #tpu.memory_space<hbm>>)
      tpu.yield
    }) : () -> ()
    %dma_wait3A_215 = arith.constant 0 : i32
    %dma_wait3A_216 = arith.constant 0 : i32
    %dma_wait3A_217 = tpu.memref_slice %arg4[%dma_wait3A_215, %dma_wait3A_216] : memref<100000x128xf32, #tpu.memory_space<hbm>> -> memref<128x128xf32, #tpu.memory_space<hbm>>
    %dma_wait3A_218 = arith.constant 0 : i32
    %dma_wait3A_219 = arith.constant 0 : i32
    %dma_wait3A_220 = tpu.memref_slice %arg4[%dma_wait3A_218, %dma_wait3A_219] : memref<100000x128xf32, #tpu.memory_space<hbm>> -> memref<128x128xf32, #tpu.memory_space<hbm>>
    tpu.wait_dma2 semaphore(%arg15 : memref<!tpu.dma_semaphore, #tpu.memory_space<semaphore_mem>>) src(%dma_wait3A_220 : memref<128x128xf32, #tpu.memory_space<hbm>>) dst(%arg11 : memref<128x128xf32, #tpu.memory_space<vmem>>)
    %dma_wait3A_221 = arith.constant 0 : i32
    %dma_wait3A_222 = arith.constant 0 : i32
    %dma_wait3A_223 = tpu.memref_slice %arg4[%dma_wait3A_221, %dma_wait3A_222] : memref<100000x128xf32, #tpu.memory_space<hbm>> -> memref<128x128xf32, #tpu.memory_space<hbm>>
    %dma_wait3A_224 = arith.constant 0 : i32
    %dma_wait3A_225 = arith.constant 0 : i32
    %dma_wait3A_226 = tpu.memref_slice %arg4[%dma_wait3A_224, %dma_wait3A_225] : memref<100000x128xf32, #tpu.memory_space<hbm>> -> memref<128x128xf32, #tpu.memory_space<hbm>>
    tpu.wait_dma2 semaphore(%arg16 : memref<!tpu.dma_semaphore, #tpu.memory_space<semaphore_mem>>) src(%dma_wait3A_226 : memref<128x128xf32, #tpu.memory_space<hbm>>) dst(%arg12 : memref<128x128xf32, #tpu.memory_space<vmem>>)
    return
  }
}

module attributes {stable_mosaic.version = 14 : i64} {
  func.func @body(%arg0: i32, %arg1: i32, %arg2: memref<2x2000x128xf32, #tpu.memory_space<vmem>>, %arg3: memref<1x2000x128xf32, #tpu.memory_space<vmem>>, %arg4: memref<1x2000x128xf32, #tpu.memory_space<vmem>>, %arg5: memref<1x256x128xf32, #tpu.memory_space<vmem>>, %arg6: memref<2000x128xf32, #tpu.memory_space<vmem>>, %arg7: memref<2000x128xf32, #tpu.memory_space<vmem>>) attributes {dimension_semantics = [#tpu.dimension_semantics<arbitrary>, #tpu.dimension_semantics<arbitrary>], iteration_bounds = array<i64: 5, 3>, scalar_prefetch = 0 : i64, scratch_operands = 0 : i64, tpu.core_type = #tpu.core_type<tc>, window_params = [{transform_indices = @transform_0, window_bounds = array<i64: 2, 2000, 128>}, {transform_indices = @transform_1, window_bounds = array<i64: 1, 2000, 128>}, {transform_indices = @transform_2, window_bounds = array<i64: 1, 2000, 128>}, {transform_indices = @transform_3, window_bounds = array<i64: 1, 256, 128>}, {transform_indices = @transform_4, window_bounds = array<i64: 2000, 128>}, {transform_indices = @transform_5, window_bounds = array<i64: 2000, 128>}]} {
    %get3A = arith.constant 0 : index
    %get3A_0 = arith.constant 0 : index
    %get3A_1 = arith.constant 0 : index
    %get3A_2 = vector.load %arg2[%get3A, %get3A_0, %get3A_1] : memref<2x2000x128xf32, #tpu.memory_space<vmem>>, vector<1x2000x128xf32>
    %get3A_3 = vector.shape_cast %get3A_2 : vector<1x2000x128xf32> to vector<2000x128xf32>
    %get3A_4 = arith.constant 0 : index
    %get3A_5 = arith.constant 0 : index
    %get3A_6 = arith.constant 0 : index
    %get3A_7 = vector.load %arg3[%get3A_4, %get3A_5, %get3A_6] : memref<1x2000x128xf32, #tpu.memory_space<vmem>>, vector<1x2000x128xf32>
    %get3A_8 = vector.shape_cast %get3A_7 : vector<1x2000x128xf32> to vector<2000x128xf32>
    %concatenate3A = tpu.concatenate %get3A_3, %get3A_8 in 1 : vector<2000x128xf32>, vector<2000x128xf32> -> vector<2000x256xf32>
    %get3A_9 = arith.constant 1 : index
    %get3A_10 = arith.constant 0 : index
    %get3A_11 = arith.constant 0 : index
    %get3A_12 = vector.load %arg2[%get3A_9, %get3A_10, %get3A_11] : memref<2x2000x128xf32, #tpu.memory_space<vmem>>, vector<1x2000x128xf32>
    %get3A_13 = vector.shape_cast %get3A_12 : vector<1x2000x128xf32> to vector<2000x128xf32>
    %get3A_14 = arith.constant 0 : index
    %get3A_15 = arith.constant 0 : index
    %get3A_16 = arith.constant 0 : index
    %get3A_17 = vector.load %arg4[%get3A_14, %get3A_15, %get3A_16] : memref<1x2000x128xf32, #tpu.memory_space<vmem>>, vector<1x2000x128xf32>
    %get3A_18 = vector.shape_cast %get3A_17 : vector<1x2000x128xf32> to vector<2000x128xf32>
    %concatenate3A_19 = tpu.concatenate %get3A_13, %get3A_18 in 1 : vector<2000x128xf32>, vector<2000x128xf32> -> vector<2000x256xf32>
    %get3A_20 = arith.constant 0 : index
    %get3A_21 = arith.constant 0 : index
    %get3A_22 = arith.constant 0 : index
    %get3A_23 = vector.load %arg5[%get3A_20, %get3A_21, %get3A_22] : memref<1x256x128xf32, #tpu.memory_space<vmem>>, vector<1x256x128xf32>
    %get3A_24 = vector.shape_cast %get3A_23 : vector<1x256x128xf32> to vector<256x128xf32>
    %dot_general3A = arith.constant dense<0.000000e+00> : vector<2000x128xf32>
    %dot_general3A_25 = tpu.matmul %concatenate3A, %get3A_24, %dot_general3A {dimension_numbers = #tpu.dot_dimension_numbers<[1], [0], [0], [1], [0, 0, 1, 1], [], []>, transpose_lhs_hint = false} : vector<2000x256xf32>, vector<256x128xf32>, vector<2000x128xf32> -> vector<2000x128xf32>
    %max3A = arith.constant 0.000000e+00 : f32
    %max3A_26 = vector.broadcast %max3A : f32 to vector<2000x128xf32>
    %max3A_27 = arith.maximumf %dot_general3A_25, %max3A_26 : vector<2000x128xf32>
    %swap3A = arith.constant 0 : index
    %swap3A_28 = arith.constant 0 : index
    %swap3A_29 = vector.load %arg6[%swap3A, %swap3A_28] : memref<2000x128xf32, #tpu.memory_space<vmem>>, vector<2000x128xf32>
    tpu.vector_store %arg6[%swap3A, %swap3A_28], %max3A_27 {strides = array<i32>} : memref<2000x128xf32, #tpu.memory_space<vmem>>, vector<2000x128xf32>,
    %get3A_30 = arith.constant 0 : index
    %get3A_31 = arith.constant 0 : index
    %get3A_32 = arith.constant 0 : index
    %get3A_33 = vector.load %arg5[%get3A_30, %get3A_31, %get3A_32] : memref<1x256x128xf32, #tpu.memory_space<vmem>>, vector<1x256x128xf32>
    %get3A_34 = vector.shape_cast %get3A_33 : vector<1x256x128xf32> to vector<256x128xf32>
    %dot_general3A_35 = arith.constant dense<0.000000e+00> : vector<2000x128xf32>
    %dot_general3A_36 = tpu.matmul %concatenate3A_19, %get3A_34, %dot_general3A_35 {dimension_numbers = #tpu.dot_dimension_numbers<[1], [0], [0], [1], [0, 0, 1, 1], [], []>, transpose_lhs_hint = false} : vector<2000x256xf32>, vector<256x128xf32>, vector<2000x128xf32> -> vector<2000x128xf32>
    %max3A_37 = arith.constant 0.000000e+00 : f32
    %max3A_38 = vector.broadcast %max3A_37 : f32 to vector<2000x128xf32>
    %max3A_39 = arith.maximumf %dot_general3A_36, %max3A_38 : vector<2000x128xf32>
    %swap3A_40 = arith.constant 0 : index
    %swap3A_41 = arith.constant 0 : index
    %swap3A_42 = vector.load %arg7[%swap3A_40, %swap3A_41] : memref<2000x128xf32, #tpu.memory_space<vmem>>, vector<2000x128xf32>
    tpu.vector_store %arg7[%swap3A_40, %swap3A_41], %max3A_39 {strides = array<i32>} : memref<2000x128xf32, #tpu.memory_space<vmem>>, vector<2000x128xf32>,
    return
  }
  func.func @transform_0(%arg0: i32, %arg1: i32) -> (i32, i32, i32) {
    %c0_i32 = arith.constant 0 : i32
    %c0_i32_0 = arith.constant 0 : i32
    %c0_i32_1 = arith.constant 0 : i32
    return %c0_i32, %arg0, %c0_i32_0 : i32, i32, i32
  }
  func.func @transform_1(%arg0: i32, %arg1: i32) -> (i32, i32, i32) {
    %c0_i32 = arith.constant 0 : i32
    %c0_i32_0 = arith.constant 0 : i32
    return %arg1, %arg0, %c0_i32 : i32, i32, i32
  }
  func.func @transform_2(%arg0: i32, %arg1: i32) -> (i32, i32, i32) {
    %add3A = arith.constant 3 : i32
    %add3A_0 = arith.addi %add3A, %arg1 : i32
    %c0_i32 = arith.constant 0 : i32
    %c0_i32_1 = arith.constant 0 : i32
    return %add3A_0, %arg0, %c0_i32 : i32, i32, i32
  }
  func.func @transform_3(%arg0: i32, %arg1: i32) -> (i32, i32, i32) {
    %c0_i32 = arith.constant 0 : i32
    %c0_i32_0 = arith.constant 0 : i32
    %c0_i32_1 = arith.constant 0 : i32
    return %arg1, %c0_i32, %c0_i32_0 : i32, i32, i32
  }
  func.func @transform_4(%arg0: i32, %arg1: i32) -> (i32, i32) {
    %c0_i32 = arith.constant 0 : i32
    return %arg0, %arg1 : i32, i32
  }
  func.func @transform_5(%arg0: i32, %arg1: i32) -> (i32, i32) {
    %c0_i32 = arith.constant 0 : i32
    return %arg0, %arg1 : i32, i32
  }
}

</mosaic_0001>

<sc_bundles>
// kernel: kernel.4.cloned.1.call-start
scs
__scs_entry_jumppad:
0x0: {  	(pc) =	sbr.rel $0x88, $3  }
0x1: {  	(tag) =	ssettag $0x0;
	lr =	simm.s32 $0x1  }
0x2: {  	[smem:$0x3F9A] =	sst lr;
	_ =	strace $0xD0000000  }
0x3: {  	_ = 	snop  }
0x4: {  	_ = 	snop  }
0x5: {  	_ = 	snop  }
0x6: {  	_ = 	snop  }
0x7: {  	_ = 	snop  }
__scs_overlays_trampoline_lowered:
0x8: {  	[smem:$0x3FA9] =	sst s0  }
0x9: {  	[smem:$0x3FAA] =	sst s1  }
0xa: {  	[smem:$0x3FAB] =	sst s2  }
0xb: {  	[smem:$0x3FAC] =	sst s3  }
0xc: {  	[smem:$0x3FAD] =	sst s4  }
0xd: {  	[smem:$0x3FAE] =	sst s5  }
0xe: {  	[smem:$0x3FAF] =	sst s6  }
0xf: {  	[smem:$0x3FB0] =	sst s7  }
0x10: {  	[smem:$0x3FB1] =	sst s8  }
0x11: {  	[smem:$0x3FB2] =	sst s9;
	s0 =	simm.s32 @!p0 $0x0  }
0x12: {  	s1 =	sld [smem:$0x3F98];
	s0 =	simm.s32 @p0 $0x1  }
0x13: {  	[smem:$0x3FB3] =	sst s0;
	s0 =	simm.s32 @!p1 $0x0  }
0x14: {  	s2 =	sld [smem:$0x3F97];
	s0 =	simm.s32 @p1 $0x1  }
0x15: {  	[smem:$0x3FB4] =	sst s0;
	s0 =	simm.s32 @!p2 $0x0  }
0x16: {  	s3 =	sld [smem:$0x3FDB];
	s0 =	simm.s32 @p2 $0x1  }
0x17: {  	s4 =	simm.s32 $0x1BF5;
	[smem:$0x3FB6] =	sst s0  }
0x18: {  	s0 =	sld [smem:$0x3F99];
	_ =	swait.ge [sflag:s4], $0x0  }
0x19: {  	s7 =	sld [smem:$0x3F9A]  }
0x1a: {  	s8 =	sadd.s32 $0xFFFFE003, lr  }
0x1b: {  	s9 =	sadd.s32 $0xFFFFFEF7, lr;
	s5 =	simm.s32 $0xFFFFFFFF;
	p2 =	slt.u32 s8, $0xFFFFF086  }
0x1c: {  	p1 =	slt.u32 s9, $0xF7A;
	s5 =	simm.s32 @!p2 $0x0  }
0x1d: {  	s5 =	simm.s32 @p1 $0x1;
	p0 =	seq.s32 s7, s2  }
0x1e: {  	s7 =	smul.u32 @!p0 $0xF7A, s2;
	p2 =	seq.s32 @!p0 s5, $0x0  }
0x1f: {  	s9 =	smul.u32 $0xF7A, s1;
	s8 =	simm.s32 @!p0 $0x1BF5;
	p2 =	por !p2, p0  }
0x20: {  	[sflag:s8] =	ssyncset.s32 @!p0 $0xFFFFF086;
	s6 =	sadd.s32 @!p0 s3, s7;
	s7 =	simm.s32 @!p0 $0x108  }
0x21: {  	s3 =	sadd.s32 s3, s9;
	s6 =	sadd.s32 @!p0 $0x88, s6;
	s7 =	simm.s32 @p2 $0x1082  }
0x22: {  	[simem:s7], [sflag:s8] =	dma.local @!p0 [hbm:s6], $0xF7A  }
0x23: {  	s9 =	sor.u32 $0xD0000000, s2;
	s6 =	simm.s32 $0x108;
	_ =	swait.ge @!p0 [sflag:s8], $0x0  }
0x24: {  	s3 =	sadd.s32 $0x88, s3;
	s6 =	simm.s32 @!p1 $0x1082;
	[sflag:s4] =	ssyncset.s32 $0xFFFFF086  }
0x25: {  	[simem:s6], [sflag:s4] =	dma.local [hbm:s3], $0xF7A  }
0x26: {  	[smem:$0x3F9A] =	sst s1;
	(tag) =	ssettag s2;
	_ =	strace s9  }
0x27: {  	s1 =	sld [smem:$0x3FAA]  }
0x28: {  	s2 =	sld [smem:$0x3FAB]  }
0x29: {  	s4 =	sld [smem:$0x3FAD]  }
0x2a: {  	p0 =	seq.s32 s5, $0x0;
	s5 =	sld [smem:$0x3FAE]  }
0x2b: {  	s6 =	sld [smem:$0x3FAF]  }
0x2c: {  	s7 =	sld [smem:$0x3FB0]  }
0x2d: {  	s3 =	simm.s32 $0x108;
	s8 =	sld [smem:$0x3FB1]  }
0x2e: {  	s3 =	simm.s32 @!p0 $0x1082;
	s9 =	sld [smem:$0x3FB2]  }
0x2f: {  	lr =	sadd.s32 s0, s3;
	s0 =	sld [smem:$0x3FA9]  }
0x30: {  	s3 =	sld [smem:$0x3FAC]  }
0x31: {  	[smem:$0x3FB5] =	sst s10  }
0x32: {  	s10 =	sld [smem:$0x3FB3];
	_ =	sdelay $0x3  }
0x33: {  	p0 =	seq.s32 s10, $0x1;
	s10 =	sld [smem:$0x3FB5];
	_ =	sdelay $0x3  }
0x34: {  	[smem:$0x3FB5] =	sst s10  }
0x35: {  	s10 =	sld [smem:$0x3FB4];
	_ =	sdelay $0x3  }
0x36: {  	p1 =	seq.s32 s10, $0x1;
	s10 =	sld [smem:$0x3FB5];
	_ =	sdelay $0x3  }
0x37: {  	[smem:$0x3FB5] =	sst s10  }
0x38: {  	s10 =	sld [smem:$0x3FB6]  }
0x39: {  	_ = 	snop;
	(pc) =	sbr.ind lr, $3  }
0x3a: {  	_ = 	snop  }
0x3b: {  	_ = 	snop  }
0x3c: {  	p2 =	seq.s32 s10, $0x1;
	s10 =	sld [smem:$0x3FB5]  }
0x3d: {  	_ =	shalt  }
0x3e: {  	_ =	shalt  }
0x3f: {  	_ =	shalt  }
0x40: {  	_ =	shalt  }
0x41: {  	_ =	shalt  }
0x42: {  	_ =	shalt  }
0x43: {  	_ =	shalt  }
0x44: {  	_ =	shalt  }
0x45: {  	_ =	shalt  }
0x46: {  	_ =	shalt  }
0x47: {  	_ =	shalt  }
0x48: {  	_ =	shalt  }
0x49: {  	_ =	shalt  }
0x4a: {  	_ =	shalt  }
0x4b: {  	_ =	shalt  }
0x4c: {  	_ =	shalt  }
0x4d: {  	_ =	shalt  }
0x4e: {  	_ =	shalt  }
0x4f: {  	_ =	shalt  }
0x50: {  	_ =	shalt  }
0x51: {  	_ =	shalt  }
0x52: {  	_ =	shalt  }
0x53: {  	_ =	shalt  }
0x54: {  	_ =	shalt  }
0x55: {  	_ =	shalt  }
0x56: {  	_ =	shalt  }
0x57: {  	_ =	shalt  }
0x58: {  	_ =	shalt  }
0x59: {  	_ =	shalt  }
0x5a: {  	_ =	shalt  }
0x5b: {  	_ =	shalt  }
0x5c: {  	_ =	shalt  }
0x5d: {  	_ =	shalt  }
0x5e: {  	_ =	shalt  }
0x5f: {  	_ =	shalt  }
0x60: {  	_ =	shalt  }
0x61: {  	_ =	shalt  }
0x62: {  	_ =	shalt  }
0x63: {  	_ =	shalt  }
0x64: {  	_ =	shalt  }
0x65: {  	_ =	shalt  }
0x66: {  	_ =	shalt  }
0x67: {  	_ =	shalt  }
0x68: {  	_ =	shalt  }
0x69: {  	_ =	shalt  }
0x6a: {  	_ =	shalt  }
0x6b: {  	_ =	shalt  }
0x6c: {  	_ =	shalt  }
0x6d: {  	_ =	shalt  }
0x6e: {  	_ =	shalt  }
0x6f: {  	_ =	shalt  }
0x70: {  	_ =	shalt  }
0x71: {  	_ =	shalt  }
0x72: {  	_ =	shalt  }
0x73: {  	_ =	shalt  }
0x74: {  	_ =	shalt  }
0x75: {  	_ =	shalt  }
0x76: {  	_ =	shalt  }
0x77: {  	_ =	shalt  }
0x78: {  	_ =	shalt  }
0x79: {  	_ =	shalt  }
0x7a: {  	_ =	shalt  }
0x7b: {  	_ =	shalt  }
0x7c: {  	_ =	shalt  }
0x7d: {  	_ =	shalt  }
0x7e: {  	_ =	shalt  }
0x7f: {  	_ =	shalt  }
0x80: {  	_ =	shalt  }
0x81: {  	_ =	shalt  }
0x82: {  	_ =	shalt  }
0x83: {  	_ =	shalt  }
0x84: {  	_ =	shalt  }
0x85: {  	_ =	shalt  }
0x86: {  	_ =	shalt  }
0x87: {  	_ =	shalt  }
.Lfunc_end0:
.L_simem_size_0:
called_computation_lowered:
.L_overlay_start_0:
0x88: {  	s2 =	sld [smem:$0x3FD9]  }
0x89: {  	s3 =	sld [smem:$0x3FFE];
	_ =	sdelay $0x1  }
0x8a: {  	s1 =	srdreg.scid  }
0x8b: {  	s0 =	sand.u32 $0x1, s1  }
0x8c: {  	s14 =	sshll.u32 s0, $0xA;
	s2 =	sadd.s32 s3, s2  }
0x8d: {  	s2 =	sadd.s32 s2, s14  }
0x8e: {  	[smem:$0x3FC1] =	sst s2  }
0x8f: {  	_ = 	snop  }
0x90: {  	s2 =	sld [smem:$0x3FD0];
	_ =	sdelay $0x2  }
0x91: {  	s4 =	simm.s32 $0xA;
	s5 =	simm.s32 $0x10;
	s15 =	sld [smem:$0x3FC9]  }
0x92: {  	[smem:s5], [sflag:s4] =	dma.local [hbm:s2], $0x1  }
0x93: {  	_ =	swait.eq [sflag:s4], $0x1  }
0x94: {  	[sflag:s4] =	ssyncset.done $0x0  }
0x95: {  	s16 =	sld [smem:$0x10];
	[sflag:s4] =	ssyncadd.s32 $0xFFFFFFFF  }
0x96: {  	s17 =	sld [smem:$0x11];
	(tm) =	ssettm $0x1  }
0x97: {  	s18 =	sld [smem:$0x3FFB];
	_ =	sdelay $0x3  }
0x98: {  	_ =	strace s18  }
0x99: {  	s5 =	sld [smem:$0x3FFC];
	_ =	sdelay $0x3  }
0x9a: {  	_ =	strace s5  }
0x9b: {  	s5 =	sld [smem:$0x3FFD];
	_ =	sdelay $0x3  }
0x9c: {  	_ =	strace s5  }
0x9d: {  	_ =	strace $0x8FFFFFFF  }
0x9e: {  	s19 =	sld [smem:$0x3FDB];
	_ =	sdelay $0x1  }
0x9f: {  	s6 =	simm.s32 $_scs_section_size  }
0xa0: {  	s7 =	simm.s32 $_size__tile_overlayer_lowered;
	s8 =	simm.s32 $_tile_overlayer_lowered  }
0xa1: {  	s22 =	simm.s32 $0x1BFF;
	s21 =	sshll.u32 s8, $0x1;
	s5 =	sadd.s32 s6, s19  }
0xa2: {  	s9 =	simm.s32 $0x0;
	s20 =	sshll.u32 s7, $0x1;
	s7 =	sadd.s32 s21, s5  }
0xa3: {  	[timem:s9], [sflag:s22] =	dma.local [hbm:s7], s20  }
0xa4: {  	_ =	swait.ge [sflag:s22], s20  }
0xa5: {  	s6 =	ssub.s32 $0x0, s20;
	[sflag:s22] =	ssyncset.done $0x0  }
0xa6: {  	[sflag:s22] =	ssyncadd.s32 s6;
	_ =	sdelay $0x1  }
0xa7: {  	s23 =	simm.s32 $0x1B8B  }
0xa8: {  	_ =	swait.ge [sflag:s23], $0x1  }
0xa9: {  	[sflag:s23] =	ssyncset.done $0x0  }
0xaa: {  	s25 =	simm.s32 $0x1B8E;
	s24 =	sld [smem:$0x3FFE];
	[sflag:s23] =	ssyncadd.s32 $0xFFFFFFFF  }
0xab: {  	s26 =	simm.s32 $execute0_lowered;
	[smem:$0x3FD2] =	sst s25  }
0xac: {  	s7 =	sshll.u32 s26, $0x1;
	_ =	strace $0x80000046;
	[dreg:$0x1] =	wrdreg $0xFFFFFFFF  }
0xad: {  	s28 =	simm.s32 $_size_execute0_lowered;
	s5 =	sadd.s32 s5, s7;
	[dreg:$0x0] =	wrdreg $0x0  }
0xae: {  	s7 =	sshll.u32 s28, $0x1;
	[dreg:$0x2] =	wrdreg s5  }
0xaf: {  	[dreg:$0x3] =	wrdreg s7  }
0xb0: {  	[dreg:$0x4] =	wrdreg $0xC0  }
0xb1: {  	_ =	task [dreg:s9], $0x5FFFF  }
0xb2: {  	[dreg:$0x1] =	wrdreg $0xFFFFFFFF  }
0xb3: {  	[dreg:$0x0] =	wrdreg $0x60  }
0xb4: {  	[dreg:$0x2] =	wrdreg s24  }
0xb5: {  	[dreg:$0x3] =	wrdreg s16  }
0xb6: {  	[dreg:$0x4] =	wrdreg s15  }
0xb7: {  	[dreg:$0x5] =	wrdreg s17  }
0xb8: {  	[dreg:$0x6] =	wrdreg $0x9  }
0xb9: {  	_ =	task.clear_ibuf [dreg:s9], $0x7FFFF;
	_ =	strace $0x90000046  }
0xba: {  	s29 =	simm.s32 $0x9;
	_ =	strace $0x80000048  }
0xbb: {  	_ =	swait.ge [sflag:s29], $0x1  }
0xbc: {  	[sflag:s29] =	ssyncadd.s32 $0xFFFFFFFF  }
0xbd: {  	_ =	strace $0x90000048  }
0xbe: {  	_ =	sfence  }
0xbf: {  	s30 =	sld [smem:$0x0];
	_ =	sdelay $0x2  }
0xc0: {  	s31 =	sshll.u32 s1, $0xD;
	s1 =	sshrl.u32 s1, $0x2  }
0xc1: {  	s3 =	sand.u32 $0x4000, s31;
	s1 =	sadd.s32 s1, s30  }
0xc2: {  	s0 =	sor.u32 s3, s0;
	s1 =	sshll.u32 s1, $0x11  }
0xc3: {  	s0 =	sor.u32 s1, s0  }
0xc4: {  	s0 =	sadd.s32 $0x8F2B, s0  }
0xc5: {  	[sflag:s0] =	ssyncadd.remote.s32 $0x1  }
0xc6: {  	_ =	sfence.sel $0xFFFF  }
0xc7: {  	[dreg:$0x0] =	wrdreg $0xFFFFFFFF;
	(pc) =	sbr.abs _section_cstart, $3  }
0xc8: {  	[dreg:$0x1] =	wrdreg $0xFFFFFFFF  }
0xc9: {  	_ =	task.clear_ibuf [dreg:s9], $0x2FFFF;
	_ =	strace $0x9FFFFFFF  }
0xca: {  	(tm) =	ssettm $0x7FFFFFFF  }
0xcb: {  	_ =	shalt  }
tec
execute0_lowered:
.L_overlay_start_1:
0x0: {  	(tag) =	ssettag $0x1  }
0x1: {  	s0 =	srdreg.scid;
	s1 =	rddreg [dreg:$0x0]  }
0x2: {  	s3 =	stileid.u32;
	s6 =	rddreg [dreg:$0x1]  }
0x3: {  	s11 =	rddreg [dreg:$0x3];
	s16 =	simm.s32 $0x80;
	s18 =	simm.s32 $0x5  }
0x4: {  	s19 =	simm.s32 $0x4B00;
	s20 =	simm.s32 $0x100;
	s21 =	simm.s32 $0x4D80  }
0x5: {  	s22 =	simm.s32 $0x1;
	s29 =	simm.s32 $0x3;
	s0 =	sand.u32 $0x1, s0  }
0x6: {  	s2 =	sshll.u32 s3, $0x1;
	s4 =	sshrl.u32 s3, $0x2;
	s3 =	simm.s32 $0x0  }
0x7: {  	s8 =	sor.u32 s0, s2;
	s2 =	rddreg [dreg:$0x2];
	s5 =	smul.u32 $0x1400, s4  }
0x8: {  	[smem:$0x7FF] =	sst s3;
	s9 =	smul.u32 $0x25800, s4;
	s4 =	sadd.s32 $0x1800, s1  }
0x9: {  	s0 =	ssub.s32 $0x2, s0;
	s23 =	sshll.u32 s8, $0x7;
	s12 =	smul.u32 $0x3C000, s8  }
0xa: {  	_ =	strace $0x80000047;
	s24 =	sshrl.u32 s0, $0x1;
	s25 =	smul.u32 $0x14000, s8  }
0xb: {  	s28 =	smul.u32 $0x2800, s8;
	s7 =	sand.u32 $0x380, s23;
	s0 =	ssub.s32 s0, s24  }
0xc: {  	s23 =	simm.s32 $0xCD80;
	s24 =	simm.s32 $0x2;
	s5 =	sor.u32 s5, s7  }
0xd: {  	s7 =	sor.u32 s9, s7;
	s26 =	sshrl.u32 s12, $0x3;
	s15 =	smax.u32 s0, $0x1  }
0xe: {  	s0 =	simm.s32 $0x0;
	s5 =	sshrl.u32 s5, $0x3;
	s7 =	sshrl.u32 s7, $0x3  }
0xf: {  	s30 =	sadd.s32 s4, s26;
	s26 =	simm.s32 $0x18D80;
	s10 =	sadd.s32 s5, s1  }
0x10: {  	s5 =	smul.u32 $0x7800, s8;
	s6 =	sadd.s32 s6, s7;
	s8 =	sadd.s32 $0x2000, s1  }
0x11: {  	s9 =	sadd.s32 $0x7000, s30;
	[dreg:$0x5] =	wrdreg s6;
	s6 =	sshrl.u32 s25, $0x3  }
0x12: {  	s1 =	simm.s32 $0x4;
	s7 =	sadd.s32 $0xE00, s10;
	s31 =	sadd.s32 s11, s6  }
0x13: {  	s10 =	sadd.s32 s11, s28;
	s25 =	simm.s32 $0x14D80;
	s11 =	sadd.s32 $0x800, s31  }
0x14: {  	s12 =	sadd.s32 $0x1000, s31;
	s13 =	sadd.s32 $0x1800, s31;
	s14 =	sadd.s32 $0x2000, s31  }
.LBB2_1:
0x15: {  	s6 =	rddreg [dreg:$0x5];
	s17 =	simm.s32 $0x400  }
0x16: {  	[tilespmem:s3], [sflag:$0x5] =	stream.strided.gather [hbm4b:s6+s16], $0x4B00, s17, s16, $0x38;
	[tilespmem:$0x1CD80] =	vst v63  }
0x17: {  	_ =	swait.ge [sflag:s18], $0x4B00  }
0x18: {  	[sflag:s18] =	ssyncset.done $0x0  }
0x19: {  	[sflag:s18] =	ssyncadd.s32 $0xFFFFB500  }
0x1a: {  	[tilespmem:s19], [sflag:$0x5] =	stream.strided.gather [hbm4b:s7+s16], $0x280, s17, s16, $0x38;
	[tilespmem:$0x1CD80] =	vst v63  }
0x1b: {  	_ =	swait.ge [sflag:s18], $0x280  }
0x1c: {  	[sflag:s18] =	ssyncset.done $0x0  }
0x1d: {  	s28 =	simm.s32 $0x0;
	[sflag:s18] =	ssyncadd.s32 $0xFFFFFD80  }
0x1e: {  	[tilespmem:s21], [sflag:$0x1] =	stream.indirect.gather [hbm4b:s2+s20], $0x80, s3, s20, $0xb8;
	[tilespmem:$0x1CD80] =	vst v63  }
.LBB2_2:
0x1f: {  	s6 =	smul.u32 $0x2800, s28  }
0x20: {  	_ =	swait.ge [sflag:s22], $0x8000  }
0x21: {  	[sflag:s22] =	ssyncset.done $0x0;
	s30 =	sshra.s32 s6, $0x2  }
0x22: {  	p0 =	seq.s32 s28, $0x0;
	[sflag:s22] =	ssyncadd.s32 $0xFFFF8000;
	s6 =	sor.u32 $0x100, s30  }
0x23: {  	[tilespmem:s23], [sflag:$0x2] =	stream.indirect.gather [hbm4b:s2+s20], $0x80, s6, s20, $0xb8;
	[tilespmem:$0x1CD80] =	vst v63  }
0x24: {  	s6 =	simm.s32 @!p0 $0x3  }
0x25: {  	_ =	swait.ge @!p0 [sflag:s6], $0x4000  }
0x26: {  	[sflag:s6] =	ssyncset.done @!p0 $0x0  }
0x27: {  	s17 =	simm.s32 $0x0;
	[sflag:s6] =	ssyncadd.s32 @!p0 $0xFFFFC000  }
0x28: {  	v0 =	vld [tilespmem:s17+$0x4DF0]  }
0x29: {  	v1 =	vld [tilespmem:s17+$0x8DF0]  }
0x2a: {  	v2 =	vld [tilespmem:s17+$0x4D80]  }
0x2b: {  	v3 =	vld [tilespmem:s17+$0x8D80]  }
0x2c: {  	v4 =	vld [tilespmem:s17+$0x4D90]  }
0x2d: {  	v5 =	vld [tilespmem:s17+$0x8D90]  }
0x2e: {  	v6 =	vld [tilespmem:s17+$0x4DA0]  }
0x2f: {  	v7 =	vld [tilespmem:s17+$0x4DB0]  }
0x30: {  	v0 =	vadd.f32 v1, v0;
	v1 =	vld [tilespmem:s17+$0x8DA0]  }
0x31: {  	v8 =	vld [tilespmem:s17+$0x8DB0]  }
0x32: {  	v9 =	vld [tilespmem:s17+$0x8DC0];
	v2 =	vadd.f32 v3, v2  }
0x33: {  	[tilespmem:s17+$0x14DF0] =	vst v0;
	v0 =	vadd.f32 v5, v4;
	v5 =	vld [tilespmem:s17+$0x4DC0]  }
0x34: {  	v3 =	vld [tilespmem:s17+$0x8DD0];
	[tilespmem:s17+$0x14D80] =	vst v2  }
0x35: {  	v2 =	vld [tilespmem:s17+$0x4DD0];
	[tilespmem:s17+$0x14D90] =	vst v0;
	v0 =	vadd.f32 v1, v6  }
0x36: {  	v4 =	vld [tilespmem:s17+$0x8DE0];
	v6 =	vadd.f32 v8, v7  }
0x37: {  	s19 =	simm.s32 $0x80;
	[tilespmem:s17+$0x14DA0] =	vst v0;
	v0 =	vld [tilespmem:s17+$0x4DE0]  }
0x38: {  	s31 =	simm.s32 $0x400;
	v5 =	vadd.f32 v9, v5;
	v1 =	vld [tilespmem:s19+$0x4DF0];
	[tilespmem:s17+$0x14DB0] =	vst v6  }
.LBB2_3:
0x39: {  	p1 =	sne.s32 s31, $0xFE00;
	v6 =	vld [tilespmem:s19+$0x8DF0]  }
0x3a: {  	v7 =	vld [tilespmem:s19+$0x4D80];
	[tilespmem:s17+$0x14DC0] =	vst v5;
	v2 =	vadd.f32 v3, v2  }
0x3b: {  	v3 =	vld [tilespmem:s19+$0x8D80]  }
0x3c: {  	v5 =	vld [tilespmem:s19+$0x4D90];
	[tilespmem:s17+$0x14DD0] =	vst v2;
	v0 =	vadd.f32 v4, v0  }
0x3d: {  	v2 =	vld [tilespmem:s19+$0x8D90]  }
0x3e: {  	v4 =	vld [tilespmem:s19+$0x4DA0];
	v1 =	vadd.f32 v6, v1;
	[tilespmem:s17+$0x14DE0] =	vst v0;
	s17 =	smov.u32 s19  }
0x3f: {  	v0 =	vld [tilespmem:s17+$0x8DA0]  }
0x40: {  	v3 =	vadd.f32 v3, v7;
	v6 =	vld [tilespmem:s17+$0x4DB0];
	[tilespmem:s17+$0x14DF0] =	vst v1  }
0x41: {  	v1 =	vld [tilespmem:s17+$0x8DB0]  }
0x42: {  	[tilespmem:s17+$0x14D80] =	vst v3;
	v2 =	vadd.f32 v2, v5;
	v5 =	vld [tilespmem:s17+$0x4DC0]  }
0x43: {  	v7 =	vld [tilespmem:s17+$0x8DC0]  }
.Ltmp0:
0x44: {  	[tilespmem:s17+$0x14D90] =	vst v2;
	v0 =	vadd.f32 v0, v4;
	v2 =	vld [tilespmem:s17+$0x4DD0];
	(pc) =	sbr.rel @p1 .LBB2_3-.Ltmp0, $4  }
0x45: {  	v3 =	vld [tilespmem:s17+$0x8DD0]  }
0x46: {  	[tilespmem:s17+$0x14DA0] =	vst v0;
	v6 =	vadd.f32 v1, v6;
	v0 =	vld [tilespmem:s17+$0x4DE0]  }
0x47: {  	s19 =	sshra.s32 s31, $0x2;
	v4 =	vld [tilespmem:s17+$0x8DE0]  }
0x48: {  	s31 =	sadd.s32 $0x200, s31;
	v1 =	vld [tilespmem:s19+$0x4DF0];
	[tilespmem:s17+$0x14DB0] =	vst v6;
	v5 =	vadd.f32 v7, v5  }
0x49: {  	v6 =	vld [tilespmem:s19+$0x8DF0]  }
0x4a: {  	v7 =	vld [tilespmem:s19+$0x4D80];
	[tilespmem:s17+$0x14DC0] =	vst v5;
	v2 =	vadd.f32 v3, v2  }
0x4b: {  	v3 =	vld [tilespmem:s19+$0x8D80]  }
0x4c: {  	v5 =	vld [tilespmem:s19+$0x4D90];
	[tilespmem:s17+$0x14DD0] =	vst v2;
	v0 =	vadd.f32 v4, v0  }
0x4d: {  	v2 =	vld [tilespmem:s19+$0x8D90]  }
0x4e: {  	v4 =	vld [tilespmem:s19+$0x4DA0];
	[tilespmem:s17+$0x14DE0] =	vst v0  }
0x4f: {  	v0 =	vadd.f32 v6, v1;
	v1 =	vld [tilespmem:s19+$0x8DA0]  }
0x50: {  	v6 =	vld [tilespmem:s19+$0x4DB0]  }
0x51: {  	v3 =	vadd.f32 v3, v7;
	[tilespmem:s19+$0x14DF0] =	vst v0;
	v0 =	vld [tilespmem:s19+$0x8DB0]  }
0x52: {  	v7 =	vld [tilespmem:s19+$0x8DE0]  }
0x53: {  	[tilespmem:s19+$0x14D80] =	vst v3;
	v2 =	vadd.f32 v2, v5;
	v3 =	vld [tilespmem:s19+$0x4DC0]  }
0x54: {  	v5 =	vld [tilespmem:s19+$0x8DC0]  }
0x55: {  	[tilespmem:s19+$0x14D90] =	vst v2;
	v1 =	vadd.f32 v1, v4;
	v2 =	vld [tilespmem:s19+$0x4DD0]  }
0x56: {  	v4 =	vld [tilespmem:s19+$0x8DD0]  }
0x57: {  	[tilespmem:s19+$0x14DA0] =	vst v1;
	v1 =	vld [tilespmem:s19+$0x4DE0];
	_ =	sdelay $0x1  }
0x58: {  	v0 =	vadd.f32 v0, v6  }
0x59: {  	v3 =	vadd.f32 v5, v3  }
0x5a: {  	[tilespmem:s19+$0x14DB0] =	vst v0;
	v0 =	vadd.f32 v4, v2  }
0x5b: {  	[tilespmem:s19+$0x14DC0] =	vst v3;
	v1 =	vadd.f32 v7, v1  }
0x5c: {  	[tilespmem:s19+$0x14DD0] =	vst v0  }
0x5d: {  	[tilespmem:s19+$0x14DE0] =	vst v1  }
0x5e: {  	_ =	swait.ge [sflag:s24], $0x8000  }
0x5f: {  	[sflag:s24] =	ssyncset.done $0x0  }
0x60: {  	s6 =	sadd.s32 $0x200, s30;
	s17 =	simm.s32 $0x0;
	[sflag:s24] =	ssyncadd.s32 $0xFFFF8000  }
0x61: {  	[tilespmem:s21], [sflag:$0x1] =	stream.indirect.gather [hbm4b:s2+s20], $0x80, s6, s20, $0xb8;
	[tilespmem:$0x1CD80] =	vst v63  }
0x62: {  	v12 =	vld [tilespmem:s17+$0xCD80]  }
0x63: {  	v17 =	vld [tilespmem:s17+$0x10D80]  }
0x64: {  	v19 =	vld [tilespmem:s17+$0xCD90]  }
0x65: {  	v20 =	vld [tilespmem:s17+$0x10D90]  }
0x66: {  	v5 =	vld [tilespmem:s17+$0xCDA0]  }
0x67: {  	v10 =	vld [tilespmem:s17+$0x10DA0]  }
0x68: {  	v8 =	vld [tilespmem:s17+$0xCDB0]  }
0x69: {  	v11 =	vld [tilespmem:s17+$0x10DB0]  }
0x6a: {  	v7 =	vld [tilespmem:s17+$0xCDC0]  }
0x6b: {  	v9 =	vld [tilespmem:s17+$0x10DC0]  }
0x6c: {  	v3 =	vld [tilespmem:s17+$0xCDD0]  }
0x6d: {  	v6 =	vld [tilespmem:s17+$0x10DD0]  }
0x6e: {  	v1 =	vld [tilespmem:s17+$0xCDE0]  }
0x6f: {  	v4 =	vld [tilespmem:s17+$0x10DE0]  }
0x70: {  	v0 =	vld [tilespmem:s17+$0xCDF0]  }
0x71: {  	v2 =	vld [tilespmem:s17+$0x10DF0]  }
0x72: {  	v16 =	vld [tilespmem:s17+$0x14D80]  }
0x73: {  	v15 =	vld [tilespmem:s17+$0x14D90]  }
0x74: {  	v14 =	vld [tilespmem:s17+$0x14DA0]  }
0x75: {  	v13 =	vld [tilespmem:s17+$0x14DB0];
	v18 =	vadd.f32 v17, v12  }
0x76: {  	s31 =	simm.s32 $0x200;
	v17 =	vadd.f32 v20, v19;
	v12 =	vld [tilespmem:s17+$0x14DC0]  }
.LBB2_5:
0x77: {  	p1 =	sne.s32 s31, $0xFE00;
	v16 =	vadd.f32 v18, v16;
	v5 =	vadd.f32 v10, v5;
	v10 =	vld [tilespmem:s17+$0x14DD0]  }
0x78: {  	v8 =	vadd.f32 v11, v8;
	v15 =	vadd.f32 v17, v15;
	v11 =	vld [tilespmem:s17+$0x14DE0]  }
0x79: {  	s6 =	sshra.s32 s31, $0x2;
	v7 =	vadd.f32 v9, v7;
	[tilespmem:s17+$0x14D80] =	vst v16;
	v5 =	vadd.f32 v5, v14;
	v9 =	vld [tilespmem:s17+$0x14DF0]  }
0x7a: {  	v3 =	vadd.f32 v6, v3;
	v17 =	vld [tilespmem:s6+$0xCD80];
	[tilespmem:s17+$0x14D90] =	vst v15;
	v8 =	vadd.f32 v8, v13  }
0x7b: {  	v1 =	vadd.f32 v4, v1;
	v13 =	vld [tilespmem:s6+$0x10D80];
	[tilespmem:s17+$0x14DA0] =	vst v5;
	v5 =	vadd.f32 v7, v12  }
0x7c: {  	v0 =	vadd.f32 v2, v0;
	v12 =	vld [tilespmem:s6+$0xCD90];
	[tilespmem:s17+$0x14DB0] =	vst v8;
	v3 =	vadd.f32 v3, v10  }
0x7d: {  	v19 =	vld [tilespmem:s6+$0x10D90];
	[tilespmem:s17+$0x14DC0] =	vst v5;
	v1 =	vadd.f32 v1, v11  }
0x7e: {  	v5 =	vld [tilespmem:s6+$0xCDA0];
	[tilespmem:s17+$0x14DD0] =	vst v3;
	v0 =	vadd.f32 v0, v9  }
0x7f: {  	v10 =	vld [tilespmem:s6+$0x10DA0];
	[tilespmem:s17+$0x14DE0] =	vst v1  }
0x80: {  	v8 =	vld [tilespmem:s6+$0xCDB0];
	[tilespmem:s17+$0x14DF0] =	vst v0;
	s17 =	smov.u32 s6  }
0x81: {  	v11 =	vld [tilespmem:s17+$0x10DB0]  }
0x82: {  	v7 =	vld [tilespmem:s17+$0xCDC0]  }
0x83: {  	v9 =	vld [tilespmem:s17+$0x10DC0]  }
0x84: {  	v3 =	vld [tilespmem:s17+$0xCDD0]  }
0x85: {  	v6 =	vld [tilespmem:s17+$0x10DD0]  }
0x86: {  	v1 =	vld [tilespmem:s17+$0xCDE0]  }
0x87: {  	v4 =	vld [tilespmem:s17+$0x10DE0]  }
0x88: {  	v0 =	vld [tilespmem:s17+$0xCDF0]  }
0x89: {  	v2 =	vld [tilespmem:s17+$0x10DF0]  }
.Ltmp1:
0x8a: {  	v16 =	vld [tilespmem:s17+$0x14D80];
	(pc) =	sbr.rel @p1 .LBB2_5-.Ltmp1, $4  }
0x8b: {  	v15 =	vld [tilespmem:s17+$0x14D90]  }
0x8c: {  	v14 =	vld [tilespmem:s17+$0x14DA0]  }
0x8d: {  	v18 =	vadd.f32 v13, v17;
	v13 =	vld [tilespmem:s17+$0x14DB0]  }
0x8e: {  	s31 =	sadd.s32 $0x200, s31;
	v17 =	vadd.f32 v19, v12;
	v12 =	vld [tilespmem:s17+$0x14DC0]  }
0x8f: {  	v16 =	vadd.f32 v18, v16;
	v18 =	vld [tilespmem:s17+$0x14DD0];
	v5 =	vadd.f32 v10, v5  }
0x90: {  	v10 =	vld [tilespmem:s17+$0x14DE0];
	v8 =	vadd.f32 v11, v8;
	v15 =	vadd.f32 v17, v15  }
0x91: {  	v7 =	vadd.f32 v9, v7;
	v9 =	vld [tilespmem:s17+$0x14DF0];
	[tilespmem:s17+$0x14D80] =	vst v16;
	v5 =	vadd.f32 v5, v14  }
0x92: {  	v3 =	vadd.f32 v6, v3;
	[tilespmem:s17+$0x14D90] =	vst v15;
	v8 =	vadd.f32 v8, v13  }
0x93: {  	v1 =	vadd.f32 v4, v1;
	[tilespmem:s17+$0x14DA0] =	vst v5;
	v5 =	vadd.f32 v7, v12  }
0x94: {  	v0 =	vadd.f32 v2, v0;
	[tilespmem:s17+$0x14DB0] =	vst v8;
	v3 =	vadd.f32 v3, v18  }
0x95: {  	v1 =	vadd.f32 v1, v10;
	[tilespmem:s17+$0x14DC0] =	vst v5  }
0x96: {  	v0 =	vadd.f32 v0, v9;
	[tilespmem:s17+$0x14DD0] =	vst v3  }
0x97: {  	[tilespmem:s17+$0x14DE0] =	vst v1  }
0x98: {  	[tilespmem:s17+$0x14DF0] =	vst v0  }
0x99: {  	_ =	swait.ge [sflag:s22], $0x8000  }
0x9a: {  	[sflag:s22] =	ssyncset.done $0x0  }
0x9b: {  	s6 =	sadd.s32 $0x300, s30;
	s17 =	simm.s32 $0x0;
	[sflag:s22] =	ssyncadd.s32 $0xFFFF8000  }
0x9c: {  	[tilespmem:s23], [sflag:$0x2] =	stream.indirect.gather [hbm4b:s2+s20], $0x80, s6, s20, $0xb8;
	[tilespmem:$0x1CD80] =	vst v63  }
0x9d: {  	v12 =	vld [tilespmem:s17+$0x4D80]  }
0x9e: {  	v17 =	vld [tilespmem:s17+$0x8D80]  }
0x9f: {  	v19 =	vld [tilespmem:s17+$0x4D90]  }
0xa0: {  	v20 =	vld [tilespmem:s17+$0x8D90]  }
0xa1: {  	v5 =	vld [tilespmem:s17+$0x4DA0]  }
0xa2: {  	v10 =	vld [tilespmem:s17+$0x8DA0]  }
0xa3: {  	v8 =	vld [tilespmem:s17+$0x4DB0]  }
0xa4: {  	v11 =	vld [tilespmem:s17+$0x8DB0]  }
0xa5: {  	v7 =	vld [tilespmem:s17+$0x4DC0]  }
0xa6: {  	v9 =	vld [tilespmem:s17+$0x8DC0]  }
0xa7: {  	v3 =	vld [tilespmem:s17+$0x4DD0]  }
0xa8: {  	v6 =	vld [tilespmem:s17+$0x8DD0]  }
0xa9: {  	v1 =	vld [tilespmem:s17+$0x4DE0]  }
0xaa: {  	v4 =	vld [tilespmem:s17+$0x8DE0]  }
0xab: {  	v0 =	vld [tilespmem:s17+$0x4DF0]  }
0xac: {  	v2 =	vld [tilespmem:s17+$0x8DF0]  }
0xad: {  	v16 =	vld [tilespmem:s17+$0x14D80]  }
0xae: {  	v15 =	vld [tilespmem:s17+$0x14D90]  }
0xaf: {  	v14 =	vld [tilespmem:s17+$0x14DA0]  }
0xb0: {  	v13 =	vld [tilespmem:s17+$0x14DB0];
	v18 =	vadd.f32 v17, v12  }
0xb1: {  	s31 =	simm.s32 $0x200;
	v17 =	vadd.f32 v20, v19;
	v12 =	vld [tilespmem:s17+$0x14DC0]  }
.LBB2_7:
0xb2: {  	p1 =	sne.s32 s31, $0xFE00;
	v16 =	vadd.f32 v18, v16;
	v5 =	vadd.f32 v10, v5;
	v10 =	vld [tilespmem:s17+$0x14DD0]  }
0xb3: {  	v8 =	vadd.f32 v11, v8;
	v15 =	vadd.f32 v17, v15;
	v11 =	vld [tilespmem:s17+$0x14DE0]  }
0xb4: {  	s6 =	sshra.s32 s31, $0x2;
	v7 =	vadd.f32 v9, v7;
	[tilespmem:s17+$0x14D80] =	vst v16;
	v5 =	vadd.f32 v5, v14;
	v9 =	vld [tilespmem:s17+$0x14DF0]  }
0xb5: {  	v3 =	vadd.f32 v6, v3;
	v17 =	vld [tilespmem:s6+$0x4D80];
	[tilespmem:s17+$0x14D90] =	vst v15;
	v8 =	vadd.f32 v8, v13  }
0xb6: {  	v1 =	vadd.f32 v4, v1;
	v13 =	vld [tilespmem:s6+$0x8D80];
	[tilespmem:s17+$0x14DA0] =	vst v5;
	v5 =	vadd.f32 v7, v12  }
0xb7: {  	v0 =	vadd.f32 v2, v0;
	v12 =	vld [tilespmem:s6+$0x4D90];
	[tilespmem:s17+$0x14DB0] =	vst v8;
	v3 =	vadd.f32 v3, v10  }
0xb8: {  	v19 =	vld [tilespmem:s6+$0x8D90];
	[tilespmem:s17+$0x14DC0] =	vst v5;
	v1 =	vadd.f32 v1, v11  }
0xb9: {  	v5 =	vld [tilespmem:s6+$0x4DA0];
	[tilespmem:s17+$0x14DD0] =	vst v3;
	v0 =	vadd.f32 v0, v9  }
0xba: {  	v10 =	vld [tilespmem:s6+$0x8DA0];
	[tilespmem:s17+$0x14DE0] =	vst v1  }
0xbb: {  	v8 =	vld [tilespmem:s6+$0x4DB0];
	[tilespmem:s17+$0x14DF0] =	vst v0;
	s17 =	smov.u32 s6  }
0xbc: {  	v11 =	vld [tilespmem:s17+$0x8DB0]  }
0xbd: {  	v7 =	vld [tilespmem:s17+$0x4DC0]  }
0xbe: {  	v9 =	vld [tilespmem:s17+$0x8DC0]  }
0xbf: {  	v3 =	vld [tilespmem:s17+$0x4DD0]  }
0xc0: {  	v6 =	vld [tilespmem:s17+$0x8DD0]  }
0xc1: {  	v1 =	vld [tilespmem:s17+$0x4DE0]  }
0xc2: {  	v4 =	vld [tilespmem:s17+$0x8DE0]  }
0xc3: {  	v0 =	vld [tilespmem:s17+$0x4DF0]  }
0xc4: {  	v2 =	vld [tilespmem:s17+$0x8DF0]  }
.Ltmp2:
0xc5: {  	v16 =	vld [tilespmem:s17+$0x14D80];
	(pc) =	sbr.rel @p1 .LBB2_7-.Ltmp2, $4  }
0xc6: {  	v15 =	vld [tilespmem:s17+$0x14D90]  }
0xc7: {  	v14 =	vld [tilespmem:s17+$0x14DA0]  }
0xc8: {  	v18 =	vadd.f32 v13, v17;
	v13 =	vld [tilespmem:s17+$0x14DB0]  }
0xc9: {  	s31 =	sadd.s32 $0x200, s31;
	v17 =	vadd.f32 v19, v12;
	v12 =	vld [tilespmem:s17+$0x14DC0]  }
0xca: {  	v16 =	vadd.f32 v18, v16;
	v18 =	vld [tilespmem:s17+$0x14DD0];
	v5 =	vadd.f32 v10, v5  }
0xcb: {  	v10 =	vld [tilespmem:s17+$0x14DE0];
	v8 =	vadd.f32 v11, v8;
	v15 =	vadd.f32 v17, v15  }
0xcc: {  	v7 =	vadd.f32 v9, v7;
	v9 =	vld [tilespmem:s17+$0x14DF0];
	[tilespmem:s17+$0x14D80] =	vst v16;
	v5 =	vadd.f32 v5, v14  }
0xcd: {  	v3 =	vadd.f32 v6, v3;
	[tilespmem:s17+$0x14D90] =	vst v15;
	v8 =	vadd.f32 v8, v13  }
0xce: {  	v1 =	vadd.f32 v4, v1;
	[tilespmem:s17+$0x14DA0] =	vst v5;
	v5 =	vadd.f32 v7, v12  }
0xcf: {  	v0 =	vadd.f32 v2, v0;
	[tilespmem:s17+$0x14DB0] =	vst v8;
	v3 =	vadd.f32 v3, v18  }
0xd0: {  	v1 =	vadd.f32 v1, v10;
	[tilespmem:s17+$0x14DC0] =	vst v5  }
0xd1: {  	v0 =	vadd.f32 v0, v9;
	[tilespmem:s17+$0x14DD0] =	vst v3  }
0xd2: {  	[tilespmem:s17+$0x14DE0] =	vst v1  }
0xd3: {  	[tilespmem:s17+$0x14DF0] =	vst v0  }
0xd4: {  	_ =	swait.ge [sflag:s24], $0x8000  }
0xd5: {  	[sflag:s24] =	ssyncset.done $0x0  }
0xd6: {  	s6 =	sadd.s32 $0x400, s30;
	s17 =	simm.s32 $0x0;
	[sflag:s24] =	ssyncadd.s32 $0xFFFF8000  }
0xd7: {  	[tilespmem:s21], [sflag:$0x1] =	stream.indirect.gather [hbm4b:s2+s20], $0x80, s6, s20, $0xb8;
	[tilespmem:$0x1CD80] =	vst v63  }
0xd8: {  	v12 =	vld [tilespmem:s17+$0xCD80]  }
0xd9: {  	v17 =	vld [tilespmem:s17+$0x10D80]  }
0xda: {  	v19 =	vld [tilespmem:s17+$0xCD90]  }
0xdb: {  	v20 =	vld [tilespmem:s17+$0x10D90]  }
0xdc: {  	v5 =	vld [tilespmem:s17+$0xCDA0]  }
0xdd: {  	v10 =	vld [tilespmem:s17+$0x10DA0]  }
0xde: {  	v8 =	vld [tilespmem:s17+$0xCDB0]  }
0xdf: {  	v11 =	vld [tilespmem:s17+$0x10DB0]  }
0xe0: {  	v7 =	vld [tilespmem:s17+$0xCDC0]  }
0xe1: {  	v9 =	vld [tilespmem:s17+$0x10DC0]  }
0xe2: {  	v3 =	vld [tilespmem:s17+$0xCDD0]  }
0xe3: {  	v6 =	vld [tilespmem:s17+$0x10DD0]  }
0xe4: {  	v1 =	vld [tilespmem:s17+$0xCDE0]  }
0xe5: {  	v4 =	vld [tilespmem:s17+$0x10DE0]  }
0xe6: {  	v0 =	vld [tilespmem:s17+$0xCDF0]  }
0xe7: {  	v2 =	vld [tilespmem:s17+$0x10DF0]  }
0xe8: {  	v16 =	vld [tilespmem:s17+$0x14D80]  }
0xe9: {  	v15 =	vld [tilespmem:s17+$0x14D90]  }
0xea: {  	v14 =	vld [tilespmem:s17+$0x14DA0]  }
0xeb: {  	v13 =	vld [tilespmem:s17+$0x14DB0];
	v18 =	vadd.f32 v17, v12  }
0xec: {  	s31 =	simm.s32 $0x200;
	v17 =	vadd.f32 v20, v19;
	v12 =	vld [tilespmem:s17+$0x14DC0]  }
.LBB2_9:
0xed: {  	p1 =	sne.s32 s31, $0xFE00;
	v16 =	vadd.f32 v18, v16;
	v5 =	vadd.f32 v10, v5;
	v10 =	vld [tilespmem:s17+$0x14DD0]  }
0xee: {  	v8 =	vadd.f32 v11, v8;
	v15 =	vadd.f32 v17, v15;
	v11 =	vld [tilespmem:s17+$0x14DE0]  }
0xef: {  	s6 =	sshra.s32 s31, $0x2;
	v7 =	vadd.f32 v9, v7;
	[tilespmem:s17+$0x14D80] =	vst v16;
	v5 =	vadd.f32 v5, v14;
	v9 =	vld [tilespmem:s17+$0x14DF0]  }
0xf0: {  	v3 =	vadd.f32 v6, v3;
	v17 =	vld [tilespmem:s6+$0xCD80];
	[tilespmem:s17+$0x14D90] =	vst v15;
	v8 =	vadd.f32 v8, v13  }
0xf1: {  	v1 =	vadd.f32 v4, v1;
	v13 =	vld [tilespmem:s6+$0x10D80];
	[tilespmem:s17+$0x14DA0] =	vst v5;
	v5 =	vadd.f32 v7, v12  }
0xf2: {  	v0 =	vadd.f32 v2, v0;
	v12 =	vld [tilespmem:s6+$0xCD90];
	[tilespmem:s17+$0x14DB0] =	vst v8;
	v3 =	vadd.f32 v3, v10  }
0xf3: {  	v19 =	vld [tilespmem:s6+$0x10D90];
	[tilespmem:s17+$0x14DC0] =	vst v5;
	v1 =	vadd.f32 v1, v11  }
0xf4: {  	v5 =	vld [tilespmem:s6+$0xCDA0];
	[tilespmem:s17+$0x14DD0] =	vst v3;
	v0 =	vadd.f32 v0, v9  }
0xf5: {  	v10 =	vld [tilespmem:s6+$0x10DA0];
	[tilespmem:s17+$0x14DE0] =	vst v1  }
0xf6: {  	v8 =	vld [tilespmem:s6+$0xCDB0];
	[tilespmem:s17+$0x14DF0] =	vst v0;
	s17 =	smov.u32 s6  }
0xf7: {  	v11 =	vld [tilespmem:s17+$0x10DB0]  }
0xf8: {  	v7 =	vld [tilespmem:s17+$0xCDC0]  }
0xf9: {  	v9 =	vld [tilespmem:s17+$0x10DC0]  }
0xfa: {  	v3 =	vld [tilespmem:s17+$0xCDD0]  }
0xfb: {  	v6 =	vld [tilespmem:s17+$0x10DD0]  }
0xfc: {  	v1 =	vld [tilespmem:s17+$0xCDE0]  }
0xfd: {  	v4 =	vld [tilespmem:s17+$0x10DE0]  }
0xfe: {  	v0 =	vld [tilespmem:s17+$0xCDF0]  }
0xff: {  	v2 =	vld [tilespmem:s17+$0x10DF0]  }
.Ltmp3:
0x100: {  	v16 =	vld [tilespmem:s17+$0x14D80];
	(pc) =	sbr.rel @p1 .LBB2_9-.Ltmp3, $4  }
0x101: {  	v15 =	vld [tilespmem:s17+$0x14D90]  }
0x102: {  	v14 =	vld [tilespmem:s17+$0x14DA0]  }
0x103: {  	v18 =	vadd.f32 v13, v17;
	v13 =	vld [tilespmem:s17+$0x14DB0]  }
0x104: {  	s31 =	sadd.s32 $0x200, s31;
	v17 =	vadd.f32 v19, v12;
	v12 =	vld [tilespmem:s17+$0x14DC0]  }
0x105: {  	v16 =	vadd.f32 v18, v16;
	v18 =	vld [tilespmem:s17+$0x14DD0];
	v5 =	vadd.f32 v10, v5  }
0x106: {  	v10 =	vld [tilespmem:s17+$0x14DE0];
	v8 =	vadd.f32 v11, v8;
	v15 =	vadd.f32 v17, v15  }
0x107: {  	v7 =	vadd.f32 v9, v7;
	v9 =	vld [tilespmem:s17+$0x14DF0];
	[tilespmem:s17+$0x14D80] =	vst v16;
	v5 =	vadd.f32 v5, v14  }
0x108: {  	v3 =	vadd.f32 v6, v3;
	[tilespmem:s17+$0x14D90] =	vst v15;
	v8 =	vadd.f32 v8, v13  }
0x109: {  	v1 =	vadd.f32 v4, v1;
	[tilespmem:s17+$0x14DA0] =	vst v5;
	v5 =	vadd.f32 v7, v12  }
0x10a: {  	v0 =	vadd.f32 v2, v0;
	[tilespmem:s17+$0x14DB0] =	vst v8;
	v3 =	vadd.f32 v3, v18  }
0x10b: {  	v1 =	vadd.f32 v1, v10;
	[tilespmem:s17+$0x14DC0] =	vst v5  }
0x10c: {  	v0 =	vadd.f32 v0, v9;
	[tilespmem:s17+$0x14DD0] =	vst v3  }
0x10d: {  	[tilespmem:s17+$0x14DE0] =	vst v1  }
0x10e: {  	[tilespmem:s17+$0x14DF0] =	vst v0  }
0x10f: {  	_ =	swait.ge [sflag:s22], $0x8000  }
0x110: {  	[sflag:s22] =	ssyncset.done $0x0  }
0x111: {  	s6 =	sadd.s32 $0x500, s30;
	s17 =	simm.s32 $0x0;
	[sflag:s22] =	ssyncadd.s32 $0xFFFF8000  }
0x112: {  	[tilespmem:s23], [sflag:$0x2] =	stream.indirect.gather [hbm4b:s2+s20], $0x80, s6, s20, $0xb8;
	[tilespmem:$0x1CD80] =	vst v63  }
0x113: {  	v12 =	vld [tilespmem:s17+$0x4D80]  }
0x114: {  	v17 =	vld [tilespmem:s17+$0x8D80]  }
0x115: {  	v19 =	vld [tilespmem:s17+$0x4D90]  }
0x116: {  	v20 =	vld [tilespmem:s17+$0x8D90]  }
0x117: {  	v5 =	vld [tilespmem:s17+$0x4DA0]  }
0x118: {  	v10 =	vld [tilespmem:s17+$0x8DA0]  }
0x119: {  	v8 =	vld [tilespmem:s17+$0x4DB0]  }
0x11a: {  	v11 =	vld [tilespmem:s17+$0x8DB0]  }
0x11b: {  	v7 =	vld [tilespmem:s17+$0x4DC0]  }
0x11c: {  	v9 =	vld [tilespmem:s17+$0x8DC0]  }
0x11d: {  	v3 =	vld [tilespmem:s17+$0x4DD0]  }
0x11e: {  	v6 =	vld [tilespmem:s17+$0x8DD0]  }
0x11f: {  	v1 =	vld [tilespmem:s17+$0x4DE0]  }
0x120: {  	v4 =	vld [tilespmem:s17+$0x8DE0]  }
0x121: {  	v0 =	vld [tilespmem:s17+$0x4DF0]  }
0x122: {  	v2 =	vld [tilespmem:s17+$0x8DF0]  }
0x123: {  	v16 =	vld [tilespmem:s17+$0x14D80]  }
0x124: {  	v15 =	vld [tilespmem:s17+$0x14D90]  }
0x125: {  	v14 =	vld [tilespmem:s17+$0x14DA0]  }
0x126: {  	v13 =	vld [tilespmem:s17+$0x14DB0];
	v18 =	vadd.f32 v17, v12  }
0x127: {  	s31 =	simm.s32 $0x200;
	v17 =	vadd.f32 v20, v19;
	v12 =	vld [tilespmem:s17+$0x14DC0]  }
.LBB2_11:
0x128: {  	p1 =	sne.s32 s31, $0xFE00;
	v16 =	vadd.f32 v18, v16;
	v5 =	vadd.f32 v10, v5;
	v10 =	vld [tilespmem:s17+$0x14DD0]  }
0x129: {  	v8 =	vadd.f32 v11, v8;
	v15 =	vadd.f32 v17, v15;
	v11 =	vld [tilespmem:s17+$0x14DE0]  }
0x12a: {  	s6 =	sshra.s32 s31, $0x2;
	v7 =	vadd.f32 v9, v7;
	[tilespmem:s17+$0x14D80] =	vst v16;
	v5 =	vadd.f32 v5, v14;
	v9 =	vld [tilespmem:s17+$0x14DF0]  }
0x12b: {  	v3 =	vadd.f32 v6, v3;
	v17 =	vld [tilespmem:s6+$0x4D80];
	[tilespmem:s17+$0x14D90] =	vst v15;
	v8 =	vadd.f32 v8, v13  }
0x12c: {  	v1 =	vadd.f32 v4, v1;
	v13 =	vld [tilespmem:s6+$0x8D80];
	[tilespmem:s17+$0x14DA0] =	vst v5;
	v5 =	vadd.f32 v7, v12  }
0x12d: {  	v0 =	vadd.f32 v2, v0;
	v12 =	vld [tilespmem:s6+$0x4D90];
	[tilespmem:s17+$0x14DB0] =	vst v8;
	v3 =	vadd.f32 v3, v10  }
0x12e: {  	v19 =	vld [tilespmem:s6+$0x8D90];
	[tilespmem:s17+$0x14DC0] =	vst v5;
	v1 =	vadd.f32 v1, v11  }
0x12f: {  	v5 =	vld [tilespmem:s6+$0x4DA0];
	[tilespmem:s17+$0x14DD0] =	vst v3;
	v0 =	vadd.f32 v0, v9  }
0x130: {  	v10 =	vld [tilespmem:s6+$0x8DA0];
	[tilespmem:s17+$0x14DE0] =	vst v1  }
0x131: {  	v8 =	vld [tilespmem:s6+$0x4DB0];
	[tilespmem:s17+$0x14DF0] =	vst v0;
	s17 =	smov.u32 s6  }
0x132: {  	v11 =	vld [tilespmem:s17+$0x8DB0]  }
0x133: {  	v7 =	vld [tilespmem:s17+$0x4DC0]  }
0x134: {  	v9 =	vld [tilespmem:s17+$0x8DC0]  }
0x135: {  	v3 =	vld [tilespmem:s17+$0x4DD0]  }
0x136: {  	v6 =	vld [tilespmem:s17+$0x8DD0]  }
0x137: {  	v1 =	vld [tilespmem:s17+$0x4DE0]  }
0x138: {  	v4 =	vld [tilespmem:s17+$0x8DE0]  }
0x139: {  	v0 =	vld [tilespmem:s17+$0x4DF0]  }
0x13a: {  	v2 =	vld [tilespmem:s17+$0x8DF0]  }
.Ltmp4:
0x13b: {  	v16 =	vld [tilespmem:s17+$0x14D80];
	(pc) =	sbr.rel @p1 .LBB2_11-.Ltmp4, $4  }
0x13c: {  	v15 =	vld [tilespmem:s17+$0x14D90]  }
0x13d: {  	v14 =	vld [tilespmem:s17+$0x14DA0]  }
0x13e: {  	v18 =	vadd.f32 v13, v17;
	v13 =	vld [tilespmem:s17+$0x14DB0]  }
0x13f: {  	s31 =	sadd.s32 $0x200, s31;
	v17 =	vadd.f32 v19, v12;
	v12 =	vld [tilespmem:s17+$0x14DC0]  }
0x140: {  	v16 =	vadd.f32 v18, v16;
	v59 =	vld [tilespmem:s17+$0x14DD0];
	v5 =	vadd.f32 v10, v5  }
0x141: {  	v60 =	vld [tilespmem:s17+$0x14DE0];
	v8 =	vadd.f32 v11, v8;
	v15 =	vadd.f32 v17, v15  }
0x142: {  	v7 =	vadd.f32 v9, v7;
	v61 =	vld [tilespmem:s17+$0x14DF0];
	[tilespmem:s17+$0x14D80] =	vst v16;
	v5 =	vadd.f32 v5, v14  }
0x143: {  	v3 =	vadd.f32 v6, v3;
	[tilespmem:s17+$0x14D90] =	vst v15;
	v8 =	vadd.f32 v8, v13  }
0x144: {  	v1 =	vadd.f32 v4, v1;
	[tilespmem:s17+$0x14DA0] =	vst v5;
	v5 =	vadd.f32 v7, v12  }
0x145: {  	v0 =	vadd.f32 v2, v0;
	[tilespmem:s17+$0x14DB0] =	vst v8;
	v3 =	vadd.f32 v3, v59  }
0x146: {  	v1 =	vadd.f32 v1, v60;
	[tilespmem:s17+$0x14DC0] =	vst v5  }
0x147: {  	s6 =	sshll.u32 s28, $0xC;
	v0 =	vadd.f32 v0, v61;
	[tilespmem:s17+$0x14DD0] =	vst v3  }
0x148: {  	s31 =	sadd.s32 s5, s6;
	[tilespmem:s17+$0x14DE0] =	vst v1  }
0x149: {  	s6 =	sadd.s32 s4, s31;
	[tilespmem:s17+$0x14DF0] =	vst v0  }
0x14a: {  	[hbm4b:s6+s3] =	stream.linear.scatter [tilespmem:s25], [sflag:$0x3], $0x4000, $0x38;
	[tilespmem:$0x1CD80] =	vst v63  }
0x14b: {  	_ =	swait.ge [sflag:s24], $0x8000  }
0x14c: {  	[sflag:s24] =	ssyncset.done $0x0  }
0x14d: {  	s19 =	sadd.s32 $0x600, s30;
	s6 =	simm.s32 @!p0 $0x4;
	[sflag:s24] =	ssyncadd.s32 $0xFFFF8000  }
0x14e: {  	[tilespmem:s21], [sflag:$0x1] =	stream.indirect.gather [hbm4b:s2+s20], $0x80, s19, s20, $0xb8;
	[tilespmem:$0x1CD80] =	vst v63  }
0x14f: {  	_ =	swait.ge @!p0 [sflag:s6], $0x4000  }
0x150: {  	[sflag:s6] =	ssyncset.done @!p0 $0x0  }
0x151: {  	s17 =	simm.s32 $0x0;
	[sflag:s6] =	ssyncadd.s32 @!p0 $0xFFFFC000  }
0x152: {  	v0 =	vld [tilespmem:s17+$0xCDF0]  }
0x153: {  	v1 =	vld [tilespmem:s17+$0x10DF0]  }
0x154: {  	v2 =	vld [tilespmem:s17+$0xCD80]  }
0x155: {  	v3 =	vld [tilespmem:s17+$0x10D80]  }
0x156: {  	v4 =	vld [tilespmem:s17+$0xCD90]  }
0x157: {  	v5 =	vld [tilespmem:s17+$0x10D90]  }
0x158: {  	v6 =	vld [tilespmem:s17+$0xCDA0]  }
0x159: {  	v7 =	vld [tilespmem:s17+$0xCDB0]  }
0x15a: {  	v0 =	vadd.f32 v1, v0;
	v1 =	vld [tilespmem:s17+$0x10DA0]  }
0x15b: {  	v62 =	vld [tilespmem:s17+$0x10DB0]  }
0x15c: {  	v63 =	vld [tilespmem:s17+$0x10DC0];
	v2 =	vadd.f32 v3, v2  }
0x15d: {  	[tilespmem:s17+$0x18DF0] =	vst v0;
	v0 =	vadd.f32 v5, v4;
	v5 =	vld [tilespmem:s17+$0xCDC0]  }
0x15e: {  	v3 =	vld [tilespmem:s17+$0x10DD0];
	[tilespmem:s17+$0x18D80] =	vst v2  }
0x15f: {  	v2 =	vld [tilespmem:s17+$0xCDD0];
	[tilespmem:s17+$0x18D90] =	vst v0;
	v0 =	vadd.f32 v1, v6  }
0x160: {  	v4 =	vld [tilespmem:s17+$0x10DE0];
	v6 =	vadd.f32 v62, v7  }
0x161: {  	s19 =	simm.s32 $0x80;
	[tilespmem:s17+$0x18DA0] =	vst v0;
	v0 =	vld [tilespmem:s17+$0xCDE0]  }
0x162: {  	s6 =	simm.s32 $0x400;
	v5 =	vadd.f32 v63, v5;
	v1 =	vld [tilespmem:s19+$0xCDF0];
	[tilespmem:s17+$0x18DB0] =	vst v6  }
.LBB2_13:
0x163: {  	p0 =	sne.s32 s6, $0xFE00;
	v6 =	vld [tilespmem:s19+$0x10DF0]  }
0x164: {  	v7 =	vld [tilespmem:s19+$0xCD80];
	[tilespmem:s17+$0x18DC0] =	vst v5;
	v2 =	vadd.f32 v3, v2  }
0x165: {  	v3 =	vld [tilespmem:s19+$0x10D80]  }
0x166: {  	v5 =	vld [tilespmem:s19+$0xCD90];
	[tilespmem:s17+$0x18DD0] =	vst v2;
	v0 =	vadd.f32 v4, v0  }
0x167: {  	v2 =	vld [tilespmem:s19+$0x10D90]  }
0x168: {  	v4 =	vld [tilespmem:s19+$0xCDA0];
	v1 =	vadd.f32 v6, v1;
	[tilespmem:s17+$0x18DE0] =	vst v0;
	s17 =	smov.u32 s19  }
0x169: {  	v0 =	vld [tilespmem:s17+$0x10DA0]  }
0x16a: {  	v3 =	vadd.f32 v3, v7;
	v6 =	vld [tilespmem:s17+$0xCDB0];
	[tilespmem:s17+$0x18DF0] =	vst v1  }
0x16b: {  	v1 =	vld [tilespmem:s17+$0x10DB0]  }
0x16c: {  	[tilespmem:s17+$0x18D80] =	vst v3;
	v2 =	vadd.f32 v2, v5;
	v5 =	vld [tilespmem:s17+$0xCDC0]  }
0x16d: {  	v7 =	vld [tilespmem:s17+$0x10DC0]  }
.Ltmp5:
0x16e: {  	[tilespmem:s17+$0x18D90] =	vst v2;
	v0 =	vadd.f32 v0, v4;
	v2 =	vld [tilespmem:s17+$0xCDD0];
	(pc) =	sbr.rel @p0 .LBB2_13-.Ltmp5, $4  }
0x16f: {  	v3 =	vld [tilespmem:s17+$0x10DD0]  }
0x170: {  	[tilespmem:s17+$0x18DA0] =	vst v0;
	v6 =	vadd.f32 v1, v6;
	v0 =	vld [tilespmem:s17+$0xCDE0]  }
0x171: {  	s19 =	sshra.s32 s6, $0x2;
	v4 =	vld [tilespmem:s17+$0x10DE0]  }
0x172: {  	s6 =	sadd.s32 $0x200, s6;
	v1 =	vld [tilespmem:s19+$0xCDF0];
	[tilespmem:s17+$0x18DB0] =	vst v6;
	v5 =	vadd.f32 v7, v5  }
0x173: {  	v6 =	vld [tilespmem:s19+$0x10DF0]  }
0x174: {  	v7 =	vld [tilespmem:s19+$0xCD80];
	[tilespmem:s17+$0x18DC0] =	vst v5;
	v2 =	vadd.f32 v3, v2  }
0x175: {  	v3 =	vld [tilespmem:s19+$0x10D80]  }
0x176: {  	v5 =	vld [tilespmem:s19+$0xCD90];
	[tilespmem:s17+$0x18DD0] =	vst v2;
	v0 =	vadd.f32 v4, v0  }
0x177: {  	v2 =	vld [tilespmem:s19+$0x10D90]  }
0x178: {  	v4 =	vld [tilespmem:s19+$0xCDA0];
	[tilespmem:s17+$0x18DE0] =	vst v0  }
0x179: {  	v0 =	vadd.f32 v6, v1;
	v1 =	vld [tilespmem:s19+$0x10DA0]  }
0x17a: {  	v6 =	vld [tilespmem:s19+$0xCDB0]  }
0x17b: {  	v3 =	vadd.f32 v3, v7;
	[tilespmem:s19+$0x18DF0] =	vst v0;
	v0 =	vld [tilespmem:s19+$0x10DB0]  }
0x17c: {  	v7 =	vld [tilespmem:s19+$0x10DE0]  }
0x17d: {  	[tilespmem:s19+$0x18D80] =	vst v3;
	v2 =	vadd.f32 v2, v5;
	v3 =	vld [tilespmem:s19+$0xCDC0]  }
0x17e: {  	v5 =	vld [tilespmem:s19+$0x10DC0]  }
0x17f: {  	[tilespmem:s19+$0x18D90] =	vst v2;
	v1 =	vadd.f32 v1, v4;
	v2 =	vld [tilespmem:s19+$0xCDD0]  }
0x180: {  	v4 =	vld [tilespmem:s19+$0x10DD0]  }
0x181: {  	[tilespmem:s19+$0x18DA0] =	vst v1;
	v1 =	vld [tilespmem:s19+$0xCDE0];
	_ =	sdelay $0x1  }
0x182: {  	v0 =	vadd.f32 v0, v6  }
0x183: {  	v3 =	vadd.f32 v5, v3  }
0x184: {  	[tilespmem:s19+$0x18DB0] =	vst v0;
	v0 =	vadd.f32 v4, v2  }
0x185: {  	[tilespmem:s19+$0x18DC0] =	vst v3;
	v1 =	vadd.f32 v7, v1  }
0x186: {  	[tilespmem:s19+$0x18DD0] =	vst v0  }
0x187: {  	[tilespmem:s19+$0x18DE0] =	vst v1  }
0x188: {  	_ =	swait.ge [sflag:s22], $0x8000  }
0x189: {  	[sflag:s22] =	ssyncset.done $0x0  }
0x18a: {  	s6 =	sadd.s32 $0x700, s30;
	s17 =	simm.s32 $0x0;
	[sflag:s22] =	ssyncadd.s32 $0xFFFF8000  }
0x18b: {  	[tilespmem:s23], [sflag:$0x2] =	stream.indirect.gather [hbm4b:s2+s20], $0x80, s6, s20, $0xb8;
	[tilespmem:$0x1CD80] =	vst v63  }
0x18c: {  	v12 =	vld [tilespmem:s17+$0x4D80]  }
0x18d: {  	v17 =	vld [tilespmem:s17+$0x8D80]  }
0x18e: {  	v19 =	vld [tilespmem:s17+$0x4D90]  }
0x18f: {  	v20 =	vld [tilespmem:s17+$0x8D90]  }
0x190: {  	v5 =	vld [tilespmem:s17+$0x4DA0]  }
0x191: {  	v10 =	vld [tilespmem:s17+$0x8DA0]  }
0x192: {  	v8 =	vld [tilespmem:s17+$0x4DB0]  }
0x193: {  	v11 =	vld [tilespmem:s17+$0x8DB0]  }
0x194: {  	v7 =	vld [tilespmem:s17+$0x4DC0]  }
0x195: {  	v9 =	vld [tilespmem:s17+$0x8DC0]  }
0x196: {  	v3 =	vld [tilespmem:s17+$0x4DD0]  }
0x197: {  	v6 =	vld [tilespmem:s17+$0x8DD0]  }
0x198: {  	v1 =	vld [tilespmem:s17+$0x4DE0]  }
0x199: {  	v4 =	vld [tilespmem:s17+$0x8DE0]  }
0x19a: {  	v0 =	vld [tilespmem:s17+$0x4DF0]  }
0x19b: {  	v2 =	vld [tilespmem:s17+$0x8DF0]  }
0x19c: {  	v16 =	vld [tilespmem:s17+$0x18D80]  }
0x19d: {  	v15 =	vld [tilespmem:s17+$0x18D90]  }
0x19e: {  	v14 =	vld [tilespmem:s17+$0x18DA0]  }
0x19f: {  	v13 =	vld [tilespmem:s17+$0x18DB0];
	v18 =	vadd.f32 v17, v12  }
0x1a0: {  	s19 =	simm.s32 $0x200;
	v17 =	vadd.f32 v20, v19;
	v12 =	vld [tilespmem:s17+$0x18DC0]  }
.LBB2_15:
0x1a1: {  	p0 =	sne.s32 s19, $0xFE00;
	v16 =	vadd.f32 v18, v16;
	v5 =	vadd.f32 v10, v5;
	v10 =	vld [tilespmem:s17+$0x18DD0]  }
0x1a2: {  	v8 =	vadd.f32 v11, v8;
	v15 =	vadd.f32 v17, v15;
	v11 =	vld [tilespmem:s17+$0x18DE0]  }
0x1a3: {  	s6 =	sshra.s32 s19, $0x2;
	v7 =	vadd.f32 v9, v7;
	[tilespmem:s17+$0x18D80] =	vst v16;
	v5 =	vadd.f32 v5, v14;
	v9 =	vld [tilespmem:s17+$0x18DF0]  }
0x1a4: {  	v3 =	vadd.f32 v6, v3;
	v17 =	vld [tilespmem:s6+$0x4D80];
	[tilespmem:s17+$0x18D90] =	vst v15;
	v8 =	vadd.f32 v8, v13  }
0x1a5: {  	v1 =	vadd.f32 v4, v1;
	v13 =	vld [tilespmem:s6+$0x8D80];
	[tilespmem:s17+$0x18DA0] =	vst v5;
	v5 =	vadd.f32 v7, v12  }
0x1a6: {  	v0 =	vadd.f32 v2, v0;
	v12 =	vld [tilespmem:s6+$0x4D90];
	[tilespmem:s17+$0x18DB0] =	vst v8;
	v3 =	vadd.f32 v3, v10  }
0x1a7: {  	v19 =	vld [tilespmem:s6+$0x8D90];
	[tilespmem:s17+$0x18DC0] =	vst v5;
	v1 =	vadd.f32 v1, v11  }
0x1a8: {  	v5 =	vld [tilespmem:s6+$0x4DA0];
	[tilespmem:s17+$0x18DD0] =	vst v3;
	v0 =	vadd.f32 v0, v9  }
0x1a9: {  	v10 =	vld [tilespmem:s6+$0x8DA0];
	[tilespmem:s17+$0x18DE0] =	vst v1  }
0x1aa: {  	v8 =	vld [tilespmem:s6+$0x4DB0];
	[tilespmem:s17+$0x18DF0] =	vst v0;
	s17 =	smov.u32 s6  }
0x1ab: {  	v11 =	vld [tilespmem:s17+$0x8DB0]  }
0x1ac: {  	v7 =	vld [tilespmem:s17+$0x4DC0]  }
0x1ad: {  	v9 =	vld [tilespmem:s17+$0x8DC0]  }
0x1ae: {  	v3 =	vld [tilespmem:s17+$0x4DD0]  }
0x1af: {  	v6 =	vld [tilespmem:s17+$0x8DD0]  }
0x1b0: {  	v1 =	vld [tilespmem:s17+$0x4DE0]  }
0x1b1: {  	v4 =	vld [tilespmem:s17+$0x8DE0]  }
0x1b2: {  	v0 =	vld [tilespmem:s17+$0x4DF0]  }
0x1b3: {  	v2 =	vld [tilespmem:s17+$0x8DF0]  }
.Ltmp6:
0x1b4: {  	v16 =	vld [tilespmem:s17+$0x18D80];
	(pc) =	sbr.rel @p0 .LBB2_15-.Ltmp6, $4  }
0x1b5: {  	v15 =	vld [tilespmem:s17+$0x18D90]  }
0x1b6: {  	v14 =	vld [tilespmem:s17+$0x18DA0]  }
0x1b7: {  	v18 =	vadd.f32 v13, v17;
	v13 =	vld [tilespmem:s17+$0x18DB0]  }
0x1b8: {  	s19 =	sadd.s32 $0x200, s19;
	v17 =	vadd.f32 v19, v12;
	v12 =	vld [tilespmem:s17+$0x18DC0]  }
0x1b9: {  	v16 =	vadd.f32 v18, v16;
	v18 =	vld [tilespmem:s17+$0x18DD0];
	v5 =	vadd.f32 v10, v5  }
0x1ba: {  	v10 =	vld [tilespmem:s17+$0x18DE0];
	v8 =	vadd.f32 v11, v8;
	v15 =	vadd.f32 v17, v15  }
0x1bb: {  	v7 =	vadd.f32 v9, v7;
	v9 =	vld [tilespmem:s17+$0x18DF0];
	[tilespmem:s17+$0x18D80] =	vst v16;
	v5 =	vadd.f32 v5, v14  }
0x1bc: {  	v3 =	vadd.f32 v6, v3;
	[tilespmem:s17+$0x18D90] =	vst v15;
	v8 =	vadd.f32 v8, v13  }
0x1bd: {  	v1 =	vadd.f32 v4, v1;
	[tilespmem:s17+$0x18DA0] =	vst v5;
	v5 =	vadd.f32 v7, v12  }
0x1be: {  	v0 =	vadd.f32 v2, v0;
	[tilespmem:s17+$0x18DB0] =	vst v8;
	v3 =	vadd.f32 v3, v18  }
0x1bf: {  	v1 =	vadd.f32 v1, v10;
	[tilespmem:s17+$0x18DC0] =	vst v5  }
0x1c0: {  	v0 =	vadd.f32 v0, v9;
	[tilespmem:s17+$0x18DD0] =	vst v3  }
0x1c1: {  	[tilespmem:s17+$0x18DE0] =	vst v1  }
0x1c2: {  	[tilespmem:s17+$0x18DF0] =	vst v0  }
0x1c3: {  	_ =	swait.ge [sflag:s24], $0x8000  }
0x1c4: {  	[sflag:s24] =	ssyncset.done $0x0  }
0x1c5: {  	s6 =	sadd.s32 $0x800, s30;
	s17 =	simm.s32 $0x0;
	[sflag:s24] =	ssyncadd.s32 $0xFFFF8000  }
0x1c6: {  	[tilespmem:s21], [sflag:$0x1] =	stream.indirect.gather [hbm4b:s2+s20], $0x80, s6, s20, $0xb8;
	[tilespmem:$0x1CD80] =	vst v63  }
0x1c7: {  	v12 =	vld [tilespmem:s17+$0xCD80]  }
0x1c8: {  	v17 =	vld [tilespmem:s17+$0x10D80]  }
0x1c9: {  	v19 =	vld [tilespmem:s17+$0xCD90]  }
0x1ca: {  	v20 =	vld [tilespmem:s17+$0x10D90]  }
0x1cb: {  	v5 =	vld [tilespmem:s17+$0xCDA0]  }
0x1cc: {  	v10 =	vld [tilespmem:s17+$0x10DA0]  }
0x1cd: {  	v8 =	vld [tilespmem:s17+$0xCDB0]  }
0x1ce: {  	v11 =	vld [tilespmem:s17+$0x10DB0]  }
0x1cf: {  	v7 =	vld [tilespmem:s17+$0xCDC0]  }
0x1d0: {  	v9 =	vld [tilespmem:s17+$0x10DC0]  }
0x1d1: {  	v3 =	vld [tilespmem:s17+$0xCDD0]  }
0x1d2: {  	v6 =	vld [tilespmem:s17+$0x10DD0]  }
0x1d3: {  	v1 =	vld [tilespmem:s17+$0xCDE0]  }
0x1d4: {  	v4 =	vld [tilespmem:s17+$0x10DE0]  }
0x1d5: {  	v0 =	vld [tilespmem:s17+$0xCDF0]  }
0x1d6: {  	v2 =	vld [tilespmem:s17+$0x10DF0]  }
0x1d7: {  	v16 =	vld [tilespmem:s17+$0x18D80]  }
0x1d8: {  	v15 =	vld [tilespmem:s17+$0x18D90]  }
0x1d9: {  	v14 =	vld [tilespmem:s17+$0x18DA0]  }
0x1da: {  	v13 =	vld [tilespmem:s17+$0x18DB0];
	v18 =	vadd.f32 v17, v12  }
0x1db: {  	s19 =	simm.s32 $0x200;
	v17 =	vadd.f32 v20, v19;
	v12 =	vld [tilespmem:s17+$0x18DC0]  }
.LBB2_17:
0x1dc: {  	p0 =	sne.s32 s19, $0xFE00;
	v16 =	vadd.f32 v18, v16;
	v5 =	vadd.f32 v10, v5;
	v10 =	vld [tilespmem:s17+$0x18DD0]  }
0x1dd: {  	v8 =	vadd.f32 v11, v8;
	v15 =	vadd.f32 v17, v15;
	v11 =	vld [tilespmem:s17+$0x18DE0]  }
0x1de: {  	s6 =	sshra.s32 s19, $0x2;
	v7 =	vadd.f32 v9, v7;
	[tilespmem:s17+$0x18D80] =	vst v16;
	v5 =	vadd.f32 v5, v14;
	v9 =	vld [tilespmem:s17+$0x18DF0]  }
0x1df: {  	v3 =	vadd.f32 v6, v3;
	v17 =	vld [tilespmem:s6+$0xCD80];
	[tilespmem:s17+$0x18D90] =	vst v15;
	v8 =	vadd.f32 v8, v13  }
0x1e0: {  	v1 =	vadd.f32 v4, v1;
	v13 =	vld [tilespmem:s6+$0x10D80];
	[tilespmem:s17+$0x18DA0] =	vst v5;
	v5 =	vadd.f32 v7, v12  }
0x1e1: {  	v0 =	vadd.f32 v2, v0;
	v12 =	vld [tilespmem:s6+$0xCD90];
	[tilespmem:s17+$0x18DB0] =	vst v8;
	v3 =	vadd.f32 v3, v10  }
0x1e2: {  	v19 =	vld [tilespmem:s6+$0x10D90];
	[tilespmem:s17+$0x18DC0] =	vst v5;
	v1 =	vadd.f32 v1, v11  }
0x1e3: {  	v5 =	vld [tilespmem:s6+$0xCDA0];
	[tilespmem:s17+$0x18DD0] =	vst v3;
	v0 =	vadd.f32 v0, v9  }
0x1e4: {  	v10 =	vld [tilespmem:s6+$0x10DA0];
	[tilespmem:s17+$0x18DE0] =	vst v1  }
0x1e5: {  	v8 =	vld [tilespmem:s6+$0xCDB0];
	[tilespmem:s17+$0x18DF0] =	vst v0;
	s17 =	smov.u32 s6  }
0x1e6: {  	v11 =	vld [tilespmem:s17+$0x10DB0]  }
0x1e7: {  	v7 =	vld [tilespmem:s17+$0xCDC0]  }
0x1e8: {  	v9 =	vld [tilespmem:s17+$0x10DC0]  }
0x1e9: {  	v3 =	vld [tilespmem:s17+$0xCDD0]  }
0x1ea: {  	v6 =	vld [tilespmem:s17+$0x10DD0]  }
0x1eb: {  	v1 =	vld [tilespmem:s17+$0xCDE0]  }
0x1ec: {  	v4 =	vld [tilespmem:s17+$0x10DE0]  }
0x1ed: {  	v0 =	vld [tilespmem:s17+$0xCDF0]  }
0x1ee: {  	v2 =	vld [tilespmem:s17+$0x10DF0]  }
.Ltmp7:
0x1ef: {  	v16 =	vld [tilespmem:s17+$0x18D80];
	(pc) =	sbr.rel @p0 .LBB2_17-.Ltmp7, $4  }
0x1f0: {  	v15 =	vld [tilespmem:s17+$0x18D90]  }
0x1f1: {  	v14 =	vld [tilespmem:s17+$0x18DA0]  }
0x1f2: {  	v18 =	vadd.f32 v13, v17;
	v13 =	vld [tilespmem:s17+$0x18DB0]  }
0x1f3: {  	s19 =	sadd.s32 $0x200, s19;
	v17 =	vadd.f32 v19, v12;
	v12 =	vld [tilespmem:s17+$0x18DC0]  }
0x1f4: {  	v16 =	vadd.f32 v18, v16;
	v18 =	vld [tilespmem:s17+$0x18DD0];
	v5 =	vadd.f32 v10, v5  }
0x1f5: {  	v10 =	vld [tilespmem:s17+$0x18DE0];
	v8 =	vadd.f32 v11, v8;
	v15 =	vadd.f32 v17, v15  }
0x1f6: {  	v7 =	vadd.f32 v9, v7;
	v9 =	vld [tilespmem:s17+$0x18DF0];
	[tilespmem:s17+$0x18D80] =	vst v16;
	v5 =	vadd.f32 v5, v14  }
0x1f7: {  	v3 =	vadd.f32 v6, v3;
	[tilespmem:s17+$0x18D90] =	vst v15;
	v8 =	vadd.f32 v8, v13  }
0x1f8: {  	v1 =	vadd.f32 v4, v1;
	[tilespmem:s17+$0x18DA0] =	vst v5;
	v5 =	vadd.f32 v7, v12  }
0x1f9: {  	v0 =	vadd.f32 v2, v0;
	[tilespmem:s17+$0x18DB0] =	vst v8;
	v3 =	vadd.f32 v3, v18  }
0x1fa: {  	v1 =	vadd.f32 v1, v10;
	[tilespmem:s17+$0x18DC0] =	vst v5  }
0x1fb: {  	v0 =	vadd.f32 v0, v9;
	[tilespmem:s17+$0x18DD0] =	vst v3  }
0x1fc: {  	[tilespmem:s17+$0x18DE0] =	vst v1  }
0x1fd: {  	[tilespmem:s17+$0x18DF0] =	vst v0  }
0x1fe: {  	_ =	swait.ge [sflag:s22], $0x8000  }
0x1ff: {  	[sflag:s22] =	ssyncset.done $0x0  }
0x200: {  	s6 =	sadd.s32 $0x900, s30;
	s17 =	simm.s32 $0x0;
	[sflag:s22] =	ssyncadd.s32 $0xFFFF8000  }
0x201: {  	[tilespmem:s23], [sflag:$0x2] =	stream.indirect.gather [hbm4b:s2+s20], $0x80, s6, s20, $0xb8;
	[tilespmem:$0x1CD80] =	vst v63  }
0x202: {  	v12 =	vld [tilespmem:s17+$0x4D80]  }
0x203: {  	v17 =	vld [tilespmem:s17+$0x8D80]  }
0x204: {  	v19 =	vld [tilespmem:s17+$0x4D90]  }
0x205: {  	v20 =	vld [tilespmem:s17+$0x8D90]  }
0x206: {  	v5 =	vld [tilespmem:s17+$0x4DA0]  }
0x207: {  	v10 =	vld [tilespmem:s17+$0x8DA0]  }
0x208: {  	v8 =	vld [tilespmem:s17+$0x4DB0]  }
0x209: {  	v11 =	vld [tilespmem:s17+$0x8DB0]  }
0x20a: {  	v7 =	vld [tilespmem:s17+$0x4DC0]  }
0x20b: {  	v9 =	vld [tilespmem:s17+$0x8DC0]  }
0x20c: {  	v3 =	vld [tilespmem:s17+$0x4DD0]  }
0x20d: {  	v6 =	vld [tilespmem:s17+$0x8DD0]  }
0x20e: {  	v1 =	vld [tilespmem:s17+$0x4DE0]  }
0x20f: {  	v4 =	vld [tilespmem:s17+$0x8DE0]  }
0x210: {  	v0 =	vld [tilespmem:s17+$0x4DF0]  }
0x211: {  	v2 =	vld [tilespmem:s17+$0x8DF0]  }
0x212: {  	v16 =	vld [tilespmem:s17+$0x18D80]  }
0x213: {  	v15 =	vld [tilespmem:s17+$0x18D90]  }
0x214: {  	v14 =	vld [tilespmem:s17+$0x18DA0]  }
0x215: {  	v13 =	vld [tilespmem:s17+$0x18DB0];
	v18 =	vadd.f32 v17, v12  }
0x216: {  	s19 =	simm.s32 $0x200;
	v17 =	vadd.f32 v20, v19;
	v12 =	vld [tilespmem:s17+$0x18DC0]  }
.LBB2_19:
0x217: {  	p0 =	sne.s32 s19, $0xFE00;
	v16 =	vadd.f32 v18, v16;
	v5 =	vadd.f32 v10, v5;
	v10 =	vld [tilespmem:s17+$0x18DD0]  }
0x218: {  	v8 =	vadd.f32 v11, v8;
	v15 =	vadd.f32 v17, v15;
	v11 =	vld [tilespmem:s17+$0x18DE0]  }
0x219: {  	s6 =	sshra.s32 s19, $0x2;
	v7 =	vadd.f32 v9, v7;
	[tilespmem:s17+$0x18D80] =	vst v16;
	v5 =	vadd.f32 v5, v14;
	v9 =	vld [tilespmem:s17+$0x18DF0]  }
0x21a: {  	v3 =	vadd.f32 v6, v3;
	v17 =	vld [tilespmem:s6+$0x4D80];
	[tilespmem:s17+$0x18D90] =	vst v15;
	v8 =	vadd.f32 v8, v13  }
0x21b: {  	v1 =	vadd.f32 v4, v1;
	v13 =	vld [tilespmem:s6+$0x8D80];
	[tilespmem:s17+$0x18DA0] =	vst v5;
	v5 =	vadd.f32 v7, v12  }
0x21c: {  	v0 =	vadd.f32 v2, v0;
	v12 =	vld [tilespmem:s6+$0x4D90];
	[tilespmem:s17+$0x18DB0] =	vst v8;
	v3 =	vadd.f32 v3, v10  }
0x21d: {  	v19 =	vld [tilespmem:s6+$0x8D90];
	[tilespmem:s17+$0x18DC0] =	vst v5;
	v1 =	vadd.f32 v1, v11  }
0x21e: {  	v5 =	vld [tilespmem:s6+$0x4DA0];
	[tilespmem:s17+$0x18DD0] =	vst v3;
	v0 =	vadd.f32 v0, v9  }
0x21f: {  	v10 =	vld [tilespmem:s6+$0x8DA0];
	[tilespmem:s17+$0x18DE0] =	vst v1  }
0x220: {  	v8 =	vld [tilespmem:s6+$0x4DB0];
	[tilespmem:s17+$0x18DF0] =	vst v0;
	s17 =	smov.u32 s6  }
0x221: {  	v11 =	vld [tilespmem:s17+$0x8DB0]  }
0x222: {  	v7 =	vld [tilespmem:s17+$0x4DC0]  }
0x223: {  	v9 =	vld [tilespmem:s17+$0x8DC0]  }
0x224: {  	v3 =	vld [tilespmem:s17+$0x4DD0]  }
0x225: {  	v6 =	vld [tilespmem:s17+$0x8DD0]  }
0x226: {  	v1 =	vld [tilespmem:s17+$0x4DE0]  }
0x227: {  	v4 =	vld [tilespmem:s17+$0x8DE0]  }
0x228: {  	v0 =	vld [tilespmem:s17+$0x4DF0]  }
0x229: {  	v2 =	vld [tilespmem:s17+$0x8DF0]  }
.Ltmp8:
0x22a: {  	v16 =	vld [tilespmem:s17+$0x18D80];
	(pc) =	sbr.rel @p0 .LBB2_19-.Ltmp8, $4  }
0x22b: {  	v15 =	vld [tilespmem:s17+$0x18D90]  }
0x22c: {  	v14 =	vld [tilespmem:s17+$0x18DA0]  }
0x22d: {  	v18 =	vadd.f32 v13, v17;
	v13 =	vld [tilespmem:s17+$0x18DB0]  }
0x22e: {  	s19 =	sadd.s32 $0x200, s19;
	v17 =	vadd.f32 v19, v12;
	v12 =	vld [tilespmem:s17+$0x18DC0]  }
0x22f: {  	v16 =	vadd.f32 v18, v16;
	v18 =	vld [tilespmem:s17+$0x18DD0];
	v5 =	vadd.f32 v10, v5  }
0x230: {  	v10 =	vld [tilespmem:s17+$0x18DE0];
	v8 =	vadd.f32 v11, v8;
	v15 =	vadd.f32 v17, v15  }
0x231: {  	v7 =	vadd.f32 v9, v7;
	v9 =	vld [tilespmem:s17+$0x18DF0];
	[tilespmem:s17+$0x18D80] =	vst v16;
	v5 =	vadd.f32 v5, v14  }
0x232: {  	v3 =	vadd.f32 v6, v3;
	[tilespmem:s17+$0x18D90] =	vst v15;
	v8 =	vadd.f32 v8, v13  }
0x233: {  	v1 =	vadd.f32 v4, v1;
	[tilespmem:s17+$0x18DA0] =	vst v5;
	v5 =	vadd.f32 v7, v12  }
0x234: {  	v0 =	vadd.f32 v2, v0;
	[tilespmem:s17+$0x18DB0] =	vst v8;
	v3 =	vadd.f32 v3, v18  }
0x235: {  	v1 =	vadd.f32 v1, v10;
	[tilespmem:s17+$0x18DC0] =	vst v5  }
0x236: {  	v0 =	vadd.f32 v0, v9;
	[tilespmem:s17+$0x18DD0] =	vst v3  }
0x237: {  	[tilespmem:s17+$0x18DE0] =	vst v1  }
0x238: {  	[tilespmem:s17+$0x18DF0] =	vst v0  }
0x239: {  	_ =	swait.ge [sflag:s24], $0x8000  }
0x23a: {  	[sflag:s24] =	ssyncset.done $0x0  }
0x23b: {  	s6 =	sadd.s32 $0xA00, s30;
	s17 =	simm.s32 $0x0;
	[sflag:s24] =	ssyncadd.s32 $0xFFFF8000  }
0x23c: {  	[tilespmem:s21], [sflag:$0x1] =	stream.indirect.gather [hbm4b:s2+s20], $0x80, s6, s20, $0xb8;
	[tilespmem:$0x1CD80] =	vst v63  }
0x23d: {  	v12 =	vld [tilespmem:s17+$0xCD80]  }
0x23e: {  	v17 =	vld [tilespmem:s17+$0x10D80]  }
0x23f: {  	v19 =	vld [tilespmem:s17+$0xCD90]  }
0x240: {  	v20 =	vld [tilespmem:s17+$0x10D90]  }
0x241: {  	v5 =	vld [tilespmem:s17+$0xCDA0]  }
0x242: {  	v10 =	vld [tilespmem:s17+$0x10DA0]  }
0x243: {  	v8 =	vld [tilespmem:s17+$0xCDB0]  }
0x244: {  	v11 =	vld [tilespmem:s17+$0x10DB0]  }
0x245: {  	v7 =	vld [tilespmem:s17+$0xCDC0]  }
0x246: {  	v9 =	vld [tilespmem:s17+$0x10DC0]  }
0x247: {  	v3 =	vld [tilespmem:s17+$0xCDD0]  }
0x248: {  	v6 =	vld [tilespmem:s17+$0x10DD0]  }
0x249: {  	v1 =	vld [tilespmem:s17+$0xCDE0]  }
0x24a: {  	v4 =	vld [tilespmem:s17+$0x10DE0]  }
0x24b: {  	v0 =	vld [tilespmem:s17+$0xCDF0]  }
0x24c: {  	v2 =	vld [tilespmem:s17+$0x10DF0]  }
0x24d: {  	v16 =	vld [tilespmem:s17+$0x18D80]  }
0x24e: {  	v15 =	vld [tilespmem:s17+$0x18D90]  }
0x24f: {  	v14 =	vld [tilespmem:s17+$0x18DA0]  }
0x250: {  	v13 =	vld [tilespmem:s17+$0x18DB0];
	v18 =	vadd.f32 v17, v12  }
0x251: {  	s19 =	simm.s32 $0x200;
	v17 =	vadd.f32 v20, v19;
	v12 =	vld [tilespmem:s17+$0x18DC0]  }
.LBB2_21:
0x252: {  	p0 =	sne.s32 s19, $0xFE00;
	v16 =	vadd.f32 v18, v16;
	v5 =	vadd.f32 v10, v5;
	v10 =	vld [tilespmem:s17+$0x18DD0]  }
0x253: {  	v8 =	vadd.f32 v11, v8;
	v15 =	vadd.f32 v17, v15;
	v11 =	vld [tilespmem:s17+$0x18DE0]  }
0x254: {  	s6 =	sshra.s32 s19, $0x2;
	v7 =	vadd.f32 v9, v7;
	[tilespmem:s17+$0x18D80] =	vst v16;
	v5 =	vadd.f32 v5, v14;
	v9 =	vld [tilespmem:s17+$0x18DF0]  }
0x255: {  	v3 =	vadd.f32 v6, v3;
	v17 =	vld [tilespmem:s6+$0xCD80];
	[tilespmem:s17+$0x18D90] =	vst v15;
	v8 =	vadd.f32 v8, v13  }
0x256: {  	v1 =	vadd.f32 v4, v1;
	v13 =	vld [tilespmem:s6+$0x10D80];
	[tilespmem:s17+$0x18DA0] =	vst v5;
	v5 =	vadd.f32 v7, v12  }
0x257: {  	v0 =	vadd.f32 v2, v0;
	v12 =	vld [tilespmem:s6+$0xCD90];
	[tilespmem:s17+$0x18DB0] =	vst v8;
	v3 =	vadd.f32 v3, v10  }
0x258: {  	v19 =	vld [tilespmem:s6+$0x10D90];
	[tilespmem:s17+$0x18DC0] =	vst v5;
	v1 =	vadd.f32 v1, v11  }
0x259: {  	v5 =	vld [tilespmem:s6+$0xCDA0];
	[tilespmem:s17+$0x18DD0] =	vst v3;
	v0 =	vadd.f32 v0, v9  }
0x25a: {  	v10 =	vld [tilespmem:s6+$0x10DA0];
	[tilespmem:s17+$0x18DE0] =	vst v1  }
0x25b: {  	v8 =	vld [tilespmem:s6+$0xCDB0];
	[tilespmem:s17+$0x18DF0] =	vst v0;
	s17 =	smov.u32 s6  }
0x25c: {  	v11 =	vld [tilespmem:s17+$0x10DB0]  }
0x25d: {  	v7 =	vld [tilespmem:s17+$0xCDC0]  }
0x25e: {  	v9 =	vld [tilespmem:s17+$0x10DC0]  }
0x25f: {  	v3 =	vld [tilespmem:s17+$0xCDD0]  }
0x260: {  	v6 =	vld [tilespmem:s17+$0x10DD0]  }
0x261: {  	v1 =	vld [tilespmem:s17+$0xCDE0]  }
0x262: {  	v4 =	vld [tilespmem:s17+$0x10DE0]  }
0x263: {  	v0 =	vld [tilespmem:s17+$0xCDF0]  }
0x264: {  	v2 =	vld [tilespmem:s17+$0x10DF0]  }
.Ltmp9:
0x265: {  	v16 =	vld [tilespmem:s17+$0x18D80];
	(pc) =	sbr.rel @p0 .LBB2_21-.Ltmp9, $4  }
0x266: {  	v15 =	vld [tilespmem:s17+$0x18D90]  }
0x267: {  	v14 =	vld [tilespmem:s17+$0x18DA0]  }
0x268: {  	v18 =	vadd.f32 v13, v17;
	v13 =	vld [tilespmem:s17+$0x18DB0]  }
0x269: {  	s19 =	sadd.s32 $0x200, s19;
	v17 =	vadd.f32 v19, v12;
	v12 =	vld [tilespmem:s17+$0x18DC0]  }
0x26a: {  	v16 =	vadd.f32 v18, v16;
	v60 =	vld [tilespmem:s17+$0x18DD0];
	v5 =	vadd.f32 v10, v5  }
0x26b: {  	v61 =	vld [tilespmem:s17+$0x18DE0];
	v8 =	vadd.f32 v11, v8;
	v15 =	vadd.f32 v17, v15  }
0x26c: {  	v7 =	vadd.f32 v9, v7;
	v62 =	vld [tilespmem:s17+$0x18DF0];
	[tilespmem:s17+$0x18D80] =	vst v16;
	v5 =	vadd.f32 v5, v14  }
0x26d: {  	v3 =	vadd.f32 v6, v3;
	[tilespmem:s17+$0x18D90] =	vst v15;
	v8 =	vadd.f32 v8, v13  }
0x26e: {  	v1 =	vadd.f32 v4, v1;
	s28 =	sadd.s32 $0x1, s28;
	[tilespmem:s17+$0x18DA0] =	vst v5;
	v63 =	vadd.f32 v7, v12  }
0x26f: {  	v0 =	vadd.f32 v2, v0;
	p0 =	sne.s32 s28, $0x7;
	[tilespmem:s17+$0x18DB0] =	vst v8;
	v3 =	vadd.f32 v3, v60  }
.Ltmp10:
0x270: {  	v1 =	vadd.f32 v1, v61;
	[tilespmem:s17+$0x18DC0] =	vst v63;
	(pc) =	sbr.rel @p0 .LBB2_2-.Ltmp10, $4  }
0x271: {  	v0 =	vadd.f32 v0, v62;
	[tilespmem:s17+$0x18DD0] =	vst v3  }
0x272: {  	[tilespmem:s17+$0x18DE0] =	vst v1  }
0x273: {  	s6 =	sadd.s32 s31, s8;
	[tilespmem:s17+$0x18DF0] =	vst v0  }
0x274: {  	[hbm4b:s6+s3] =	stream.linear.scatter [tilespmem:s26], [sflag:$0x4], $0x4000, $0x38;
	[tilespmem:$0x1CD80] =	vst v63  }
0x275: {  	_ =	swait.ge [sflag:s22], $0x8000  }
0x276: {  	[sflag:s22] =	ssyncset.done $0x0  }
0x277: {  	s6 =	simm.s32 $0x4700;
	[sflag:s22] =	ssyncadd.s32 $0xFFFF8000  }
0x278: {  	[tilespmem:s23], [sflag:$0x2] =	stream.indirect.gather [hbm4b:s2+s20], $0x80, s6, s20, $0xb8;
	[tilespmem:$0x1CD80] =	vst v63  }
0x279: {  	_ =	swait.ge [sflag:s29], $0x4000  }
0x27a: {  	[sflag:s29] =	ssyncset.done $0x0  }
0x27b: {  	s17 =	simm.s32 $0x0;
	[sflag:s29] =	ssyncadd.s32 $0xFFFFC000  }
0x27c: {  	v0 =	vld [tilespmem:s17+$0x4DF0]  }
0x27d: {  	v1 =	vld [tilespmem:s17+$0x8DF0]  }
0x27e: {  	v2 =	vld [tilespmem:s17+$0x4D80]  }
0x27f: {  	v3 =	vld [tilespmem:s17+$0x8D80]  }
0x280: {  	v4 =	vld [tilespmem:s17+$0x4D90]  }
0x281: {  	v5 =	vld [tilespmem:s17+$0x8D90]  }
0x282: {  	v6 =	vld [tilespmem:s17+$0x4DA0]  }
0x283: {  	v7 =	vld [tilespmem:s17+$0x4DB0]  }
0x284: {  	v0 =	vadd.f32 v1, v0;
	v1 =	vld [tilespmem:s17+$0x8DA0]  }
0x285: {  	v8 =	vld [tilespmem:s17+$0x8DB0]  }
0x286: {  	v9 =	vld [tilespmem:s17+$0x8DC0];
	v2 =	vadd.f32 v3, v2  }
0x287: {  	[tilespmem:s17+$0x14DF0] =	vst v0;
	v0 =	vadd.f32 v5, v4;
	v5 =	vld [tilespmem:s17+$0x4DC0]  }
0x288: {  	v3 =	vld [tilespmem:s17+$0x8DD0];
	[tilespmem:s17+$0x14D80] =	vst v2  }
0x289: {  	v2 =	vld [tilespmem:s17+$0x4DD0];
	[tilespmem:s17+$0x14D90] =	vst v0;
	v0 =	vadd.f32 v1, v6  }
0x28a: {  	v4 =	vld [tilespmem:s17+$0x8DE0];
	v6 =	vadd.f32 v8, v7  }
0x28b: {  	s19 =	simm.s32 $0x80;
	[tilespmem:s17+$0x14DA0] =	vst v0;
	v0 =	vld [tilespmem:s17+$0x4DE0]  }
0x28c: {  	s6 =	simm.s32 $0x400;
	v5 =	vadd.f32 v9, v5;
	v1 =	vld [tilespmem:s19+$0x4DF0];
	[tilespmem:s17+$0x14DB0] =	vst v6  }
.LBB2_24:
0x28d: {  	p0 =	sne.s32 s6, $0xFE00;
	v6 =	vld [tilespmem:s19+$0x8DF0]  }
0x28e: {  	v7 =	vld [tilespmem:s19+$0x4D80];
	[tilespmem:s17+$0x14DC0] =	vst v5;
	v2 =	vadd.f32 v3, v2  }
0x28f: {  	v3 =	vld [tilespmem:s19+$0x8D80]  }
0x290: {  	v5 =	vld [tilespmem:s19+$0x4D90];
	[tilespmem:s17+$0x14DD0] =	vst v2;
	v0 =	vadd.f32 v4, v0  }
0x291: {  	v2 =	vld [tilespmem:s19+$0x8D90]  }
0x292: {  	v4 =	vld [tilespmem:s19+$0x4DA0];
	v1 =	vadd.f32 v6, v1;
	[tilespmem:s17+$0x14DE0] =	vst v0;
	s17 =	smov.u32 s19  }
0x293: {  	v0 =	vld [tilespmem:s17+$0x8DA0]  }
0x294: {  	v3 =	vadd.f32 v3, v7;
	v6 =	vld [tilespmem:s17+$0x4DB0];
	[tilespmem:s17+$0x14DF0] =	vst v1  }
0x295: {  	v1 =	vld [tilespmem:s17+$0x8DB0]  }
0x296: {  	[tilespmem:s17+$0x14D80] =	vst v3;
	v2 =	vadd.f32 v2, v5;
	v5 =	vld [tilespmem:s17+$0x4DC0]  }
0x297: {  	v7 =	vld [tilespmem:s17+$0x8DC0]  }
.Ltmp11:
0x298: {  	[tilespmem:s17+$0x14D90] =	vst v2;
	v0 =	vadd.f32 v0, v4;
	v2 =	vld [tilespmem:s17+$0x4DD0];
	(pc) =	sbr.rel @p0 .LBB2_24-.Ltmp11, $4  }
0x299: {  	v3 =	vld [tilespmem:s17+$0x8DD0]  }
0x29a: {  	[tilespmem:s17+$0x14DA0] =	vst v0;
	v6 =	vadd.f32 v1, v6;
	v0 =	vld [tilespmem:s17+$0x4DE0]  }
0x29b: {  	s19 =	sshra.s32 s6, $0x2;
	v4 =	vld [tilespmem:s17+$0x8DE0]  }
0x29c: {  	s6 =	sadd.s32 $0x200, s6;
	v1 =	vld [tilespmem:s19+$0x4DF0];
	[tilespmem:s17+$0x14DB0] =	vst v6;
	v5 =	vadd.f32 v7, v5  }
0x29d: {  	v6 =	vld [tilespmem:s19+$0x8DF0]  }
0x29e: {  	v7 =	vld [tilespmem:s19+$0x4D80];
	[tilespmem:s17+$0x14DC0] =	vst v5;
	v2 =	vadd.f32 v3, v2  }
0x29f: {  	v3 =	vld [tilespmem:s19+$0x8D80]  }
0x2a0: {  	v5 =	vld [tilespmem:s19+$0x4D90];
	[tilespmem:s17+$0x14DD0] =	vst v2;
	v0 =	vadd.f32 v4, v0  }
0x2a1: {  	v2 =	vld [tilespmem:s19+$0x8D90]  }
0x2a2: {  	v4 =	vld [tilespmem:s19+$0x4DA0];
	[tilespmem:s17+$0x14DE0] =	vst v0  }
0x2a3: {  	v0 =	vadd.f32 v6, v1;
	v1 =	vld [tilespmem:s19+$0x8DA0]  }
0x2a4: {  	v6 =	vld [tilespmem:s19+$0x4DB0]  }
0x2a5: {  	v3 =	vadd.f32 v3, v7;
	[tilespmem:s19+$0x14DF0] =	vst v0;
	v0 =	vld [tilespmem:s19+$0x8DB0]  }
0x2a6: {  	v7 =	vld [tilespmem:s19+$0x8DE0]  }
0x2a7: {  	[tilespmem:s19+$0x14D80] =	vst v3;
	v2 =	vadd.f32 v2, v5;
	v3 =	vld [tilespmem:s19+$0x4DC0]  }
0x2a8: {  	v5 =	vld [tilespmem:s19+$0x8DC0]  }
0x2a9: {  	[tilespmem:s19+$0x14D90] =	vst v2;
	v1 =	vadd.f32 v1, v4;
	v2 =	vld [tilespmem:s19+$0x4DD0]  }
0x2aa: {  	v4 =	vld [tilespmem:s19+$0x8DD0]  }
0x2ab: {  	[tilespmem:s19+$0x14DA0] =	vst v1;
	v1 =	vld [tilespmem:s19+$0x4DE0];
	_ =	sdelay $0x1  }
0x2ac: {  	v0 =	vadd.f32 v0, v6  }
0x2ad: {  	v3 =	vadd.f32 v5, v3  }
0x2ae: {  	[tilespmem:s19+$0x14DB0] =	vst v0;
	v0 =	vadd.f32 v4, v2  }
0x2af: {  	[tilespmem:s19+$0x14DC0] =	vst v3;
	v1 =	vadd.f32 v7, v1  }
0x2b0: {  	[tilespmem:s19+$0x14DD0] =	vst v0  }
0x2b1: {  	[tilespmem:s19+$0x14DE0] =	vst v1  }
0x2b2: {  	_ =	swait.ge [sflag:s24], $0x8000  }
0x2b3: {  	[sflag:s24] =	ssyncset.done $0x0  }
0x2b4: {  	s6 =	simm.s32 $0x4800;
	s17 =	simm.s32 $0x0;
	[sflag:s24] =	ssyncadd.s32 $0xFFFF8000  }
0x2b5: {  	[tilespmem:s21], [sflag:$0x1] =	stream.indirect.gather [hbm4b:s2+s20], $0x80, s6, s20, $0xb8;
	[tilespmem:$0x1CD80] =	vst v63  }
0x2b6: {  	v12 =	vld [tilespmem:s17+$0xCD80]  }
0x2b7: {  	v17 =	vld [tilespmem:s17+$0x10D80]  }
0x2b8: {  	v19 =	vld [tilespmem:s17+$0xCD90]  }
0x2b9: {  	v20 =	vld [tilespmem:s17+$0x10D90]  }
0x2ba: {  	v5 =	vld [tilespmem:s17+$0xCDA0]  }
0x2bb: {  	v10 =	vld [tilespmem:s17+$0x10DA0]  }
0x2bc: {  	v8 =	vld [tilespmem:s17+$0xCDB0]  }
0x2bd: {  	v11 =	vld [tilespmem:s17+$0x10DB0]  }
0x2be: {  	v7 =	vld [tilespmem:s17+$0xCDC0]  }
0x2bf: {  	v9 =	vld [tilespmem:s17+$0x10DC0]  }
0x2c0: {  	v3 =	vld [tilespmem:s17+$0xCDD0]  }
0x2c1: {  	v6 =	vld [tilespmem:s17+$0x10DD0]  }
0x2c2: {  	v1 =	vld [tilespmem:s17+$0xCDE0]  }
0x2c3: {  	v4 =	vld [tilespmem:s17+$0x10DE0]  }
0x2c4: {  	v0 =	vld [tilespmem:s17+$0xCDF0]  }
0x2c5: {  	v2 =	vld [tilespmem:s17+$0x10DF0]  }
0x2c6: {  	v16 =	vld [tilespmem:s17+$0x14D80]  }
0x2c7: {  	v15 =	vld [tilespmem:s17+$0x14D90]  }
0x2c8: {  	v14 =	vld [tilespmem:s17+$0x14DA0]  }
0x2c9: {  	v13 =	vld [tilespmem:s17+$0x14DB0];
	v18 =	vadd.f32 v17, v12  }
0x2ca: {  	s19 =	simm.s32 $0x200;
	v17 =	vadd.f32 v20, v19;
	v12 =	vld [tilespmem:s17+$0x14DC0]  }
.LBB2_26:
0x2cb: {  	p0 =	sne.s32 s19, $0xFE00;
	v16 =	vadd.f32 v18, v16;
	v5 =	vadd.f32 v10, v5;
	v10 =	vld [tilespmem:s17+$0x14DD0]  }
0x2cc: {  	v8 =	vadd.f32 v11, v8;
	v15 =	vadd.f32 v17, v15;
	v11 =	vld [tilespmem:s17+$0x14DE0]  }
0x2cd: {  	s6 =	sshra.s32 s19, $0x2;
	v7 =	vadd.f32 v9, v7;
	[tilespmem:s17+$0x14D80] =	vst v16;
	v5 =	vadd.f32 v5, v14;
	v9 =	vld [tilespmem:s17+$0x14DF0]  }
0x2ce: {  	v3 =	vadd.f32 v6, v3;
	v17 =	vld [tilespmem:s6+$0xCD80];
	[tilespmem:s17+$0x14D90] =	vst v15;
	v8 =	vadd.f32 v8, v13  }
0x2cf: {  	v1 =	vadd.f32 v4, v1;
	v13 =	vld [tilespmem:s6+$0x10D80];
	[tilespmem:s17+$0x14DA0] =	vst v5;
	v5 =	vadd.f32 v7, v12  }
0x2d0: {  	v0 =	vadd.f32 v2, v0;
	v12 =	vld [tilespmem:s6+$0xCD90];
	[tilespmem:s17+$0x14DB0] =	vst v8;
	v3 =	vadd.f32 v3, v10  }
0x2d1: {  	v19 =	vld [tilespmem:s6+$0x10D90];
	[tilespmem:s17+$0x14DC0] =	vst v5;
	v1 =	vadd.f32 v1, v11  }
0x2d2: {  	v5 =	vld [tilespmem:s6+$0xCDA0];
	[tilespmem:s17+$0x14DD0] =	vst v3;
	v0 =	vadd.f32 v0, v9  }
0x2d3: {  	v10 =	vld [tilespmem:s6+$0x10DA0];
	[tilespmem:s17+$0x14DE0] =	vst v1  }
0x2d4: {  	v8 =	vld [tilespmem:s6+$0xCDB0];
	[tilespmem:s17+$0x14DF0] =	vst v0;
	s17 =	smov.u32 s6  }
0x2d5: {  	v11 =	vld [tilespmem:s17+$0x10DB0]  }
0x2d6: {  	v7 =	vld [tilespmem:s17+$0xCDC0]  }
0x2d7: {  	v9 =	vld [tilespmem:s17+$0x10DC0]  }
0x2d8: {  	v3 =	vld [tilespmem:s17+$0xCDD0]  }
0x2d9: {  	v6 =	vld [tilespmem:s17+$0x10DD0]  }
0x2da: {  	v1 =	vld [tilespmem:s17+$0xCDE0]  }
0x2db: {  	v4 =	vld [tilespmem:s17+$0x10DE0]  }
0x2dc: {  	v0 =	vld [tilespmem:s17+$0xCDF0]  }
0x2dd: {  	v2 =	vld [tilespmem:s17+$0x10DF0]  }
.Ltmp12:
0x2de: {  	v16 =	vld [tilespmem:s17+$0x14D80];
	(pc) =	sbr.rel @p0 .LBB2_26-.Ltmp12, $4  }
0x2df: {  	v15 =	vld [tilespmem:s17+$0x14D90]  }
0x2e0: {  	v14 =	vld [tilespmem:s17+$0x14DA0]  }
0x2e1: {  	v18 =	vadd.f32 v13, v17;
	v13 =	vld [tilespmem:s17+$0x14DB0]  }
0x2e2: {  	s19 =	sadd.s32 $0x200, s19;
	v17 =	vadd.f32 v19, v12;
	v12 =	vld [tilespmem:s17+$0x14DC0]  }
0x2e3: {  	v16 =	vadd.f32 v18, v16;
	v18 =	vld [tilespmem:s17+$0x14DD0];
	v5 =	vadd.f32 v10, v5  }
0x2e4: {  	v10 =	vld [tilespmem:s17+$0x14DE0];
	v8 =	vadd.f32 v11, v8;
	v15 =	vadd.f32 v17, v15  }
0x2e5: {  	v7 =	vadd.f32 v9, v7;
	v9 =	vld [tilespmem:s17+$0x14DF0];
	[tilespmem:s17+$0x14D80] =	vst v16;
	v5 =	vadd.f32 v5, v14  }
0x2e6: {  	v3 =	vadd.f32 v6, v3;
	[tilespmem:s17+$0x14D90] =	vst v15;
	v8 =	vadd.f32 v8, v13  }
0x2e7: {  	v1 =	vadd.f32 v4, v1;
	[tilespmem:s17+$0x14DA0] =	vst v5;
	v5 =	vadd.f32 v7, v12  }
0x2e8: {  	v0 =	vadd.f32 v2, v0;
	[tilespmem:s17+$0x14DB0] =	vst v8;
	v3 =	vadd.f32 v3, v18  }
0x2e9: {  	v1 =	vadd.f32 v1, v10;
	[tilespmem:s17+$0x14DC0] =	vst v5  }
0x2ea: {  	v0 =	vadd.f32 v0, v9;
	[tilespmem:s17+$0x14DD0] =	vst v3  }
0x2eb: {  	[tilespmem:s17+$0x14DE0] =	vst v1  }
0x2ec: {  	[tilespmem:s17+$0x14DF0] =	vst v0  }
0x2ed: {  	_ =	swait.ge [sflag:s22], $0x8000  }
0x2ee: {  	[sflag:s22] =	ssyncset.done $0x0  }
0x2ef: {  	s6 =	simm.s32 $0x4900;
	s17 =	simm.s32 $0x0;
	[sflag:s22] =	ssyncadd.s32 $0xFFFF8000  }
0x2f0: {  	[tilespmem:s23], [sflag:$0x2] =	stream.indirect.gather [hbm4b:s2+s20], $0x80, s6, s20, $0xb8;
	[tilespmem:$0x1CD80] =	vst v63  }
0x2f1: {  	v12 =	vld [tilespmem:s17+$0x4D80]  }
0x2f2: {  	v17 =	vld [tilespmem:s17+$0x8D80]  }
0x2f3: {  	v19 =	vld [tilespmem:s17+$0x4D90]  }
0x2f4: {  	v20 =	vld [tilespmem:s17+$0x8D90]  }
0x2f5: {  	v5 =	vld [tilespmem:s17+$0x4DA0]  }
0x2f6: {  	v10 =	vld [tilespmem:s17+$0x8DA0]  }
0x2f7: {  	v8 =	vld [tilespmem:s17+$0x4DB0]  }
0x2f8: {  	v11 =	vld [tilespmem:s17+$0x8DB0]  }
0x2f9: {  	v7 =	vld [tilespmem:s17+$0x4DC0]  }
0x2fa: {  	v9 =	vld [tilespmem:s17+$0x8DC0]  }
0x2fb: {  	v3 =	vld [tilespmem:s17+$0x4DD0]  }
0x2fc: {  	v6 =	vld [tilespmem:s17+$0x8DD0]  }
0x2fd: {  	v1 =	vld [tilespmem:s17+$0x4DE0]  }
0x2fe: {  	v4 =	vld [tilespmem:s17+$0x8DE0]  }
0x2ff: {  	v0 =	vld [tilespmem:s17+$0x4DF0]  }
0x300: {  	v2 =	vld [tilespmem:s17+$0x8DF0]  }
0x301: {  	v16 =	vld [tilespmem:s17+$0x14D80]  }
0x302: {  	v15 =	vld [tilespmem:s17+$0x14D90]  }
0x303: {  	v14 =	vld [tilespmem:s17+$0x14DA0]  }
0x304: {  	v13 =	vld [tilespmem:s17+$0x14DB0];
	v18 =	vadd.f32 v17, v12  }
0x305: {  	s19 =	simm.s32 $0x200;
	v17 =	vadd.f32 v20, v19;
	v12 =	vld [tilespmem:s17+$0x14DC0]  }
.LBB2_28:
0x306: {  	p0 =	sne.s32 s19, $0xFE00;
	v16 =	vadd.f32 v18, v16;
	v5 =	vadd.f32 v10, v5;
	v10 =	vld [tilespmem:s17+$0x14DD0]  }
0x307: {  	v8 =	vadd.f32 v11, v8;
	v15 =	vadd.f32 v17, v15;
	v11 =	vld [tilespmem:s17+$0x14DE0]  }
0x308: {  	s6 =	sshra.s32 s19, $0x2;
	v7 =	vadd.f32 v9, v7;
	[tilespmem:s17+$0x14D80] =	vst v16;
	v5 =	vadd.f32 v5, v14;
	v9 =	vld [tilespmem:s17+$0x14DF0]  }
0x309: {  	v3 =	vadd.f32 v6, v3;
	v17 =	vld [tilespmem:s6+$0x4D80];
	[tilespmem:s17+$0x14D90] =	vst v15;
	v8 =	vadd.f32 v8, v13  }
0x30a: {  	v1 =	vadd.f32 v4, v1;
	v13 =	vld [tilespmem:s6+$0x8D80];
	[tilespmem:s17+$0x14DA0] =	vst v5;
	v5 =	vadd.f32 v7, v12  }
0x30b: {  	v0 =	vadd.f32 v2, v0;
	v12 =	vld [tilespmem:s6+$0x4D90];
	[tilespmem:s17+$0x14DB0] =	vst v8;
	v3 =	vadd.f32 v3, v10  }
0x30c: {  	v19 =	vld [tilespmem:s6+$0x8D90];
	[tilespmem:s17+$0x14DC0] =	vst v5;
	v1 =	vadd.f32 v1, v11  }
0x30d: {  	v5 =	vld [tilespmem:s6+$0x4DA0];
	[tilespmem:s17+$0x14DD0] =	vst v3;
	v0 =	vadd.f32 v0, v9  }
0x30e: {  	v10 =	vld [tilespmem:s6+$0x8DA0];
	[tilespmem:s17+$0x14DE0] =	vst v1  }
0x30f: {  	v8 =	vld [tilespmem:s6+$0x4DB0];
	[tilespmem:s17+$0x14DF0] =	vst v0;
	s17 =	smov.u32 s6  }
0x310: {  	v11 =	vld [tilespmem:s17+$0x8DB0]  }
0x311: {  	v7 =	vld [tilespmem:s17+$0x4DC0]  }
0x312: {  	v9 =	vld [tilespmem:s17+$0x8DC0]  }
0x313: {  	v3 =	vld [tilespmem:s17+$0x4DD0]  }
0x314: {  	v6 =	vld [tilespmem:s17+$0x8DD0]  }
0x315: {  	v1 =	vld [tilespmem:s17+$0x4DE0]  }
0x316: {  	v4 =	vld [tilespmem:s17+$0x8DE0]  }
0x317: {  	v0 =	vld [tilespmem:s17+$0x4DF0]  }
0x318: {  	v2 =	vld [tilespmem:s17+$0x8DF0]  }
.Ltmp13:
0x319: {  	v16 =	vld [tilespmem:s17+$0x14D80];
	(pc) =	sbr.rel @p0 .LBB2_28-.Ltmp13, $4  }
0x31a: {  	v15 =	vld [tilespmem:s17+$0x14D90]  }
0x31b: {  	v14 =	vld [tilespmem:s17+$0x14DA0]  }
0x31c: {  	v18 =	vadd.f32 v13, v17;
	v13 =	vld [tilespmem:s17+$0x14DB0]  }
0x31d: {  	s19 =	sadd.s32 $0x200, s19;
	v17 =	vadd.f32 v19, v12;
	v12 =	vld [tilespmem:s17+$0x14DC0]  }
0x31e: {  	v16 =	vadd.f32 v18, v16;
	v18 =	vld [tilespmem:s17+$0x14DD0];
	v5 =	vadd.f32 v10, v5  }
0x31f: {  	v10 =	vld [tilespmem:s17+$0x14DE0];
	v8 =	vadd.f32 v11, v8;
	v15 =	vadd.f32 v17, v15  }
0x320: {  	v7 =	vadd.f32 v9, v7;
	v9 =	vld [tilespmem:s17+$0x14DF0];
	[tilespmem:s17+$0x14D80] =	vst v16;
	v5 =	vadd.f32 v5, v14  }
0x321: {  	v3 =	vadd.f32 v6, v3;
	[tilespmem:s17+$0x14D90] =	vst v15;
	v8 =	vadd.f32 v8, v13  }
0x322: {  	v1 =	vadd.f32 v4, v1;
	[tilespmem:s17+$0x14DA0] =	vst v5;
	v5 =	vadd.f32 v7, v12  }
0x323: {  	v0 =	vadd.f32 v2, v0;
	[tilespmem:s17+$0x14DB0] =	vst v8;
	v3 =	vadd.f32 v3, v18  }
0x324: {  	v1 =	vadd.f32 v1, v10;
	[tilespmem:s17+$0x14DC0] =	vst v5  }
0x325: {  	v0 =	vadd.f32 v0, v9;
	[tilespmem:s17+$0x14DD0] =	vst v3  }
0x326: {  	[tilespmem:s17+$0x14DE0] =	vst v1  }
0x327: {  	[tilespmem:s17+$0x14DF0] =	vst v0  }
0x328: {  	_ =	swait.ge [sflag:s24], $0x8000  }
0x329: {  	[sflag:s24] =	ssyncset.done $0x0  }
0x32a: {  	s6 =	simm.s32 $0x4A00;
	s17 =	simm.s32 $0x0;
	[sflag:s24] =	ssyncadd.s32 $0xFFFF8000  }
0x32b: {  	[tilespmem:s21], [sflag:$0x1] =	stream.indirect.gather [hbm4b:s2+s20], $0x80, s6, s20, $0xb8;
	[tilespmem:$0x1CD80] =	vst v63  }
0x32c: {  	v12 =	vld [tilespmem:s17+$0xCD80]  }
0x32d: {  	v17 =	vld [tilespmem:s17+$0x10D80]  }
0x32e: {  	v19 =	vld [tilespmem:s17+$0xCD90]  }
0x32f: {  	v20 =	vld [tilespmem:s17+$0x10D90]  }
0x330: {  	v5 =	vld [tilespmem:s17+$0xCDA0]  }
0x331: {  	v10 =	vld [tilespmem:s17+$0x10DA0]  }
0x332: {  	v8 =	vld [tilespmem:s17+$0xCDB0]  }
0x333: {  	v11 =	vld [tilespmem:s17+$0x10DB0]  }
0x334: {  	v7 =	vld [tilespmem:s17+$0xCDC0]  }
0x335: {  	v9 =	vld [tilespmem:s17+$0x10DC0]  }
0x336: {  	v3 =	vld [tilespmem:s17+$0xCDD0]  }
0x337: {  	v6 =	vld [tilespmem:s17+$0x10DD0]  }
0x338: {  	v1 =	vld [tilespmem:s17+$0xCDE0]  }
0x339: {  	v4 =	vld [tilespmem:s17+$0x10DE0]  }
0x33a: {  	v0 =	vld [tilespmem:s17+$0xCDF0]  }
0x33b: {  	v2 =	vld [tilespmem:s17+$0x10DF0]  }
0x33c: {  	v16 =	vld [tilespmem:s17+$0x14D80]  }
0x33d: {  	v15 =	vld [tilespmem:s17+$0x14D90]  }
0x33e: {  	v14 =	vld [tilespmem:s17+$0x14DA0]  }
0x33f: {  	v13 =	vld [tilespmem:s17+$0x14DB0];
	v18 =	vadd.f32 v17, v12  }
0x340: {  	s19 =	simm.s32 $0x200;
	v17 =	vadd.f32 v20, v19;
	v12 =	vld [tilespmem:s17+$0x14DC0]  }
.LBB2_30:
0x341: {  	p0 =	sne.s32 s19, $0xFE00;
	v16 =	vadd.f32 v18, v16;
	v5 =	vadd.f32 v10, v5;
	v10 =	vld [tilespmem:s17+$0x14DD0]  }
0x342: {  	v8 =	vadd.f32 v11, v8;
	v15 =	vadd.f32 v17, v15;
	v11 =	vld [tilespmem:s17+$0x14DE0]  }
0x343: {  	s6 =	sshra.s32 s19, $0x2;
	v7 =	vadd.f32 v9, v7;
	[tilespmem:s17+$0x14D80] =	vst v16;
	v5 =	vadd.f32 v5, v14;
	v9 =	vld [tilespmem:s17+$0x14DF0]  }
0x344: {  	v3 =	vadd.f32 v6, v3;
	v17 =	vld [tilespmem:s6+$0xCD80];
	[tilespmem:s17+$0x14D90] =	vst v15;
	v8 =	vadd.f32 v8, v13  }
0x345: {  	v1 =	vadd.f32 v4, v1;
	v13 =	vld [tilespmem:s6+$0x10D80];
	[tilespmem:s17+$0x14DA0] =	vst v5;
	v5 =	vadd.f32 v7, v12  }
0x346: {  	v0 =	vadd.f32 v2, v0;
	v12 =	vld [tilespmem:s6+$0xCD90];
	[tilespmem:s17+$0x14DB0] =	vst v8;
	v3 =	vadd.f32 v3, v10  }
0x347: {  	v19 =	vld [tilespmem:s6+$0x10D90];
	[tilespmem:s17+$0x14DC0] =	vst v5;
	v1 =	vadd.f32 v1, v11  }
0x348: {  	v5 =	vld [tilespmem:s6+$0xCDA0];
	[tilespmem:s17+$0x14DD0] =	vst v3;
	v0 =	vadd.f32 v0, v9  }
0x349: {  	v10 =	vld [tilespmem:s6+$0x10DA0];
	[tilespmem:s17+$0x14DE0] =	vst v1  }
0x34a: {  	v8 =	vld [tilespmem:s6+$0xCDB0];
	[tilespmem:s17+$0x14DF0] =	vst v0;
	s17 =	smov.u32 s6  }
0x34b: {  	v11 =	vld [tilespmem:s17+$0x10DB0]  }
0x34c: {  	v7 =	vld [tilespmem:s17+$0xCDC0]  }
0x34d: {  	v9 =	vld [tilespmem:s17+$0x10DC0]  }
0x34e: {  	v3 =	vld [tilespmem:s17+$0xCDD0]  }
0x34f: {  	v6 =	vld [tilespmem:s17+$0x10DD0]  }
0x350: {  	v1 =	vld [tilespmem:s17+$0xCDE0]  }
0x351: {  	v4 =	vld [tilespmem:s17+$0x10DE0]  }
0x352: {  	v0 =	vld [tilespmem:s17+$0xCDF0]  }
0x353: {  	v2 =	vld [tilespmem:s17+$0x10DF0]  }
.Ltmp14:
0x354: {  	v16 =	vld [tilespmem:s17+$0x14D80];
	(pc) =	sbr.rel @p0 .LBB2_30-.Ltmp14, $4  }
0x355: {  	v15 =	vld [tilespmem:s17+$0x14D90]  }
0x356: {  	v14 =	vld [tilespmem:s17+$0x14DA0]  }
0x357: {  	v18 =	vadd.f32 v13, v17;
	v13 =	vld [tilespmem:s17+$0x14DB0]  }
0x358: {  	s19 =	sadd.s32 $0x200, s19;
	v17 =	vadd.f32 v19, v12;
	v12 =	vld [tilespmem:s17+$0x14DC0]  }
0x359: {  	v16 =	vadd.f32 v18, v16;
	v18 =	vld [tilespmem:s17+$0x14DD0];
	v5 =	vadd.f32 v10, v5  }
0x35a: {  	v10 =	vld [tilespmem:s17+$0x14DE0];
	v8 =	vadd.f32 v11, v8;
	v15 =	vadd.f32 v17, v15  }
0x35b: {  	v7 =	vadd.f32 v9, v7;
	v9 =	vld [tilespmem:s17+$0x14DF0];
	[tilespmem:s17+$0x14D80] =	vst v16;
	v5 =	vadd.f32 v5, v14  }
0x35c: {  	v3 =	vadd.f32 v6, v3;
	[tilespmem:s17+$0x14D90] =	vst v15;
	v8 =	vadd.f32 v8, v13  }
0x35d: {  	v1 =	vadd.f32 v4, v1;
	[tilespmem:s17+$0x14DA0] =	vst v5;
	v5 =	vadd.f32 v7, v12  }
0x35e: {  	v0 =	vadd.f32 v2, v0;
	[tilespmem:s17+$0x14DB0] =	vst v8;
	v3 =	vadd.f32 v3, v18  }
0x35f: {  	v1 =	vadd.f32 v1, v10;
	[tilespmem:s17+$0x14DC0] =	vst v5  }
0x360: {  	v0 =	vadd.f32 v0, v9;
	[tilespmem:s17+$0x14DD0] =	vst v3  }
0x361: {  	[tilespmem:s17+$0x14DE0] =	vst v1  }
0x362: {  	[tilespmem:s17+$0x14DF0] =	vst v0  }
0x363: {  	_ =	swait.ge [sflag:s22], $0x8000  }
0x364: {  	[sflag:s22] =	ssyncset.done $0x0  }
0x365: {  	s17 =	simm.s32 $0x0;
	[sflag:s22] =	ssyncadd.s32 $0xFFFF8000  }
0x366: {  	v12 =	vld [tilespmem:s17+$0x4D80]  }
0x367: {  	v17 =	vld [tilespmem:s17+$0x8D80]  }
0x368: {  	v19 =	vld [tilespmem:s17+$0x4D90]  }
0x369: {  	v20 =	vld [tilespmem:s17+$0x8D90]  }
0x36a: {  	v5 =	vld [tilespmem:s17+$0x4DA0]  }
0x36b: {  	v10 =	vld [tilespmem:s17+$0x8DA0]  }
0x36c: {  	v8 =	vld [tilespmem:s17+$0x4DB0]  }
0x36d: {  	v11 =	vld [tilespmem:s17+$0x8DB0]  }
0x36e: {  	v7 =	vld [tilespmem:s17+$0x4DC0]  }
0x36f: {  	v9 =	vld [tilespmem:s17+$0x8DC0]  }
0x370: {  	v3 =	vld [tilespmem:s17+$0x4DD0]  }
0x371: {  	v6 =	vld [tilespmem:s17+$0x8DD0]  }
0x372: {  	v1 =	vld [tilespmem:s17+$0x4DE0]  }
0x373: {  	v4 =	vld [tilespmem:s17+$0x8DE0]  }
0x374: {  	v0 =	vld [tilespmem:s17+$0x4DF0]  }
0x375: {  	v2 =	vld [tilespmem:s17+$0x8DF0]  }
0x376: {  	v16 =	vld [tilespmem:s17+$0x14D80]  }
0x377: {  	v15 =	vld [tilespmem:s17+$0x14D90]  }
0x378: {  	v14 =	vld [tilespmem:s17+$0x14DA0]  }
0x379: {  	v13 =	vld [tilespmem:s17+$0x14DB0];
	v18 =	vadd.f32 v17, v12  }
0x37a: {  	s19 =	simm.s32 $0x200;
	v17 =	vadd.f32 v20, v19;
	v12 =	vld [tilespmem:s17+$0x14DC0]  }
.LBB2_32:
0x37b: {  	p0 =	sne.s32 s19, $0xFE00;
	v16 =	vadd.f32 v18, v16;
	v5 =	vadd.f32 v10, v5;
	v10 =	vld [tilespmem:s17+$0x14DD0]  }
0x37c: {  	v8 =	vadd.f32 v11, v8;
	v15 =	vadd.f32 v17, v15;
	v11 =	vld [tilespmem:s17+$0x14DE0]  }
0x37d: {  	s6 =	sshra.s32 s19, $0x2;
	v7 =	vadd.f32 v9, v7;
	[tilespmem:s17+$0x14D80] =	vst v16;
	v5 =	vadd.f32 v5, v14;
	v9 =	vld [tilespmem:s17+$0x14DF0]  }
0x37e: {  	v3 =	vadd.f32 v6, v3;
	v17 =	vld [tilespmem:s6+$0x4D80];
	[tilespmem:s17+$0x14D90] =	vst v15;
	v8 =	vadd.f32 v8, v13  }
0x37f: {  	v1 =	vadd.f32 v4, v1;
	v13 =	vld [tilespmem:s6+$0x8D80];
	[tilespmem:s17+$0x14DA0] =	vst v5;
	v5 =	vadd.f32 v7, v12  }
0x380: {  	v0 =	vadd.f32 v2, v0;
	v12 =	vld [tilespmem:s6+$0x4D90];
	[tilespmem:s17+$0x14DB0] =	vst v8;
	v3 =	vadd.f32 v3, v10  }
0x381: {  	v19 =	vld [tilespmem:s6+$0x8D90];
	[tilespmem:s17+$0x14DC0] =	vst v5;
	v1 =	vadd.f32 v1, v11  }
0x382: {  	v5 =	vld [tilespmem:s6+$0x4DA0];
	[tilespmem:s17+$0x14DD0] =	vst v3;
	v0 =	vadd.f32 v0, v9  }
0x383: {  	v10 =	vld [tilespmem:s6+$0x8DA0];
	[tilespmem:s17+$0x14DE0] =	vst v1  }
0x384: {  	v8 =	vld [tilespmem:s6+$0x4DB0];
	[tilespmem:s17+$0x14DF0] =	vst v0;
	s17 =	smov.u32 s6  }
0x385: {  	v11 =	vld [tilespmem:s17+$0x8DB0]  }
0x386: {  	v7 =	vld [tilespmem:s17+$0x4DC0]  }
0x387: {  	v9 =	vld [tilespmem:s17+$0x8DC0]  }
0x388: {  	v3 =	vld [tilespmem:s17+$0x4DD0]  }
0x389: {  	v6 =	vld [tilespmem:s17+$0x8DD0]  }
0x38a: {  	v1 =	vld [tilespmem:s17+$0x4DE0]  }
0x38b: {  	v4 =	vld [tilespmem:s17+$0x8DE0]  }
0x38c: {  	v0 =	vld [tilespmem:s17+$0x4DF0]  }
0x38d: {  	v2 =	vld [tilespmem:s17+$0x8DF0]  }
.Ltmp15:
0x38e: {  	v16 =	vld [tilespmem:s17+$0x14D80];
	(pc) =	sbr.rel @p0 .LBB2_32-.Ltmp15, $4  }
0x38f: {  	v15 =	vld [tilespmem:s17+$0x14D90]  }
0x390: {  	v14 =	vld [tilespmem:s17+$0x14DA0]  }
0x391: {  	v18 =	vadd.f32 v13, v17;
	v13 =	vld [tilespmem:s17+$0x14DB0]  }
0x392: {  	s19 =	sadd.s32 $0x200, s19;
	v17 =	vadd.f32 v19, v12;
	v12 =	vld [tilespmem:s17+$0x14DC0]  }
0x393: {  	v16 =	vadd.f32 v18, v16;
	v60 =	vld [tilespmem:s17+$0x14DD0];
	v5 =	vadd.f32 v10, v5  }
0x394: {  	v61 =	vld [tilespmem:s17+$0x14DE0];
	v8 =	vadd.f32 v11, v8;
	v15 =	vadd.f32 v17, v15  }
0x395: {  	v7 =	vadd.f32 v9, v7;
	v62 =	vld [tilespmem:s17+$0x14DF0];
	[tilespmem:s17+$0x14D80] =	vst v16;
	v5 =	vadd.f32 v5, v14  }
0x396: {  	v3 =	vadd.f32 v6, v3;
	[tilespmem:s17+$0x14D90] =	vst v15;
	v8 =	vadd.f32 v8, v13  }
0x397: {  	v1 =	vadd.f32 v4, v1;
	[tilespmem:s17+$0x14DA0] =	vst v5;
	v63 =	vadd.f32 v7, v12  }
0x398: {  	v0 =	vadd.f32 v2, v0;
	[tilespmem:s17+$0x14DB0] =	vst v8;
	v3 =	vadd.f32 v3, v60  }
0x399: {  	v1 =	vadd.f32 v1, v61;
	[tilespmem:s17+$0x14DC0] =	vst v63  }
0x39a: {  	v0 =	vadd.f32 v0, v62;
	[tilespmem:s17+$0x14DD0] =	vst v3  }
0x39b: {  	[tilespmem:s17+$0x14DE0] =	vst v1  }
0x39c: {  	[tilespmem:s17+$0x14DF0] =	vst v0  }
0x39d: {  	[hbm4b:s9+s3] =	stream.linear.scatter [tilespmem:s25], [sflag:$0x3], $0x4000, $0x38;
	[tilespmem:$0x1CD80] =	vst v63  }
0x39e: {  	s19 =	simm.s32 $0x4B00  }
0x39f: {  	[tilespmem:s21], [sflag:$0x1] =	stream.indirect.gather [hbm4b:s2+s16], $0x80, s19, s16, $0xb8;
	[tilespmem:$0x1CD80] =	vst v63  }
0x3a0: {  	_ =	swait.ge [sflag:s22], $0x4000  }
0x3a1: {  	[sflag:s22] =	ssyncset.done $0x0  }
0x3a2: {  	s6 =	simm.s32 $0x4B80;
	[sflag:s22] =	ssyncadd.s32 $0xFFFFC000  }
0x3a3: {  	[tilespmem:s23], [sflag:$0x2] =	stream.indirect.gather [hbm4b:s2+s16], $0x80, s6, s16, $0xb8;
	[tilespmem:$0x1CD80] =	vst v63  }
0x3a4: {  	_ = 	snop  }
0x3a5: {  	[hbm4b:s10+s3] =	stream.linear.scatter [tilespmem:s21], [sflag:$0x5], $0x4000, $0x38;
	[tilespmem:$0x1CD80] =	vst v63  }
0x3a6: {  	_ =	swait.ge [sflag:s18], $0x4000  }
0x3a7: {  	[sflag:s18] =	ssyncset.done $0x0  }
0x3a8: {  	[sflag:s18] =	ssyncadd.s32 $0xFFFFC000  }
0x3a9: {  	_ =	swait.ge [sflag:s24], $0x4000  }
0x3aa: {  	[sflag:s24] =	ssyncset.done $0x0  }
0x3ab: {  	s28 =	simm.s32 $0x4C00;
	[sflag:s24] =	ssyncadd.s32 $0xFFFFC000  }
0x3ac: {  	[tilespmem:s21], [sflag:$0x1] =	stream.indirect.gather [hbm4b:s2+s16], $0x80, s28, s16, $0xb8;
	[tilespmem:$0x1CD80] =	vst v63  }
0x3ad: {  	_ = 	snop  }
0x3ae: {  	[hbm4b:s11+s3] =	stream.linear.scatter [tilespmem:s23], [sflag:$0x5], $0x4000, $0x38;
	[tilespmem:$0x1CD80] =	vst v63  }
0x3af: {  	_ =	swait.ge [sflag:s18], $0x4000  }
0x3b0: {  	[sflag:s18] =	ssyncset.done $0x0  }
0x3b1: {  	[sflag:s18] =	ssyncadd.s32 $0xFFFFC000  }
0x3b2: {  	_ =	swait.ge [sflag:s22], $0x4000  }
0x3b3: {  	[sflag:s22] =	ssyncset.done $0x0  }
0x3b4: {  	s30 =	simm.s32 $0x4C80;
	[sflag:s22] =	ssyncadd.s32 $0xFFFFC000  }
0x3b5: {  	[tilespmem:s23], [sflag:$0x2] =	stream.indirect.gather [hbm4b:s2+s16], $0x80, s30, s16, $0xb8;
	[tilespmem:$0x1CD80] =	vst v63  }
0x3b6: {  	_ = 	snop  }
0x3b7: {  	[hbm4b:s12+s3] =	stream.linear.scatter [tilespmem:s21], [sflag:$0x5], $0x4000, $0x38;
	[tilespmem:$0x1CD80] =	vst v63  }
0x3b8: {  	_ =	swait.ge [sflag:s18], $0x4000  }
0x3b9: {  	[sflag:s18] =	ssyncset.done $0x0  }
0x3ba: {  	[sflag:s18] =	ssyncadd.s32 $0xFFFFC000  }
0x3bb: {  	_ =	swait.ge [sflag:s24], $0x4000  }
0x3bc: {  	[sflag:s24] =	ssyncset.done $0x0  }
0x3bd: {  	s31 =	simm.s32 $0x4D00;
	[sflag:s24] =	ssyncadd.s32 $0xFFFFC000  }
0x3be: {  	[tilespmem:s21], [sflag:$0x1] =	stream.indirect.gather [hbm4b:s2+s16], $0x80, s31, s16, $0xb8;
	[tilespmem:$0x1CD80] =	vst v63  }
0x3bf: {  	_ = 	snop  }
0x3c0: {  	[hbm4b:s13+s3] =	stream.linear.scatter [tilespmem:s23], [sflag:$0x5], $0x4000, $0x38;
	[tilespmem:$0x1CD80] =	vst v63  }
0x3c1: {  	_ =	swait.ge [sflag:s18], $0x4000  }
0x3c2: {  	[sflag:s18] =	ssyncset.done $0x0  }
0x3c3: {  	[sflag:s18] =	ssyncadd.s32 $0xFFFFC000  }
0x3c4: {  	_ =	swait.ge [sflag:s22], $0x4000  }
0x3c5: {  	[sflag:s22] =	ssyncset.done $0x0  }
0x3c6: {  	[sflag:s22] =	ssyncadd.s32 $0xFFFFC000  }
0x3c7: {  	[hbm4b:s14+s3] =	stream.linear.scatter [tilespmem:s21], [sflag:$0x5], $0x4000, $0x38;
	[tilespmem:$0x1CD80] =	vst v63  }
0x3c8: {  	_ =	swait.ge [sflag:s18], $0x4000  }
0x3c9: {  	[sflag:s18] =	ssyncset.done $0x0  }
0x3ca: {  	s0 =	sadd.s32 $0x1, s0;
	[sflag:s18] =	ssyncadd.s32 $0xFFFFC000  }
0x3cb: {  	p0 =	sne.s32 s0, s15;
	_ =	swait.ge [sflag:s29], $0x4000  }
.Ltmp16:
0x3cc: {  	[sflag:s29] =	ssyncset.done $0x0;
	(pc) =	sbr.rel @p0 .LBB2_1-.Ltmp16, $4  }
0x3cd: {  	[sflag:s29] =	ssyncadd.s32 $0xFFFFC000  }
0x3ce: {  	_ =	swait.ge [sflag:s1], $0x4000  }
0x3cf: {  	[sflag:s1] =	ssyncset.done $0x0  }
0x3d0: {  	[sflag:s1] =	ssyncadd.s32 $0xFFFFC000  }
0x3d1: {  	_ =	sfence.sel $0x180000  }
0x3d2: {  	[bflag:$0x0] =	sbarrier.arrive $0xFFFF  }
0x3d3: {  	_ =	strace $0x90000047  }
0x3d4: {  	s0 =	stileid.u32;
	[bflag:$0x2] =	sbarrier.arrive $0xFFFF  }
0x3d5: {  	p0 =	sne.s32 s0, $0x0;
	s0 =	rddreg [dreg:$0x4]  }
0x3d6: {  	s0 =	sadd.s32 @!p0 $0x100000, s0  }
0x3d7: {  	[sflag:s0] =	ssyncadd.tile.s32 @!p0 $0x1;
	_ =	shalt  }
.Lfunc_end2:
_tile_overlayer_lowered:
.L_overlay_start_2:
0x3d8: {  	(tag) =	ssettag $0x2  }
0x3d9: {  	s0 =	rddreg [dreg:$0x0];
	s2 =	stileid.u32  }
0x3da: {  	s1 =	rddreg [dreg:$0x1];
	p0 =	sne.s32 s2, $0x0  }
0x3db: {  	s3 =	rddreg [dreg:$0x2];
	[bflag:$0x3] =	sbarrier.arrive $0xFFFF;
	s2 =	simm.s32 @!p0 $0x1C05  }
0x3dc: {  	[timem:s3], [sflag:s2] =	dma.local @!p0 [hbm:s0], s1  }
0x3dd: {  	s0 =	simm.s32 @!p0 $0x5  }
0x3de: {  	_ =	swait.ge @!p0 [sflag:s0], s1  }
0x3df: {  	s1 =	ssub.s32 @!p0 $0x0, s1;
	[sflag:s0] =	ssyncset.done @!p0 $0x0  }
0x3e0: {  	[sflag:s0] =	ssyncadd.s32 @!p0 s1  }
0x3e1: {  	[bflag:$0x3] =	sbarrier.arrive $0xFFFF  }
0x3e2: {  	_ =	shalt  }

</sc_bundles>
